<compile_context>
chip_gen: v7x
topology: tpu7x:2x2x1
jax: 0.10.2.dev20260603
libtpu: 0.0.44.dev20260713+nightly
codegen_flags: <defaults>
</compile_context>

<pallas_src>
import functools

import jax
import jax.numpy as jnp
from jax import lax
from jax.experimental import pallas as pl
from jax.experimental.pallas import tpu as pltpu
from jax.experimental.pallas import tpu_sc as plsc

N = 10000
E = 320000
H = 128
NC = 2
NS = 16
K = 128
NB1 = 3
CW1 = 159
E_PAD1 = CW1 * NS * K
NB2 = 2
CW2 = 80
E_PAD2 = CW2 * NS * NC * K
HALF = N // NC
ACC_ROWS = 5120
DUMP = HALF + 8
RPT = ACC_ROWS // NS
DB = 16
N_H = 10128
N_ACC2 = 10112
RPT2 = N_ACC2 // NS

_mesh = plsc.VectorSubcoreMesh(
    core_axis_name="c", subcore_axis_name="s", num_cores=NC, num_subcores=NS)


def _make_ring(rows, cols, table, acc_sh, ridx, cidx, cidx_loc, rowbuf,
               sem_i, sem_g, sem_s, cbase, base_c, hist_fn, NB, G):

    def issue_idx(b, k):
        off = (cbase + k) * K
        pltpu.async_copy(rows.at[pl.ds(off, K)], ridx.at[b], sem_i.at[b])
        pltpu.async_copy(cols.at[pl.ds(off, K)], cidx.at[b], sem_i.at[b])

    def wait_idx(b):
        pltpu.make_async_copy(rows.at[pl.ds(0, K)], ridx.at[b],
                              sem_i.at[b]).wait()
        pltpu.make_async_copy(cols.at[pl.ds(0, K)], cidx.at[b],
                              sem_i.at[b]).wait()

    def issue_gather(b):
        pltpu.async_copy(table.at[ridx.at[b]], rowbuf.at[b], sem_g.at[b])

    def wait_gather(b):
        pltpu.make_async_copy(table.at[ridx.at[b]], rowbuf.at[b],
                              sem_g.at[b]).wait()

    sidx = cidx if base_c is None else cidx_loc

    def issue_scatter(b):
        pltpu.async_copy(rowbuf.at[b], acc_sh.at[sidx.at[b]],
                         sem_s.at[b], add=True)

    def wait_scatter(b):
        pltpu.make_async_copy(rowbuf.at[b], acc_sh.at[sidx.at[b]],
                              sem_s.at[b]).wait()

    def localize(b):
        if base_c is None:
            return

        def grp(g, carry):
            v = cidx[b, pl.ds(g * 16, 16)]
            inr = (v >= base_c) & (v < base_c + HALF)
            cidx_loc[b, pl.ds(g * 16, 16)] = jnp.where(inr, v - base_c, DUMP)
            return carry
        lax.fori_loop(0, K // 16, grp, 0)

    def do_chunk(g, b, first, last):
        k = g * NB + b
        bn = (b + 1) % NB
        if (not first) or b == NB - 1:
            wait_scatter(bn)
        if not (last and b == NB - 1):
            wait_idx(bn)
            issue_gather(bn)
        localize(b)
        if hist_fn is not None:
            hist_fn(b)
        wait_gather(b)
        issue_scatter(b)
        if not last:
            issue_idx(b, k + NB)

    def run():
        for b in range(NB):
            issue_idx(b, b)
        wait_idx(0)
        issue_gather(0)
        for b in range(NB):
            do_chunk(0, b, True, False)

        def body(g, carry):
            for b in range(NB):
                do_chunk(g, b, False, False)
            return carry

        lax.fori_loop(1, G - 1, body, 0)
        for b in range(NB):
            do_chunk(G - 1, b, False, True)
        for b in range(1, NB):
            wait_scatter(b)

    return run


BIGC = 1696


def _hist_body(cols, deg_out, hist_sh, cidx_big, hist_v, tmp_v, red_v,
               degrows_v):
    c = lax.axis_index("c")
    s = lax.axis_index("s")
    base_c = c * HALF
    b0 = s * RPT

    def zhist(i, carry):
        hist_v[pl.ds(i * 16, 16)] = jnp.zeros((16,), jnp.float32)
        return carry

    lax.fori_loop(0, N_H // 16, zhist, 0)

    def blk(k, carry):
        pltpu.sync_copy(cols.at[pl.ds(s * (CW1 * K) + k * BIGC, BIGC)],
                        cidx_big)

        def grp(g, carry2):
            v = cidx_big[pl.ds(g * 16, 16)]
            cnts, lastm = plsc.scan_count(v)
            plsc.addupdate_scatter(hist_v, [v], cnts.astype(jnp.float32),
                                   mask=lastm)
            return carry2

        lax.fori_loop(0, BIGC // 16, grp, 0)
        return carry

    lax.fori_loop(0, (CW1 * K) // BIGC, blk, 0)

    pltpu.sync_copy(hist_v, hist_sh.at[pl.ds(s * N_H, N_H)])
    plsc.subcore_barrier()

    w0 = base_c + b0
    pltpu.sync_copy(hist_sh.at[pl.ds(w0, RPT)], red_v)

    def comb(j, carry):
        pltpu.sync_copy(hist_sh.at[pl.ds(j * N_H + w0, RPT)], tmp_v)

        def addv(i, carry2):
            red_v[pl.ds(i * 16, 16)] = (red_v[pl.ds(i * 16, 16)]
                                        + tmp_v[pl.ds(i * 16, 16)])
            return carry2

        lax.fori_loop(0, RPT // 16, addv, 0)
        return carry

    lax.fori_loop(1, NS, comb, 0)

    for cblk in range(RPT // DB):
        def brow(r, carry):
            splat = plsc.load_gather(
                red_v, [jnp.full((16,), cblk * DB + r, jnp.int32)])

            def bcol(g, carry2):
                degrows_v[r, pl.ds(g * 16, 16)] = splat
                return carry2

            lax.fori_loop(0, H // 16, bcol, 0)
            return carry

        lax.fori_loop(0, DB, brow, 0)
        pltpu.sync_copy(degrows_v,
                        deg_out.at[c, pl.ds(b0 + cblk * DB, DB)])


_hist = pl.kernel(
    _hist_body,
    out_type=[jax.ShapeDtypeStruct((NC, ACC_ROWS, H), jnp.float32)],
    mesh=_mesh,
    compiler_params=pltpu.CompilerParams(needs_layout_passes=False),
    scratch_types=[
        pltpu.VMEM_SHARED((NS * N_H,), jnp.float32),
        pltpu.VMEM((BIGC,), jnp.int32),
        pltpu.VMEM((N_H,), jnp.float32),
        pltpu.VMEM((RPT,), jnp.float32),
        pltpu.VMEM((RPT,), jnp.float32),
        pltpu.VMEM((DB, H), jnp.float32),
    ])


def _seg2_body(table, rows, cols, zbig2, ssum_out,
               acc_sh, ridx, cidx, rowbuf, sem_i, sem_g, sem_s):
    c = lax.axis_index("c")
    s = lax.axis_index("s")
    wid = s * NC + c
    b0 = s * RPT2
    pltpu.sync_copy(zbig2.at[pl.ds(b0, RPT2)], acc_sh.at[pl.ds(b0, RPT2)])
    plsc.subcore_barrier()

    _make_ring(rows, cols, table, acc_sh, ridx, cidx, None, rowbuf,
               sem_i, sem_g, sem_s, wid * CW2, None, None, NB2,
               CW2 // NB2)()

    plsc.subcore_barrier()
    pltpu.sync_copy(acc_sh.at[pl.ds(b0, RPT2)],
                    ssum_out.at[c, pl.ds(b0, RPT2)])


_segsum = pl.kernel(
    _seg2_body,
    out_type=[jax.ShapeDtypeStruct((NC, N_ACC2, H), jnp.float32)],
    mesh=_mesh,
    compiler_params=pltpu.CompilerParams(needs_layout_passes=False),
    scratch_types=[
        pltpu.VMEM_SHARED((N_ACC2, H), jnp.float32),
        pltpu.VMEM((NB2, K), jnp.int32),
        pltpu.VMEM((NB2, K), jnp.int32),
        pltpu.VMEM((NB2, K, H), jnp.float32),
        pltpu.SemaphoreType.DMA((NB2,)),
        pltpu.SemaphoreType.DMA((NB2,)),
        pltpu.SemaphoreType.DMA((NB2,)),
    ])



BN_ROWS = 1000
_GRID = N // BN_ROWS
_PB = HALF // BN_ROWS


def _stage_a(p_ref, d_ref, x_ref, Wl_ref, bl_ref, Wr_ref, We_ref, be_ref,
             Wg_ref, bg_ref, out_ref, st_ref, *, partials):
    i = pl.program_id(0)
    if partials:
        ssum = p_ref[0] + p_ref[1] + x_ref[...]
    else:
        ssum = p_ref[0] + x_ref[...]
    deg = d_ref[0] + 1.0
    aggr = ssum / deg
    out = (jnp.dot(aggr, Wl_ref[...], preferred_element_type=jnp.float32)
           + jnp.dot(x_ref[...], Wr_ref[...], preferred_element_type=jnp.float32)
           + bl_ref[...])
    ea = jnp.sum(We_ref[...], axis=0, keepdims=True) + be_ref[...]
    Wg = Wg_ref[...]
    cvec = jnp.dot(ea, Wg[H:], preferred_element_type=jnp.float32) + bg_ref[...]
    gate = jax.nn.sigmoid(
        jnp.dot(out, Wg[:H], preferred_element_type=jnp.float32) + cvec)
    out = out + gate * ea
    out_ref[...] = out
    s1 = jnp.sum(out, axis=0, keepdims=True)
    s2 = jnp.sum(out * out, axis=0, keepdims=True)
    st = jnp.concatenate([s1, s2, jnp.zeros((6, H), jnp.float32)], axis=0)

    @pl.when(i == 0)
    def _():
        st_ref[...] = st

    @pl.when(i > 0)
    def _():
        st_ref[...] = st_ref[...] + st


def _stage_b(out_ref, st_ref, bng_ref, bnb_ref, h_ref, st2_ref):
    i = pl.program_id(0)
    inv_n = 1.0 / N
    mu = st_ref[0:1] * inv_n
    var = st_ref[1:2] * inv_n - mu * mu
    rstd = lax.rsqrt(var + 1e-5)
    o = (out_ref[...] - mu) * (rstd * bng_ref[...]) + bnb_ref[...]
    h = jnp.maximum(o + o, 0.0)
    h_ref[...] = h
    s1 = jnp.sum(h, axis=0, keepdims=True)
    s2 = jnp.sum(h * h, axis=0, keepdims=True)
    st = jnp.concatenate([s1, s2, jnp.zeros((6, H), jnp.float32)], axis=0)

    @pl.when(i == 0)
    def _():
        st2_ref[...] = st

    @pl.when(i > 0)
    def _():
        st2_ref[...] = st2_ref[...] + st


def _gn_block(h, st2_ref, g_ref, b_ref, a_ref):
    inv_n = 1.0 / N
    mu = st2_ref[0:1] * inv_n
    ex2 = st2_ref[1:2] * inv_n
    a = a_ref[...]
    var = ex2 - (2.0 * a - a * a) * mu * mu
    xc = h - a * mu
    return jnp.maximum(g_ref[...] * xc * lax.rsqrt(var + 1e-5) + b_ref[...], 0.0)


def _stage_c(h_ref, st2_ref, g_ref, b_ref, a_ref, o_ref):
    o_ref[...] = _gn_block(h_ref[...], st2_ref, g_ref, b_ref, a_ref)


def _stage_c_final(h_ref, st2_ref, g_ref, b_ref, a_ref, W_ref, lb_ref, o_ref):
    hgn = _gn_block(h_ref[...], st2_ref, g_ref, b_ref, a_ref)
    o_ref[...] = jnp.dot(hgn, W_ref[...],
                         preferred_element_type=jnp.float32) + lb_ref[...]


def _row_spec():
    return pl.BlockSpec((BN_ROWS, H), lambda i: (i, 0))


def _half_spec():
    return pl.BlockSpec((1, BN_ROWS, H), lambda i: (i // _PB, i % _PB, 0))


def _full_spec(shape):
    nd = len(shape)
    return pl.BlockSpec(shape, lambda i: (0,) * nd)


def _dense_layer(ssum_p, deg_p, x, Wl, bl, Wr, We, be, Wg, bg, bng, bnb,
                 g, b, a, lin=None, partials=False):
    if partials:
        p_spec = pl.BlockSpec((NC, BN_ROWS, H), lambda i: (0, i, 0))
    else:
        p_spec = _half_spec()
    fa = pl.pallas_call(
        functools.partial(_stage_a, partials=partials),
        grid=(_GRID,),
        in_specs=[
            p_spec, _half_spec(), _row_spec(),
            _full_spec((H, H)), _full_spec((1, H)), _full_spec((H, H)),
            _full_spec((16, H)), _full_spec((1, H)),
            _full_spec((2 * H, H)), _full_spec((1, H)),
        ],
        out_specs=[_row_spec(), _full_spec((8, H))],
        out_shape=[jax.ShapeDtypeStruct((N, H), jnp.float32),
                   jax.ShapeDtypeStruct((8, H), jnp.float32)],
    )
    out, st = fa(ssum_p, deg_p, x, Wl, bl[None], Wr, We, be[None], Wg, bg[None])

    fb = pl.pallas_call(
        _stage_b,
        grid=(_GRID,),
        in_specs=[_row_spec(), _full_spec((8, H)),
                  _full_spec((1, H)), _full_spec((1, H))],
        out_specs=[_row_spec(), _full_spec((8, H))],
        out_shape=[jax.ShapeDtypeStruct((N, H), jnp.float32),
                   jax.ShapeDtypeStruct((8, H), jnp.float32)],
    )
    h, st2 = fb(out, st, bng[None], bnb[None])

    if lin is None:
        fc = pl.pallas_call(
            _stage_c,
            grid=(_GRID,),
            in_specs=[_row_spec(), _full_spec((8, H)),
                      _full_spec((1, H)), _full_spec((1, H)), _full_spec((1, H))],
            out_specs=_row_spec(),
            out_shape=jax.ShapeDtypeStruct((N, H), jnp.float32),
        )
        return fc(h, st2, g[None], b[None], a[None])
    lin_W, lin_b = lin
    fc = pl.pallas_call(
        _stage_c_final,
        grid=(_GRID,),
        in_specs=[_row_spec(), _full_spec((8, H)),
                  _full_spec((1, H)), _full_spec((1, H)), _full_spec((1, H)),
                  _full_spec((H, H)), _full_spec((1, H))],
        out_specs=_row_spec(),
        out_shape=jax.ShapeDtypeStruct((N, H), jnp.float32),
    )
    return fc(h, st2, g[None], b[None], a[None], lin_W, lin_b[None])


def kernel(x, edge_index, edge_attr, c1_Wl, c1_bl, c1_Wr, c1_We, c1_be, c1_Wg, c1_bg, c1_bng, c1_bnb, c2_Wl, c2_bl, c2_Wr, c2_We, c2_be, c2_Wg, c2_bg, c2_bng, c2_bnb, gn1_g, gn1_b, gn1_a, gn2_g, gn2_b, gn2_a, lin_W, lin_b):
    row = edge_index[0].astype(jnp.int32)
    col = edge_index[1].astype(jnp.int32)
    pad1 = N + jnp.arange(E_PAD1 - E, dtype=jnp.int32) % 96
    pad2 = N + jnp.arange(E_PAD2 - E, dtype=jnp.int32) % 96
    cols1 = jnp.concatenate([col, pad1])
    rows2 = jnp.concatenate([row, jnp.zeros((E_PAD2 - E,), jnp.int32)])
    cols2 = jnp.concatenate([col, pad2])
    zbig2 = jnp.zeros((N_ACC2, H), jnp.float32)

    deg1 = _hist(cols1)
    if isinstance(deg1, (list, tuple)):
        deg1 = deg1[0]
    ssum1 = _segsum(x, rows2, cols2, zbig2)
    if isinstance(ssum1, (list, tuple)):
        ssum1 = ssum1[0]
    h1 = _dense_layer(ssum1, deg1, x, c1_Wl, c1_bl, c1_Wr, c1_We, c1_be,
                      c1_Wg, c1_bg, c1_bng, c1_bnb, gn1_g, gn1_b, gn1_a,
                      partials=True)
    ssum2 = _segsum(h1, rows2, cols2, zbig2)
    if isinstance(ssum2, (list, tuple)):
        ssum2 = ssum2[0]
    return _dense_layer(ssum2, deg1, h1, c2_Wl, c2_bl, c2_Wr, c2_We, c2_be,
                        c2_Wg, c2_bg, c2_bng, c2_bnb, gn2_g, gn2_b, gn2_a,
                        lin=(lin_W, lin_b), partials=True)

# --- scband reference (transcript-rebuilt; emitter-appended) ---
"""Pipeline reference for scband-gated-edge-pre-lugnn-33449205301454 (READ-ONLY COPY).

The authoritative reference and input builder live on the scoring server;
editing this copy changes nothing except your own understanding.
"""

import jax, jax.numpy as jnp
import numpy as np

N = 10000
E = 320000
D_IN = 128
H = 128
D_OUT = 128
D_EDGE = 16


def setup_inputs(seed: int = 0) -> dict:
    key = jax.random.key(seed)
    ks = jax.random.split(key, 32)
    inp = {}
    inp['x'] = jax.random.normal(ks[0], (N, D_IN), dtype=jnp.float32)
    inp['edge_index'] = jax.random.randint(ks[1], (2, E), 0, N, dtype=jnp.int64 if jax.config.read('jax_enable_x64') else jnp.int32)
    inp['edge_attr'] = jax.random.normal(ks[2], (E, D_EDGE), dtype=jnp.float32)
    s = 0.05
    # conv1 params (SAGEConvWithEdgeAttr: in=D_IN, out=H)
    inp['c1_Wl'] = jax.random.normal(ks[3], (D_IN, H)) * s
    inp['c1_bl'] = jnp.zeros((H,))
    inp['c1_Wr'] = jax.random.normal(ks[4], (D_IN, H)) * s
    inp['c1_We'] = jax.random.normal(ks[5], (D_EDGE, H)) * s
    inp['c1_be'] = jnp.zeros((H,))
    inp['c1_Wg'] = jax.random.normal(ks[6], (2 * H, H)) * s
    inp['c1_bg'] = jnp.zeros((H,))
    inp['c1_bng'] = jnp.ones((H,))
    inp['c1_bnb'] = jnp.zeros((H,))
    # conv2 params (in=H, out=H)
    inp['c2_Wl'] = jax.random.normal(ks[7], (H, H)) * s
    inp['c2_bl'] = jnp.zeros((H,))
    inp['c2_Wr'] = jax.random.normal(ks[8], (H, H)) * s
    inp['c2_We'] = jax.random.normal(ks[9], (D_EDGE, H)) * s
    inp['c2_be'] = jnp.zeros((H,))
    inp['c2_Wg'] = jax.random.normal(ks[10], (2 * H, H)) * s
    inp['c2_bg'] = jnp.zeros((H,))
    inp['c2_bng'] = jnp.ones((H,))
    inp['c2_bnb'] = jnp.zeros((H,))
    # graph norms
    inp['gn1_g'] = jnp.ones((H,))
    inp['gn1_b'] = jnp.zeros((H,))
    inp['gn1_a'] = jnp.ones((H,))
    inp['gn2_g'] = jnp.ones((H,))
    inp['gn2_b'] = jnp.zeros((H,))
    inp['gn2_a'] = jnp.ones((H,))
    # final linear
    inp['lin_W'] = jax.random.normal(ks[11], (H, D_OUT)) * s
    inp['lin_b'] = jnp.zeros((D_OUT,))
    return inp


def _sage_edge_layer(x, ei, ea, Wl, bl, Wr, We, be, Wg, bg, bng, bnb):
    row, col = ei[0], ei[1]
    ea_t = ea @ We + be
    # SAGEConv mean aggregation: messages from row (src) to col (dst)
    msg = jnp.take(x, row, axis=0)
    ssum = jax.ops.segment_sum(msg, col, num_segments=x.shape[0])
    cnt = jax.ops.segment_sum(jnp.ones((ei.shape[1], 1), x.dtype), col, num_segments=x.shape[0])
    aggr = ssum / jnp.clip(cnt, 1.0, None)
    out = aggr @ Wl + bl + x @ Wr
    combined = jnp.concatenate([jnp.take(out, col, axis=0), ea_t], axis=-1)
    gate = jax.nn.sigmoid(combined @ Wg + bg)
    ec = gate * ea_t
    # torch scatter_ (overwrite) -> .at[].set
    scat = jnp.zeros_like(out).at[col].set(ec)
    out = out + scat
    # BatchNorm1d (training-mode batch stats)
    mu = out.mean(axis=0)
    var = out.var(axis=0)
    out = (out - mu) / jnp.sqrt(var + 1e-5) * bng + bnb
    out = out + out  # residual (Identity) + out
    return jax.nn.relu(out)


def _graph_norm(x, g, b, a):
    mu = x.mean(axis=0)
    xc = x - a * mu
    var = (xc * xc).mean(axis=0)
    return g * xc / jnp.sqrt(var + 1e-5) + b


def reference(x, edge_index, edge_attr,
              c1_Wl, c1_bl, c1_Wr, c1_We, c1_be, c1_Wg, c1_bg, c1_bng, c1_bnb,
              c2_Wl, c2_bl, c2_Wr, c2_We, c2_be, c2_Wg, c2_bg, c2_bng, c2_bnb,
              gn1_g, gn1_b, gn1_a, gn2_g, gn2_b, gn2_a, lin_W, lin_b):
    n = x.shape[0]
    loop = jnp.arange(n, dtype=edge_index.dtype)
    ei = jnp.concatenate([edge_index, jnp.stack([loop, loop])], axis=1)
    # pyg add_self_loops default fill_value -> 1.0 for self-loop edge attrs
    ea = jnp.concatenate([edge_attr, jnp.ones((n, edge_attr.shape[1]), edge_attr.dtype)], axis=0)
    h = _sage_edge_layer(x, ei, ea, c1_Wl, c1_bl, c1_Wr, c1_We, c1_be, c1_Wg, c1_bg, c1_bng, c1_bnb)
    h = jax.nn.relu(h)
    h = jax.nn.relu(_graph_norm(h, gn1_g, gn1_b, gn1_a))
    h = _sage_edge_layer(h, ei, ea, c2_Wl, c2_bl, c2_Wr, c2_We, c2_be, c2_Wg, c2_bg, c2_bng, c2_bnb)
    h = jax.nn.relu(h)
    h = jax.nn.relu(_graph_norm(h, gn2_g, gn2_b, gn2_a))
    return h @ lin_W + lin_b

if __name__ == "__main__":
    import jax
    _d = setup_inputs()
    print(jax.jit(kernel)(*tuple(_d.values())))

</pallas_src>

<mosaic_0001>
#map = affine_map<(d0, d1) -> (0)>
#map1 = affine_map<(d0, d1) -> (0, 0, 0)>
module attributes {stable_mosaic.version = 14 : i64} {
  func.func @_hist_body(%arg0: i32, %arg1: i32, %arg2: memref<325632xi32, #tpu.memory_space<hbm>>, %arg3: memref<2x5120x128xf32, #tpu.memory_space<hbm>>, %arg4: memref<162048xf32, #tpu.memory_space<vmem_shared>>, %arg5: memref<1696xi32, #tpu.memory_space<vmem>>, %arg6: memref<10128xf32, #tpu.memory_space<vmem>>, %arg7: memref<320xf32, #tpu.memory_space<vmem>>, %arg8: memref<320xf32, #tpu.memory_space<vmem>>, %arg9: memref<16x128xf32, #tpu.memory_space<vmem>>) attributes {dimension_semantics = [#tpu.dimension_semantics<core_parallel>, #tpu.dimension_semantics<subcore_parallel>], iteration_bounds = array<i64: 2, 16>, scalar_prefetch = 0 : i64, scratch_operands = 6 : i64, tpu.core_type = #tpu.core_type<sc_vector_subcore>, window_params = [{transform_indices = #map}, {transform_indices = #map1}]} {
    %mul3A = arith.constant 5000 : i32
    %mul3A_0 = arith.muli %arg0, %mul3A : i32
    %mul3A_1 = arith.constant 320 : i32
    %mul3A_2 = arith.muli %arg1, %mul3A_1 : i32
    %scan3A = arith.constant 0 : i32
    %scan3A_3 = arith.constant 0 : i32
    %scan3A_4 = arith.constant 633 : i32
    %scan3A_5 = arith.addi %scan3A_3, %scan3A_4 : i32
    %scan3A_6 = arith.constant 1 : i32
    scf.for %scan3A_182 = %scan3A_3 to %scan3A_5 step %scan3A_6  : i32 {
      %broadcast_in_dim3A = arith.constant 0.000000e+00 : f32
      %broadcast_in_dim3A_183 = vector.broadcast %broadcast_in_dim3A : f32 to vector<16xf32>
      %mul3A_184 = arith.constant 16 : i32
      %mul3A_185 = arith.muli %scan3A_182, %mul3A_184 : i32
      %swap3A = arith.index_cast %mul3A_185 : i32 to index
      %swap3A_186 = tpu.vector_load %arg6[%swap3A] {strides = array<i32>} : memref<10128xf32, #tpu.memory_space<vmem>>, vector<16xf32>,
      tpu.vector_store %arg6[%swap3A], %broadcast_in_dim3A_183 {strides = array<i32>} : memref<10128xf32, #tpu.memory_space<vmem>>, vector<16xf32>,
    }
    %scan3A_7 = arith.constant 633 : i32
    %scan3A_8 = arith.constant 0 : i32
    %scan3A_9 = arith.constant 0 : i32
    %scan3A_10 = arith.constant 12 : i32
    %scan3A_11 = arith.addi %scan3A_9, %scan3A_10 : i32
    %scan3A_12 = arith.constant 1 : i32
    scf.for %scan3A_182 = %scan3A_9 to %scan3A_11 step %scan3A_12  : i32 {
      %mul3A_183 = arith.constant 20352 : i32
      %mul3A_184 = arith.muli %arg1, %mul3A_183 : i32
      %mul3A_185 = arith.constant 1696 : i32
      %mul3A_186 = arith.muli %scan3A_182, %mul3A_185 : i32
      %add3A_187 = arith.addi %mul3A_184, %mul3A_186 : i32
      "tpu.region"() ({
        %run_scoped3A = tpu.sem_alloc : memref<!tpu.dma_semaphore, #tpu.memory_space<semaphore_mem>>
        %dma_start3A = tpu.memref_slice %arg2[%add3A_187] : memref<325632xi32, #tpu.memory_space<hbm>> -> memref<1696xi32, #tpu.memory_space<hbm>>
        %dma_start3A_194 = tpu.memref_slice %arg2[%add3A_187] : memref<325632xi32, #tpu.memory_space<hbm>> -> memref<1696xi32, #tpu.memory_space<hbm>>
        tpu.enqueue_dma source(%dma_start3A_194 : memref<1696xi32, #tpu.memory_space<hbm>>) target(%arg5 : memref<1696xi32, #tpu.memory_space<vmem>>) target_semaphore(%run_scoped3A : memref<!tpu.dma_semaphore, #tpu.memory_space<semaphore_mem>>)
        %dma_wait3A = tpu.memref_slice %arg2[%add3A_187] : memref<325632xi32, #tpu.memory_space<hbm>> -> memref<1696xi32, #tpu.memory_space<hbm>>
        %dma_wait3A_195 = tpu.memref_slice %arg2[%add3A_187] : memref<325632xi32, #tpu.memory_space<hbm>> -> memref<1696xi32, #tpu.memory_space<hbm>>
        tpu.wait_dma2 semaphore(%run_scoped3A : memref<!tpu.dma_semaphore, #tpu.memory_space<semaphore_mem>>) src(%dma_wait3A_195 : memref<1696xi32, #tpu.memory_space<hbm>>) dst(%arg5 : memref<1696xi32, #tpu.memory_space<vmem>>)
        tpu.yield
      }) : () -> ()
      %scan3A_188 = arith.constant 0 : i32
      %scan3A_189 = arith.constant 0 : i32
      %scan3A_190 = arith.constant 106 : i32
      %scan3A_191 = arith.addi %scan3A_189, %scan3A_190 : i32
      %scan3A_192 = arith.constant 1 : i32
      scf.for %scan3A_194 = %scan3A_189 to %scan3A_191 step %scan3A_192  : i32 {
        %mul3A_195 = arith.constant 16 : i32
        %mul3A_196 = arith.muli %scan3A_194, %mul3A_195 : i32
        %get3A = arith.index_cast %mul3A_196 : i32 to index
        %get3A_197 = tpu.vector_load %arg5[%get3A] {strides = array<i32>} : memref<1696xi32, #tpu.memory_space<vmem>>, vector<16xi32>,
        %broadcast_in_dim3A = arith.constant true
        %broadcast_in_dim3A_198 = vector.broadcast %broadcast_in_dim3A : i1 to vector<16xi1>
        %unique3A, %unique3A_199 = tpu.scan_count mask(%broadcast_in_dim3A_198 : vector<16xi1>) value(%get3A_197 : vector<16xi32>) : vector<16xi1>, vector<16xi32>
        %convert_element_type3A = arith.sitofp %unique3A_199 : vector<16xi32> to vector<16xf32>
        tpu.vector_store_idx %arg6[%get3A_197], %convert_element_type3A masked %unique3A {add = true} : memref<10128xf32, #tpu.memory_space<vmem>>[vector<16xi32>], vector<16xf32>, vector<16xi1>
      }
      %scan3A_193 = arith.constant 106 : i32
    }
    %scan3A_13 = arith.constant 12 : i32
    %mul3A_14 = arith.constant 10128 : i32
    %mul3A_15 = arith.muli %arg1, %mul3A_14 : i32
    "tpu.region"() ({
      %run_scoped3A = tpu.sem_alloc : memref<!tpu.dma_semaphore, #tpu.memory_space<semaphore_mem>>
      %dma_start3A = tpu.memref_slice %arg4[%mul3A_15] : memref<162048xf32, #tpu.memory_space<vmem_shared>> -> memref<10128xf32, #tpu.memory_space<vmem_shared>>
      %dma_start3A_182 = tpu.memref_slice %arg4[%mul3A_15] : memref<162048xf32, #tpu.memory_space<vmem_shared>> -> memref<10128xf32, #tpu.memory_space<vmem_shared>>
      tpu.enqueue_dma source(%arg6 : memref<10128xf32, #tpu.memory_space<vmem>>) target(%dma_start3A_182 : memref<10128xf32, #tpu.memory_space<vmem_shared>>) target_semaphore(%run_scoped3A : memref<!tpu.dma_semaphore, #tpu.memory_space<semaphore_mem>>)
      %dma_wait3A = tpu.memref_slice %arg4[%mul3A_15] : memref<162048xf32, #tpu.memory_space<vmem_shared>> -> memref<10128xf32, #tpu.memory_space<vmem_shared>>
      %dma_wait3A_183 = tpu.memref_slice %arg4[%mul3A_15] : memref<162048xf32, #tpu.memory_space<vmem_shared>> -> memref<10128xf32, #tpu.memory_space<vmem_shared>>
      tpu.wait_dma2 semaphore(%run_scoped3A : memref<!tpu.dma_semaphore, #tpu.memory_space<semaphore_mem>>) src(%arg6 : memref<10128xf32, #tpu.memory_space<vmem>>) dst(%dma_wait3A_183 : memref<10128xf32, #tpu.memory_space<vmem_shared>>)
      tpu.yield
    }) : () -> ()
    %barrier3A = arith.constant 0 : index
    tpu.barrier barrier_id(%barrier3A)
    %add3A = arith.addi %mul3A_0, %mul3A_2 : i32
    "tpu.region"() ({
      %run_scoped3A = tpu.sem_alloc : memref<!tpu.dma_semaphore, #tpu.memory_space<semaphore_mem>>
      %dma_start3A = tpu.memref_slice %arg4[%add3A] : memref<162048xf32, #tpu.memory_space<vmem_shared>> -> memref<320xf32, #tpu.memory_space<vmem_shared>>
      %dma_start3A_182 = tpu.memref_slice %arg4[%add3A] : memref<162048xf32, #tpu.memory_space<vmem_shared>> -> memref<320xf32, #tpu.memory_space<vmem_shared>>
      tpu.enqueue_dma source(%dma_start3A_182 : memref<320xf32, #tpu.memory_space<vmem_shared>>) target(%arg8 : memref<320xf32, #tpu.memory_space<vmem>>) target_semaphore(%run_scoped3A : memref<!tpu.dma_semaphore, #tpu.memory_space<semaphore_mem>>)
      %dma_wait3A = tpu.memref_slice %arg4[%add3A] : memref<162048xf32, #tpu.memory_space<vmem_shared>> -> memref<320xf32, #tpu.memory_space<vmem_shared>>
      %dma_wait3A_183 = tpu.memref_slice %arg4[%add3A] : memref<162048xf32, #tpu.memory_space<vmem_shared>> -> memref<320xf32, #tpu.memory_space<vmem_shared>>
      tpu.wait_dma2 semaphore(%run_scoped3A : memref<!tpu.dma_semaphore, #tpu.memory_space<semaphore_mem>>) src(%dma_wait3A_183 : memref<320xf32, #tpu.memory_space<vmem_shared>>) dst(%arg8 : memref<320xf32, #tpu.memory_space<vmem>>)
      tpu.yield
    }) : () -> ()
    %scan3A_16 = arith.constant 0 : i32
    %scan3A_17 = arith.constant 1 : i32
    %scan3A_18 = arith.constant 15 : i32
    %scan3A_19 = arith.addi %scan3A_17, %scan3A_18 : i32
    %scan3A_20 = arith.constant 1 : i32
    scf.for %scan3A_182 = %scan3A_17 to %scan3A_19 step %scan3A_20  : i32 {
      %mul3A_183 = arith.constant 10128 : i32
      %mul3A_184 = arith.muli %scan3A_182, %mul3A_183 : i32
      %add3A_185 = arith.addi %mul3A_184, %add3A : i32
      "tpu.region"() ({
        %run_scoped3A = tpu.sem_alloc : memref<!tpu.dma_semaphore, #tpu.memory_space<semaphore_mem>>
        %dma_start3A = tpu.memref_slice %arg4[%add3A_185] : memref<162048xf32, #tpu.memory_space<vmem_shared>> -> memref<320xf32, #tpu.memory_space<vmem_shared>>
        %dma_start3A_192 = tpu.memref_slice %arg4[%add3A_185] : memref<162048xf32, #tpu.memory_space<vmem_shared>> -> memref<320xf32, #tpu.memory_space<vmem_shared>>
        tpu.enqueue_dma source(%dma_start3A_192 : memref<320xf32, #tpu.memory_space<vmem_shared>>) target(%arg7 : memref<320xf32, #tpu.memory_space<vmem>>) target_semaphore(%run_scoped3A : memref<!tpu.dma_semaphore, #tpu.memory_space<semaphore_mem>>)
        %dma_wait3A = tpu.memref_slice %arg4[%add3A_185] : memref<162048xf32, #tpu.memory_space<vmem_shared>> -> memref<320xf32, #tpu.memory_space<vmem_shared>>
        %dma_wait3A_193 = tpu.memref_slice %arg4[%add3A_185] : memref<162048xf32, #tpu.memory_space<vmem_shared>> -> memref<320xf32, #tpu.memory_space<vmem_shared>>
        tpu.wait_dma2 semaphore(%run_scoped3A : memref<!tpu.dma_semaphore, #tpu.memory_space<semaphore_mem>>) src(%dma_wait3A_193 : memref<320xf32, #tpu.memory_space<vmem_shared>>) dst(%arg7 : memref<320xf32, #tpu.memory_space<vmem>>)
        tpu.yield
      }) : () -> ()
      %scan3A_186 = arith.constant 0 : i32
      %scan3A_187 = arith.constant 0 : i32
      %scan3A_188 = arith.constant 20 : i32
      %scan3A_189 = arith.addi %scan3A_187, %scan3A_188 : i32
      %scan3A_190 = arith.constant 1 : i32
      scf.for %scan3A_192 = %scan3A_187 to %scan3A_189 step %scan3A_190  : i32 {
        %mul3A_193 = arith.constant 16 : i32
        %mul3A_194 = arith.muli %scan3A_192, %mul3A_193 : i32
        %get3A = arith.index_cast %mul3A_194 : i32 to index
        %get3A_195 = tpu.vector_load %arg8[%get3A] {strides = array<i32>} : memref<320xf32, #tpu.memory_space<vmem>>, vector<16xf32>,
        %mul3A_196 = arith.constant 16 : i32
        %mul3A_197 = arith.muli %scan3A_192, %mul3A_196 : i32
        %get3A_198 = arith.index_cast %mul3A_197 : i32 to index
        %get3A_199 = tpu.vector_load %arg7[%get3A_198] {strides = array<i32>} : memref<320xf32, #tpu.memory_space<vmem>>, vector<16xf32>,
        %add3A_200 = arith.addf %get3A_195, %get3A_199 : vector<16xf32>
        %mul3A_201 = arith.constant 16 : i32
        %mul3A_202 = arith.muli %scan3A_192, %mul3A_201 : i32
        %swap3A = arith.index_cast %mul3A_202 : i32 to index
        %swap3A_203 = tpu.vector_load %arg8[%swap3A] {strides = array<i32>} : memref<320xf32, #tpu.memory_space<vmem>>, vector<16xf32>,
        tpu.vector_store %arg8[%swap3A], %add3A_200 {strides = array<i32>} : memref<320xf32, #tpu.memory_space<vmem>>, vector<16xf32>,
      }
      %scan3A_191 = arith.constant 20 : i32
    }
    %scan3A_21 = arith.constant 15 : i32
    %scan3A_22 = arith.constant 0 : i32
    %scan3A_23 = arith.constant 0 : i32
    %scan3A_24 = arith.constant 16 : i32
    %scan3A_25 = arith.addi %scan3A_23, %scan3A_24 : i32
    %scan3A_26 = arith.constant 1 : i32
    scf.for %scan3A_182 = %scan3A_23 to %scan3A_25 step %scan3A_26  : i32 {
      %add3A_183 = arith.constant 0 : i32
      %add3A_184 = arith.addi %add3A_183, %scan3A_182 : i32
      %broadcast_in_dim3A = vector.broadcast %add3A_184 : i32 to vector<16xi32>
      %gather3A = tpu.vector_load_idx %arg8[%broadcast_in_dim3A] : memref<320xf32, #tpu.memory_space<vmem>>[vector<16xi32>], vector<16xf32>,
      %scan3A_185 = arith.constant 0 : i32
      %scan3A_186 = arith.constant 0 : i32
      %scan3A_187 = arith.constant 8 : i32
      %scan3A_188 = arith.addi %scan3A_186, %scan3A_187 : i32
      %scan3A_189 = arith.constant 1 : i32
      scf.for %scan3A_191 = %scan3A_186 to %scan3A_188 step %scan3A_189  : i32 {
        %mul3A_192 = arith.constant 16 : i32
        %mul3A_193 = arith.muli %scan3A_191, %mul3A_192 : i32
        %swap3A = arith.index_cast %scan3A_182 : i32 to index
        %swap3A_194 = arith.index_cast %mul3A_193 : i32 to index
        %swap3A_195 = tpu.vector_load %arg9[%swap3A, %swap3A_194] {strides = array<i32>} : memref<16x128xf32, #tpu.memory_space<vmem>>, vector<16xf32>,
        tpu.vector_store %arg9[%swap3A, %swap3A_194], %gather3A {strides = array<i32>} : memref<16x128xf32, #tpu.memory_space<vmem>>, vector<16xf32>,
      }
      %scan3A_190 = arith.constant 8 : i32
    }
    %scan3A_27 = arith.constant 16 : i32
    %add3A_28 = arith.constant 0 : i32
    %add3A_29 = arith.addi %mul3A_2, %add3A_28 : i32
    "tpu.region"() ({
      %run_scoped3A = tpu.sem_alloc : memref<!tpu.dma_semaphore, #tpu.memory_space<semaphore_mem>>
      %dma_start3A = arith.constant 0 : i32
      %dma_start3A_182 = tpu.memref_slice %arg3[%arg0, %add3A_29, %dma_start3A] : memref<2x5120x128xf32, #tpu.memory_space<hbm>> -> memref<1x16x128xf32, #tpu.memory_space<hbm>>
      %dma_start3A_183 = tpu.memref_squeeze %dma_start3A_182 : memref<1x16x128xf32, #tpu.memory_space<hbm>> -> memref<16x128xf32, #tpu.memory_space<hbm>>
      %dma_start3A_184 = arith.constant 0 : i32
      %dma_start3A_185 = tpu.memref_slice %arg3[%arg0, %add3A_29, %dma_start3A_184] : memref<2x5120x128xf32, #tpu.memory_space<hbm>> -> memref<1x16x128xf32, #tpu.memory_space<hbm>>
      %dma_start3A_186 = tpu.memref_squeeze %dma_start3A_185 : memref<1x16x128xf32, #tpu.memory_space<hbm>> -> memref<16x128xf32, #tpu.memory_space<hbm>>
      tpu.enqueue_dma source(%arg9 : memref<16x128xf32, #tpu.memory_space<vmem>>) target(%dma_start3A_186 : memref<16x128xf32, #tpu.memory_space<hbm>>) target_semaphore(%run_scoped3A : memref<!tpu.dma_semaphore, #tpu.memory_space<semaphore_mem>>)
      %dma_wait3A = arith.constant 0 : i32
      %dma_wait3A_187 = tpu.memref_slice %arg3[%arg0, %add3A_29, %dma_wait3A] : memref<2x5120x128xf32, #tpu.memory_space<hbm>> -> memref<1x16x128xf32, #tpu.memory_space<hbm>>
      %dma_wait3A_188 = tpu.memref_squeeze %dma_wait3A_187 : memref<1x16x128xf32, #tpu.memory_space<hbm>> -> memref<16x128xf32, #tpu.memory_space<hbm>>
      %dma_wait3A_189 = arith.constant 0 : i32
      %dma_wait3A_190 = tpu.memref_slice %arg3[%arg0, %add3A_29, %dma_wait3A_189] : memref<2x5120x128xf32, #tpu.memory_space<hbm>> -> memref<1x16x128xf32, #tpu.memory_space<hbm>>
      %dma_wait3A_191 = tpu.memref_squeeze %dma_wait3A_190 : memref<1x16x128xf32, #tpu.memory_space<hbm>> -> memref<16x128xf32, #tpu.memory_space<hbm>>
      tpu.wait_dma2 semaphore(%run_scoped3A : memref<!tpu.dma_semaphore, #tpu.memory_space<semaphore_mem>>) src(%arg9 : memref<16x128xf32, #tpu.memory_space<vmem>>) dst(%dma_wait3A_191 : memref<16x128xf32, #tpu.memory_space<hbm>>)
      tpu.yield
    }) : () -> ()
    %scan3A_30 = arith.constant 0 : i32
    %scan3A_31 = arith.constant 0 : i32
    %scan3A_32 = arith.constant 16 : i32
    %scan3A_33 = arith.addi %scan3A_31, %scan3A_32 : i32
    %scan3A_34 = arith.constant 1 : i32
    scf.for %scan3A_182 = %scan3A_31 to %scan3A_33 step %scan3A_34  : i32 {
      %add3A_183 = arith.constant 16 : i32
      %add3A_184 = arith.addi %add3A_183, %scan3A_182 : i32
      %broadcast_in_dim3A = vector.broadcast %add3A_184 : i32 to vector<16xi32>
      %gather3A = tpu.vector_load_idx %arg8[%broadcast_in_dim3A] : memref<320xf32, #tpu.memory_space<vmem>>[vector<16xi32>], vector<16xf32>,
      %scan3A_185 = arith.constant 0 : i32
      %scan3A_186 = arith.constant 0 : i32
      %scan3A_187 = arith.constant 8 : i32
      %scan3A_188 = arith.addi %scan3A_186, %scan3A_187 : i32
      %scan3A_189 = arith.constant 1 : i32
      scf.for %scan3A_191 = %scan3A_186 to %scan3A_188 step %scan3A_189  : i32 {
        %mul3A_192 = arith.constant 16 : i32
        %mul3A_193 = arith.muli %scan3A_191, %mul3A_192 : i32
        %swap3A = arith.index_cast %scan3A_182 : i32 to index
        %swap3A_194 = arith.index_cast %mul3A_193 : i32 to index
        %swap3A_195 = tpu.vector_load %arg9[%swap3A, %swap3A_194] {strides = array<i32>} : memref<16x128xf32, #tpu.memory_space<vmem>>, vector<16xf32>,
        tpu.vector_store %arg9[%swap3A, %swap3A_194], %gather3A {strides = array<i32>} : memref<16x128xf32, #tpu.memory_space<vmem>>, vector<16xf32>,
      }
      %scan3A_190 = arith.constant 8 : i32
    }
    %scan3A_35 = arith.constant 16 : i32
    %add3A_36 = arith.constant 16 : i32
    %add3A_37 = arith.addi %mul3A_2, %add3A_36 : i32
    "tpu.region"() ({
      %run_scoped3A = tpu.sem_alloc : memref<!tpu.dma_semaphore, #tpu.memory_space<semaphore_mem>>
      %dma_start3A = arith.constant 0 : i32
      %dma_start3A_182 = tpu.memref_slice %arg3[%arg0, %add3A_37, %dma_start3A] : memref<2x5120x128xf32, #tpu.memory_space<hbm>> -> memref<1x16x128xf32, #tpu.memory_space<hbm>>
      %dma_start3A_183 = tpu.memref_squeeze %dma_start3A_182 : memref<1x16x128xf32, #tpu.memory_space<hbm>> -> memref<16x128xf32, #tpu.memory_space<hbm>>
      %dma_start3A_184 = arith.constant 0 : i32
      %dma_start3A_185 = tpu.memref_slice %arg3[%arg0, %add3A_37, %dma_start3A_184] : memref<2x5120x128xf32, #tpu.memory_space<hbm>> -> memref<1x16x128xf32, #tpu.memory_space<hbm>>
      %dma_start3A_186 = tpu.memref_squeeze %dma_start3A_185 : memref<1x16x128xf32, #tpu.memory_space<hbm>> -> memref<16x128xf32, #tpu.memory_space<hbm>>
      tpu.enqueue_dma source(%arg9 : memref<16x128xf32, #tpu.memory_space<vmem>>) target(%dma_start3A_186 : memref<16x128xf32, #tpu.memory_space<hbm>>) target_semaphore(%run_scoped3A : memref<!tpu.dma_semaphore, #tpu.memory_space<semaphore_mem>>)
      %dma_wait3A = arith.constant 0 : i32
      %dma_wait3A_187 = tpu.memref_slice %arg3[%arg0, %add3A_37, %dma_wait3A] : memref<2x5120x128xf32, #tpu.memory_space<hbm>> -> memref<1x16x128xf32, #tpu.memory_space<hbm>>
      %dma_wait3A_188 = tpu.memref_squeeze %dma_wait3A_187 : memref<1x16x128xf32, #tpu.memory_space<hbm>> -> memref<16x128xf32, #tpu.memory_space<hbm>>
      %dma_wait3A_189 = arith.constant 0 : i32
      %dma_wait3A_190 = tpu.memref_slice %arg3[%arg0, %add3A_37, %dma_wait3A_189] : memref<2x5120x128xf32, #tpu.memory_space<hbm>> -> memref<1x16x128xf32, #tpu.memory_space<hbm>>
      %dma_wait3A_191 = tpu.memref_squeeze %dma_wait3A_190 : memref<1x16x128xf32, #tpu.memory_space<hbm>> -> memref<16x128xf32, #tpu.memory_space<hbm>>
      tpu.wait_dma2 semaphore(%run_scoped3A : memref<!tpu.dma_semaphore, #tpu.memory_space<semaphore_mem>>) src(%arg9 : memref<16x128xf32, #tpu.memory_space<vmem>>) dst(%dma_wait3A_191 : memref<16x128xf32, #tpu.memory_space<hbm>>)
      tpu.yield
    }) : () -> ()
    %scan3A_38 = arith.constant 0 : i32
    %scan3A_39 = arith.constant 0 : i32
    %scan3A_40 = arith.constant 16 : i32
    %scan3A_41 = arith.addi %scan3A_39, %scan3A_40 : i32
    %scan3A_42 = arith.constant 1 : i32
    scf.for %scan3A_182 = %scan3A_39 to %scan3A_41 step %scan3A_42  : i32 {
      %add3A_183 = arith.constant 32 : i32
      %add3A_184 = arith.addi %add3A_183, %scan3A_182 : i32
      %broadcast_in_dim3A = vector.broadcast %add3A_184 : i32 to vector<16xi32>
      %gather3A = tpu.vector_load_idx %arg8[%broadcast_in_dim3A] : memref<320xf32, #tpu.memory_space<vmem>>[vector<16xi32>], vector<16xf32>,
      %scan3A_185 = arith.constant 0 : i32
      %scan3A_186 = arith.constant 0 : i32
      %scan3A_187 = arith.constant 8 : i32
      %scan3A_188 = arith.addi %scan3A_186, %scan3A_187 : i32
      %scan3A_189 = arith.constant 1 : i32
      scf.for %scan3A_191 = %scan3A_186 to %scan3A_188 step %scan3A_189  : i32 {
        %mul3A_192 = arith.constant 16 : i32
        %mul3A_193 = arith.muli %scan3A_191, %mul3A_192 : i32
        %swap3A = arith.index_cast %scan3A_182 : i32 to index
        %swap3A_194 = arith.index_cast %mul3A_193 : i32 to index
        %swap3A_195 = tpu.vector_load %arg9[%swap3A, %swap3A_194] {strides = array<i32>} : memref<16x128xf32, #tpu.memory_space<vmem>>, vector<16xf32>,
        tpu.vector_store %arg9[%swap3A, %swap3A_194], %gather3A {strides = array<i32>} : memref<16x128xf32, #tpu.memory_space<vmem>>, vector<16xf32>,
      }
      %scan3A_190 = arith.constant 8 : i32
    }
    %scan3A_43 = arith.constant 16 : i32
    %add3A_44 = arith.constant 32 : i32
    %add3A_45 = arith.addi %mul3A_2, %add3A_44 : i32
    "tpu.region"() ({
      %run_scoped3A = tpu.sem_alloc : memref<!tpu.dma_semaphore, #tpu.memory_space<semaphore_mem>>
      %dma_start3A = arith.constant 0 : i32
      %dma_start3A_182 = tpu.memref_slice %arg3[%arg0, %add3A_45, %dma_start3A] : memref<2x5120x128xf32, #tpu.memory_space<hbm>> -> memref<1x16x128xf32, #tpu.memory_space<hbm>>
      %dma_start3A_183 = tpu.memref_squeeze %dma_start3A_182 : memref<1x16x128xf32, #tpu.memory_space<hbm>> -> memref<16x128xf32, #tpu.memory_space<hbm>>
      %dma_start3A_184 = arith.constant 0 : i32
      %dma_start3A_185 = tpu.memref_slice %arg3[%arg0, %add3A_45, %dma_start3A_184] : memref<2x5120x128xf32, #tpu.memory_space<hbm>> -> memref<1x16x128xf32, #tpu.memory_space<hbm>>
      %dma_start3A_186 = tpu.memref_squeeze %dma_start3A_185 : memref<1x16x128xf32, #tpu.memory_space<hbm>> -> memref<16x128xf32, #tpu.memory_space<hbm>>
      tpu.enqueue_dma source(%arg9 : memref<16x128xf32, #tpu.memory_space<vmem>>) target(%dma_start3A_186 : memref<16x128xf32, #tpu.memory_space<hbm>>) target_semaphore(%run_scoped3A : memref<!tpu.dma_semaphore, #tpu.memory_space<semaphore_mem>>)
      %dma_wait3A = arith.constant 0 : i32
      %dma_wait3A_187 = tpu.memref_slice %arg3[%arg0, %add3A_45, %dma_wait3A] : memref<2x5120x128xf32, #tpu.memory_space<hbm>> -> memref<1x16x128xf32, #tpu.memory_space<hbm>>
      %dma_wait3A_188 = tpu.memref_squeeze %dma_wait3A_187 : memref<1x16x128xf32, #tpu.memory_space<hbm>> -> memref<16x128xf32, #tpu.memory_space<hbm>>
      %dma_wait3A_189 = arith.constant 0 : i32
      %dma_wait3A_190 = tpu.memref_slice %arg3[%arg0, %add3A_45, %dma_wait3A_189] : memref<2x5120x128xf32, #tpu.memory_space<hbm>> -> memref<1x16x128xf32, #tpu.memory_space<hbm>>
      %dma_wait3A_191 = tpu.memref_squeeze %dma_wait3A_190 : memref<1x16x128xf32, #tpu.memory_space<hbm>> -> memref<16x128xf32, #tpu.memory_space<hbm>>
      tpu.wait_dma2 semaphore(%run_scoped3A : memref<!tpu.dma_semaphore, #tpu.memory_space<semaphore_mem>>) src(%arg9 : memref<16x128xf32, #tpu.memory_space<vmem>>) dst(%dma_wait3A_191 : memref<16x128xf32, #tpu.memory_space<hbm>>)
      tpu.yield
    }) : () -> ()
    %scan3A_46 = arith.constant 0 : i32
    %scan3A_47 = arith.constant 0 : i32
    %scan3A_48 = arith.constant 16 : i32
    %scan3A_49 = arith.addi %scan3A_47, %scan3A_48 : i32
    %scan3A_50 = arith.constant 1 : i32
    scf.for %scan3A_182 = %scan3A_47 to %scan3A_49 step %scan3A_50  : i32 {
      %add3A_183 = arith.constant 48 : i32
      %add3A_184 = arith.addi %add3A_183, %scan3A_182 : i32
      %broadcast_in_dim3A = vector.broadcast %add3A_184 : i32 to vector<16xi32>
      %gather3A = tpu.vector_load_idx %arg8[%broadcast_in_dim3A] : memref<320xf32, #tpu.memory_space<vmem>>[vector<16xi32>], vector<16xf32>,
      %scan3A_185 = arith.constant 0 : i32
      %scan3A_186 = arith.constant 0 : i32
      %scan3A_187 = arith.constant 8 : i32
      %scan3A_188 = arith.addi %scan3A_186, %scan3A_187 : i32
      %scan3A_189 = arith.constant 1 : i32
      scf.for %scan3A_191 = %scan3A_186 to %scan3A_188 step %scan3A_189  : i32 {
        %mul3A_192 = arith.constant 16 : i32
        %mul3A_193 = arith.muli %scan3A_191, %mul3A_192 : i32
        %swap3A = arith.index_cast %scan3A_182 : i32 to index
        %swap3A_194 = arith.index_cast %mul3A_193 : i32 to index
        %swap3A_195 = tpu.vector_load %arg9[%swap3A, %swap3A_194] {strides = array<i32>} : memref<16x128xf32, #tpu.memory_space<vmem>>, vector<16xf32>,
        tpu.vector_store %arg9[%swap3A, %swap3A_194], %gather3A {strides = array<i32>} : memref<16x128xf32, #tpu.memory_space<vmem>>, vector<16xf32>,
      }
      %scan3A_190 = arith.constant 8 : i32
    }
    %scan3A_51 = arith.constant 16 : i32
    %add3A_52 = arith.constant 48 : i32
    %add3A_53 = arith.addi %mul3A_2, %add3A_52 : i32
    "tpu.region"() ({
      %run_scoped3A = tpu.sem_alloc : memref<!tpu.dma_semaphore, #tpu.memory_space<semaphore_mem>>
      %dma_start3A = arith.constant 0 : i32
      %dma_start3A_182 = tpu.memref_slice %arg3[%arg0, %add3A_53, %dma_start3A] : memref<2x5120x128xf32, #tpu.memory_space<hbm>> -> memref<1x16x128xf32, #tpu.memory_space<hbm>>
      %dma_start3A_183 = tpu.memref_squeeze %dma_start3A_182 : memref<1x16x128xf32, #tpu.memory_space<hbm>> -> memref<16x128xf32, #tpu.memory_space<hbm>>
      %dma_start3A_184 = arith.constant 0 : i32
      %dma_start3A_185 = tpu.memref_slice %arg3[%arg0, %add3A_53, %dma_start3A_184] : memref<2x5120x128xf32, #tpu.memory_space<hbm>> -> memref<1x16x128xf32, #tpu.memory_space<hbm>>
      %dma_start3A_186 = tpu.memref_squeeze %dma_start3A_185 : memref<1x16x128xf32, #tpu.memory_space<hbm>> -> memref<16x128xf32, #tpu.memory_space<hbm>>
      tpu.enqueue_dma source(%arg9 : memref<16x128xf32, #tpu.memory_space<vmem>>) target(%dma_start3A_186 : memref<16x128xf32, #tpu.memory_space<hbm>>) target_semaphore(%run_scoped3A : memref<!tpu.dma_semaphore, #tpu.memory_space<semaphore_mem>>)
      %dma_wait3A = arith.constant 0 : i32
      %dma_wait3A_187 = tpu.memref_slice %arg3[%arg0, %add3A_53, %dma_wait3A] : memref<2x5120x128xf32, #tpu.memory_space<hbm>> -> memref<1x16x128xf32, #tpu.memory_space<hbm>>
      %dma_wait3A_188 = tpu.memref_squeeze %dma_wait3A_187 : memref<1x16x128xf32, #tpu.memory_space<hbm>> -> memref<16x128xf32, #tpu.memory_space<hbm>>
      %dma_wait3A_189 = arith.constant 0 : i32
      %dma_wait3A_190 = tpu.memref_slice %arg3[%arg0, %add3A_53, %dma_wait3A_189] : memref<2x5120x128xf32, #tpu.memory_space<hbm>> -> memref<1x16x128xf32, #tpu.memory_space<hbm>>
      %dma_wait3A_191 = tpu.memref_squeeze %dma_wait3A_190 : memref<1x16x128xf32, #tpu.memory_space<hbm>> -> memref<16x128xf32, #tpu.memory_space<hbm>>
      tpu.wait_dma2 semaphore(%run_scoped3A : memref<!tpu.dma_semaphore, #tpu.memory_space<semaphore_mem>>) src(%arg9 : memref<16x128xf32, #tpu.memory_space<vmem>>) dst(%dma_wait3A_191 : memref<16x128xf32, #tpu.memory_space<hbm>>)
      tpu.yield
    }) : () -> ()
    %scan3A_54 = arith.constant 0 : i32
    %scan3A_55 = arith.constant 0 : i32
    %scan3A_56 = arith.constant 16 : i32
    %scan3A_57 = arith.addi %scan3A_55, %scan3A_56 : i32
    %scan3A_58 = arith.constant 1 : i32
    scf.for %scan3A_182 = %scan3A_55 to %scan3A_57 step %scan3A_58  : i32 {
      %add3A_183 = arith.constant 64 : i32
      %add3A_184 = arith.addi %add3A_183, %scan3A_182 : i32
      %broadcast_in_dim3A = vector.broadcast %add3A_184 : i32 to vector<16xi32>
      %gather3A = tpu.vector_load_idx %arg8[%broadcast_in_dim3A] : memref<320xf32, #tpu.memory_space<vmem>>[vector<16xi32>], vector<16xf32>,
      %scan3A_185 = arith.constant 0 : i32
      %scan3A_186 = arith.constant 0 : i32
      %scan3A_187 = arith.constant 8 : i32
      %scan3A_188 = arith.addi %scan3A_186, %scan3A_187 : i32
      %scan3A_189 = arith.constant 1 : i32
      scf.for %scan3A_191 = %scan3A_186 to %scan3A_188 step %scan3A_189  : i32 {
        %mul3A_192 = arith.constant 16 : i32
        %mul3A_193 = arith.muli %scan3A_191, %mul3A_192 : i32
        %swap3A = arith.index_cast %scan3A_182 : i32 to index
        %swap3A_194 = arith.index_cast %mul3A_193 : i32 to index
        %swap3A_195 = tpu.vector_load %arg9[%swap3A, %swap3A_194] {strides = array<i32>} : memref<16x128xf32, #tpu.memory_space<vmem>>, vector<16xf32>,
        tpu.vector_store %arg9[%swap3A, %swap3A_194], %gather3A {strides = array<i32>} : memref<16x128xf32, #tpu.memory_space<vmem>>, vector<16xf32>,
      }
      %scan3A_190 = arith.constant 8 : i32
    }
    %scan3A_59 = arith.constant 16 : i32
    %add3A_60 = arith.constant 64 : i32
    %add3A_61 = arith.addi %mul3A_2, %add3A_60 : i32
    "tpu.region"() ({
      %run_scoped3A = tpu.sem_alloc : memref<!tpu.dma_semaphore, #tpu.memory_space<semaphore_mem>>
      %dma_start3A = arith.constant 0 : i32
      %dma_start3A_182 = tpu.memref_slice %arg3[%arg0, %add3A_61, %dma_start3A] : memref<2x5120x128xf32, #tpu.memory_space<hbm>> -> memref<1x16x128xf32, #tpu.memory_space<hbm>>
      %dma_start3A_183 = tpu.memref_squeeze %dma_start3A_182 : memref<1x16x128xf32, #tpu.memory_space<hbm>> -> memref<16x128xf32, #tpu.memory_space<hbm>>
      %dma_start3A_184 = arith.constant 0 : i32
      %dma_start3A_185 = tpu.memref_slice %arg3[%arg0, %add3A_61, %dma_start3A_184] : memref<2x5120x128xf32, #tpu.memory_space<hbm>> -> memref<1x16x128xf32, #tpu.memory_space<hbm>>
      %dma_start3A_186 = tpu.memref_squeeze %dma_start3A_185 : memref<1x16x128xf32, #tpu.memory_space<hbm>> -> memref<16x128xf32, #tpu.memory_space<hbm>>
      tpu.enqueue_dma source(%arg9 : memref<16x128xf32, #tpu.memory_space<vmem>>) target(%dma_start3A_186 : memref<16x128xf32, #tpu.memory_space<hbm>>) target_semaphore(%run_scoped3A : memref<!tpu.dma_semaphore, #tpu.memory_space<semaphore_mem>>)
      %dma_wait3A = arith.constant 0 : i32
      %dma_wait3A_187 = tpu.memref_slice %arg3[%arg0, %add3A_61, %dma_wait3A] : memref<2x5120x128xf32, #tpu.memory_space<hbm>> -> memref<1x16x128xf32, #tpu.memory_space<hbm>>
      %dma_wait3A_188 = tpu.memref_squeeze %dma_wait3A_187 : memref<1x16x128xf32, #tpu.memory_space<hbm>> -> memref<16x128xf32, #tpu.memory_space<hbm>>
      %dma_wait3A_189 = arith.constant 0 : i32
      %dma_wait3A_190 = tpu.memref_slice %arg3[%arg0, %add3A_61, %dma_wait3A_189] : memref<2x5120x128xf32, #tpu.memory_space<hbm>> -> memref<1x16x128xf32, #tpu.memory_space<hbm>>
      %dma_wait3A_191 = tpu.memref_squeeze %dma_wait3A_190 : memref<1x16x128xf32, #tpu.memory_space<hbm>> -> memref<16x128xf32, #tpu.memory_space<hbm>>
      tpu.wait_dma2 semaphore(%run_scoped3A : memref<!tpu.dma_semaphore, #tpu.memory_space<semaphore_mem>>) src(%arg9 : memref<16x128xf32, #tpu.memory_space<vmem>>) dst(%dma_wait3A_191 : memref<16x128xf32, #tpu.memory_space<hbm>>)
      tpu.yield
    }) : () -> ()
    %scan3A_62 = arith.constant 0 : i32
    %scan3A_63 = arith.constant 0 : i32
    %scan3A_64 = arith.constant 16 : i32
    %scan3A_65 = arith.addi %scan3A_63, %scan3A_64 : i32
    %scan3A_66 = arith.constant 1 : i32
    scf.for %scan3A_182 = %scan3A_63 to %scan3A_65 step %scan3A_66  : i32 {
      %add3A_183 = arith.constant 80 : i32
      %add3A_184 = arith.addi %add3A_183, %scan3A_182 : i32
      %broadcast_in_dim3A = vector.broadcast %add3A_184 : i32 to vector<16xi32>
      %gather3A = tpu.vector_load_idx %arg8[%broadcast_in_dim3A] : memref<320xf32, #tpu.memory_space<vmem>>[vector<16xi32>], vector<16xf32>,
      %scan3A_185 = arith.constant 0 : i32
      %scan3A_186 = arith.constant 0 : i32
      %scan3A_187 = arith.constant 8 : i32
      %scan3A_188 = arith.addi %scan3A_186, %scan3A_187 : i32
      %scan3A_189 = arith.constant 1 : i32
      scf.for %scan3A_191 = %scan3A_186 to %scan3A_188 step %scan3A_189  : i32 {
        %mul3A_192 = arith.constant 16 : i32
        %mul3A_193 = arith.muli %scan3A_191, %mul3A_192 : i32
        %swap3A = arith.index_cast %scan3A_182 : i32 to index
        %swap3A_194 = arith.index_cast %mul3A_193 : i32 to index
        %swap3A_195 = tpu.vector_load %arg9[%swap3A, %swap3A_194] {strides = array<i32>} : memref<16x128xf32, #tpu.memory_space<vmem>>, vector<16xf32>,
        tpu.vector_store %arg9[%swap3A, %swap3A_194], %gather3A {strides = array<i32>} : memref<16x128xf32, #tpu.memory_space<vmem>>, vector<16xf32>,
      }
      %scan3A_190 = arith.constant 8 : i32
    }
    %scan3A_67 = arith.constant 16 : i32
    %add3A_68 = arith.constant 80 : i32
    %add3A_69 = arith.addi %mul3A_2, %add3A_68 : i32
    "tpu.region"() ({
      %run_scoped3A = tpu.sem_alloc : memref<!tpu.dma_semaphore, #tpu.memory_space<semaphore_mem>>
      %dma_start3A = arith.constant 0 : i32
      %dma_start3A_182 = tpu.memref_slice %arg3[%arg0, %add3A_69, %dma_start3A] : memref<2x5120x128xf32, #tpu.memory_space<hbm>> -> memref<1x16x128xf32, #tpu.memory_space<hbm>>
      %dma_start3A_183 = tpu.memref_squeeze %dma_start3A_182 : memref<1x16x128xf32, #tpu.memory_space<hbm>> -> memref<16x128xf32, #tpu.memory_space<hbm>>
      %dma_start3A_184 = arith.constant 0 : i32
      %dma_start3A_185 = tpu.memref_slice %arg3[%arg0, %add3A_69, %dma_start3A_184] : memref<2x5120x128xf32, #tpu.memory_space<hbm>> -> memref<1x16x128xf32, #tpu.memory_space<hbm>>
      %dma_start3A_186 = tpu.memref_squeeze %dma_start3A_185 : memref<1x16x128xf32, #tpu.memory_space<hbm>> -> memref<16x128xf32, #tpu.memory_space<hbm>>
      tpu.enqueue_dma source(%arg9 : memref<16x128xf32, #tpu.memory_space<vmem>>) target(%dma_start3A_186 : memref<16x128xf32, #tpu.memory_space<hbm>>) target_semaphore(%run_scoped3A : memref<!tpu.dma_semaphore, #tpu.memory_space<semaphore_mem>>)
      %dma_wait3A = arith.constant 0 : i32
      %dma_wait3A_187 = tpu.memref_slice %arg3[%arg0, %add3A_69, %dma_wait3A] : memref<2x5120x128xf32, #tpu.memory_space<hbm>> -> memref<1x16x128xf32, #tpu.memory_space<hbm>>
      %dma_wait3A_188 = tpu.memref_squeeze %dma_wait3A_187 : memref<1x16x128xf32, #tpu.memory_space<hbm>> -> memref<16x128xf32, #tpu.memory_space<hbm>>
      %dma_wait3A_189 = arith.constant 0 : i32
      %dma_wait3A_190 = tpu.memref_slice %arg3[%arg0, %add3A_69, %dma_wait3A_189] : memref<2x5120x128xf32, #tpu.memory_space<hbm>> -> memref<1x16x128xf32, #tpu.memory_space<hbm>>
      %dma_wait3A_191 = tpu.memref_squeeze %dma_wait3A_190 : memref<1x16x128xf32, #tpu.memory_space<hbm>> -> memref<16x128xf32, #tpu.memory_space<hbm>>
      tpu.wait_dma2 semaphore(%run_scoped3A : memref<!tpu.dma_semaphore, #tpu.memory_space<semaphore_mem>>) src(%arg9 : memref<16x128xf32, #tpu.memory_space<vmem>>) dst(%dma_wait3A_191 : memref<16x128xf32, #tpu.memory_space<hbm>>)
      tpu.yield
    }) : () -> ()
    %scan3A_70 = arith.constant 0 : i32
    %scan3A_71 = arith.constant 0 : i32
    %scan3A_72 = arith.constant 16 : i32
    %scan3A_73 = arith.addi %scan3A_71, %scan3A_72 : i32
    %scan3A_74 = arith.constant 1 : i32
    scf.for %scan3A_182 = %scan3A_71 to %scan3A_73 step %scan3A_74  : i32 {
      %add3A_183 = arith.constant 96 : i32
      %add3A_184 = arith.addi %add3A_183, %scan3A_182 : i32
      %broadcast_in_dim3A = vector.broadcast %add3A_184 : i32 to vector<16xi32>
      %gather3A = tpu.vector_load_idx %arg8[%broadcast_in_dim3A] : memref<320xf32, #tpu.memory_space<vmem>>[vector<16xi32>], vector<16xf32>,
      %scan3A_185 = arith.constant 0 : i32
      %scan3A_186 = arith.constant 0 : i32
      %scan3A_187 = arith.constant 8 : i32
      %scan3A_188 = arith.addi %scan3A_186, %scan3A_187 : i32
      %scan3A_189 = arith.constant 1 : i32
      scf.for %scan3A_191 = %scan3A_186 to %scan3A_188 step %scan3A_189  : i32 {
        %mul3A_192 = arith.constant 16 : i32
        %mul3A_193 = arith.muli %scan3A_191, %mul3A_192 : i32
        %swap3A = arith.index_cast %scan3A_182 : i32 to index
        %swap3A_194 = arith.index_cast %mul3A_193 : i32 to index
        %swap3A_195 = tpu.vector_load %arg9[%swap3A, %swap3A_194] {strides = array<i32>} : memref<16x128xf32, #tpu.memory_space<vmem>>, vector<16xf32>,
        tpu.vector_store %arg9[%swap3A, %swap3A_194], %gather3A {strides = array<i32>} : memref<16x128xf32, #tpu.memory_space<vmem>>, vector<16xf32>,
      }
      %scan3A_190 = arith.constant 8 : i32
    }
    %scan3A_75 = arith.constant 16 : i32
    %add3A_76 = arith.constant 96 : i32
    %add3A_77 = arith.addi %mul3A_2, %add3A_76 : i32
    "tpu.region"() ({
      %run_scoped3A = tpu.sem_alloc : memref<!tpu.dma_semaphore, #tpu.memory_space<semaphore_mem>>
      %dma_start3A = arith.constant 0 : i32
      %dma_start3A_182 = tpu.memref_slice %arg3[%arg0, %add3A_77, %dma_start3A] : memref<2x5120x128xf32, #tpu.memory_space<hbm>> -> memref<1x16x128xf32, #tpu.memory_space<hbm>>
      %dma_start3A_183 = tpu.memref_squeeze %dma_start3A_182 : memref<1x16x128xf32, #tpu.memory_space<hbm>> -> memref<16x128xf32, #tpu.memory_space<hbm>>
      %dma_start3A_184 = arith.constant 0 : i32
      %dma_start3A_185 = tpu.memref_slice %arg3[%arg0, %add3A_77, %dma_start3A_184] : memref<2x5120x128xf32, #tpu.memory_space<hbm>> -> memref<1x16x128xf32, #tpu.memory_space<hbm>>
      %dma_start3A_186 = tpu.memref_squeeze %dma_start3A_185 : memref<1x16x128xf32, #tpu.memory_space<hbm>> -> memref<16x128xf32, #tpu.memory_space<hbm>>
      tpu.enqueue_dma source(%arg9 : memref<16x128xf32, #tpu.memory_space<vmem>>) target(%dma_start3A_186 : memref<16x128xf32, #tpu.memory_space<hbm>>) target_semaphore(%run_scoped3A : memref<!tpu.dma_semaphore, #tpu.memory_space<semaphore_mem>>)
      %dma_wait3A = arith.constant 0 : i32
      %dma_wait3A_187 = tpu.memref_slice %arg3[%arg0, %add3A_77, %dma_wait3A] : memref<2x5120x128xf32, #tpu.memory_space<hbm>> -> memref<1x16x128xf32, #tpu.memory_space<hbm>>
      %dma_wait3A_188 = tpu.memref_squeeze %dma_wait3A_187 : memref<1x16x128xf32, #tpu.memory_space<hbm>> -> memref<16x128xf32, #tpu.memory_space<hbm>>
      %dma_wait3A_189 = arith.constant 0 : i32
      %dma_wait3A_190 = tpu.memref_slice %arg3[%arg0, %add3A_77, %dma_wait3A_189] : memref<2x5120x128xf32, #tpu.memory_space<hbm>> -> memref<1x16x128xf32, #tpu.memory_space<hbm>>
      %dma_wait3A_191 = tpu.memref_squeeze %dma_wait3A_190 : memref<1x16x128xf32, #tpu.memory_space<hbm>> -> memref<16x128xf32, #tpu.memory_space<hbm>>
      tpu.wait_dma2 semaphore(%run_scoped3A : memref<!tpu.dma_semaphore, #tpu.memory_space<semaphore_mem>>) src(%arg9 : memref<16x128xf32, #tpu.memory_space<vmem>>) dst(%dma_wait3A_191 : memref<16x128xf32, #tpu.memory_space<hbm>>)
      tpu.yield
    }) : () -> ()
    %scan3A_78 = arith.constant 0 : i32
    %scan3A_79 = arith.constant 0 : i32
    %scan3A_80 = arith.constant 16 : i32
    %scan3A_81 = arith.addi %scan3A_79, %scan3A_80 : i32
    %scan3A_82 = arith.constant 1 : i32
    scf.for %scan3A_182 = %scan3A_79 to %scan3A_81 step %scan3A_82  : i32 {
      %add3A_183 = arith.constant 112 : i32
      %add3A_184 = arith.addi %add3A_183, %scan3A_182 : i32
      %broadcast_in_dim3A = vector.broadcast %add3A_184 : i32 to vector<16xi32>
      %gather3A = tpu.vector_load_idx %arg8[%broadcast_in_dim3A] : memref<320xf32, #tpu.memory_space<vmem>>[vector<16xi32>], vector<16xf32>,
      %scan3A_185 = arith.constant 0 : i32
      %scan3A_186 = arith.constant 0 : i32
      %scan3A_187 = arith.constant 8 : i32
      %scan3A_188 = arith.addi %scan3A_186, %scan3A_187 : i32
      %scan3A_189 = arith.constant 1 : i32
      scf.for %scan3A_191 = %scan3A_186 to %scan3A_188 step %scan3A_189  : i32 {
        %mul3A_192 = arith.constant 16 : i32
        %mul3A_193 = arith.muli %scan3A_191, %mul3A_192 : i32
        %swap3A = arith.index_cast %scan3A_182 : i32 to index
        %swap3A_194 = arith.index_cast %mul3A_193 : i32 to index
        %swap3A_195 = tpu.vector_load %arg9[%swap3A, %swap3A_194] {strides = array<i32>} : memref<16x128xf32, #tpu.memory_space<vmem>>, vector<16xf32>,
        tpu.vector_store %arg9[%swap3A, %swap3A_194], %gather3A {strides = array<i32>} : memref<16x128xf32, #tpu.memory_space<vmem>>, vector<16xf32>,
      }
      %scan3A_190 = arith.constant 8 : i32
    }
    %scan3A_83 = arith.constant 16 : i32
    %add3A_84 = arith.constant 112 : i32
    %add3A_85 = arith.addi %mul3A_2, %add3A_84 : i32
    "tpu.region"() ({
      %run_scoped3A = tpu.sem_alloc : memref<!tpu.dma_semaphore, #tpu.memory_space<semaphore_mem>>
      %dma_start3A = arith.constant 0 : i32
      %dma_start3A_182 = tpu.memref_slice %arg3[%arg0, %add3A_85, %dma_start3A] : memref<2x5120x128xf32, #tpu.memory_space<hbm>> -> memref<1x16x128xf32, #tpu.memory_space<hbm>>
      %dma_start3A_183 = tpu.memref_squeeze %dma_start3A_182 : memref<1x16x128xf32, #tpu.memory_space<hbm>> -> memref<16x128xf32, #tpu.memory_space<hbm>>
      %dma_start3A_184 = arith.constant 0 : i32
      %dma_start3A_185 = tpu.memref_slice %arg3[%arg0, %add3A_85, %dma_start3A_184] : memref<2x5120x128xf32, #tpu.memory_space<hbm>> -> memref<1x16x128xf32, #tpu.memory_space<hbm>>
      %dma_start3A_186 = tpu.memref_squeeze %dma_start3A_185 : memref<1x16x128xf32, #tpu.memory_space<hbm>> -> memref<16x128xf32, #tpu.memory_space<hbm>>
      tpu.enqueue_dma source(%arg9 : memref<16x128xf32, #tpu.memory_space<vmem>>) target(%dma_start3A_186 : memref<16x128xf32, #tpu.memory_space<hbm>>) target_semaphore(%run_scoped3A : memref<!tpu.dma_semaphore, #tpu.memory_space<semaphore_mem>>)
      %dma_wait3A = arith.constant 0 : i32
      %dma_wait3A_187 = tpu.memref_slice %arg3[%arg0, %add3A_85, %dma_wait3A] : memref<2x5120x128xf32, #tpu.memory_space<hbm>> -> memref<1x16x128xf32, #tpu.memory_space<hbm>>
      %dma_wait3A_188 = tpu.memref_squeeze %dma_wait3A_187 : memref<1x16x128xf32, #tpu.memory_space<hbm>> -> memref<16x128xf32, #tpu.memory_space<hbm>>
      %dma_wait3A_189 = arith.constant 0 : i32
      %dma_wait3A_190 = tpu.memref_slice %arg3[%arg0, %add3A_85, %dma_wait3A_189] : memref<2x5120x128xf32, #tpu.memory_space<hbm>> -> memref<1x16x128xf32, #tpu.memory_space<hbm>>
      %dma_wait3A_191 = tpu.memref_squeeze %dma_wait3A_190 : memref<1x16x128xf32, #tpu.memory_space<hbm>> -> memref<16x128xf32, #tpu.memory_space<hbm>>
      tpu.wait_dma2 semaphore(%run_scoped3A : memref<!tpu.dma_semaphore, #tpu.memory_space<semaphore_mem>>) src(%arg9 : memref<16x128xf32, #tpu.memory_space<vmem>>) dst(%dma_wait3A_191 : memref<16x128xf32, #tpu.memory_space<hbm>>)
      tpu.yield
    }) : () -> ()
    %scan3A_86 = arith.constant 0 : i32
    %scan3A_87 = arith.constant 0 : i32
    %scan3A_88 = arith.constant 16 : i32
    %scan3A_89 = arith.addi %scan3A_87, %scan3A_88 : i32
    %scan3A_90 = arith.constant 1 : i32
    scf.for %scan3A_182 = %scan3A_87 to %scan3A_89 step %scan3A_90  : i32 {
      %add3A_183 = arith.constant 128 : i32
      %add3A_184 = arith.addi %add3A_183, %scan3A_182 : i32
      %broadcast_in_dim3A = vector.broadcast %add3A_184 : i32 to vector<16xi32>
      %gather3A = tpu.vector_load_idx %arg8[%broadcast_in_dim3A] : memref<320xf32, #tpu.memory_space<vmem>>[vector<16xi32>], vector<16xf32>,
      %scan3A_185 = arith.constant 0 : i32
      %scan3A_186 = arith.constant 0 : i32
      %scan3A_187 = arith.constant 8 : i32
      %scan3A_188 = arith.addi %scan3A_186, %scan3A_187 : i32
      %scan3A_189 = arith.constant 1 : i32
      scf.for %scan3A_191 = %scan3A_186 to %scan3A_188 step %scan3A_189  : i32 {
        %mul3A_192 = arith.constant 16 : i32
        %mul3A_193 = arith.muli %scan3A_191, %mul3A_192 : i32
        %swap3A = arith.index_cast %scan3A_182 : i32 to index
        %swap3A_194 = arith.index_cast %mul3A_193 : i32 to index
        %swap3A_195 = tpu.vector_load %arg9[%swap3A, %swap3A_194] {strides = array<i32>} : memref<16x128xf32, #tpu.memory_space<vmem>>, vector<16xf32>,
        tpu.vector_store %arg9[%swap3A, %swap3A_194], %gather3A {strides = array<i32>} : memref<16x128xf32, #tpu.memory_space<vmem>>, vector<16xf32>,
      }
      %scan3A_190 = arith.constant 8 : i32
    }
    %scan3A_91 = arith.constant 16 : i32
    %add3A_92 = arith.constant 128 : i32
    %add3A_93 = arith.addi %mul3A_2, %add3A_92 : i32
    "tpu.region"() ({
      %run_scoped3A = tpu.sem_alloc : memref<!tpu.dma_semaphore, #tpu.memory_space<semaphore_mem>>
      %dma_start3A = arith.constant 0 : i32
      %dma_start3A_182 = tpu.memref_slice %arg3[%arg0, %add3A_93, %dma_start3A] : memref<2x5120x128xf32, #tpu.memory_space<hbm>> -> memref<1x16x128xf32, #tpu.memory_space<hbm>>
      %dma_start3A_183 = tpu.memref_squeeze %dma_start3A_182 : memref<1x16x128xf32, #tpu.memory_space<hbm>> -> memref<16x128xf32, #tpu.memory_space<hbm>>
      %dma_start3A_184 = arith.constant 0 : i32
      %dma_start3A_185 = tpu.memref_slice %arg3[%arg0, %add3A_93, %dma_start3A_184] : memref<2x5120x128xf32, #tpu.memory_space<hbm>> -> memref<1x16x128xf32, #tpu.memory_space<hbm>>
      %dma_start3A_186 = tpu.memref_squeeze %dma_start3A_185 : memref<1x16x128xf32, #tpu.memory_space<hbm>> -> memref<16x128xf32, #tpu.memory_space<hbm>>
      tpu.enqueue_dma source(%arg9 : memref<16x128xf32, #tpu.memory_space<vmem>>) target(%dma_start3A_186 : memref<16x128xf32, #tpu.memory_space<hbm>>) target_semaphore(%run_scoped3A : memref<!tpu.dma_semaphore, #tpu.memory_space<semaphore_mem>>)
      %dma_wait3A = arith.constant 0 : i32
      %dma_wait3A_187 = tpu.memref_slice %arg3[%arg0, %add3A_93, %dma_wait3A] : memref<2x5120x128xf32, #tpu.memory_space<hbm>> -> memref<1x16x128xf32, #tpu.memory_space<hbm>>
      %dma_wait3A_188 = tpu.memref_squeeze %dma_wait3A_187 : memref<1x16x128xf32, #tpu.memory_space<hbm>> -> memref<16x128xf32, #tpu.memory_space<hbm>>
      %dma_wait3A_189 = arith.constant 0 : i32
      %dma_wait3A_190 = tpu.memref_slice %arg3[%arg0, %add3A_93, %dma_wait3A_189] : memref<2x5120x128xf32, #tpu.memory_space<hbm>> -> memref<1x16x128xf32, #tpu.memory_space<hbm>>
      %dma_wait3A_191 = tpu.memref_squeeze %dma_wait3A_190 : memref<1x16x128xf32, #tpu.memory_space<hbm>> -> memref<16x128xf32, #tpu.memory_space<hbm>>
      tpu.wait_dma2 semaphore(%run_scoped3A : memref<!tpu.dma_semaphore, #tpu.memory_space<semaphore_mem>>) src(%arg9 : memref<16x128xf32, #tpu.memory_space<vmem>>) dst(%dma_wait3A_191 : memref<16x128xf32, #tpu.memory_space<hbm>>)
      tpu.yield
    }) : () -> ()
    %scan3A_94 = arith.constant 0 : i32
    %scan3A_95 = arith.constant 0 : i32
    %scan3A_96 = arith.constant 16 : i32
    %scan3A_97 = arith.addi %scan3A_95, %scan3A_96 : i32
    %scan3A_98 = arith.constant 1 : i32
    scf.for %scan3A_182 = %scan3A_95 to %scan3A_97 step %scan3A_98  : i32 {
      %add3A_183 = arith.constant 144 : i32
      %add3A_184 = arith.addi %add3A_183, %scan3A_182 : i32
      %broadcast_in_dim3A = vector.broadcast %add3A_184 : i32 to vector<16xi32>
      %gather3A = tpu.vector_load_idx %arg8[%broadcast_in_dim3A] : memref<320xf32, #tpu.memory_space<vmem>>[vector<16xi32>], vector<16xf32>,
      %scan3A_185 = arith.constant 0 : i32
      %scan3A_186 = arith.constant 0 : i32
      %scan3A_187 = arith.constant 8 : i32
      %scan3A_188 = arith.addi %scan3A_186, %scan3A_187 : i32
      %scan3A_189 = arith.constant 1 : i32
      scf.for %scan3A_191 = %scan3A_186 to %scan3A_188 step %scan3A_189  : i32 {
        %mul3A_192 = arith.constant 16 : i32
        %mul3A_193 = arith.muli %scan3A_191, %mul3A_192 : i32
        %swap3A = arith.index_cast %scan3A_182 : i32 to index
        %swap3A_194 = arith.index_cast %mul3A_193 : i32 to index
        %swap3A_195 = tpu.vector_load %arg9[%swap3A, %swap3A_194] {strides = array<i32>} : memref<16x128xf32, #tpu.memory_space<vmem>>, vector<16xf32>,
        tpu.vector_store %arg9[%swap3A, %swap3A_194], %gather3A {strides = array<i32>} : memref<16x128xf32, #tpu.memory_space<vmem>>, vector<16xf32>,
      }
      %scan3A_190 = arith.constant 8 : i32
    }
    %scan3A_99 = arith.constant 16 : i32
    %add3A_100 = arith.constant 144 : i32
    %add3A_101 = arith.addi %mul3A_2, %add3A_100 : i32
    "tpu.region"() ({
      %run_scoped3A = tpu.sem_alloc : memref<!tpu.dma_semaphore, #tpu.memory_space<semaphore_mem>>
      %dma_start3A = arith.constant 0 : i32
      %dma_start3A_182 = tpu.memref_slice %arg3[%arg0, %add3A_101, %dma_start3A] : memref<2x5120x128xf32, #tpu.memory_space<hbm>> -> memref<1x16x128xf32, #tpu.memory_space<hbm>>
      %dma_start3A_183 = tpu.memref_squeeze %dma_start3A_182 : memref<1x16x128xf32, #tpu.memory_space<hbm>> -> memref<16x128xf32, #tpu.memory_space<hbm>>
      %dma_start3A_184 = arith.constant 0 : i32
      %dma_start3A_185 = tpu.memref_slice %arg3[%arg0, %add3A_101, %dma_start3A_184] : memref<2x5120x128xf32, #tpu.memory_space<hbm>> -> memref<1x16x128xf32, #tpu.memory_space<hbm>>
      %dma_start3A_186 = tpu.memref_squeeze %dma_start3A_185 : memref<1x16x128xf32, #tpu.memory_space<hbm>> -> memref<16x128xf32, #tpu.memory_space<hbm>>
      tpu.enqueue_dma source(%arg9 : memref<16x128xf32, #tpu.memory_space<vmem>>) target(%dma_start3A_186 : memref<16x128xf32, #tpu.memory_space<hbm>>) target_semaphore(%run_scoped3A : memref<!tpu.dma_semaphore, #tpu.memory_space<semaphore_mem>>)
      %dma_wait3A = arith.constant 0 : i32
      %dma_wait3A_187 = tpu.memref_slice %arg3[%arg0, %add3A_101, %dma_wait3A] : memref<2x5120x128xf32, #tpu.memory_space<hbm>> -> memref<1x16x128xf32, #tpu.memory_space<hbm>>
      %dma_wait3A_188 = tpu.memref_squeeze %dma_wait3A_187 : memref<1x16x128xf32, #tpu.memory_space<hbm>> -> memref<16x128xf32, #tpu.memory_space<hbm>>
      %dma_wait3A_189 = arith.constant 0 : i32
      %dma_wait3A_190 = tpu.memref_slice %arg3[%arg0, %add3A_101, %dma_wait3A_189] : memref<2x5120x128xf32, #tpu.memory_space<hbm>> -> memref<1x16x128xf32, #tpu.memory_space<hbm>>
      %dma_wait3A_191 = tpu.memref_squeeze %dma_wait3A_190 : memref<1x16x128xf32, #tpu.memory_space<hbm>> -> memref<16x128xf32, #tpu.memory_space<hbm>>
      tpu.wait_dma2 semaphore(%run_scoped3A : memref<!tpu.dma_semaphore, #tpu.memory_space<semaphore_mem>>) src(%arg9 : memref<16x128xf32, #tpu.memory_space<vmem>>) dst(%dma_wait3A_191 : memref<16x128xf32, #tpu.memory_space<hbm>>)
      tpu.yield
    }) : () -> ()
    %scan3A_102 = arith.constant 0 : i32
    %scan3A_103 = arith.constant 0 : i32
    %scan3A_104 = arith.constant 16 : i32
    %scan3A_105 = arith.addi %scan3A_103, %scan3A_104 : i32
    %scan3A_106 = arith.constant 1 : i32
    scf.for %scan3A_182 = %scan3A_103 to %scan3A_105 step %scan3A_106  : i32 {
      %add3A_183 = arith.constant 160 : i32
      %add3A_184 = arith.addi %add3A_183, %scan3A_182 : i32
      %broadcast_in_dim3A = vector.broadcast %add3A_184 : i32 to vector<16xi32>
      %gather3A = tpu.vector_load_idx %arg8[%broadcast_in_dim3A] : memref<320xf32, #tpu.memory_space<vmem>>[vector<16xi32>], vector<16xf32>,
      %scan3A_185 = arith.constant 0 : i32
      %scan3A_186 = arith.constant 0 : i32
      %scan3A_187 = arith.constant 8 : i32
      %scan3A_188 = arith.addi %scan3A_186, %scan3A_187 : i32
      %scan3A_189 = arith.constant 1 : i32
      scf.for %scan3A_191 = %scan3A_186 to %scan3A_188 step %scan3A_189  : i32 {
        %mul3A_192 = arith.constant 16 : i32
        %mul3A_193 = arith.muli %scan3A_191, %mul3A_192 : i32
        %swap3A = arith.index_cast %scan3A_182 : i32 to index
        %swap3A_194 = arith.index_cast %mul3A_193 : i32 to index
        %swap3A_195 = tpu.vector_load %arg9[%swap3A, %swap3A_194] {strides = array<i32>} : memref<16x128xf32, #tpu.memory_space<vmem>>, vector<16xf32>,
        tpu.vector_store %arg9[%swap3A, %swap3A_194], %gather3A {strides = array<i32>} : memref<16x128xf32, #tpu.memory_space<vmem>>, vector<16xf32>,
      }
      %scan3A_190 = arith.constant 8 : i32
    }
    %scan3A_107 = arith.constant 16 : i32
    %add3A_108 = arith.constant 160 : i32
    %add3A_109 = arith.addi %mul3A_2, %add3A_108 : i32
    "tpu.region"() ({
      %run_scoped3A = tpu.sem_alloc : memref<!tpu.dma_semaphore, #tpu.memory_space<semaphore_mem>>
      %dma_start3A = arith.constant 0 : i32
      %dma_start3A_182 = tpu.memref_slice %arg3[%arg0, %add3A_109, %dma_start3A] : memref<2x5120x128xf32, #tpu.memory_space<hbm>> -> memref<1x16x128xf32, #tpu.memory_space<hbm>>
      %dma_start3A_183 = tpu.memref_squeeze %dma_start3A_182 : memref<1x16x128xf32, #tpu.memory_space<hbm>> -> memref<16x128xf32, #tpu.memory_space<hbm>>
      %dma_start3A_184 = arith.constant 0 : i32
      %dma_start3A_185 = tpu.memref_slice %arg3[%arg0, %add3A_109, %dma_start3A_184] : memref<2x5120x128xf32, #tpu.memory_space<hbm>> -> memref<1x16x128xf32, #tpu.memory_space<hbm>>
      %dma_start3A_186 = tpu.memref_squeeze %dma_start3A_185 : memref<1x16x128xf32, #tpu.memory_space<hbm>> -> memref<16x128xf32, #tpu.memory_space<hbm>>
      tpu.enqueue_dma source(%arg9 : memref<16x128xf32, #tpu.memory_space<vmem>>) target(%dma_start3A_186 : memref<16x128xf32, #tpu.memory_space<hbm>>) target_semaphore(%run_scoped3A : memref<!tpu.dma_semaphore, #tpu.memory_space<semaphore_mem>>)
      %dma_wait3A = arith.constant 0 : i32
      %dma_wait3A_187 = tpu.memref_slice %arg3[%arg0, %add3A_109, %dma_wait3A] : memref<2x5120x128xf32, #tpu.memory_space<hbm>> -> memref<1x16x128xf32, #tpu.memory_space<hbm>>
      %dma_wait3A_188 = tpu.memref_squeeze %dma_wait3A_187 : memref<1x16x128xf32, #tpu.memory_space<hbm>> -> memref<16x128xf32, #tpu.memory_space<hbm>>
      %dma_wait3A_189 = arith.constant 0 : i32
      %dma_wait3A_190 = tpu.memref_slice %arg3[%arg0, %add3A_109, %dma_wait3A_189] : memref<2x5120x128xf32, #tpu.memory_space<hbm>> -> memref<1x16x128xf32, #tpu.memory_space<hbm>>
      %dma_wait3A_191 = tpu.memref_squeeze %dma_wait3A_190 : memref<1x16x128xf32, #tpu.memory_space<hbm>> -> memref<16x128xf32, #tpu.memory_space<hbm>>
      tpu.wait_dma2 semaphore(%run_scoped3A : memref<!tpu.dma_semaphore, #tpu.memory_space<semaphore_mem>>) src(%arg9 : memref<16x128xf32, #tpu.memory_space<vmem>>) dst(%dma_wait3A_191 : memref<16x128xf32, #tpu.memory_space<hbm>>)
      tpu.yield
    }) : () -> ()
    %scan3A_110 = arith.constant 0 : i32
    %scan3A_111 = arith.constant 0 : i32
    %scan3A_112 = arith.constant 16 : i32
    %scan3A_113 = arith.addi %scan3A_111, %scan3A_112 : i32
    %scan3A_114 = arith.constant 1 : i32
    scf.for %scan3A_182 = %scan3A_111 to %scan3A_113 step %scan3A_114  : i32 {
      %add3A_183 = arith.constant 176 : i32
      %add3A_184 = arith.addi %add3A_183, %scan3A_182 : i32
      %broadcast_in_dim3A = vector.broadcast %add3A_184 : i32 to vector<16xi32>
      %gather3A = tpu.vector_load_idx %arg8[%broadcast_in_dim3A] : memref<320xf32, #tpu.memory_space<vmem>>[vector<16xi32>], vector<16xf32>,
      %scan3A_185 = arith.constant 0 : i32
      %scan3A_186 = arith.constant 0 : i32
      %scan3A_187 = arith.constant 8 : i32
      %scan3A_188 = arith.addi %scan3A_186, %scan3A_187 : i32
      %scan3A_189 = arith.constant 1 : i32
      scf.for %scan3A_191 = %scan3A_186 to %scan3A_188 step %scan3A_189  : i32 {
        %mul3A_192 = arith.constant 16 : i32
        %mul3A_193 = arith.muli %scan3A_191, %mul3A_192 : i32
        %swap3A = arith.index_cast %scan3A_182 : i32 to index
        %swap3A_194 = arith.index_cast %mul3A_193 : i32 to index
        %swap3A_195 = tpu.vector_load %arg9[%swap3A, %swap3A_194] {strides = array<i32>} : memref<16x128xf32, #tpu.memory_space<vmem>>, vector<16xf32>,
        tpu.vector_store %arg9[%swap3A, %swap3A_194], %gather3A {strides = array<i32>} : memref<16x128xf32, #tpu.memory_space<vmem>>, vector<16xf32>,
      }
      %scan3A_190 = arith.constant 8 : i32
    }
    %scan3A_115 = arith.constant 16 : i32
    %add3A_116 = arith.constant 176 : i32
    %add3A_117 = arith.addi %mul3A_2, %add3A_116 : i32
    "tpu.region"() ({
      %run_scoped3A = tpu.sem_alloc : memref<!tpu.dma_semaphore, #tpu.memory_space<semaphore_mem>>
      %dma_start3A = arith.constant 0 : i32
      %dma_start3A_182 = tpu.memref_slice %arg3[%arg0, %add3A_117, %dma_start3A] : memref<2x5120x128xf32, #tpu.memory_space<hbm>> -> memref<1x16x128xf32, #tpu.memory_space<hbm>>
      %dma_start3A_183 = tpu.memref_squeeze %dma_start3A_182 : memref<1x16x128xf32, #tpu.memory_space<hbm>> -> memref<16x128xf32, #tpu.memory_space<hbm>>
      %dma_start3A_184 = arith.constant 0 : i32
      %dma_start3A_185 = tpu.memref_slice %arg3[%arg0, %add3A_117, %dma_start3A_184] : memref<2x5120x128xf32, #tpu.memory_space<hbm>> -> memref<1x16x128xf32, #tpu.memory_space<hbm>>
      %dma_start3A_186 = tpu.memref_squeeze %dma_start3A_185 : memref<1x16x128xf32, #tpu.memory_space<hbm>> -> memref<16x128xf32, #tpu.memory_space<hbm>>
      tpu.enqueue_dma source(%arg9 : memref<16x128xf32, #tpu.memory_space<vmem>>) target(%dma_start3A_186 : memref<16x128xf32, #tpu.memory_space<hbm>>) target_semaphore(%run_scoped3A : memref<!tpu.dma_semaphore, #tpu.memory_space<semaphore_mem>>)
      %dma_wait3A = arith.constant 0 : i32
      %dma_wait3A_187 = tpu.memref_slice %arg3[%arg0, %add3A_117, %dma_wait3A] : memref<2x5120x128xf32, #tpu.memory_space<hbm>> -> memref<1x16x128xf32, #tpu.memory_space<hbm>>
      %dma_wait3A_188 = tpu.memref_squeeze %dma_wait3A_187 : memref<1x16x128xf32, #tpu.memory_space<hbm>> -> memref<16x128xf32, #tpu.memory_space<hbm>>
      %dma_wait3A_189 = arith.constant 0 : i32
      %dma_wait3A_190 = tpu.memref_slice %arg3[%arg0, %add3A_117, %dma_wait3A_189] : memref<2x5120x128xf32, #tpu.memory_space<hbm>> -> memref<1x16x128xf32, #tpu.memory_space<hbm>>
      %dma_wait3A_191 = tpu.memref_squeeze %dma_wait3A_190 : memref<1x16x128xf32, #tpu.memory_space<hbm>> -> memref<16x128xf32, #tpu.memory_space<hbm>>
      tpu.wait_dma2 semaphore(%run_scoped3A : memref<!tpu.dma_semaphore, #tpu.memory_space<semaphore_mem>>) src(%arg9 : memref<16x128xf32, #tpu.memory_space<vmem>>) dst(%dma_wait3A_191 : memref<16x128xf32, #tpu.memory_space<hbm>>)
      tpu.yield
    }) : () -> ()
    %scan3A_118 = arith.constant 0 : i32
    %scan3A_119 = arith.constant 0 : i32
    %scan3A_120 = arith.constant 16 : i32
    %scan3A_121 = arith.addi %scan3A_119, %scan3A_120 : i32
    %scan3A_122 = arith.constant 1 : i32
    scf.for %scan3A_182 = %scan3A_119 to %scan3A_121 step %scan3A_122  : i32 {
      %add3A_183 = arith.constant 192 : i32
      %add3A_184 = arith.addi %add3A_183, %scan3A_182 : i32
      %broadcast_in_dim3A = vector.broadcast %add3A_184 : i32 to vector<16xi32>
      %gather3A = tpu.vector_load_idx %arg8[%broadcast_in_dim3A] : memref<320xf32, #tpu.memory_space<vmem>>[vector<16xi32>], vector<16xf32>,
      %scan3A_185 = arith.constant 0 : i32
      %scan3A_186 = arith.constant 0 : i32
      %scan3A_187 = arith.constant 8 : i32
      %scan3A_188 = arith.addi %scan3A_186, %scan3A_187 : i32
      %scan3A_189 = arith.constant 1 : i32
      scf.for %scan3A_191 = %scan3A_186 to %scan3A_188 step %scan3A_189  : i32 {
        %mul3A_192 = arith.constant 16 : i32
        %mul3A_193 = arith.muli %scan3A_191, %mul3A_192 : i32
        %swap3A = arith.index_cast %scan3A_182 : i32 to index
        %swap3A_194 = arith.index_cast %mul3A_193 : i32 to index
        %swap3A_195 = tpu.vector_load %arg9[%swap3A, %swap3A_194] {strides = array<i32>} : memref<16x128xf32, #tpu.memory_space<vmem>>, vector<16xf32>,
        tpu.vector_store %arg9[%swap3A, %swap3A_194], %gather3A {strides = array<i32>} : memref<16x128xf32, #tpu.memory_space<vmem>>, vector<16xf32>,
      }
      %scan3A_190 = arith.constant 8 : i32
    }
    %scan3A_123 = arith.constant 16 : i32
    %add3A_124 = arith.constant 192 : i32
    %add3A_125 = arith.addi %mul3A_2, %add3A_124 : i32
    "tpu.region"() ({
      %run_scoped3A = tpu.sem_alloc : memref<!tpu.dma_semaphore, #tpu.memory_space<semaphore_mem>>
      %dma_start3A = arith.constant 0 : i32
      %dma_start3A_182 = tpu.memref_slice %arg3[%arg0, %add3A_125, %dma_start3A] : memref<2x5120x128xf32, #tpu.memory_space<hbm>> -> memref<1x16x128xf32, #tpu.memory_space<hbm>>
      %dma_start3A_183 = tpu.memref_squeeze %dma_start3A_182 : memref<1x16x128xf32, #tpu.memory_space<hbm>> -> memref<16x128xf32, #tpu.memory_space<hbm>>
      %dma_start3A_184 = arith.constant 0 : i32
      %dma_start3A_185 = tpu.memref_slice %arg3[%arg0, %add3A_125, %dma_start3A_184] : memref<2x5120x128xf32, #tpu.memory_space<hbm>> -> memref<1x16x128xf32, #tpu.memory_space<hbm>>
      %dma_start3A_186 = tpu.memref_squeeze %dma_start3A_185 : memref<1x16x128xf32, #tpu.memory_space<hbm>> -> memref<16x128xf32, #tpu.memory_space<hbm>>
      tpu.enqueue_dma source(%arg9 : memref<16x128xf32, #tpu.memory_space<vmem>>) target(%dma_start3A_186 : memref<16x128xf32, #tpu.memory_space<hbm>>) target_semaphore(%run_scoped3A : memref<!tpu.dma_semaphore, #tpu.memory_space<semaphore_mem>>)
      %dma_wait3A = arith.constant 0 : i32
      %dma_wait3A_187 = tpu.memref_slice %arg3[%arg0, %add3A_125, %dma_wait3A] : memref<2x5120x128xf32, #tpu.memory_space<hbm>> -> memref<1x16x128xf32, #tpu.memory_space<hbm>>
      %dma_wait3A_188 = tpu.memref_squeeze %dma_wait3A_187 : memref<1x16x128xf32, #tpu.memory_space<hbm>> -> memref<16x128xf32, #tpu.memory_space<hbm>>
      %dma_wait3A_189 = arith.constant 0 : i32
      %dma_wait3A_190 = tpu.memref_slice %arg3[%arg0, %add3A_125, %dma_wait3A_189] : memref<2x5120x128xf32, #tpu.memory_space<hbm>> -> memref<1x16x128xf32, #tpu.memory_space<hbm>>
      %dma_wait3A_191 = tpu.memref_squeeze %dma_wait3A_190 : memref<1x16x128xf32, #tpu.memory_space<hbm>> -> memref<16x128xf32, #tpu.memory_space<hbm>>
      tpu.wait_dma2 semaphore(%run_scoped3A : memref<!tpu.dma_semaphore, #tpu.memory_space<semaphore_mem>>) src(%arg9 : memref<16x128xf32, #tpu.memory_space<vmem>>) dst(%dma_wait3A_191 : memref<16x128xf32, #tpu.memory_space<hbm>>)
      tpu.yield
    }) : () -> ()
    %scan3A_126 = arith.constant 0 : i32
    %scan3A_127 = arith.constant 0 : i32
    %scan3A_128 = arith.constant 16 : i32
    %scan3A_129 = arith.addi %scan3A_127, %scan3A_128 : i32
    %scan3A_130 = arith.constant 1 : i32
    scf.for %scan3A_182 = %scan3A_127 to %scan3A_129 step %scan3A_130  : i32 {
      %add3A_183 = arith.constant 208 : i32
      %add3A_184 = arith.addi %add3A_183, %scan3A_182 : i32
      %broadcast_in_dim3A = vector.broadcast %add3A_184 : i32 to vector<16xi32>
      %gather3A = tpu.vector_load_idx %arg8[%broadcast_in_dim3A] : memref<320xf32, #tpu.memory_space<vmem>>[vector<16xi32>], vector<16xf32>,
      %scan3A_185 = arith.constant 0 : i32
      %scan3A_186 = arith.constant 0 : i32
      %scan3A_187 = arith.constant 8 : i32
      %scan3A_188 = arith.addi %scan3A_186, %scan3A_187 : i32
      %scan3A_189 = arith.constant 1 : i32
      scf.for %scan3A_191 = %scan3A_186 to %scan3A_188 step %scan3A_189  : i32 {
        %mul3A_192 = arith.constant 16 : i32
        %mul3A_193 = arith.muli %scan3A_191, %mul3A_192 : i32
        %swap3A = arith.index_cast %scan3A_182 : i32 to index
        %swap3A_194 = arith.index_cast %mul3A_193 : i32 to index
        %swap3A_195 = tpu.vector_load %arg9[%swap3A, %swap3A_194] {strides = array<i32>} : memref<16x128xf32, #tpu.memory_space<vmem>>, vector<16xf32>,
        tpu.vector_store %arg9[%swap3A, %swap3A_194], %gather3A {strides = array<i32>} : memref<16x128xf32, #tpu.memory_space<vmem>>, vector<16xf32>,
      }
      %scan3A_190 = arith.constant 8 : i32
    }
    %scan3A_131 = arith.constant 16 : i32
    %add3A_132 = arith.constant 208 : i32
    %add3A_133 = arith.addi %mul3A_2, %add3A_132 : i32
    "tpu.region"() ({
      %run_scoped3A = tpu.sem_alloc : memref<!tpu.dma_semaphore, #tpu.memory_space<semaphore_mem>>
      %dma_start3A = arith.constant 0 : i32
      %dma_start3A_182 = tpu.memref_slice %arg3[%arg0, %add3A_133, %dma_start3A] : memref<2x5120x128xf32, #tpu.memory_space<hbm>> -> memref<1x16x128xf32, #tpu.memory_space<hbm>>
      %dma_start3A_183 = tpu.memref_squeeze %dma_start3A_182 : memref<1x16x128xf32, #tpu.memory_space<hbm>> -> memref<16x128xf32, #tpu.memory_space<hbm>>
      %dma_start3A_184 = arith.constant 0 : i32
      %dma_start3A_185 = tpu.memref_slice %arg3[%arg0, %add3A_133, %dma_start3A_184] : memref<2x5120x128xf32, #tpu.memory_space<hbm>> -> memref<1x16x128xf32, #tpu.memory_space<hbm>>
      %dma_start3A_186 = tpu.memref_squeeze %dma_start3A_185 : memref<1x16x128xf32, #tpu.memory_space<hbm>> -> memref<16x128xf32, #tpu.memory_space<hbm>>
      tpu.enqueue_dma source(%arg9 : memref<16x128xf32, #tpu.memory_space<vmem>>) target(%dma_start3A_186 : memref<16x128xf32, #tpu.memory_space<hbm>>) target_semaphore(%run_scoped3A : memref<!tpu.dma_semaphore, #tpu.memory_space<semaphore_mem>>)
      %dma_wait3A = arith.constant 0 : i32
      %dma_wait3A_187 = tpu.memref_slice %arg3[%arg0, %add3A_133, %dma_wait3A] : memref<2x5120x128xf32, #tpu.memory_space<hbm>> -> memref<1x16x128xf32, #tpu.memory_space<hbm>>
      %dma_wait3A_188 = tpu.memref_squeeze %dma_wait3A_187 : memref<1x16x128xf32, #tpu.memory_space<hbm>> -> memref<16x128xf32, #tpu.memory_space<hbm>>
      %dma_wait3A_189 = arith.constant 0 : i32
      %dma_wait3A_190 = tpu.memref_slice %arg3[%arg0, %add3A_133, %dma_wait3A_189] : memref<2x5120x128xf32, #tpu.memory_space<hbm>> -> memref<1x16x128xf32, #tpu.memory_space<hbm>>
      %dma_wait3A_191 = tpu.memref_squeeze %dma_wait3A_190 : memref<1x16x128xf32, #tpu.memory_space<hbm>> -> memref<16x128xf32, #tpu.memory_space<hbm>>
      tpu.wait_dma2 semaphore(%run_scoped3A : memref<!tpu.dma_semaphore, #tpu.memory_space<semaphore_mem>>) src(%arg9 : memref<16x128xf32, #tpu.memory_space<vmem>>) dst(%dma_wait3A_191 : memref<16x128xf32, #tpu.memory_space<hbm>>)
      tpu.yield
    }) : () -> ()
    %scan3A_134 = arith.constant 0 : i32
    %scan3A_135 = arith.constant 0 : i32
    %scan3A_136 = arith.constant 16 : i32
    %scan3A_137 = arith.addi %scan3A_135, %scan3A_136 : i32
    %scan3A_138 = arith.constant 1 : i32
    scf.for %scan3A_182 = %scan3A_135 to %scan3A_137 step %scan3A_138  : i32 {
      %add3A_183 = arith.constant 224 : i32
      %add3A_184 = arith.addi %add3A_183, %scan3A_182 : i32
      %broadcast_in_dim3A = vector.broadcast %add3A_184 : i32 to vector<16xi32>
      %gather3A = tpu.vector_load_idx %arg8[%broadcast_in_dim3A] : memref<320xf32, #tpu.memory_space<vmem>>[vector<16xi32>], vector<16xf32>,
      %scan3A_185 = arith.constant 0 : i32
      %scan3A_186 = arith.constant 0 : i32
      %scan3A_187 = arith.constant 8 : i32
      %scan3A_188 = arith.addi %scan3A_186, %scan3A_187 : i32
      %scan3A_189 = arith.constant 1 : i32
      scf.for %scan3A_191 = %scan3A_186 to %scan3A_188 step %scan3A_189  : i32 {
        %mul3A_192 = arith.constant 16 : i32
        %mul3A_193 = arith.muli %scan3A_191, %mul3A_192 : i32
        %swap3A = arith.index_cast %scan3A_182 : i32 to index
        %swap3A_194 = arith.index_cast %mul3A_193 : i32 to index
        %swap3A_195 = tpu.vector_load %arg9[%swap3A, %swap3A_194] {strides = array<i32>} : memref<16x128xf32, #tpu.memory_space<vmem>>, vector<16xf32>,
        tpu.vector_store %arg9[%swap3A, %swap3A_194], %gather3A {strides = array<i32>} : memref<16x128xf32, #tpu.memory_space<vmem>>, vector<16xf32>,
      }
      %scan3A_190 = arith.constant 8 : i32
    }
    %scan3A_139 = arith.constant 16 : i32
    %add3A_140 = arith.constant 224 : i32
    %add3A_141 = arith.addi %mul3A_2, %add3A_140 : i32
    "tpu.region"() ({
      %run_scoped3A = tpu.sem_alloc : memref<!tpu.dma_semaphore, #tpu.memory_space<semaphore_mem>>
      %dma_start3A = arith.constant 0 : i32
      %dma_start3A_182 = tpu.memref_slice %arg3[%arg0, %add3A_141, %dma_start3A] : memref<2x5120x128xf32, #tpu.memory_space<hbm>> -> memref<1x16x128xf32, #tpu.memory_space<hbm>>
      %dma_start3A_183 = tpu.memref_squeeze %dma_start3A_182 : memref<1x16x128xf32, #tpu.memory_space<hbm>> -> memref<16x128xf32, #tpu.memory_space<hbm>>
      %dma_start3A_184 = arith.constant 0 : i32
      %dma_start3A_185 = tpu.memref_slice %arg3[%arg0, %add3A_141, %dma_start3A_184] : memref<2x5120x128xf32, #tpu.memory_space<hbm>> -> memref<1x16x128xf32, #tpu.memory_space<hbm>>
      %dma_start3A_186 = tpu.memref_squeeze %dma_start3A_185 : memref<1x16x128xf32, #tpu.memory_space<hbm>> -> memref<16x128xf32, #tpu.memory_space<hbm>>
      tpu.enqueue_dma source(%arg9 : memref<16x128xf32, #tpu.memory_space<vmem>>) target(%dma_start3A_186 : memref<16x128xf32, #tpu.memory_space<hbm>>) target_semaphore(%run_scoped3A : memref<!tpu.dma_semaphore, #tpu.memory_space<semaphore_mem>>)
      %dma_wait3A = arith.constant 0 : i32
      %dma_wait3A_187 = tpu.memref_slice %arg3[%arg0, %add3A_141, %dma_wait3A] : memref<2x5120x128xf32, #tpu.memory_space<hbm>> -> memref<1x16x128xf32, #tpu.memory_space<hbm>>
      %dma_wait3A_188 = tpu.memref_squeeze %dma_wait3A_187 : memref<1x16x128xf32, #tpu.memory_space<hbm>> -> memref<16x128xf32, #tpu.memory_space<hbm>>
      %dma_wait3A_189 = arith.constant 0 : i32
      %dma_wait3A_190 = tpu.memref_slice %arg3[%arg0, %add3A_141, %dma_wait3A_189] : memref<2x5120x128xf32, #tpu.memory_space<hbm>> -> memref<1x16x128xf32, #tpu.memory_space<hbm>>
      %dma_wait3A_191 = tpu.memref_squeeze %dma_wait3A_190 : memref<1x16x128xf32, #tpu.memory_space<hbm>> -> memref<16x128xf32, #tpu.memory_space<hbm>>
      tpu.wait_dma2 semaphore(%run_scoped3A : memref<!tpu.dma_semaphore, #tpu.memory_space<semaphore_mem>>) src(%arg9 : memref<16x128xf32, #tpu.memory_space<vmem>>) dst(%dma_wait3A_191 : memref<16x128xf32, #tpu.memory_space<hbm>>)
      tpu.yield
    }) : () -> ()
    %scan3A_142 = arith.constant 0 : i32
    %scan3A_143 = arith.constant 0 : i32
    %scan3A_144 = arith.constant 16 : i32
    %scan3A_145 = arith.addi %scan3A_143, %scan3A_144 : i32
    %scan3A_146 = arith.constant 1 : i32
    scf.for %scan3A_182 = %scan3A_143 to %scan3A_145 step %scan3A_146  : i32 {
      %add3A_183 = arith.constant 240 : i32
      %add3A_184 = arith.addi %add3A_183, %scan3A_182 : i32
      %broadcast_in_dim3A = vector.broadcast %add3A_184 : i32 to vector<16xi32>
      %gather3A = tpu.vector_load_idx %arg8[%broadcast_in_dim3A] : memref<320xf32, #tpu.memory_space<vmem>>[vector<16xi32>], vector<16xf32>,
      %scan3A_185 = arith.constant 0 : i32
      %scan3A_186 = arith.constant 0 : i32
      %scan3A_187 = arith.constant 8 : i32
      %scan3A_188 = arith.addi %scan3A_186, %scan3A_187 : i32
      %scan3A_189 = arith.constant 1 : i32
      scf.for %scan3A_191 = %scan3A_186 to %scan3A_188 step %scan3A_189  : i32 {
        %mul3A_192 = arith.constant 16 : i32
        %mul3A_193 = arith.muli %scan3A_191, %mul3A_192 : i32
        %swap3A = arith.index_cast %scan3A_182 : i32 to index
        %swap3A_194 = arith.index_cast %mul3A_193 : i32 to index
        %swap3A_195 = tpu.vector_load %arg9[%swap3A, %swap3A_194] {strides = array<i32>} : memref<16x128xf32, #tpu.memory_space<vmem>>, vector<16xf32>,
        tpu.vector_store %arg9[%swap3A, %swap3A_194], %gather3A {strides = array<i32>} : memref<16x128xf32, #tpu.memory_space<vmem>>, vector<16xf32>,
      }
      %scan3A_190 = arith.constant 8 : i32
    }
    %scan3A_147 = arith.constant 16 : i32
    %add3A_148 = arith.constant 240 : i32
    %add3A_149 = arith.addi %mul3A_2, %add3A_148 : i32
    "tpu.region"() ({
      %run_scoped3A = tpu.sem_alloc : memref<!tpu.dma_semaphore, #tpu.memory_space<semaphore_mem>>
      %dma_start3A = arith.constant 0 : i32
      %dma_start3A_182 = tpu.memref_slice %arg3[%arg0, %add3A_149, %dma_start3A] : memref<2x5120x128xf32, #tpu.memory_space<hbm>> -> memref<1x16x128xf32, #tpu.memory_space<hbm>>
      %dma_start3A_183 = tpu.memref_squeeze %dma_start3A_182 : memref<1x16x128xf32, #tpu.memory_space<hbm>> -> memref<16x128xf32, #tpu.memory_space<hbm>>
      %dma_start3A_184 = arith.constant 0 : i32
      %dma_start3A_185 = tpu.memref_slice %arg3[%arg0, %add3A_149, %dma_start3A_184] : memref<2x5120x128xf32, #tpu.memory_space<hbm>> -> memref<1x16x128xf32, #tpu.memory_space<hbm>>
      %dma_start3A_186 = tpu.memref_squeeze %dma_start3A_185 : memref<1x16x128xf32, #tpu.memory_space<hbm>> -> memref<16x128xf32, #tpu.memory_space<hbm>>
      tpu.enqueue_dma source(%arg9 : memref<16x128xf32, #tpu.memory_space<vmem>>) target(%dma_start3A_186 : memref<16x128xf32, #tpu.memory_space<hbm>>) target_semaphore(%run_scoped3A : memref<!tpu.dma_semaphore, #tpu.memory_space<semaphore_mem>>)
      %dma_wait3A = arith.constant 0 : i32
      %dma_wait3A_187 = tpu.memref_slice %arg3[%arg0, %add3A_149, %dma_wait3A] : memref<2x5120x128xf32, #tpu.memory_space<hbm>> -> memref<1x16x128xf32, #tpu.memory_space<hbm>>
      %dma_wait3A_188 = tpu.memref_squeeze %dma_wait3A_187 : memref<1x16x128xf32, #tpu.memory_space<hbm>> -> memref<16x128xf32, #tpu.memory_space<hbm>>
      %dma_wait3A_189 = arith.constant 0 : i32
      %dma_wait3A_190 = tpu.memref_slice %arg3[%arg0, %add3A_149, %dma_wait3A_189] : memref<2x5120x128xf32, #tpu.memory_space<hbm>> -> memref<1x16x128xf32, #tpu.memory_space<hbm>>
      %dma_wait3A_191 = tpu.memref_squeeze %dma_wait3A_190 : memref<1x16x128xf32, #tpu.memory_space<hbm>> -> memref<16x128xf32, #tpu.memory_space<hbm>>
      tpu.wait_dma2 semaphore(%run_scoped3A : memref<!tpu.dma_semaphore, #tpu.memory_space<semaphore_mem>>) src(%arg9 : memref<16x128xf32, #tpu.memory_space<vmem>>) dst(%dma_wait3A_191 : memref<16x128xf32, #tpu.memory_space<hbm>>)
      tpu.yield
    }) : () -> ()
    %scan3A_150 = arith.constant 0 : i32
    %scan3A_151 = arith.constant 0 : i32
    %scan3A_152 = arith.constant 16 : i32
    %scan3A_153 = arith.addi %scan3A_151, %scan3A_152 : i32
    %scan3A_154 = arith.constant 1 : i32
    scf.for %scan3A_182 = %scan3A_151 to %scan3A_153 step %scan3A_154  : i32 {
      %add3A_183 = arith.constant 256 : i32
      %add3A_184 = arith.addi %add3A_183, %scan3A_182 : i32
      %broadcast_in_dim3A = vector.broadcast %add3A_184 : i32 to vector<16xi32>
      %gather3A = tpu.vector_load_idx %arg8[%broadcast_in_dim3A] : memref<320xf32, #tpu.memory_space<vmem>>[vector<16xi32>], vector<16xf32>,
      %scan3A_185 = arith.constant 0 : i32
      %scan3A_186 = arith.constant 0 : i32
      %scan3A_187 = arith.constant 8 : i32
      %scan3A_188 = arith.addi %scan3A_186, %scan3A_187 : i32
      %scan3A_189 = arith.constant 1 : i32
      scf.for %scan3A_191 = %scan3A_186 to %scan3A_188 step %scan3A_189  : i32 {
        %mul3A_192 = arith.constant 16 : i32
        %mul3A_193 = arith.muli %scan3A_191, %mul3A_192 : i32
        %swap3A = arith.index_cast %scan3A_182 : i32 to index
        %swap3A_194 = arith.index_cast %mul3A_193 : i32 to index
        %swap3A_195 = tpu.vector_load %arg9[%swap3A, %swap3A_194] {strides = array<i32>} : memref<16x128xf32, #tpu.memory_space<vmem>>, vector<16xf32>,
        tpu.vector_store %arg9[%swap3A, %swap3A_194], %gather3A {strides = array<i32>} : memref<16x128xf32, #tpu.memory_space<vmem>>, vector<16xf32>,
      }
      %scan3A_190 = arith.constant 8 : i32
    }
    %scan3A_155 = arith.constant 16 : i32
    %add3A_156 = arith.constant 256 : i32
    %add3A_157 = arith.addi %mul3A_2, %add3A_156 : i32
    "tpu.region"() ({
      %run_scoped3A = tpu.sem_alloc : memref<!tpu.dma_semaphore, #tpu.memory_space<semaphore_mem>>
      %dma_start3A = arith.constant 0 : i32
      %dma_start3A_182 = tpu.memref_slice %arg3[%arg0, %add3A_157, %dma_start3A] : memref<2x5120x128xf32, #tpu.memory_space<hbm>> -> memref<1x16x128xf32, #tpu.memory_space<hbm>>
      %dma_start3A_183 = tpu.memref_squeeze %dma_start3A_182 : memref<1x16x128xf32, #tpu.memory_space<hbm>> -> memref<16x128xf32, #tpu.memory_space<hbm>>
      %dma_start3A_184 = arith.constant 0 : i32
      %dma_start3A_185 = tpu.memref_slice %arg3[%arg0, %add3A_157, %dma_start3A_184] : memref<2x5120x128xf32, #tpu.memory_space<hbm>> -> memref<1x16x128xf32, #tpu.memory_space<hbm>>
      %dma_start3A_186 = tpu.memref_squeeze %dma_start3A_185 : memref<1x16x128xf32, #tpu.memory_space<hbm>> -> memref<16x128xf32, #tpu.memory_space<hbm>>
      tpu.enqueue_dma source(%arg9 : memref<16x128xf32, #tpu.memory_space<vmem>>) target(%dma_start3A_186 : memref<16x128xf32, #tpu.memory_space<hbm>>) target_semaphore(%run_scoped3A : memref<!tpu.dma_semaphore, #tpu.memory_space<semaphore_mem>>)
      %dma_wait3A = arith.constant 0 : i32
      %dma_wait3A_187 = tpu.memref_slice %arg3[%arg0, %add3A_157, %dma_wait3A] : memref<2x5120x128xf32, #tpu.memory_space<hbm>> -> memref<1x16x128xf32, #tpu.memory_space<hbm>>
      %dma_wait3A_188 = tpu.memref_squeeze %dma_wait3A_187 : memref<1x16x128xf32, #tpu.memory_space<hbm>> -> memref<16x128xf32, #tpu.memory_space<hbm>>
      %dma_wait3A_189 = arith.constant 0 : i32
      %dma_wait3A_190 = tpu.memref_slice %arg3[%arg0, %add3A_157, %dma_wait3A_189] : memref<2x5120x128xf32, #tpu.memory_space<hbm>> -> memref<1x16x128xf32, #tpu.memory_space<hbm>>
      %dma_wait3A_191 = tpu.memref_squeeze %dma_wait3A_190 : memref<1x16x128xf32, #tpu.memory_space<hbm>> -> memref<16x128xf32, #tpu.memory_space<hbm>>
      tpu.wait_dma2 semaphore(%run_scoped3A : memref<!tpu.dma_semaphore, #tpu.memory_space<semaphore_mem>>) src(%arg9 : memref<16x128xf32, #tpu.memory_space<vmem>>) dst(%dma_wait3A_191 : memref<16x128xf32, #tpu.memory_space<hbm>>)
      tpu.yield
    }) : () -> ()
    %scan3A_158 = arith.constant 0 : i32
    %scan3A_159 = arith.constant 0 : i32
    %scan3A_160 = arith.constant 16 : i32
    %scan3A_161 = arith.addi %scan3A_159, %scan3A_160 : i32
    %scan3A_162 = arith.constant 1 : i32
    scf.for %scan3A_182 = %scan3A_159 to %scan3A_161 step %scan3A_162  : i32 {
      %add3A_183 = arith.constant 272 : i32
      %add3A_184 = arith.addi %add3A_183, %scan3A_182 : i32
      %broadcast_in_dim3A = vector.broadcast %add3A_184 : i32 to vector<16xi32>
      %gather3A = tpu.vector_load_idx %arg8[%broadcast_in_dim3A] : memref<320xf32, #tpu.memory_space<vmem>>[vector<16xi32>], vector<16xf32>,
      %scan3A_185 = arith.constant 0 : i32
      %scan3A_186 = arith.constant 0 : i32
      %scan3A_187 = arith.constant 8 : i32
      %scan3A_188 = arith.addi %scan3A_186, %scan3A_187 : i32
      %scan3A_189 = arith.constant 1 : i32
      scf.for %scan3A_191 = %scan3A_186 to %scan3A_188 step %scan3A_189  : i32 {
        %mul3A_192 = arith.constant 16 : i32
        %mul3A_193 = arith.muli %scan3A_191, %mul3A_192 : i32
        %swap3A = arith.index_cast %scan3A_182 : i32 to index
        %swap3A_194 = arith.index_cast %mul3A_193 : i32 to index
        %swap3A_195 = tpu.vector_load %arg9[%swap3A, %swap3A_194] {strides = array<i32>} : memref<16x128xf32, #tpu.memory_space<vmem>>, vector<16xf32>,
        tpu.vector_store %arg9[%swap3A, %swap3A_194], %gather3A {strides = array<i32>} : memref<16x128xf32, #tpu.memory_space<vmem>>, vector<16xf32>,
      }
      %scan3A_190 = arith.constant 8 : i32
    }
    %scan3A_163 = arith.constant 16 : i32
    %add3A_164 = arith.constant 272 : i32
    %add3A_165 = arith.addi %mul3A_2, %add3A_164 : i32
    "tpu.region"() ({
      %run_scoped3A = tpu.sem_alloc : memref<!tpu.dma_semaphore, #tpu.memory_space<semaphore_mem>>
      %dma_start3A = arith.constant 0 : i32
      %dma_start3A_182 = tpu.memref_slice %arg3[%arg0, %add3A_165, %dma_start3A] : memref<2x5120x128xf32, #tpu.memory_space<hbm>> -> memref<1x16x128xf32, #tpu.memory_space<hbm>>
      %dma_start3A_183 = tpu.memref_squeeze %dma_start3A_182 : memref<1x16x128xf32, #tpu.memory_space<hbm>> -> memref<16x128xf32, #tpu.memory_space<hbm>>
      %dma_start3A_184 = arith.constant 0 : i32
      %dma_start3A_185 = tpu.memref_slice %arg3[%arg0, %add3A_165, %dma_start3A_184] : memref<2x5120x128xf32, #tpu.memory_space<hbm>> -> memref<1x16x128xf32, #tpu.memory_space<hbm>>
      %dma_start3A_186 = tpu.memref_squeeze %dma_start3A_185 : memref<1x16x128xf32, #tpu.memory_space<hbm>> -> memref<16x128xf32, #tpu.memory_space<hbm>>
      tpu.enqueue_dma source(%arg9 : memref<16x128xf32, #tpu.memory_space<vmem>>) target(%dma_start3A_186 : memref<16x128xf32, #tpu.memory_space<hbm>>) target_semaphore(%run_scoped3A : memref<!tpu.dma_semaphore, #tpu.memory_space<semaphore_mem>>)
      %dma_wait3A = arith.constant 0 : i32
      %dma_wait3A_187 = tpu.memref_slice %arg3[%arg0, %add3A_165, %dma_wait3A] : memref<2x5120x128xf32, #tpu.memory_space<hbm>> -> memref<1x16x128xf32, #tpu.memory_space<hbm>>
      %dma_wait3A_188 = tpu.memref_squeeze %dma_wait3A_187 : memref<1x16x128xf32, #tpu.memory_space<hbm>> -> memref<16x128xf32, #tpu.memory_space<hbm>>
      %dma_wait3A_189 = arith.constant 0 : i32
      %dma_wait3A_190 = tpu.memref_slice %arg3[%arg0, %add3A_165, %dma_wait3A_189] : memref<2x5120x128xf32, #tpu.memory_space<hbm>> -> memref<1x16x128xf32, #tpu.memory_space<hbm>>
      %dma_wait3A_191 = tpu.memref_squeeze %dma_wait3A_190 : memref<1x16x128xf32, #tpu.memory_space<hbm>> -> memref<16x128xf32, #tpu.memory_space<hbm>>
      tpu.wait_dma2 semaphore(%run_scoped3A : memref<!tpu.dma_semaphore, #tpu.memory_space<semaphore_mem>>) src(%arg9 : memref<16x128xf32, #tpu.memory_space<vmem>>) dst(%dma_wait3A_191 : memref<16x128xf32, #tpu.memory_space<hbm>>)
      tpu.yield
    }) : () -> ()
    %scan3A_166 = arith.constant 0 : i32
    %scan3A_167 = arith.constant 0 : i32
    %scan3A_168 = arith.constant 16 : i32
    %scan3A_169 = arith.addi %scan3A_167, %scan3A_168 : i32
    %scan3A_170 = arith.constant 1 : i32
    scf.for %scan3A_182 = %scan3A_167 to %scan3A_169 step %scan3A_170  : i32 {
      %add3A_183 = arith.constant 288 : i32
      %add3A_184 = arith.addi %add3A_183, %scan3A_182 : i32
      %broadcast_in_dim3A = vector.broadcast %add3A_184 : i32 to vector<16xi32>
      %gather3A = tpu.vector_load_idx %arg8[%broadcast_in_dim3A] : memref<320xf32, #tpu.memory_space<vmem>>[vector<16xi32>], vector<16xf32>,
      %scan3A_185 = arith.constant 0 : i32
      %scan3A_186 = arith.constant 0 : i32
      %scan3A_187 = arith.constant 8 : i32
      %scan3A_188 = arith.addi %scan3A_186, %scan3A_187 : i32
      %scan3A_189 = arith.constant 1 : i32
      scf.for %scan3A_191 = %scan3A_186 to %scan3A_188 step %scan3A_189  : i32 {
        %mul3A_192 = arith.constant 16 : i32
        %mul3A_193 = arith.muli %scan3A_191, %mul3A_192 : i32
        %swap3A = arith.index_cast %scan3A_182 : i32 to index
        %swap3A_194 = arith.index_cast %mul3A_193 : i32 to index
        %swap3A_195 = tpu.vector_load %arg9[%swap3A, %swap3A_194] {strides = array<i32>} : memref<16x128xf32, #tpu.memory_space<vmem>>, vector<16xf32>,
        tpu.vector_store %arg9[%swap3A, %swap3A_194], %gather3A {strides = array<i32>} : memref<16x128xf32, #tpu.memory_space<vmem>>, vector<16xf32>,
      }
      %scan3A_190 = arith.constant 8 : i32
    }
    %scan3A_171 = arith.constant 16 : i32
    %add3A_172 = arith.constant 288 : i32
    %add3A_173 = arith.addi %mul3A_2, %add3A_172 : i32
    "tpu.region"() ({
      %run_scoped3A = tpu.sem_alloc : memref<!tpu.dma_semaphore, #tpu.memory_space<semaphore_mem>>
      %dma_start3A = arith.constant 0 : i32
      %dma_start3A_182 = tpu.memref_slice %arg3[%arg0, %add3A_173, %dma_start3A] : memref<2x5120x128xf32, #tpu.memory_space<hbm>> -> memref<1x16x128xf32, #tpu.memory_space<hbm>>
      %dma_start3A_183 = tpu.memref_squeeze %dma_start3A_182 : memref<1x16x128xf32, #tpu.memory_space<hbm>> -> memref<16x128xf32, #tpu.memory_space<hbm>>
      %dma_start3A_184 = arith.constant 0 : i32
      %dma_start3A_185 = tpu.memref_slice %arg3[%arg0, %add3A_173, %dma_start3A_184] : memref<2x5120x128xf32, #tpu.memory_space<hbm>> -> memref<1x16x128xf32, #tpu.memory_space<hbm>>
      %dma_start3A_186 = tpu.memref_squeeze %dma_start3A_185 : memref<1x16x128xf32, #tpu.memory_space<hbm>> -> memref<16x128xf32, #tpu.memory_space<hbm>>
      tpu.enqueue_dma source(%arg9 : memref<16x128xf32, #tpu.memory_space<vmem>>) target(%dma_start3A_186 : memref<16x128xf32, #tpu.memory_space<hbm>>) target_semaphore(%run_scoped3A : memref<!tpu.dma_semaphore, #tpu.memory_space<semaphore_mem>>)
      %dma_wait3A = arith.constant 0 : i32
      %dma_wait3A_187 = tpu.memref_slice %arg3[%arg0, %add3A_173, %dma_wait3A] : memref<2x5120x128xf32, #tpu.memory_space<hbm>> -> memref<1x16x128xf32, #tpu.memory_space<hbm>>
      %dma_wait3A_188 = tpu.memref_squeeze %dma_wait3A_187 : memref<1x16x128xf32, #tpu.memory_space<hbm>> -> memref<16x128xf32, #tpu.memory_space<hbm>>
      %dma_wait3A_189 = arith.constant 0 : i32
      %dma_wait3A_190 = tpu.memref_slice %arg3[%arg0, %add3A_173, %dma_wait3A_189] : memref<2x5120x128xf32, #tpu.memory_space<hbm>> -> memref<1x16x128xf32, #tpu.memory_space<hbm>>
      %dma_wait3A_191 = tpu.memref_squeeze %dma_wait3A_190 : memref<1x16x128xf32, #tpu.memory_space<hbm>> -> memref<16x128xf32, #tpu.memory_space<hbm>>
      tpu.wait_dma2 semaphore(%run_scoped3A : memref<!tpu.dma_semaphore, #tpu.memory_space<semaphore_mem>>) src(%arg9 : memref<16x128xf32, #tpu.memory_space<vmem>>) dst(%dma_wait3A_191 : memref<16x128xf32, #tpu.memory_space<hbm>>)
      tpu.yield
    }) : () -> ()
    %scan3A_174 = arith.constant 0 : i32
    %scan3A_175 = arith.constant 0 : i32
    %scan3A_176 = arith.constant 16 : i32
    %scan3A_177 = arith.addi %scan3A_175, %scan3A_176 : i32
    %scan3A_178 = arith.constant 1 : i32
    scf.for %scan3A_182 = %scan3A_175 to %scan3A_177 step %scan3A_178  : i32 {
      %add3A_183 = arith.constant 304 : i32
      %add3A_184 = arith.addi %add3A_183, %scan3A_182 : i32
      %broadcast_in_dim3A = vector.broadcast %add3A_184 : i32 to vector<16xi32>
      %gather3A = tpu.vector_load_idx %arg8[%broadcast_in_dim3A] : memref<320xf32, #tpu.memory_space<vmem>>[vector<16xi32>], vector<16xf32>,
      %scan3A_185 = arith.constant 0 : i32
      %scan3A_186 = arith.constant 0 : i32
      %scan3A_187 = arith.constant 8 : i32
      %scan3A_188 = arith.addi %scan3A_186, %scan3A_187 : i32
      %scan3A_189 = arith.constant 1 : i32
      scf.for %scan3A_191 = %scan3A_186 to %scan3A_188 step %scan3A_189  : i32 {
        %mul3A_192 = arith.constant 16 : i32
        %mul3A_193 = arith.muli %scan3A_191, %mul3A_192 : i32
        %swap3A = arith.index_cast %scan3A_182 : i32 to index
        %swap3A_194 = arith.index_cast %mul3A_193 : i32 to index
        %swap3A_195 = tpu.vector_load %arg9[%swap3A, %swap3A_194] {strides = array<i32>} : memref<16x128xf32, #tpu.memory_space<vmem>>, vector<16xf32>,
        tpu.vector_store %arg9[%swap3A, %swap3A_194], %gather3A {strides = array<i32>} : memref<16x128xf32, #tpu.memory_space<vmem>>, vector<16xf32>,
      }
      %scan3A_190 = arith.constant 8 : i32
    }
    %scan3A_179 = arith.constant 16 : i32
    %add3A_180 = arith.constant 304 : i32
    %add3A_181 = arith.addi %mul3A_2, %add3A_180 : i32
    "tpu.region"() ({
      %run_scoped3A = tpu.sem_alloc : memref<!tpu.dma_semaphore, #tpu.memory_space<semaphore_mem>>
      %dma_start3A = arith.constant 0 : i32
      %dma_start3A_182 = tpu.memref_slice %arg3[%arg0, %add3A_181, %dma_start3A] : memref<2x5120x128xf32, #tpu.memory_space<hbm>> -> memref<1x16x128xf32, #tpu.memory_space<hbm>>
      %dma_start3A_183 = tpu.memref_squeeze %dma_start3A_182 : memref<1x16x128xf32, #tpu.memory_space<hbm>> -> memref<16x128xf32, #tpu.memory_space<hbm>>
      %dma_start3A_184 = arith.constant 0 : i32
      %dma_start3A_185 = tpu.memref_slice %arg3[%arg0, %add3A_181, %dma_start3A_184] : memref<2x5120x128xf32, #tpu.memory_space<hbm>> -> memref<1x16x128xf32, #tpu.memory_space<hbm>>
      %dma_start3A_186 = tpu.memref_squeeze %dma_start3A_185 : memref<1x16x128xf32, #tpu.memory_space<hbm>> -> memref<16x128xf32, #tpu.memory_space<hbm>>
      tpu.enqueue_dma source(%arg9 : memref<16x128xf32, #tpu.memory_space<vmem>>) target(%dma_start3A_186 : memref<16x128xf32, #tpu.memory_space<hbm>>) target_semaphore(%run_scoped3A : memref<!tpu.dma_semaphore, #tpu.memory_space<semaphore_mem>>)
      %dma_wait3A = arith.constant 0 : i32
      %dma_wait3A_187 = tpu.memref_slice %arg3[%arg0, %add3A_181, %dma_wait3A] : memref<2x5120x128xf32, #tpu.memory_space<hbm>> -> memref<1x16x128xf32, #tpu.memory_space<hbm>>
      %dma_wait3A_188 = tpu.memref_squeeze %dma_wait3A_187 : memref<1x16x128xf32, #tpu.memory_space<hbm>> -> memref<16x128xf32, #tpu.memory_space<hbm>>
      %dma_wait3A_189 = arith.constant 0 : i32
      %dma_wait3A_190 = tpu.memref_slice %arg3[%arg0, %add3A_181, %dma_wait3A_189] : memref<2x5120x128xf32, #tpu.memory_space<hbm>> -> memref<1x16x128xf32, #tpu.memory_space<hbm>>
      %dma_wait3A_191 = tpu.memref_squeeze %dma_wait3A_190 : memref<1x16x128xf32, #tpu.memory_space<hbm>> -> memref<16x128xf32, #tpu.memory_space<hbm>>
      tpu.wait_dma2 semaphore(%run_scoped3A : memref<!tpu.dma_semaphore, #tpu.memory_space<semaphore_mem>>) src(%arg9 : memref<16x128xf32, #tpu.memory_space<vmem>>) dst(%dma_wait3A_191 : memref<16x128xf32, #tpu.memory_space<hbm>>)
      tpu.yield
    }) : () -> ()
    return
  }
}

#map = affine_map<(d0, d1) -> (0, 0)>
#map1 = affine_map<(d0, d1) -> (0)>
#map2 = affine_map<(d0, d1) -> (0, 0, 0)>
module attributes {stable_mosaic.version = 14 : i64} {
  func.func @_seg2_body(%arg0: i32, %arg1: i32, %arg2: memref<10000x128xf32, #tpu.memory_space<hbm>>, %arg3: memref<327680xi32, #tpu.memory_space<hbm>>, %arg4: memref<327680xi32, #tpu.memory_space<hbm>>, %arg5: memref<10112x128xf32, #tpu.memory_space<hbm>>, %arg6: memref<2x10112x128xf32, #tpu.memory_space<hbm>>, %arg7: memref<10112x128xf32, #tpu.memory_space<vmem_shared>>, %arg8: memref<2x128xi32, #tpu.memory_space<vmem>>, %arg9: memref<2x128xi32, #tpu.memory_space<vmem>>, %arg10: memref<2x128x128xf32, #tpu.memory_space<vmem>>, %arg11: memref<2x!tpu.dma_semaphore, #tpu.memory_space<semaphore_mem>>, %arg12: memref<2x!tpu.dma_semaphore, #tpu.memory_space<semaphore_mem>>, %arg13: memref<2x!tpu.dma_semaphore, #tpu.memory_space<semaphore_mem>>) attributes {dimension_semantics = [#tpu.dimension_semantics<core_parallel>, #tpu.dimension_semantics<subcore_parallel>], iteration_bounds = array<i64: 2, 16>, scalar_prefetch = 0 : i64, scratch_operands = 7 : i64, tpu.core_type = #tpu.core_type<sc_vector_subcore>, window_params = [{transform_indices = #map}, {transform_indices = #map1}, {transform_indices = #map1}, {transform_indices = #map}, {transform_indices = #map2}]} {
    %mul3A = arith.constant 2 : i32
    %mul3A_0 = arith.muli %arg1, %mul3A : i32
    %add3A = arith.addi %mul3A_0, %arg0 : i32
    %mul3A_1 = arith.constant 632 : i32
    %mul3A_2 = arith.muli %arg1, %mul3A_1 : i32
    "tpu.region"() ({
      %run_scoped3A = tpu.sem_alloc : memref<!tpu.dma_semaphore, #tpu.memory_space<semaphore_mem>>
      %dma_start3A_473 = arith.constant 0 : i32
      %dma_start3A_474 = tpu.memref_slice %arg7[%mul3A_2, %dma_start3A_473] : memref<10112x128xf32, #tpu.memory_space<vmem_shared>> -> memref<632x128xf32, #tpu.memory_space<vmem_shared>>
      %dma_start3A_475 = arith.constant 0 : i32
      %dma_start3A_476 = tpu.memref_slice %arg5[%mul3A_2, %dma_start3A_475] : memref<10112x128xf32, #tpu.memory_space<hbm>> -> memref<632x128xf32, #tpu.memory_space<hbm>>
      tpu.enqueue_dma source(%dma_start3A_476 : memref<632x128xf32, #tpu.memory_space<hbm>>) target(%dma_start3A_474 : memref<632x128xf32, #tpu.memory_space<vmem_shared>>) target_semaphore(%run_scoped3A : memref<!tpu.dma_semaphore, #tpu.memory_space<semaphore_mem>>)
      %dma_wait3A_477 = arith.constant 0 : i32
      %dma_wait3A_478 = tpu.memref_slice %arg7[%mul3A_2, %dma_wait3A_477] : memref<10112x128xf32, #tpu.memory_space<vmem_shared>> -> memref<632x128xf32, #tpu.memory_space<vmem_shared>>
      %dma_wait3A_479 = arith.constant 0 : i32
      %dma_wait3A_480 = tpu.memref_slice %arg5[%mul3A_2, %dma_wait3A_479] : memref<10112x128xf32, #tpu.memory_space<hbm>> -> memref<632x128xf32, #tpu.memory_space<hbm>>
      tpu.wait_dma2 semaphore(%run_scoped3A : memref<!tpu.dma_semaphore, #tpu.memory_space<semaphore_mem>>) src(%dma_wait3A_480 : memref<632x128xf32, #tpu.memory_space<hbm>>) dst(%dma_wait3A_478 : memref<632x128xf32, #tpu.memory_space<vmem_shared>>)
      tpu.yield
    }) : () -> ()
    %barrier3A = arith.constant 0 : index
    tpu.barrier barrier_id(%barrier3A)
    %mul3A_3 = arith.constant 80 : i32
    %mul3A_4 = arith.muli %add3A, %mul3A_3 : i32
    %add3A_5 = arith.constant 0 : i32
    %add3A_6 = arith.addi %mul3A_4, %add3A_5 : i32
    %mul3A_7 = arith.constant 128 : i32
    %mul3A_8 = arith.muli %add3A_6, %mul3A_7 : i32
    %dma_start3A = arith.constant 0 : i32
    %dma_start3A_9 = arith.constant 0 : i32
    %dma_start3A_10 = arith.constant 0 : i32
    %dma_start3A_11 = tpu.memref_slice %arg8[%dma_start3A, %dma_start3A_10] : memref<2x128xi32, #tpu.memory_space<vmem>> -> memref<1x128xi32, #tpu.memory_space<vmem>>
    %dma_start3A_12 = tpu.memref_squeeze %dma_start3A_11 : memref<1x128xi32, #tpu.memory_space<vmem>> -> memref<128xi32, #tpu.memory_space<vmem>>
    %dma_start3A_13 = tpu.memref_slice %arg3[%mul3A_8] : memref<327680xi32, #tpu.memory_space<hbm>> -> memref<128xi32, #tpu.memory_space<hbm>>
    %dma_start3A_14 = tpu.memref_slice %arg11[%dma_start3A_9] : memref<2x!tpu.dma_semaphore, #tpu.memory_space<semaphore_mem>> -> memref<1x!tpu.dma_semaphore, #tpu.memory_space<semaphore_mem>>
    %dma_start3A_15 = tpu.memref_squeeze %dma_start3A_14 : memref<1x!tpu.dma_semaphore, #tpu.memory_space<semaphore_mem>> -> memref<!tpu.dma_semaphore, #tpu.memory_space<semaphore_mem>>
    %dma_start3A_16 = arith.constant 0 : i32
    %dma_start3A_17 = tpu.memref_slice %arg8[%dma_start3A, %dma_start3A_16] : memref<2x128xi32, #tpu.memory_space<vmem>> -> memref<1x128xi32, #tpu.memory_space<vmem>>
    %dma_start3A_18 = tpu.memref_squeeze %dma_start3A_17 : memref<1x128xi32, #tpu.memory_space<vmem>> -> memref<128xi32, #tpu.memory_space<vmem>>
    %dma_start3A_19 = tpu.memref_slice %arg3[%mul3A_8] : memref<327680xi32, #tpu.memory_space<hbm>> -> memref<128xi32, #tpu.memory_space<hbm>>
    tpu.enqueue_dma source(%dma_start3A_19 : memref<128xi32, #tpu.memory_space<hbm>>) target(%dma_start3A_18 : memref<128xi32, #tpu.memory_space<vmem>>) target_semaphore(%dma_start3A_15 : memref<!tpu.dma_semaphore, #tpu.memory_space<semaphore_mem>>)
    %dma_start3A_20 = arith.constant 0 : i32
    %dma_start3A_21 = arith.constant 0 : i32
    %dma_start3A_22 = arith.constant 0 : i32
    %dma_start3A_23 = tpu.memref_slice %arg9[%dma_start3A_20, %dma_start3A_22] : memref<2x128xi32, #tpu.memory_space<vmem>> -> memref<1x128xi32, #tpu.memory_space<vmem>>
    %dma_start3A_24 = tpu.memref_squeeze %dma_start3A_23 : memref<1x128xi32, #tpu.memory_space<vmem>> -> memref<128xi32, #tpu.memory_space<vmem>>
    %dma_start3A_25 = tpu.memref_slice %arg4[%mul3A_8] : memref<327680xi32, #tpu.memory_space<hbm>> -> memref<128xi32, #tpu.memory_space<hbm>>
    %dma_start3A_26 = tpu.memref_slice %arg11[%dma_start3A_21] : memref<2x!tpu.dma_semaphore, #tpu.memory_space<semaphore_mem>> -> memref<1x!tpu.dma_semaphore, #tpu.memory_space<semaphore_mem>>
    %dma_start3A_27 = tpu.memref_squeeze %dma_start3A_26 : memref<1x!tpu.dma_semaphore, #tpu.memory_space<semaphore_mem>> -> memref<!tpu.dma_semaphore, #tpu.memory_space<semaphore_mem>>
    %dma_start3A_28 = arith.constant 0 : i32
    %dma_start3A_29 = tpu.memref_slice %arg9[%dma_start3A_20, %dma_start3A_28] : memref<2x128xi32, #tpu.memory_space<vmem>> -> memref<1x128xi32, #tpu.memory_space<vmem>>
    %dma_start3A_30 = tpu.memref_squeeze %dma_start3A_29 : memref<1x128xi32, #tpu.memory_space<vmem>> -> memref<128xi32, #tpu.memory_space<vmem>>
    %dma_start3A_31 = tpu.memref_slice %arg4[%mul3A_8] : memref<327680xi32, #tpu.memory_space<hbm>> -> memref<128xi32, #tpu.memory_space<hbm>>
    tpu.enqueue_dma source(%dma_start3A_31 : memref<128xi32, #tpu.memory_space<hbm>>) target(%dma_start3A_30 : memref<128xi32, #tpu.memory_space<vmem>>) target_semaphore(%dma_start3A_27 : memref<!tpu.dma_semaphore, #tpu.memory_space<semaphore_mem>>)
    %add3A_32 = arith.constant 1 : i32
    %add3A_33 = arith.addi %mul3A_4, %add3A_32 : i32
    %mul3A_34 = arith.constant 128 : i32
    %mul3A_35 = arith.muli %add3A_33, %mul3A_34 : i32
    %dma_start3A_36 = arith.constant 1 : i32
    %dma_start3A_37 = arith.constant 1 : i32
    %dma_start3A_38 = arith.constant 0 : i32
    %dma_start3A_39 = tpu.memref_slice %arg8[%dma_start3A_36, %dma_start3A_38] : memref<2x128xi32, #tpu.memory_space<vmem>> -> memref<1x128xi32, #tpu.memory_space<vmem>>
    %dma_start3A_40 = tpu.memref_squeeze %dma_start3A_39 : memref<1x128xi32, #tpu.memory_space<vmem>> -> memref<128xi32, #tpu.memory_space<vmem>>
    %dma_start3A_41 = tpu.memref_slice %arg3[%mul3A_35] : memref<327680xi32, #tpu.memory_space<hbm>> -> memref<128xi32, #tpu.memory_space<hbm>>
    %dma_start3A_42 = tpu.memref_slice %arg11[%dma_start3A_37] : memref<2x!tpu.dma_semaphore, #tpu.memory_space<semaphore_mem>> -> memref<1x!tpu.dma_semaphore, #tpu.memory_space<semaphore_mem>>
    %dma_start3A_43 = tpu.memref_squeeze %dma_start3A_42 : memref<1x!tpu.dma_semaphore, #tpu.memory_space<semaphore_mem>> -> memref<!tpu.dma_semaphore, #tpu.memory_space<semaphore_mem>>
    %dma_start3A_44 = arith.constant 0 : i32
    %dma_start3A_45 = tpu.memref_slice %arg8[%dma_start3A_36, %dma_start3A_44] : memref<2x128xi32, #tpu.memory_space<vmem>> -> memref<1x128xi32, #tpu.memory_space<vmem>>
    %dma_start3A_46 = tpu.memref_squeeze %dma_start3A_45 : memref<1x128xi32, #tpu.memory_space<vmem>> -> memref<128xi32, #tpu.memory_space<vmem>>
    %dma_start3A_47 = tpu.memref_slice %arg3[%mul3A_35] : memref<327680xi32, #tpu.memory_space<hbm>> -> memref<128xi32, #tpu.memory_space<hbm>>
    tpu.enqueue_dma source(%dma_start3A_47 : memref<128xi32, #tpu.memory_space<hbm>>) target(%dma_start3A_46 : memref<128xi32, #tpu.memory_space<vmem>>) target_semaphore(%dma_start3A_43 : memref<!tpu.dma_semaphore, #tpu.memory_space<semaphore_mem>>)
    %dma_start3A_48 = arith.constant 1 : i32
    %dma_start3A_49 = arith.constant 1 : i32
    %dma_start3A_50 = arith.constant 0 : i32
    %dma_start3A_51 = tpu.memref_slice %arg9[%dma_start3A_48, %dma_start3A_50] : memref<2x128xi32, #tpu.memory_space<vmem>> -> memref<1x128xi32, #tpu.memory_space<vmem>>
    %dma_start3A_52 = tpu.memref_squeeze %dma_start3A_51 : memref<1x128xi32, #tpu.memory_space<vmem>> -> memref<128xi32, #tpu.memory_space<vmem>>
    %dma_start3A_53 = tpu.memref_slice %arg4[%mul3A_35] : memref<327680xi32, #tpu.memory_space<hbm>> -> memref<128xi32, #tpu.memory_space<hbm>>
    %dma_start3A_54 = tpu.memref_slice %arg11[%dma_start3A_49] : memref<2x!tpu.dma_semaphore, #tpu.memory_space<semaphore_mem>> -> memref<1x!tpu.dma_semaphore, #tpu.memory_space<semaphore_mem>>
    %dma_start3A_55 = tpu.memref_squeeze %dma_start3A_54 : memref<1x!tpu.dma_semaphore, #tpu.memory_space<semaphore_mem>> -> memref<!tpu.dma_semaphore, #tpu.memory_space<semaphore_mem>>
    %dma_start3A_56 = arith.constant 0 : i32
    %dma_start3A_57 = tpu.memref_slice %arg9[%dma_start3A_48, %dma_start3A_56] : memref<2x128xi32, #tpu.memory_space<vmem>> -> memref<1x128xi32, #tpu.memory_space<vmem>>
    %dma_start3A_58 = tpu.memref_squeeze %dma_start3A_57 : memref<1x128xi32, #tpu.memory_space<vmem>> -> memref<128xi32, #tpu.memory_space<vmem>>
    %dma_start3A_59 = tpu.memref_slice %arg4[%mul3A_35] : memref<327680xi32, #tpu.memory_space<hbm>> -> memref<128xi32, #tpu.memory_space<hbm>>
    tpu.enqueue_dma source(%dma_start3A_59 : memref<128xi32, #tpu.memory_space<hbm>>) target(%dma_start3A_58 : memref<128xi32, #tpu.memory_space<vmem>>) target_semaphore(%dma_start3A_55 : memref<!tpu.dma_semaphore, #tpu.memory_space<semaphore_mem>>)
    %dma_wait3A = arith.constant 0 : i32
    %dma_wait3A_60 = arith.constant 0 : i32
    %dma_wait3A_61 = arith.constant 0 : i32
    %dma_wait3A_62 = tpu.memref_slice %arg8[%dma_wait3A, %dma_wait3A_61] : memref<2x128xi32, #tpu.memory_space<vmem>> -> memref<1x128xi32, #tpu.memory_space<vmem>>
    %dma_wait3A_63 = tpu.memref_squeeze %dma_wait3A_62 : memref<1x128xi32, #tpu.memory_space<vmem>> -> memref<128xi32, #tpu.memory_space<vmem>>
    %dma_wait3A_64 = arith.constant 0 : i32
    %dma_wait3A_65 = tpu.memref_slice %arg3[%dma_wait3A_64] : memref<327680xi32, #tpu.memory_space<hbm>> -> memref<128xi32, #tpu.memory_space<hbm>>
    %dma_wait3A_66 = tpu.memref_slice %arg11[%dma_wait3A_60] : memref<2x!tpu.dma_semaphore, #tpu.memory_space<semaphore_mem>> -> memref<1x!tpu.dma_semaphore, #tpu.memory_space<semaphore_mem>>
    %dma_wait3A_67 = tpu.memref_squeeze %dma_wait3A_66 : memref<1x!tpu.dma_semaphore, #tpu.memory_space<semaphore_mem>> -> memref<!tpu.dma_semaphore, #tpu.memory_space<semaphore_mem>>
    %dma_wait3A_68 = arith.constant 0 : i32
    %dma_wait3A_69 = tpu.memref_slice %arg8[%dma_wait3A, %dma_wait3A_68] : memref<2x128xi32, #tpu.memory_space<vmem>> -> memref<1x128xi32, #tpu.memory_space<vmem>>
    %dma_wait3A_70 = tpu.memref_squeeze %dma_wait3A_69 : memref<1x128xi32, #tpu.memory_space<vmem>> -> memref<128xi32, #tpu.memory_space<vmem>>
    %dma_wait3A_71 = arith.constant 0 : i32
    %dma_wait3A_72 = tpu.memref_slice %arg3[%dma_wait3A_71] : memref<327680xi32, #tpu.memory_space<hbm>> -> memref<128xi32, #tpu.memory_space<hbm>>
    tpu.wait_dma2 semaphore(%dma_wait3A_67 : memref<!tpu.dma_semaphore, #tpu.memory_space<semaphore_mem>>) src(%dma_wait3A_72 : memref<128xi32, #tpu.memory_space<hbm>>) dst(%dma_wait3A_70 : memref<128xi32, #tpu.memory_space<vmem>>)
    %dma_wait3A_73 = arith.constant 0 : i32
    %dma_wait3A_74 = arith.constant 0 : i32
    %dma_wait3A_75 = arith.constant 0 : i32
    %dma_wait3A_76 = tpu.memref_slice %arg9[%dma_wait3A_73, %dma_wait3A_75] : memref<2x128xi32, #tpu.memory_space<vmem>> -> memref<1x128xi32, #tpu.memory_space<vmem>>
    %dma_wait3A_77 = tpu.memref_squeeze %dma_wait3A_76 : memref<1x128xi32, #tpu.memory_space<vmem>> -> memref<128xi32, #tpu.memory_space<vmem>>
    %dma_wait3A_78 = arith.constant 0 : i32
    %dma_wait3A_79 = tpu.memref_slice %arg4[%dma_wait3A_78] : memref<327680xi32, #tpu.memory_space<hbm>> -> memref<128xi32, #tpu.memory_space<hbm>>
    %dma_wait3A_80 = tpu.memref_slice %arg11[%dma_wait3A_74] : memref<2x!tpu.dma_semaphore, #tpu.memory_space<semaphore_mem>> -> memref<1x!tpu.dma_semaphore, #tpu.memory_space<semaphore_mem>>
    %dma_wait3A_81 = tpu.memref_squeeze %dma_wait3A_80 : memref<1x!tpu.dma_semaphore, #tpu.memory_space<semaphore_mem>> -> memref<!tpu.dma_semaphore, #tpu.memory_space<semaphore_mem>>
    %dma_wait3A_82 = arith.constant 0 : i32
    %dma_wait3A_83 = tpu.memref_slice %arg9[%dma_wait3A_73, %dma_wait3A_82] : memref<2x128xi32, #tpu.memory_space<vmem>> -> memref<1x128xi32, #tpu.memory_space<vmem>>
    %dma_wait3A_84 = tpu.memref_squeeze %dma_wait3A_83 : memref<1x128xi32, #tpu.memory_space<vmem>> -> memref<128xi32, #tpu.memory_space<vmem>>
    %dma_wait3A_85 = arith.constant 0 : i32
    %dma_wait3A_86 = tpu.memref_slice %arg4[%dma_wait3A_85] : memref<327680xi32, #tpu.memory_space<hbm>> -> memref<128xi32, #tpu.memory_space<hbm>>
    tpu.wait_dma2 semaphore(%dma_wait3A_81 : memref<!tpu.dma_semaphore, #tpu.memory_space<semaphore_mem>>) src(%dma_wait3A_86 : memref<128xi32, #tpu.memory_space<hbm>>) dst(%dma_wait3A_84 : memref<128xi32, #tpu.memory_space<vmem>>)
    %dma_start3A_87 = arith.constant 0 : i32
    %dma_start3A_88 = arith.constant 0 : i32
    %dma_start3A_89 = arith.constant 0 : i32
    %dma_start3A_90 = arith.constant 0 : i32
    %dma_start3A_91 = arith.constant 0 : i32
    %dma_start3A_92 = tpu.memref_slice %arg10[%dma_start3A_88, %dma_start3A_90, %dma_start3A_91] : memref<2x128x128xf32, #tpu.memory_space<vmem>> -> memref<1x128x128xf32, #tpu.memory_space<vmem>>
    %dma_start3A_93 = tpu.memref_squeeze %dma_start3A_92 : memref<1x128x128xf32, #tpu.memory_space<vmem>> -> memref<128x128xf32, #tpu.memory_space<vmem>>
    %dma_start3A_94 = arith.constant 0 : i32
    %dma_start3A_95 = tpu.memref_slice %arg8[%dma_start3A_87, %dma_start3A_94] : memref<2x128xi32, #tpu.memory_space<vmem>> -> memref<1x128xi32, #tpu.memory_space<vmem>>
    %dma_start3A_96 = tpu.memref_squeeze %dma_start3A_95 : memref<1x128xi32, #tpu.memory_space<vmem>> -> memref<128xi32, #tpu.memory_space<vmem>>
    %dma_start3A_97 = arith.constant 0 : i32
    %dma_start3A_98 = arith.constant 0 : i32
    %dma_start3A_99 = tpu.memref_slice %arg2[%dma_start3A_97, %dma_start3A_98] : memref<10000x128xf32, #tpu.memory_space<hbm>> -> memref<10000x128xf32, #tpu.memory_space<hbm>>
    %dma_start3A_100 = tpu.memref_slice %arg12[%dma_start3A_89] : memref<2x!tpu.dma_semaphore, #tpu.memory_space<semaphore_mem>> -> memref<1x!tpu.dma_semaphore, #tpu.memory_space<semaphore_mem>>
    %dma_start3A_101 = tpu.memref_squeeze %dma_start3A_100 : memref<1x!tpu.dma_semaphore, #tpu.memory_space<semaphore_mem>> -> memref<!tpu.dma_semaphore, #tpu.memory_space<semaphore_mem>>
    tpu.enqueue_indirect_dma source(%dma_start3A_99 : memref<10000x128xf32, #tpu.memory_space<hbm>>) target(%dma_start3A_93 : memref<128x128xf32, #tpu.memory_space<vmem>>) offsets(%dma_start3A_96 : memref<128xi32, #tpu.memory_space<vmem>>) semaphore(%dma_start3A_101 : memref<!tpu.dma_semaphore, #tpu.memory_space<semaphore_mem>>)
    %dma_wait3A_102 = arith.constant 1 : i32
    %dma_wait3A_103 = arith.constant 1 : i32
    %dma_wait3A_104 = arith.constant 0 : i32
    %dma_wait3A_105 = tpu.memref_slice %arg8[%dma_wait3A_102, %dma_wait3A_104] : memref<2x128xi32, #tpu.memory_space<vmem>> -> memref<1x128xi32, #tpu.memory_space<vmem>>
    %dma_wait3A_106 = tpu.memref_squeeze %dma_wait3A_105 : memref<1x128xi32, #tpu.memory_space<vmem>> -> memref<128xi32, #tpu.memory_space<vmem>>
    %dma_wait3A_107 = arith.constant 0 : i32
    %dma_wait3A_108 = tpu.memref_slice %arg3[%dma_wait3A_107] : memref<327680xi32, #tpu.memory_space<hbm>> -> memref<128xi32, #tpu.memory_space<hbm>>
    %dma_wait3A_109 = tpu.memref_slice %arg11[%dma_wait3A_103] : memref<2x!tpu.dma_semaphore, #tpu.memory_space<semaphore_mem>> -> memref<1x!tpu.dma_semaphore, #tpu.memory_space<semaphore_mem>>
    %dma_wait3A_110 = tpu.memref_squeeze %dma_wait3A_109 : memref<1x!tpu.dma_semaphore, #tpu.memory_space<semaphore_mem>> -> memref<!tpu.dma_semaphore, #tpu.memory_space<semaphore_mem>>
    %dma_wait3A_111 = arith.constant 0 : i32
    %dma_wait3A_112 = tpu.memref_slice %arg8[%dma_wait3A_102, %dma_wait3A_111] : memref<2x128xi32, #tpu.memory_space<vmem>> -> memref<1x128xi32, #tpu.memory_space<vmem>>
    %dma_wait3A_113 = tpu.memref_squeeze %dma_wait3A_112 : memref<1x128xi32, #tpu.memory_space<vmem>> -> memref<128xi32, #tpu.memory_space<vmem>>
    %dma_wait3A_114 = arith.constant 0 : i32
    %dma_wait3A_115 = tpu.memref_slice %arg3[%dma_wait3A_114] : memref<327680xi32, #tpu.memory_space<hbm>> -> memref<128xi32, #tpu.memory_space<hbm>>
    tpu.wait_dma2 semaphore(%dma_wait3A_110 : memref<!tpu.dma_semaphore, #tpu.memory_space<semaphore_mem>>) src(%dma_wait3A_115 : memref<128xi32, #tpu.memory_space<hbm>>) dst(%dma_wait3A_113 : memref<128xi32, #tpu.memory_space<vmem>>)
    %dma_wait3A_116 = arith.constant 1 : i32
    %dma_wait3A_117 = arith.constant 1 : i32
    %dma_wait3A_118 = arith.constant 0 : i32
    %dma_wait3A_119 = tpu.memref_slice %arg9[%dma_wait3A_116, %dma_wait3A_118] : memref<2x128xi32, #tpu.memory_space<vmem>> -> memref<1x128xi32, #tpu.memory_space<vmem>>
    %dma_wait3A_120 = tpu.memref_squeeze %dma_wait3A_119 : memref<1x128xi32, #tpu.memory_space<vmem>> -> memref<128xi32, #tpu.memory_space<vmem>>
    %dma_wait3A_121 = arith.constant 0 : i32
    %dma_wait3A_122 = tpu.memref_slice %arg4[%dma_wait3A_121] : memref<327680xi32, #tpu.memory_space<hbm>> -> memref<128xi32, #tpu.memory_space<hbm>>
    %dma_wait3A_123 = tpu.memref_slice %arg11[%dma_wait3A_117] : memref<2x!tpu.dma_semaphore, #tpu.memory_space<semaphore_mem>> -> memref<1x!tpu.dma_semaphore, #tpu.memory_space<semaphore_mem>>
    %dma_wait3A_124 = tpu.memref_squeeze %dma_wait3A_123 : memref<1x!tpu.dma_semaphore, #tpu.memory_space<semaphore_mem>> -> memref<!tpu.dma_semaphore, #tpu.memory_space<semaphore_mem>>
    %dma_wait3A_125 = arith.constant 0 : i32
    %dma_wait3A_126 = tpu.memref_slice %arg9[%dma_wait3A_116, %dma_wait3A_125] : memref<2x128xi32, #tpu.memory_space<vmem>> -> memref<1x128xi32, #tpu.memory_space<vmem>>
    %dma_wait3A_127 = tpu.memref_squeeze %dma_wait3A_126 : memref<1x128xi32, #tpu.memory_space<vmem>> -> memref<128xi32, #tpu.memory_space<vmem>>
    %dma_wait3A_128 = arith.constant 0 : i32
    %dma_wait3A_129 = tpu.memref_slice %arg4[%dma_wait3A_128] : memref<327680xi32, #tpu.memory_space<hbm>> -> memref<128xi32, #tpu.memory_space<hbm>>
    tpu.wait_dma2 semaphore(%dma_wait3A_124 : memref<!tpu.dma_semaphore, #tpu.memory_space<semaphore_mem>>) src(%dma_wait3A_129 : memref<128xi32, #tpu.memory_space<hbm>>) dst(%dma_wait3A_127 : memref<128xi32, #tpu.memory_space<vmem>>)
    %dma_start3A_130 = arith.constant 1 : i32
    %dma_start3A_131 = arith.constant 1 : i32
    %dma_start3A_132 = arith.constant 1 : i32
    %dma_start3A_133 = arith.constant 0 : i32
    %dma_start3A_134 = arith.constant 0 : i32
    %dma_start3A_135 = tpu.memref_slice %arg10[%dma_start3A_131, %dma_start3A_133, %dma_start3A_134] : memref<2x128x128xf32, #tpu.memory_space<vmem>> -> memref<1x128x128xf32, #tpu.memory_space<vmem>>
    %dma_start3A_136 = tpu.memref_squeeze %dma_start3A_135 : memref<1x128x128xf32, #tpu.memory_space<vmem>> -> memref<128x128xf32, #tpu.memory_space<vmem>>
    %dma_start3A_137 = arith.constant 0 : i32
    %dma_start3A_138 = tpu.memref_slice %arg8[%dma_start3A_130, %dma_start3A_137] : memref<2x128xi32, #tpu.memory_space<vmem>> -> memref<1x128xi32, #tpu.memory_space<vmem>>
    %dma_start3A_139 = tpu.memref_squeeze %dma_start3A_138 : memref<1x128xi32, #tpu.memory_space<vmem>> -> memref<128xi32, #tpu.memory_space<vmem>>
    %dma_start3A_140 = arith.constant 0 : i32
    %dma_start3A_141 = arith.constant 0 : i32
    %dma_start3A_142 = tpu.memref_slice %arg2[%dma_start3A_140, %dma_start3A_141] : memref<10000x128xf32, #tpu.memory_space<hbm>> -> memref<10000x128xf32, #tpu.memory_space<hbm>>
    %dma_start3A_143 = tpu.memref_slice %arg12[%dma_start3A_132] : memref<2x!tpu.dma_semaphore, #tpu.memory_space<semaphore_mem>> -> memref<1x!tpu.dma_semaphore, #tpu.memory_space<semaphore_mem>>
    %dma_start3A_144 = tpu.memref_squeeze %dma_start3A_143 : memref<1x!tpu.dma_semaphore, #tpu.memory_space<semaphore_mem>> -> memref<!tpu.dma_semaphore, #tpu.memory_space<semaphore_mem>>
    tpu.enqueue_indirect_dma source(%dma_start3A_142 : memref<10000x128xf32, #tpu.memory_space<hbm>>) target(%dma_start3A_136 : memref<128x128xf32, #tpu.memory_space<vmem>>) offsets(%dma_start3A_139 : memref<128xi32, #tpu.memory_space<vmem>>) semaphore(%dma_start3A_144 : memref<!tpu.dma_semaphore, #tpu.memory_space<semaphore_mem>>)
    %dma_wait3A_145 = arith.constant 0 : i32
    %dma_wait3A_146 = arith.constant 0 : i32
    %dma_wait3A_147 = arith.constant 0 : i32
    %dma_wait3A_148 = arith.constant 0 : i32
    %dma_wait3A_149 = arith.constant 0 : i32
    %dma_wait3A_150 = tpu.memref_slice %arg10[%dma_wait3A_146, %dma_wait3A_148, %dma_wait3A_149] : memref<2x128x128xf32, #tpu.memory_space<vmem>> -> memref<1x128x128xf32, #tpu.memory_space<vmem>>
    %dma_wait3A_151 = tpu.memref_squeeze %dma_wait3A_150 : memref<1x128x128xf32, #tpu.memory_space<vmem>> -> memref<128x128xf32, #tpu.memory_space<vmem>>
    %dma_wait3A_152 = arith.constant 0 : i32
    %dma_wait3A_153 = tpu.memref_slice %arg8[%dma_wait3A_145, %dma_wait3A_152] : memref<2x128xi32, #tpu.memory_space<vmem>> -> memref<1x128xi32, #tpu.memory_space<vmem>>
    %dma_wait3A_154 = tpu.memref_squeeze %dma_wait3A_153 : memref<1x128xi32, #tpu.memory_space<vmem>> -> memref<128xi32, #tpu.memory_space<vmem>>
    %dma_wait3A_155 = arith.constant 0 : i32
    %dma_wait3A_156 = arith.constant 0 : i32
    %dma_wait3A_157 = tpu.memref_slice %arg2[%dma_wait3A_155, %dma_wait3A_156] : memref<10000x128xf32, #tpu.memory_space<hbm>> -> memref<10000x128xf32, #tpu.memory_space<hbm>>
    %dma_wait3A_158 = tpu.memref_slice %arg12[%dma_wait3A_147] : memref<2x!tpu.dma_semaphore, #tpu.memory_space<semaphore_mem>> -> memref<1x!tpu.dma_semaphore, #tpu.memory_space<semaphore_mem>>
    %dma_wait3A_159 = tpu.memref_squeeze %dma_wait3A_158 : memref<1x!tpu.dma_semaphore, #tpu.memory_space<semaphore_mem>> -> memref<!tpu.dma_semaphore, #tpu.memory_space<semaphore_mem>>
    tpu.wait_indirect_dma semaphore(%dma_wait3A_159 : memref<!tpu.dma_semaphore, #tpu.memory_space<semaphore_mem>>) src(%dma_wait3A_157 : memref<10000x128xf32, #tpu.memory_space<hbm>>) dst(%dma_wait3A_151 : memref<128x128xf32, #tpu.memory_space<vmem>>)
    %dma_start3A_160 = arith.constant 0 : i32
    %dma_start3A_161 = arith.constant 0 : i32
    %dma_start3A_162 = arith.constant 0 : i32
    %dma_start3A_163 = arith.constant 0 : i32
    %dma_start3A_164 = arith.constant 0 : i32
    %dma_start3A_165 = tpu.memref_slice %arg10[%dma_start3A_160, %dma_start3A_163, %dma_start3A_164] : memref<2x128x128xf32, #tpu.memory_space<vmem>> -> memref<1x128x128xf32, #tpu.memory_space<vmem>>
    %dma_start3A_166 = tpu.memref_squeeze %dma_start3A_165 : memref<1x128x128xf32, #tpu.memory_space<vmem>> -> memref<128x128xf32, #tpu.memory_space<vmem>>
    %dma_start3A_167 = arith.constant 0 : i32
    %dma_start3A_168 = tpu.memref_slice %arg9[%dma_start3A_161, %dma_start3A_167] : memref<2x128xi32, #tpu.memory_space<vmem>> -> memref<1x128xi32, #tpu.memory_space<vmem>>
    %dma_start3A_169 = tpu.memref_squeeze %dma_start3A_168 : memref<1x128xi32, #tpu.memory_space<vmem>> -> memref<128xi32, #tpu.memory_space<vmem>>
    %dma_start3A_170 = arith.constant 0 : i32
    %dma_start3A_171 = arith.constant 0 : i32
    %dma_start3A_172 = tpu.memref_slice %arg7[%dma_start3A_170, %dma_start3A_171] : memref<10112x128xf32, #tpu.memory_space<vmem_shared>> -> memref<10112x128xf32, #tpu.memory_space<vmem_shared>>
    %dma_start3A_173 = tpu.memref_slice %arg13[%dma_start3A_162] : memref<2x!tpu.dma_semaphore, #tpu.memory_space<semaphore_mem>> -> memref<1x!tpu.dma_semaphore, #tpu.memory_space<semaphore_mem>>
    %dma_start3A_174 = tpu.memref_squeeze %dma_start3A_173 : memref<1x!tpu.dma_semaphore, #tpu.memory_space<semaphore_mem>> -> memref<!tpu.dma_semaphore, #tpu.memory_space<semaphore_mem>>
    tpu.enqueue_indirect_dma source(%dma_start3A_166 : memref<128x128xf32, #tpu.memory_space<vmem>>) target(%dma_start3A_172 : memref<10112x128xf32, #tpu.memory_space<vmem_shared>>) offsets(%dma_start3A_169 : memref<128xi32, #tpu.memory_space<vmem>>) semaphore(%dma_start3A_174 : memref<!tpu.dma_semaphore, #tpu.memory_space<semaphore_mem>>) {add = true}
    %add3A_175 = arith.constant 2 : i32
    %add3A_176 = arith.addi %mul3A_4, %add3A_175 : i32
    %mul3A_177 = arith.constant 128 : i32
    %mul3A_178 = arith.muli %add3A_176, %mul3A_177 : i32
    %dma_start3A_179 = arith.constant 0 : i32
    %dma_start3A_180 = arith.constant 0 : i32
    %dma_start3A_181 = arith.constant 0 : i32
    %dma_start3A_182 = tpu.memref_slice %arg8[%dma_start3A_179, %dma_start3A_181] : memref<2x128xi32, #tpu.memory_space<vmem>> -> memref<1x128xi32, #tpu.memory_space<vmem>>
    %dma_start3A_183 = tpu.memref_squeeze %dma_start3A_182 : memref<1x128xi32, #tpu.memory_space<vmem>> -> memref<128xi32, #tpu.memory_space<vmem>>
    %dma_start3A_184 = tpu.memref_slice %arg3[%mul3A_178] : memref<327680xi32, #tpu.memory_space<hbm>> -> memref<128xi32, #tpu.memory_space<hbm>>
    %dma_start3A_185 = tpu.memref_slice %arg11[%dma_start3A_180] : memref<2x!tpu.dma_semaphore, #tpu.memory_space<semaphore_mem>> -> memref<1x!tpu.dma_semaphore, #tpu.memory_space<semaphore_mem>>
    %dma_start3A_186 = tpu.memref_squeeze %dma_start3A_185 : memref<1x!tpu.dma_semaphore, #tpu.memory_space<semaphore_mem>> -> memref<!tpu.dma_semaphore, #tpu.memory_space<semaphore_mem>>
    %dma_start3A_187 = arith.constant 0 : i32
    %dma_start3A_188 = tpu.memref_slice %arg8[%dma_start3A_179, %dma_start3A_187] : memref<2x128xi32, #tpu.memory_space<vmem>> -> memref<1x128xi32, #tpu.memory_space<vmem>>
    %dma_start3A_189 = tpu.memref_squeeze %dma_start3A_188 : memref<1x128xi32, #tpu.memory_space<vmem>> -> memref<128xi32, #tpu.memory_space<vmem>>
    %dma_start3A_190 = tpu.memref_slice %arg3[%mul3A_178] : memref<327680xi32, #tpu.memory_space<hbm>> -> memref<128xi32, #tpu.memory_space<hbm>>
    tpu.enqueue_dma source(%dma_start3A_190 : memref<128xi32, #tpu.memory_space<hbm>>) target(%dma_start3A_189 : memref<128xi32, #tpu.memory_space<vmem>>) target_semaphore(%dma_start3A_186 : memref<!tpu.dma_semaphore, #tpu.memory_space<semaphore_mem>>)
    %dma_start3A_191 = arith.constant 0 : i32
    %dma_start3A_192 = arith.constant 0 : i32
    %dma_start3A_193 = arith.constant 0 : i32
    %dma_start3A_194 = tpu.memref_slice %arg9[%dma_start3A_191, %dma_start3A_193] : memref<2x128xi32, #tpu.memory_space<vmem>> -> memref<1x128xi32, #tpu.memory_space<vmem>>
    %dma_start3A_195 = tpu.memref_squeeze %dma_start3A_194 : memref<1x128xi32, #tpu.memory_space<vmem>> -> memref<128xi32, #tpu.memory_space<vmem>>
    %dma_start3A_196 = tpu.memref_slice %arg4[%mul3A_178] : memref<327680xi32, #tpu.memory_space<hbm>> -> memref<128xi32, #tpu.memory_space<hbm>>
    %dma_start3A_197 = tpu.memref_slice %arg11[%dma_start3A_192] : memref<2x!tpu.dma_semaphore, #tpu.memory_space<semaphore_mem>> -> memref<1x!tpu.dma_semaphore, #tpu.memory_space<semaphore_mem>>
    %dma_start3A_198 = tpu.memref_squeeze %dma_start3A_197 : memref<1x!tpu.dma_semaphore, #tpu.memory_space<semaphore_mem>> -> memref<!tpu.dma_semaphore, #tpu.memory_space<semaphore_mem>>
    %dma_start3A_199 = arith.constant 0 : i32
    %dma_start3A_200 = tpu.memref_slice %arg9[%dma_start3A_191, %dma_start3A_199] : memref<2x128xi32, #tpu.memory_space<vmem>> -> memref<1x128xi32, #tpu.memory_space<vmem>>
    %dma_start3A_201 = tpu.memref_squeeze %dma_start3A_200 : memref<1x128xi32, #tpu.memory_space<vmem>> -> memref<128xi32, #tpu.memory_space<vmem>>
    %dma_start3A_202 = tpu.memref_slice %arg4[%mul3A_178] : memref<327680xi32, #tpu.memory_space<hbm>> -> memref<128xi32, #tpu.memory_space<hbm>>
    tpu.enqueue_dma source(%dma_start3A_202 : memref<128xi32, #tpu.memory_space<hbm>>) target(%dma_start3A_201 : memref<128xi32, #tpu.memory_space<vmem>>) target_semaphore(%dma_start3A_198 : memref<!tpu.dma_semaphore, #tpu.memory_space<semaphore_mem>>)
    %dma_wait3A_203 = arith.constant 0 : i32
    %dma_wait3A_204 = arith.constant 0 : i32
    %dma_wait3A_205 = arith.constant 0 : i32
    %dma_wait3A_206 = arith.constant 0 : i32
    %dma_wait3A_207 = arith.constant 0 : i32
    %dma_wait3A_208 = tpu.memref_slice %arg10[%dma_wait3A_203, %dma_wait3A_206, %dma_wait3A_207] : memref<2x128x128xf32, #tpu.memory_space<vmem>> -> memref<1x128x128xf32, #tpu.memory_space<vmem>>
    %dma_wait3A_209 = tpu.memref_squeeze %dma_wait3A_208 : memref<1x128x128xf32, #tpu.memory_space<vmem>> -> memref<128x128xf32, #tpu.memory_space<vmem>>
    %dma_wait3A_210 = arith.constant 0 : i32
    %dma_wait3A_211 = tpu.memref_slice %arg9[%dma_wait3A_204, %dma_wait3A_210] : memref<2x128xi32, #tpu.memory_space<vmem>> -> memref<1x128xi32, #tpu.memory_space<vmem>>
    %dma_wait3A_212 = tpu.memref_squeeze %dma_wait3A_211 : memref<1x128xi32, #tpu.memory_space<vmem>> -> memref<128xi32, #tpu.memory_space<vmem>>
    %dma_wait3A_213 = arith.constant 0 : i32
    %dma_wait3A_214 = arith.constant 0 : i32
    %dma_wait3A_215 = tpu.memref_slice %arg7[%dma_wait3A_213, %dma_wait3A_214] : memref<10112x128xf32, #tpu.memory_space<vmem_shared>> -> memref<10112x128xf32, #tpu.memory_space<vmem_shared>>
    %dma_wait3A_216 = tpu.memref_slice %arg13[%dma_wait3A_205] : memref<2x!tpu.dma_semaphore, #tpu.memory_space<semaphore_mem>> -> memref<1x!tpu.dma_semaphore, #tpu.memory_space<semaphore_mem>>
    %dma_wait3A_217 = tpu.memref_squeeze %dma_wait3A_216 : memref<1x!tpu.dma_semaphore, #tpu.memory_space<semaphore_mem>> -> memref<!tpu.dma_semaphore, #tpu.memory_space<semaphore_mem>>
    tpu.wait_indirect_dma semaphore(%dma_wait3A_217 : memref<!tpu.dma_semaphore, #tpu.memory_space<semaphore_mem>>) src(%dma_wait3A_209 : memref<128x128xf32, #tpu.memory_space<vmem>>) dst(%dma_wait3A_215 : memref<10112x128xf32, #tpu.memory_space<vmem_shared>>)
    %dma_wait3A_218 = arith.constant 0 : i32
    %dma_wait3A_219 = arith.constant 0 : i32
    %dma_wait3A_220 = arith.constant 0 : i32
    %dma_wait3A_221 = tpu.memref_slice %arg8[%dma_wait3A_218, %dma_wait3A_220] : memref<2x128xi32, #tpu.memory_space<vmem>> -> memref<1x128xi32, #tpu.memory_space<vmem>>
    %dma_wait3A_222 = tpu.memref_squeeze %dma_wait3A_221 : memref<1x128xi32, #tpu.memory_space<vmem>> -> memref<128xi32, #tpu.memory_space<vmem>>
    %dma_wait3A_223 = arith.constant 0 : i32
    %dma_wait3A_224 = tpu.memref_slice %arg3[%dma_wait3A_223] : memref<327680xi32, #tpu.memory_space<hbm>> -> memref<128xi32, #tpu.memory_space<hbm>>
    %dma_wait3A_225 = tpu.memref_slice %arg11[%dma_wait3A_219] : memref<2x!tpu.dma_semaphore, #tpu.memory_space<semaphore_mem>> -> memref<1x!tpu.dma_semaphore, #tpu.memory_space<semaphore_mem>>
    %dma_wait3A_226 = tpu.memref_squeeze %dma_wait3A_225 : memref<1x!tpu.dma_semaphore, #tpu.memory_space<semaphore_mem>> -> memref<!tpu.dma_semaphore, #tpu.memory_space<semaphore_mem>>
    %dma_wait3A_227 = arith.constant 0 : i32
    %dma_wait3A_228 = tpu.memref_slice %arg8[%dma_wait3A_218, %dma_wait3A_227] : memref<2x128xi32, #tpu.memory_space<vmem>> -> memref<1x128xi32, #tpu.memory_space<vmem>>
    %dma_wait3A_229 = tpu.memref_squeeze %dma_wait3A_228 : memref<1x128xi32, #tpu.memory_space<vmem>> -> memref<128xi32, #tpu.memory_space<vmem>>
    %dma_wait3A_230 = arith.constant 0 : i32
    %dma_wait3A_231 = tpu.memref_slice %arg3[%dma_wait3A_230] : memref<327680xi32, #tpu.memory_space<hbm>> -> memref<128xi32, #tpu.memory_space<hbm>>
    tpu.wait_dma2 semaphore(%dma_wait3A_226 : memref<!tpu.dma_semaphore, #tpu.memory_space<semaphore_mem>>) src(%dma_wait3A_231 : memref<128xi32, #tpu.memory_space<hbm>>) dst(%dma_wait3A_229 : memref<128xi32, #tpu.memory_space<vmem>>)
    %dma_wait3A_232 = arith.constant 0 : i32
    %dma_wait3A_233 = arith.constant 0 : i32
    %dma_wait3A_234 = arith.constant 0 : i32
    %dma_wait3A_235 = tpu.memref_slice %arg9[%dma_wait3A_232, %dma_wait3A_234] : memref<2x128xi32, #tpu.memory_space<vmem>> -> memref<1x128xi32, #tpu.memory_space<vmem>>
    %dma_wait3A_236 = tpu.memref_squeeze %dma_wait3A_235 : memref<1x128xi32, #tpu.memory_space<vmem>> -> memref<128xi32, #tpu.memory_space<vmem>>
    %dma_wait3A_237 = arith.constant 0 : i32
    %dma_wait3A_238 = tpu.memref_slice %arg4[%dma_wait3A_237] : memref<327680xi32, #tpu.memory_space<hbm>> -> memref<128xi32, #tpu.memory_space<hbm>>
    %dma_wait3A_239 = tpu.memref_slice %arg11[%dma_wait3A_233] : memref<2x!tpu.dma_semaphore, #tpu.memory_space<semaphore_mem>> -> memref<1x!tpu.dma_semaphore, #tpu.memory_space<semaphore_mem>>
    %dma_wait3A_240 = tpu.memref_squeeze %dma_wait3A_239 : memref<1x!tpu.dma_semaphore, #tpu.memory_space<semaphore_mem>> -> memref<!tpu.dma_semaphore, #tpu.memory_space<semaphore_mem>>
    %dma_wait3A_241 = arith.constant 0 : i32
    %dma_wait3A_242 = tpu.memref_slice %arg9[%dma_wait3A_232, %dma_wait3A_241] : memref<2x128xi32, #tpu.memory_space<vmem>> -> memref<1x128xi32, #tpu.memory_space<vmem>>
    %dma_wait3A_243 = tpu.memref_squeeze %dma_wait3A_242 : memref<1x128xi32, #tpu.memory_space<vmem>> -> memref<128xi32, #tpu.memory_space<vmem>>
    %dma_wait3A_244 = arith.constant 0 : i32
    %dma_wait3A_245 = tpu.memref_slice %arg4[%dma_wait3A_244] : memref<327680xi32, #tpu.memory_space<hbm>> -> memref<128xi32, #tpu.memory_space<hbm>>
    tpu.wait_dma2 semaphore(%dma_wait3A_240 : memref<!tpu.dma_semaphore, #tpu.memory_space<semaphore_mem>>) src(%dma_wait3A_245 : memref<128xi32, #tpu.memory_space<hbm>>) dst(%dma_wait3A_243 : memref<128xi32, #tpu.memory_space<vmem>>)
    %dma_start3A_246 = arith.constant 0 : i32
    %dma_start3A_247 = arith.constant 0 : i32
    %dma_start3A_248 = arith.constant 0 : i32
    %dma_start3A_249 = arith.constant 0 : i32
    %dma_start3A_250 = arith.constant 0 : i32
    %dma_start3A_251 = tpu.memref_slice %arg10[%dma_start3A_247, %dma_start3A_249, %dma_start3A_250] : memref<2x128x128xf32, #tpu.memory_space<vmem>> -> memref<1x128x128xf32, #tpu.memory_space<vmem>>
    %dma_start3A_252 = tpu.memref_squeeze %dma_start3A_251 : memref<1x128x128xf32, #tpu.memory_space<vmem>> -> memref<128x128xf32, #tpu.memory_space<vmem>>
    %dma_start3A_253 = arith.constant 0 : i32
    %dma_start3A_254 = tpu.memref_slice %arg8[%dma_start3A_246, %dma_start3A_253] : memref<2x128xi32, #tpu.memory_space<vmem>> -> memref<1x128xi32, #tpu.memory_space<vmem>>
    %dma_start3A_255 = tpu.memref_squeeze %dma_start3A_254 : memref<1x128xi32, #tpu.memory_space<vmem>> -> memref<128xi32, #tpu.memory_space<vmem>>
    %dma_start3A_256 = arith.constant 0 : i32
    %dma_start3A_257 = arith.constant 0 : i32
    %dma_start3A_258 = tpu.memref_slice %arg2[%dma_start3A_256, %dma_start3A_257] : memref<10000x128xf32, #tpu.memory_space<hbm>> -> memref<10000x128xf32, #tpu.memory_space<hbm>>
    %dma_start3A_259 = tpu.memref_slice %arg12[%dma_start3A_248] : memref<2x!tpu.dma_semaphore, #tpu.memory_space<semaphore_mem>> -> memref<1x!tpu.dma_semaphore, #tpu.memory_space<semaphore_mem>>
    %dma_start3A_260 = tpu.memref_squeeze %dma_start3A_259 : memref<1x!tpu.dma_semaphore, #tpu.memory_space<semaphore_mem>> -> memref<!tpu.dma_semaphore, #tpu.memory_space<semaphore_mem>>
    tpu.enqueue_indirect_dma source(%dma_start3A_258 : memref<10000x128xf32, #tpu.memory_space<hbm>>) target(%dma_start3A_252 : memref<128x128xf32, #tpu.memory_space<vmem>>) offsets(%dma_start3A_255 : memref<128xi32, #tpu.memory_space<vmem>>) semaphore(%dma_start3A_260 : memref<!tpu.dma_semaphore, #tpu.memory_space<semaphore_mem>>)
    %dma_wait3A_261 = arith.constant 1 : i32
    %dma_wait3A_262 = arith.constant 1 : i32
    %dma_wait3A_263 = arith.constant 1 : i32
    %dma_wait3A_264 = arith.constant 0 : i32
    %dma_wait3A_265 = arith.constant 0 : i32
    %dma_wait3A_266 = tpu.memref_slice %arg10[%dma_wait3A_262, %dma_wait3A_264, %dma_wait3A_265] : memref<2x128x128xf32, #tpu.memory_space<vmem>> -> memref<1x128x128xf32, #tpu.memory_space<vmem>>
    %dma_wait3A_267 = tpu.memref_squeeze %dma_wait3A_266 : memref<1x128x128xf32, #tpu.memory_space<vmem>> -> memref<128x128xf32, #tpu.memory_space<vmem>>
    %dma_wait3A_268 = arith.constant 0 : i32
    %dma_wait3A_269 = tpu.memref_slice %arg8[%dma_wait3A_261, %dma_wait3A_268] : memref<2x128xi32, #tpu.memory_space<vmem>> -> memref<1x128xi32, #tpu.memory_space<vmem>>
    %dma_wait3A_270 = tpu.memref_squeeze %dma_wait3A_269 : memref<1x128xi32, #tpu.memory_space<vmem>> -> memref<128xi32, #tpu.memory_space<vmem>>
    %dma_wait3A_271 = arith.constant 0 : i32
    %dma_wait3A_272 = arith.constant 0 : i32
    %dma_wait3A_273 = tpu.memref_slice %arg2[%dma_wait3A_271, %dma_wait3A_272] : memref<10000x128xf32, #tpu.memory_space<hbm>> -> memref<10000x128xf32, #tpu.memory_space<hbm>>
    %dma_wait3A_274 = tpu.memref_slice %arg12[%dma_wait3A_263] : memref<2x!tpu.dma_semaphore, #tpu.memory_space<semaphore_mem>> -> memref<1x!tpu.dma_semaphore, #tpu.memory_space<semaphore_mem>>
    %dma_wait3A_275 = tpu.memref_squeeze %dma_wait3A_274 : memref<1x!tpu.dma_semaphore, #tpu.memory_space<semaphore_mem>> -> memref<!tpu.dma_semaphore, #tpu.memory_space<semaphore_mem>>
    tpu.wait_indirect_dma semaphore(%dma_wait3A_275 : memref<!tpu.dma_semaphore, #tpu.memory_space<semaphore_mem>>) src(%dma_wait3A_273 : memref<10000x128xf32, #tpu.memory_space<hbm>>) dst(%dma_wait3A_267 : memref<128x128xf32, #tpu.memory_space<vmem>>)
    %dma_start3A_276 = arith.constant 1 : i32
    %dma_start3A_277 = arith.constant 1 : i32
    %dma_start3A_278 = arith.constant 1 : i32
    %dma_start3A_279 = arith.constant 0 : i32
    %dma_start3A_280 = arith.constant 0 : i32
    %dma_start3A_281 = tpu.memref_slice %arg10[%dma_start3A_276, %dma_start3A_279, %dma_start3A_280] : memref<2x128x128xf32, #tpu.memory_space<vmem>> -> memref<1x128x128xf32, #tpu.memory_space<vmem>>
    %dma_start3A_282 = tpu.memref_squeeze %dma_start3A_281 : memref<1x128x128xf32, #tpu.memory_space<vmem>> -> memref<128x128xf32, #tpu.memory_space<vmem>>
    %dma_start3A_283 = arith.constant 0 : i32
    %dma_start3A_284 = tpu.memref_slice %arg9[%dma_start3A_277, %dma_start3A_283] : memref<2x128xi32, #tpu.memory_space<vmem>> -> memref<1x128xi32, #tpu.memory_space<vmem>>
    %dma_start3A_285 = tpu.memref_squeeze %dma_start3A_284 : memref<1x128xi32, #tpu.memory_space<vmem>> -> memref<128xi32, #tpu.memory_space<vmem>>
    %dma_start3A_286 = arith.constant 0 : i32
    %dma_start3A_287 = arith.constant 0 : i32
    %dma_start3A_288 = tpu.memref_slice %arg7[%dma_start3A_286, %dma_start3A_287] : memref<10112x128xf32, #tpu.memory_space<vmem_shared>> -> memref<10112x128xf32, #tpu.memory_space<vmem_shared>>
    %dma_start3A_289 = tpu.memref_slice %arg13[%dma_start3A_278] : memref<2x!tpu.dma_semaphore, #tpu.memory_space<semaphore_mem>> -> memref<1x!tpu.dma_semaphore, #tpu.memory_space<semaphore_mem>>
    %dma_start3A_290 = tpu.memref_squeeze %dma_start3A_289 : memref<1x!tpu.dma_semaphore, #tpu.memory_space<semaphore_mem>> -> memref<!tpu.dma_semaphore, #tpu.memory_space<semaphore_mem>>
    tpu.enqueue_indirect_dma source(%dma_start3A_282 : memref<128x128xf32, #tpu.memory_space<vmem>>) target(%dma_start3A_288 : memref<10112x128xf32, #tpu.memory_space<vmem_shared>>) offsets(%dma_start3A_285 : memref<128xi32, #tpu.memory_space<vmem>>) semaphore(%dma_start3A_290 : memref<!tpu.dma_semaphore, #tpu.memory_space<semaphore_mem>>) {add = true}
    %add3A_291 = arith.constant 3 : i32
    %add3A_292 = arith.addi %mul3A_4, %add3A_291 : i32
    %mul3A_293 = arith.constant 128 : i32
    %mul3A_294 = arith.muli %add3A_292, %mul3A_293 : i32
    %dma_start3A_295 = arith.constant 1 : i32
    %dma_start3A_296 = arith.constant 1 : i32
    %dma_start3A_297 = arith.constant 0 : i32
    %dma_start3A_298 = tpu.memref_slice %arg8[%dma_start3A_295, %dma_start3A_297] : memref<2x128xi32, #tpu.memory_space<vmem>> -> memref<1x128xi32, #tpu.memory_space<vmem>>
    %dma_start3A_299 = tpu.memref_squeeze %dma_start3A_298 : memref<1x128xi32, #tpu.memory_space<vmem>> -> memref<128xi32, #tpu.memory_space<vmem>>
    %dma_start3A_300 = tpu.memref_slice %arg3[%mul3A_294] : memref<327680xi32, #tpu.memory_space<hbm>> -> memref<128xi32, #tpu.memory_space<hbm>>
    %dma_start3A_301 = tpu.memref_slice %arg11[%dma_start3A_296] : memref<2x!tpu.dma_semaphore, #tpu.memory_space<semaphore_mem>> -> memref<1x!tpu.dma_semaphore, #tpu.memory_space<semaphore_mem>>
    %dma_start3A_302 = tpu.memref_squeeze %dma_start3A_301 : memref<1x!tpu.dma_semaphore, #tpu.memory_space<semaphore_mem>> -> memref<!tpu.dma_semaphore, #tpu.memory_space<semaphore_mem>>
    %dma_start3A_303 = arith.constant 0 : i32
    %dma_start3A_304 = tpu.memref_slice %arg8[%dma_start3A_295, %dma_start3A_303] : memref<2x128xi32, #tpu.memory_space<vmem>> -> memref<1x128xi32, #tpu.memory_space<vmem>>
    %dma_start3A_305 = tpu.memref_squeeze %dma_start3A_304 : memref<1x128xi32, #tpu.memory_space<vmem>> -> memref<128xi32, #tpu.memory_space<vmem>>
    %dma_start3A_306 = tpu.memref_slice %arg3[%mul3A_294] : memref<327680xi32, #tpu.memory_space<hbm>> -> memref<128xi32, #tpu.memory_space<hbm>>
    tpu.enqueue_dma source(%dma_start3A_306 : memref<128xi32, #tpu.memory_space<hbm>>) target(%dma_start3A_305 : memref<128xi32, #tpu.memory_space<vmem>>) target_semaphore(%dma_start3A_302 : memref<!tpu.dma_semaphore, #tpu.memory_space<semaphore_mem>>)
    %dma_start3A_307 = arith.constant 1 : i32
    %dma_start3A_308 = arith.constant 1 : i32
    %dma_start3A_309 = arith.constant 0 : i32
    %dma_start3A_310 = tpu.memref_slice %arg9[%dma_start3A_307, %dma_start3A_309] : memref<2x128xi32, #tpu.memory_space<vmem>> -> memref<1x128xi32, #tpu.memory_space<vmem>>
    %dma_start3A_311 = tpu.memref_squeeze %dma_start3A_310 : memref<1x128xi32, #tpu.memory_space<vmem>> -> memref<128xi32, #tpu.memory_space<vmem>>
    %dma_start3A_312 = tpu.memref_slice %arg4[%mul3A_294] : memref<327680xi32, #tpu.memory_space<hbm>> -> memref<128xi32, #tpu.memory_space<hbm>>
    %dma_start3A_313 = tpu.memref_slice %arg11[%dma_start3A_308] : memref<2x!tpu.dma_semaphore, #tpu.memory_space<semaphore_mem>> -> memref<1x!tpu.dma_semaphore, #tpu.memory_space<semaphore_mem>>
    %dma_start3A_314 = tpu.memref_squeeze %dma_start3A_313 : memref<1x!tpu.dma_semaphore, #tpu.memory_space<semaphore_mem>> -> memref<!tpu.dma_semaphore, #tpu.memory_space<semaphore_mem>>
    %dma_start3A_315 = arith.constant 0 : i32
    %dma_start3A_316 = tpu.memref_slice %arg9[%dma_start3A_307, %dma_start3A_315] : memref<2x128xi32, #tpu.memory_space<vmem>> -> memref<1x128xi32, #tpu.memory_space<vmem>>
    %dma_start3A_317 = tpu.memref_squeeze %dma_start3A_316 : memref<1x128xi32, #tpu.memory_space<vmem>> -> memref<128xi32, #tpu.memory_space<vmem>>
    %dma_start3A_318 = tpu.memref_slice %arg4[%mul3A_294] : memref<327680xi32, #tpu.memory_space<hbm>> -> memref<128xi32, #tpu.memory_space<hbm>>
    tpu.enqueue_dma source(%dma_start3A_318 : memref<128xi32, #tpu.memory_space<hbm>>) target(%dma_start3A_317 : memref<128xi32, #tpu.memory_space<vmem>>) target_semaphore(%dma_start3A_314 : memref<!tpu.dma_semaphore, #tpu.memory_space<semaphore_mem>>)
    %scan3A = arith.constant 0 : i32
    %scan3A_319 = arith.constant 1 : i32
    %scan3A_320 = arith.constant 38 : i32
    %scan3A_321 = arith.addi %scan3A_319, %scan3A_320 : i32
    %scan3A_322 = arith.constant 1 : i32
    scf.for %scan3A_473 = %scan3A_319 to %scan3A_321 step %scan3A_322  : i32 {
      %mul3A_474 = arith.constant 2 : i32
      %mul3A_475 = arith.muli %scan3A_473, %mul3A_474 : i32
      %add3A_476 = arith.constant 0 : i32
      %add3A_477 = arith.addi %mul3A_475, %add3A_476 : i32
      %dma_wait3A_478 = arith.constant 1 : i32
      %dma_wait3A_479 = arith.constant 1 : i32
      %dma_wait3A_480 = arith.constant 1 : i32
      %dma_wait3A_481 = arith.constant 0 : i32
      %dma_wait3A_482 = arith.constant 0 : i32
      %dma_wait3A_483 = tpu.memref_slice %arg10[%dma_wait3A_478, %dma_wait3A_481, %dma_wait3A_482] : memref<2x128x128xf32, #tpu.memory_space<vmem>> -> memref<1x128x128xf32, #tpu.memory_space<vmem>>
      %dma_wait3A_484 = tpu.memref_squeeze %dma_wait3A_483 : memref<1x128x128xf32, #tpu.memory_space<vmem>> -> memref<128x128xf32, #tpu.memory_space<vmem>>
      %dma_wait3A_485 = arith.constant 0 : i32
      %dma_wait3A_486 = tpu.memref_slice %arg9[%dma_wait3A_479, %dma_wait3A_485] : memref<2x128xi32, #tpu.memory_space<vmem>> -> memref<1x128xi32, #tpu.memory_space<vmem>>
      %dma_wait3A_487 = tpu.memref_squeeze %dma_wait3A_486 : memref<1x128xi32, #tpu.memory_space<vmem>> -> memref<128xi32, #tpu.memory_space<vmem>>
      %dma_wait3A_488 = arith.constant 0 : i32
      %dma_wait3A_489 = arith.constant 0 : i32
      %dma_wait3A_490 = tpu.memref_slice %arg7[%dma_wait3A_488, %dma_wait3A_489] : memref<10112x128xf32, #tpu.memory_space<vmem_shared>> -> memref<10112x128xf32, #tpu.memory_space<vmem_shared>>
      %dma_wait3A_491 = tpu.memref_slice %arg13[%dma_wait3A_480] : memref<2x!tpu.dma_semaphore, #tpu.memory_space<semaphore_mem>> -> memref<1x!tpu.dma_semaphore, #tpu.memory_space<semaphore_mem>>
      %dma_wait3A_492 = tpu.memref_squeeze %dma_wait3A_491 : memref<1x!tpu.dma_semaphore, #tpu.memory_space<semaphore_mem>> -> memref<!tpu.dma_semaphore, #tpu.memory_space<semaphore_mem>>
      tpu.wait_indirect_dma semaphore(%dma_wait3A_492 : memref<!tpu.dma_semaphore, #tpu.memory_space<semaphore_mem>>) src(%dma_wait3A_484 : memref<128x128xf32, #tpu.memory_space<vmem>>) dst(%dma_wait3A_490 : memref<10112x128xf32, #tpu.memory_space<vmem_shared>>)
      %dma_wait3A_493 = arith.constant 1 : i32
      %dma_wait3A_494 = arith.constant 1 : i32
      %dma_wait3A_495 = arith.constant 0 : i32
      %dma_wait3A_496 = tpu.memref_slice %arg8[%dma_wait3A_493, %dma_wait3A_495] : memref<2x128xi32, #tpu.memory_space<vmem>> -> memref<1x128xi32, #tpu.memory_space<vmem>>
      %dma_wait3A_497 = tpu.memref_squeeze %dma_wait3A_496 : memref<1x128xi32, #tpu.memory_space<vmem>> -> memref<128xi32, #tpu.memory_space<vmem>>
      %dma_wait3A_498 = arith.constant 0 : i32
      %dma_wait3A_499 = tpu.memref_slice %arg3[%dma_wait3A_498] : memref<327680xi32, #tpu.memory_space<hbm>> -> memref<128xi32, #tpu.memory_space<hbm>>
      %dma_wait3A_500 = tpu.memref_slice %arg11[%dma_wait3A_494] : memref<2x!tpu.dma_semaphore, #tpu.memory_space<semaphore_mem>> -> memref<1x!tpu.dma_semaphore, #tpu.memory_space<semaphore_mem>>
      %dma_wait3A_501 = tpu.memref_squeeze %dma_wait3A_500 : memref<1x!tpu.dma_semaphore, #tpu.memory_space<semaphore_mem>> -> memref<!tpu.dma_semaphore, #tpu.memory_space<semaphore_mem>>
      %dma_wait3A_502 = arith.constant 0 : i32
      %dma_wait3A_503 = tpu.memref_slice %arg8[%dma_wait3A_493, %dma_wait3A_502] : memref<2x128xi32, #tpu.memory_space<vmem>> -> memref<1x128xi32, #tpu.memory_space<vmem>>
      %dma_wait3A_504 = tpu.memref_squeeze %dma_wait3A_503 : memref<1x128xi32, #tpu.memory_space<vmem>> -> memref<128xi32, #tpu.memory_space<vmem>>
      %dma_wait3A_505 = arith.constant 0 : i32
      %dma_wait3A_506 = tpu.memref_slice %arg3[%dma_wait3A_505] : memref<327680xi32, #tpu.memory_space<hbm>> -> memref<128xi32, #tpu.memory_space<hbm>>
      tpu.wait_dma2 semaphore(%dma_wait3A_501 : memref<!tpu.dma_semaphore, #tpu.memory_space<semaphore_mem>>) src(%dma_wait3A_506 : memref<128xi32, #tpu.memory_space<hbm>>) dst(%dma_wait3A_504 : memref<128xi32, #tpu.memory_space<vmem>>)
      %dma_wait3A_507 = arith.constant 1 : i32
      %dma_wait3A_508 = arith.constant 1 : i32
      %dma_wait3A_509 = arith.constant 0 : i32
      %dma_wait3A_510 = tpu.memref_slice %arg9[%dma_wait3A_507, %dma_wait3A_509] : memref<2x128xi32, #tpu.memory_space<vmem>> -> memref<1x128xi32, #tpu.memory_space<vmem>>
      %dma_wait3A_511 = tpu.memref_squeeze %dma_wait3A_510 : memref<1x128xi32, #tpu.memory_space<vmem>> -> memref<128xi32, #tpu.memory_space<vmem>>
      %dma_wait3A_512 = arith.constant 0 : i32
      %dma_wait3A_513 = tpu.memref_slice %arg4[%dma_wait3A_512] : memref<327680xi32, #tpu.memory_space<hbm>> -> memref<128xi32, #tpu.memory_space<hbm>>
      %dma_wait3A_514 = tpu.memref_slice %arg11[%dma_wait3A_508] : memref<2x!tpu.dma_semaphore, #tpu.memory_space<semaphore_mem>> -> memref<1x!tpu.dma_semaphore, #tpu.memory_space<semaphore_mem>>
      %dma_wait3A_515 = tpu.memref_squeeze %dma_wait3A_514 : memref<1x!tpu.dma_semaphore, #tpu.memory_space<semaphore_mem>> -> memref<!tpu.dma_semaphore, #tpu.memory_space<semaphore_mem>>
      %dma_wait3A_516 = arith.constant 0 : i32
      %dma_wait3A_517 = tpu.memref_slice %arg9[%dma_wait3A_507, %dma_wait3A_516] : memref<2x128xi32, #tpu.memory_space<vmem>> -> memref<1x128xi32, #tpu.memory_space<vmem>>
      %dma_wait3A_518 = tpu.memref_squeeze %dma_wait3A_517 : memref<1x128xi32, #tpu.memory_space<vmem>> -> memref<128xi32, #tpu.memory_space<vmem>>
      %dma_wait3A_519 = arith.constant 0 : i32
      %dma_wait3A_520 = tpu.memref_slice %arg4[%dma_wait3A_519] : memref<327680xi32, #tpu.memory_space<hbm>> -> memref<128xi32, #tpu.memory_space<hbm>>
      tpu.wait_dma2 semaphore(%dma_wait3A_515 : memref<!tpu.dma_semaphore, #tpu.memory_space<semaphore_mem>>) src(%dma_wait3A_520 : memref<128xi32, #tpu.memory_space<hbm>>) dst(%dma_wait3A_518 : memref<128xi32, #tpu.memory_space<vmem>>)
      %dma_start3A_521 = arith.constant 1 : i32
      %dma_start3A_522 = arith.constant 1 : i32
      %dma_start3A_523 = arith.constant 1 : i32
      %dma_start3A_524 = arith.constant 0 : i32
      %dma_start3A_525 = arith.constant 0 : i32
      %dma_start3A_526 = tpu.memref_slice %arg10[%dma_start3A_522, %dma_start3A_524, %dma_start3A_525] : memref<2x128x128xf32, #tpu.memory_space<vmem>> -> memref<1x128x128xf32, #tpu.memory_space<vmem>>
      %dma_start3A_527 = tpu.memref_squeeze %dma_start3A_526 : memref<1x128x128xf32, #tpu.memory_space<vmem>> -> memref<128x128xf32, #tpu.memory_space<vmem>>
      %dma_start3A_528 = arith.constant 0 : i32
      %dma_start3A_529 = tpu.memref_slice %arg8[%dma_start3A_521, %dma_start3A_528] : memref<2x128xi32, #tpu.memory_space<vmem>> -> memref<1x128xi32, #tpu.memory_space<vmem>>
      %dma_start3A_530 = tpu.memref_squeeze %dma_start3A_529 : memref<1x128xi32, #tpu.memory_space<vmem>> -> memref<128xi32, #tpu.memory_space<vmem>>
      %dma_start3A_531 = arith.constant 0 : i32
      %dma_start3A_532 = arith.constant 0 : i32
      %dma_start3A_533 = tpu.memref_slice %arg2[%dma_start3A_531, %dma_start3A_532] : memref<10000x128xf32, #tpu.memory_space<hbm>> -> memref<10000x128xf32, #tpu.memory_space<hbm>>
      %dma_start3A_534 = tpu.memref_slice %arg12[%dma_start3A_523] : memref<2x!tpu.dma_semaphore, #tpu.memory_space<semaphore_mem>> -> memref<1x!tpu.dma_semaphore, #tpu.memory_space<semaphore_mem>>
      %dma_start3A_535 = tpu.memref_squeeze %dma_start3A_534 : memref<1x!tpu.dma_semaphore, #tpu.memory_space<semaphore_mem>> -> memref<!tpu.dma_semaphore, #tpu.memory_space<semaphore_mem>>
      tpu.enqueue_indirect_dma source(%dma_start3A_533 : memref<10000x128xf32, #tpu.memory_space<hbm>>) target(%dma_start3A_527 : memref<128x128xf32, #tpu.memory_space<vmem>>) offsets(%dma_start3A_530 : memref<128xi32, #tpu.memory_space<vmem>>) semaphore(%dma_start3A_535 : memref<!tpu.dma_semaphore, #tpu.memory_space<semaphore_mem>>)
      %dma_wait3A_536 = arith.constant 0 : i32
      %dma_wait3A_537 = arith.constant 0 : i32
      %dma_wait3A_538 = arith.constant 0 : i32
      %dma_wait3A_539 = arith.constant 0 : i32
      %dma_wait3A_540 = arith.constant 0 : i32
      %dma_wait3A_541 = tpu.memref_slice %arg10[%dma_wait3A_537, %dma_wait3A_539, %dma_wait3A_540] : memref<2x128x128xf32, #tpu.memory_space<vmem>> -> memref<1x128x128xf32, #tpu.memory_space<vmem>>
      %dma_wait3A_542 = tpu.memref_squeeze %dma_wait3A_541 : memref<1x128x128xf32, #tpu.memory_space<vmem>> -> memref<128x128xf32, #tpu.memory_space<vmem>>
      %dma_wait3A_543 = arith.constant 0 : i32
      %dma_wait3A_544 = tpu.memref_slice %arg8[%dma_wait3A_536, %dma_wait3A_543] : memref<2x128xi32, #tpu.memory_space<vmem>> -> memref<1x128xi32, #tpu.memory_space<vmem>>
      %dma_wait3A_545 = tpu.memref_squeeze %dma_wait3A_544 : memref<1x128xi32, #tpu.memory_space<vmem>> -> memref<128xi32, #tpu.memory_space<vmem>>
      %dma_wait3A_546 = arith.constant 0 : i32
      %dma_wait3A_547 = arith.constant 0 : i32
      %dma_wait3A_548 = tpu.memref_slice %arg2[%dma_wait3A_546, %dma_wait3A_547] : memref<10000x128xf32, #tpu.memory_space<hbm>> -> memref<10000x128xf32, #tpu.memory_space<hbm>>
      %dma_wait3A_549 = tpu.memref_slice %arg12[%dma_wait3A_538] : memref<2x!tpu.dma_semaphore, #tpu.memory_space<semaphore_mem>> -> memref<1x!tpu.dma_semaphore, #tpu.memory_space<semaphore_mem>>
      %dma_wait3A_550 = tpu.memref_squeeze %dma_wait3A_549 : memref<1x!tpu.dma_semaphore, #tpu.memory_space<semaphore_mem>> -> memref<!tpu.dma_semaphore, #tpu.memory_space<semaphore_mem>>
      tpu.wait_indirect_dma semaphore(%dma_wait3A_550 : memref<!tpu.dma_semaphore, #tpu.memory_space<semaphore_mem>>) src(%dma_wait3A_548 : memref<10000x128xf32, #tpu.memory_space<hbm>>) dst(%dma_wait3A_542 : memref<128x128xf32, #tpu.memory_space<vmem>>)
      %dma_start3A_551 = arith.constant 0 : i32
      %dma_start3A_552 = arith.constant 0 : i32
      %dma_start3A_553 = arith.constant 0 : i32
      %dma_start3A_554 = arith.constant 0 : i32
      %dma_start3A_555 = arith.constant 0 : i32
      %dma_start3A_556 = tpu.memref_slice %arg10[%dma_start3A_551, %dma_start3A_554, %dma_start3A_555] : memref<2x128x128xf32, #tpu.memory_space<vmem>> -> memref<1x128x128xf32, #tpu.memory_space<vmem>>
      %dma_start3A_557 = tpu.memref_squeeze %dma_start3A_556 : memref<1x128x128xf32, #tpu.memory_space<vmem>> -> memref<128x128xf32, #tpu.memory_space<vmem>>
      %dma_start3A_558 = arith.constant 0 : i32
      %dma_start3A_559 = tpu.memref_slice %arg9[%dma_start3A_552, %dma_start3A_558] : memref<2x128xi32, #tpu.memory_space<vmem>> -> memref<1x128xi32, #tpu.memory_space<vmem>>
      %dma_start3A_560 = tpu.memref_squeeze %dma_start3A_559 : memref<1x128xi32, #tpu.memory_space<vmem>> -> memref<128xi32, #tpu.memory_space<vmem>>
      %dma_start3A_561 = arith.constant 0 : i32
      %dma_start3A_562 = arith.constant 0 : i32
      %dma_start3A_563 = tpu.memref_slice %arg7[%dma_start3A_561, %dma_start3A_562] : memref<10112x128xf32, #tpu.memory_space<vmem_shared>> -> memref<10112x128xf32, #tpu.memory_space<vmem_shared>>
      %dma_start3A_564 = tpu.memref_slice %arg13[%dma_start3A_553] : memref<2x!tpu.dma_semaphore, #tpu.memory_space<semaphore_mem>> -> memref<1x!tpu.dma_semaphore, #tpu.memory_space<semaphore_mem>>
      %dma_start3A_565 = tpu.memref_squeeze %dma_start3A_564 : memref<1x!tpu.dma_semaphore, #tpu.memory_space<semaphore_mem>> -> memref<!tpu.dma_semaphore, #tpu.memory_space<semaphore_mem>>
      tpu.enqueue_indirect_dma source(%dma_start3A_557 : memref<128x128xf32, #tpu.memory_space<vmem>>) target(%dma_start3A_563 : memref<10112x128xf32, #tpu.memory_space<vmem_shared>>) offsets(%dma_start3A_560 : memref<128xi32, #tpu.memory_space<vmem>>) semaphore(%dma_start3A_565 : memref<!tpu.dma_semaphore, #tpu.memory_space<semaphore_mem>>) {add = true}
      %add3A_566 = arith.constant 2 : i32
      %add3A_567 = arith.addi %add3A_477, %add3A_566 : i32
      %add3A_568 = arith.addi %mul3A_4, %add3A_567 : i32
      %mul3A_569 = arith.constant 128 : i32
      %mul3A_570 = arith.muli %add3A_568, %mul3A_569 : i32
      %dma_start3A_571 = arith.constant 0 : i32
      %dma_start3A_572 = arith.constant 0 : i32
      %dma_start3A_573 = arith.constant 0 : i32
      %dma_start3A_574 = tpu.memref_slice %arg8[%dma_start3A_571, %dma_start3A_573] : memref<2x128xi32, #tpu.memory_space<vmem>> -> memref<1x128xi32, #tpu.memory_space<vmem>>
      %dma_start3A_575 = tpu.memref_squeeze %dma_start3A_574 : memref<1x128xi32, #tpu.memory_space<vmem>> -> memref<128xi32, #tpu.memory_space<vmem>>
      %dma_start3A_576 = tpu.memref_slice %arg3[%mul3A_570] : memref<327680xi32, #tpu.memory_space<hbm>> -> memref<128xi32, #tpu.memory_space<hbm>>
      %dma_start3A_577 = tpu.memref_slice %arg11[%dma_start3A_572] : memref<2x!tpu.dma_semaphore, #tpu.memory_space<semaphore_mem>> -> memref<1x!tpu.dma_semaphore, #tpu.memory_space<semaphore_mem>>
      %dma_start3A_578 = tpu.memref_squeeze %dma_start3A_577 : memref<1x!tpu.dma_semaphore, #tpu.memory_space<semaphore_mem>> -> memref<!tpu.dma_semaphore, #tpu.memory_space<semaphore_mem>>
      %dma_start3A_579 = arith.constant 0 : i32
      %dma_start3A_580 = tpu.memref_slice %arg8[%dma_start3A_571, %dma_start3A_579] : memref<2x128xi32, #tpu.memory_space<vmem>> -> memref<1x128xi32, #tpu.memory_space<vmem>>
      %dma_start3A_581 = tpu.memref_squeeze %dma_start3A_580 : memref<1x128xi32, #tpu.memory_space<vmem>> -> memref<128xi32, #tpu.memory_space<vmem>>
      %dma_start3A_582 = tpu.memref_slice %arg3[%mul3A_570] : memref<327680xi32, #tpu.memory_space<hbm>> -> memref<128xi32, #tpu.memory_space<hbm>>
      tpu.enqueue_dma source(%dma_start3A_582 : memref<128xi32, #tpu.memory_space<hbm>>) target(%dma_start3A_581 : memref<128xi32, #tpu.memory_space<vmem>>) target_semaphore(%dma_start3A_578 : memref<!tpu.dma_semaphore, #tpu.memory_space<semaphore_mem>>)
      %dma_start3A_583 = arith.constant 0 : i32
      %dma_start3A_584 = arith.constant 0 : i32
      %dma_start3A_585 = arith.constant 0 : i32
      %dma_start3A_586 = tpu.memref_slice %arg9[%dma_start3A_583, %dma_start3A_585] : memref<2x128xi32, #tpu.memory_space<vmem>> -> memref<1x128xi32, #tpu.memory_space<vmem>>
      %dma_start3A_587 = tpu.memref_squeeze %dma_start3A_586 : memref<1x128xi32, #tpu.memory_space<vmem>> -> memref<128xi32, #tpu.memory_space<vmem>>
      %dma_start3A_588 = tpu.memref_slice %arg4[%mul3A_570] : memref<327680xi32, #tpu.memory_space<hbm>> -> memref<128xi32, #tpu.memory_space<hbm>>
      %dma_start3A_589 = tpu.memref_slice %arg11[%dma_start3A_584] : memref<2x!tpu.dma_semaphore, #tpu.memory_space<semaphore_mem>> -> memref<1x!tpu.dma_semaphore, #tpu.memory_space<semaphore_mem>>
      %dma_start3A_590 = tpu.memref_squeeze %dma_start3A_589 : memref<1x!tpu.dma_semaphore, #tpu.memory_space<semaphore_mem>> -> memref<!tpu.dma_semaphore, #tpu.memory_space<semaphore_mem>>
      %dma_start3A_591 = arith.constant 0 : i32
      %dma_start3A_592 = tpu.memref_slice %arg9[%dma_start3A_583, %dma_start3A_591] : memref<2x128xi32, #tpu.memory_space<vmem>> -> memref<1x128xi32, #tpu.memory_space<vmem>>
      %dma_start3A_593 = tpu.memref_squeeze %dma_start3A_592 : memref<1x128xi32, #tpu.memory_space<vmem>> -> memref<128xi32, #tpu.memory_space<vmem>>
      %dma_start3A_594 = tpu.memref_slice %arg4[%mul3A_570] : memref<327680xi32, #tpu.memory_space<hbm>> -> memref<128xi32, #tpu.memory_space<hbm>>
      tpu.enqueue_dma source(%dma_start3A_594 : memref<128xi32, #tpu.memory_space<hbm>>) target(%dma_start3A_593 : memref<128xi32, #tpu.memory_space<vmem>>) target_semaphore(%dma_start3A_590 : memref<!tpu.dma_semaphore, #tpu.memory_space<semaphore_mem>>)
      %mul3A_595 = arith.constant 2 : i32
      %mul3A_596 = arith.muli %scan3A_473, %mul3A_595 : i32
      %add3A_597 = arith.constant 1 : i32
      %add3A_598 = arith.addi %mul3A_596, %add3A_597 : i32
      %dma_wait3A_599 = arith.constant 0 : i32
      %dma_wait3A_600 = arith.constant 0 : i32
      %dma_wait3A_601 = arith.constant 0 : i32
      %dma_wait3A_602 = arith.constant 0 : i32
      %dma_wait3A_603 = arith.constant 0 : i32
      %dma_wait3A_604 = tpu.memref_slice %arg10[%dma_wait3A_599, %dma_wait3A_602, %dma_wait3A_603] : memref<2x128x128xf32, #tpu.memory_space<vmem>> -> memref<1x128x128xf32, #tpu.memory_space<vmem>>
      %dma_wait3A_605 = tpu.memref_squeeze %dma_wait3A_604 : memref<1x128x128xf32, #tpu.memory_space<vmem>> -> memref<128x128xf32, #tpu.memory_space<vmem>>
      %dma_wait3A_606 = arith.constant 0 : i32
      %dma_wait3A_607 = tpu.memref_slice %arg9[%dma_wait3A_600, %dma_wait3A_606] : memref<2x128xi32, #tpu.memory_space<vmem>> -> memref<1x128xi32, #tpu.memory_space<vmem>>
      %dma_wait3A_608 = tpu.memref_squeeze %dma_wait3A_607 : memref<1x128xi32, #tpu.memory_space<vmem>> -> memref<128xi32, #tpu.memory_space<vmem>>
      %dma_wait3A_609 = arith.constant 0 : i32
      %dma_wait3A_610 = arith.constant 0 : i32
      %dma_wait3A_611 = tpu.memref_slice %arg7[%dma_wait3A_609, %dma_wait3A_610] : memref<10112x128xf32, #tpu.memory_space<vmem_shared>> -> memref<10112x128xf32, #tpu.memory_space<vmem_shared>>
      %dma_wait3A_612 = tpu.memref_slice %arg13[%dma_wait3A_601] : memref<2x!tpu.dma_semaphore, #tpu.memory_space<semaphore_mem>> -> memref<1x!tpu.dma_semaphore, #tpu.memory_space<semaphore_mem>>
      %dma_wait3A_613 = tpu.memref_squeeze %dma_wait3A_612 : memref<1x!tpu.dma_semaphore, #tpu.memory_space<semaphore_mem>> -> memref<!tpu.dma_semaphore, #tpu.memory_space<semaphore_mem>>
      tpu.wait_indirect_dma semaphore(%dma_wait3A_613 : memref<!tpu.dma_semaphore, #tpu.memory_space<semaphore_mem>>) src(%dma_wait3A_605 : memref<128x128xf32, #tpu.memory_space<vmem>>) dst(%dma_wait3A_611 : memref<10112x128xf32, #tpu.memory_space<vmem_shared>>)
      %dma_wait3A_614 = arith.constant 0 : i32
      %dma_wait3A_615 = arith.constant 0 : i32
      %dma_wait3A_616 = arith.constant 0 : i32
      %dma_wait3A_617 = tpu.memref_slice %arg8[%dma_wait3A_614, %dma_wait3A_616] : memref<2x128xi32, #tpu.memory_space<vmem>> -> memref<1x128xi32, #tpu.memory_space<vmem>>
      %dma_wait3A_618 = tpu.memref_squeeze %dma_wait3A_617 : memref<1x128xi32, #tpu.memory_space<vmem>> -> memref<128xi32, #tpu.memory_space<vmem>>
      %dma_wait3A_619 = arith.constant 0 : i32
      %dma_wait3A_620 = tpu.memref_slice %arg3[%dma_wait3A_619] : memref<327680xi32, #tpu.memory_space<hbm>> -> memref<128xi32, #tpu.memory_space<hbm>>
      %dma_wait3A_621 = tpu.memref_slice %arg11[%dma_wait3A_615] : memref<2x!tpu.dma_semaphore, #tpu.memory_space<semaphore_mem>> -> memref<1x!tpu.dma_semaphore, #tpu.memory_space<semaphore_mem>>
      %dma_wait3A_622 = tpu.memref_squeeze %dma_wait3A_621 : memref<1x!tpu.dma_semaphore, #tpu.memory_space<semaphore_mem>> -> memref<!tpu.dma_semaphore, #tpu.memory_space<semaphore_mem>>
      %dma_wait3A_623 = arith.constant 0 : i32
      %dma_wait3A_624 = tpu.memref_slice %arg8[%dma_wait3A_614, %dma_wait3A_623] : memref<2x128xi32, #tpu.memory_space<vmem>> -> memref<1x128xi32, #tpu.memory_space<vmem>>
      %dma_wait3A_625 = tpu.memref_squeeze %dma_wait3A_624 : memref<1x128xi32, #tpu.memory_space<vmem>> -> memref<128xi32, #tpu.memory_space<vmem>>
      %dma_wait3A_626 = arith.constant 0 : i32
      %dma_wait3A_627 = tpu.memref_slice %arg3[%dma_wait3A_626] : memref<327680xi32, #tpu.memory_space<hbm>> -> memref<128xi32, #tpu.memory_space<hbm>>
      tpu.wait_dma2 semaphore(%dma_wait3A_622 : memref<!tpu.dma_semaphore, #tpu.memory_space<semaphore_mem>>) src(%dma_wait3A_627 : memref<128xi32, #tpu.memory_space<hbm>>) dst(%dma_wait3A_625 : memref<128xi32, #tpu.memory_space<vmem>>)
      %dma_wait3A_628 = arith.constant 0 : i32
      %dma_wait3A_629 = arith.constant 0 : i32
      %dma_wait3A_630 = arith.constant 0 : i32
      %dma_wait3A_631 = tpu.memref_slice %arg9[%dma_wait3A_628, %dma_wait3A_630] : memref<2x128xi32, #tpu.memory_space<vmem>> -> memref<1x128xi32, #tpu.memory_space<vmem>>
      %dma_wait3A_632 = tpu.memref_squeeze %dma_wait3A_631 : memref<1x128xi32, #tpu.memory_space<vmem>> -> memref<128xi32, #tpu.memory_space<vmem>>
      %dma_wait3A_633 = arith.constant 0 : i32
      %dma_wait3A_634 = tpu.memref_slice %arg4[%dma_wait3A_633] : memref<327680xi32, #tpu.memory_space<hbm>> -> memref<128xi32, #tpu.memory_space<hbm>>
      %dma_wait3A_635 = tpu.memref_slice %arg11[%dma_wait3A_629] : memref<2x!tpu.dma_semaphore, #tpu.memory_space<semaphore_mem>> -> memref<1x!tpu.dma_semaphore, #tpu.memory_space<semaphore_mem>>
      %dma_wait3A_636 = tpu.memref_squeeze %dma_wait3A_635 : memref<1x!tpu.dma_semaphore, #tpu.memory_space<semaphore_mem>> -> memref<!tpu.dma_semaphore, #tpu.memory_space<semaphore_mem>>
      %dma_wait3A_637 = arith.constant 0 : i32
      %dma_wait3A_638 = tpu.memref_slice %arg9[%dma_wait3A_628, %dma_wait3A_637] : memref<2x128xi32, #tpu.memory_space<vmem>> -> memref<1x128xi32, #tpu.memory_space<vmem>>
      %dma_wait3A_639 = tpu.memref_squeeze %dma_wait3A_638 : memref<1x128xi32, #tpu.memory_space<vmem>> -> memref<128xi32, #tpu.memory_space<vmem>>
      %dma_wait3A_640 = arith.constant 0 : i32
      %dma_wait3A_641 = tpu.memref_slice %arg4[%dma_wait3A_640] : memref<327680xi32, #tpu.memory_space<hbm>> -> memref<128xi32, #tpu.memory_space<hbm>>
      tpu.wait_dma2 semaphore(%dma_wait3A_636 : memref<!tpu.dma_semaphore, #tpu.memory_space<semaphore_mem>>) src(%dma_wait3A_641 : memref<128xi32, #tpu.memory_space<hbm>>) dst(%dma_wait3A_639 : memref<128xi32, #tpu.memory_space<vmem>>)
      %dma_start3A_642 = arith.constant 0 : i32
      %dma_start3A_643 = arith.constant 0 : i32
      %dma_start3A_644 = arith.constant 0 : i32
      %dma_start3A_645 = arith.constant 0 : i32
      %dma_start3A_646 = arith.constant 0 : i32
      %dma_start3A_647 = tpu.memref_slice %arg10[%dma_start3A_643, %dma_start3A_645, %dma_start3A_646] : memref<2x128x128xf32, #tpu.memory_space<vmem>> -> memref<1x128x128xf32, #tpu.memory_space<vmem>>
      %dma_start3A_648 = tpu.memref_squeeze %dma_start3A_647 : memref<1x128x128xf32, #tpu.memory_space<vmem>> -> memref<128x128xf32, #tpu.memory_space<vmem>>
      %dma_start3A_649 = arith.constant 0 : i32
      %dma_start3A_650 = tpu.memref_slice %arg8[%dma_start3A_642, %dma_start3A_649] : memref<2x128xi32, #tpu.memory_space<vmem>> -> memref<1x128xi32, #tpu.memory_space<vmem>>
      %dma_start3A_651 = tpu.memref_squeeze %dma_start3A_650 : memref<1x128xi32, #tpu.memory_space<vmem>> -> memref<128xi32, #tpu.memory_space<vmem>>
      %dma_start3A_652 = arith.constant 0 : i32
      %dma_start3A_653 = arith.constant 0 : i32
      %dma_start3A_654 = tpu.memref_slice %arg2[%dma_start3A_652, %dma_start3A_653] : memref<10000x128xf32, #tpu.memory_space<hbm>> -> memref<10000x128xf32, #tpu.memory_space<hbm>>
      %dma_start3A_655 = tpu.memref_slice %arg12[%dma_start3A_644] : memref<2x!tpu.dma_semaphore, #tpu.memory_space<semaphore_mem>> -> memref<1x!tpu.dma_semaphore, #tpu.memory_space<semaphore_mem>>
      %dma_start3A_656 = tpu.memref_squeeze %dma_start3A_655 : memref<1x!tpu.dma_semaphore, #tpu.memory_space<semaphore_mem>> -> memref<!tpu.dma_semaphore, #tpu.memory_space<semaphore_mem>>
      tpu.enqueue_indirect_dma source(%dma_start3A_654 : memref<10000x128xf32, #tpu.memory_space<hbm>>) target(%dma_start3A_648 : memref<128x128xf32, #tpu.memory_space<vmem>>) offsets(%dma_start3A_651 : memref<128xi32, #tpu.memory_space<vmem>>) semaphore(%dma_start3A_656 : memref<!tpu.dma_semaphore, #tpu.memory_space<semaphore_mem>>)
      %dma_wait3A_657 = arith.constant 1 : i32
      %dma_wait3A_658 = arith.constant 1 : i32
      %dma_wait3A_659 = arith.constant 1 : i32
      %dma_wait3A_660 = arith.constant 0 : i32
      %dma_wait3A_661 = arith.constant 0 : i32
      %dma_wait3A_662 = tpu.memref_slice %arg10[%dma_wait3A_658, %dma_wait3A_660, %dma_wait3A_661] : memref<2x128x128xf32, #tpu.memory_space<vmem>> -> memref<1x128x128xf32, #tpu.memory_space<vmem>>
      %dma_wait3A_663 = tpu.memref_squeeze %dma_wait3A_662 : memref<1x128x128xf32, #tpu.memory_space<vmem>> -> memref<128x128xf32, #tpu.memory_space<vmem>>
      %dma_wait3A_664 = arith.constant 0 : i32
      %dma_wait3A_665 = tpu.memref_slice %arg8[%dma_wait3A_657, %dma_wait3A_664] : memref<2x128xi32, #tpu.memory_space<vmem>> -> memref<1x128xi32, #tpu.memory_space<vmem>>
      %dma_wait3A_666 = tpu.memref_squeeze %dma_wait3A_665 : memref<1x128xi32, #tpu.memory_space<vmem>> -> memref<128xi32, #tpu.memory_space<vmem>>
      %dma_wait3A_667 = arith.constant 0 : i32
      %dma_wait3A_668 = arith.constant 0 : i32
      %dma_wait3A_669 = tpu.memref_slice %arg2[%dma_wait3A_667, %dma_wait3A_668] : memref<10000x128xf32, #tpu.memory_space<hbm>> -> memref<10000x128xf32, #tpu.memory_space<hbm>>
      %dma_wait3A_670 = tpu.memref_slice %arg12[%dma_wait3A_659] : memref<2x!tpu.dma_semaphore, #tpu.memory_space<semaphore_mem>> -> memref<1x!tpu.dma_semaphore, #tpu.memory_space<semaphore_mem>>
      %dma_wait3A_671 = tpu.memref_squeeze %dma_wait3A_670 : memref<1x!tpu.dma_semaphore, #tpu.memory_space<semaphore_mem>> -> memref<!tpu.dma_semaphore, #tpu.memory_space<semaphore_mem>>
      tpu.wait_indirect_dma semaphore(%dma_wait3A_671 : memref<!tpu.dma_semaphore, #tpu.memory_space<semaphore_mem>>) src(%dma_wait3A_669 : memref<10000x128xf32, #tpu.memory_space<hbm>>) dst(%dma_wait3A_663 : memref<128x128xf32, #tpu.memory_space<vmem>>)
      %dma_start3A_672 = arith.constant 1 : i32
      %dma_start3A_673 = arith.constant 1 : i32
      %dma_start3A_674 = arith.constant 1 : i32
      %dma_start3A_675 = arith.constant 0 : i32
      %dma_start3A_676 = arith.constant 0 : i32
      %dma_start3A_677 = tpu.memref_slice %arg10[%dma_start3A_672, %dma_start3A_675, %dma_start3A_676] : memref<2x128x128xf32, #tpu.memory_space<vmem>> -> memref<1x128x128xf32, #tpu.memory_space<vmem>>
      %dma_start3A_678 = tpu.memref_squeeze %dma_start3A_677 : memref<1x128x128xf32, #tpu.memory_space<vmem>> -> memref<128x128xf32, #tpu.memory_space<vmem>>
      %dma_start3A_679 = arith.constant 0 : i32
      %dma_start3A_680 = tpu.memref_slice %arg9[%dma_start3A_673, %dma_start3A_679] : memref<2x128xi32, #tpu.memory_space<vmem>> -> memref<1x128xi32, #tpu.memory_space<vmem>>
      %dma_start3A_681 = tpu.memref_squeeze %dma_start3A_680 : memref<1x128xi32, #tpu.memory_space<vmem>> -> memref<128xi32, #tpu.memory_space<vmem>>
      %dma_start3A_682 = arith.constant 0 : i32
      %dma_start3A_683 = arith.constant 0 : i32
      %dma_start3A_684 = tpu.memref_slice %arg7[%dma_start3A_682, %dma_start3A_683] : memref<10112x128xf32, #tpu.memory_space<vmem_shared>> -> memref<10112x128xf32, #tpu.memory_space<vmem_shared>>
      %dma_start3A_685 = tpu.memref_slice %arg13[%dma_start3A_674] : memref<2x!tpu.dma_semaphore, #tpu.memory_space<semaphore_mem>> -> memref<1x!tpu.dma_semaphore, #tpu.memory_space<semaphore_mem>>
      %dma_start3A_686 = tpu.memref_squeeze %dma_start3A_685 : memref<1x!tpu.dma_semaphore, #tpu.memory_space<semaphore_mem>> -> memref<!tpu.dma_semaphore, #tpu.memory_space<semaphore_mem>>
      tpu.enqueue_indirect_dma source(%dma_start3A_678 : memref<128x128xf32, #tpu.memory_space<vmem>>) target(%dma_start3A_684 : memref<10112x128xf32, #tpu.memory_space<vmem_shared>>) offsets(%dma_start3A_681 : memref<128xi32, #tpu.memory_space<vmem>>) semaphore(%dma_start3A_686 : memref<!tpu.dma_semaphore, #tpu.memory_space<semaphore_mem>>) {add = true}
      %add3A_687 = arith.constant 2 : i32
      %add3A_688 = arith.addi %add3A_598, %add3A_687 : i32
      %add3A_689 = arith.addi %mul3A_4, %add3A_688 : i32
      %mul3A_690 = arith.constant 128 : i32
      %mul3A_691 = arith.muli %add3A_689, %mul3A_690 : i32
      %dma_start3A_692 = arith.constant 1 : i32
      %dma_start3A_693 = arith.constant 1 : i32
      %dma_start3A_694 = arith.constant 0 : i32
      %dma_start3A_695 = tpu.memref_slice %arg8[%dma_start3A_692, %dma_start3A_694] : memref<2x128xi32, #tpu.memory_space<vmem>> -> memref<1x128xi32, #tpu.memory_space<vmem>>
      %dma_start3A_696 = tpu.memref_squeeze %dma_start3A_695 : memref<1x128xi32, #tpu.memory_space<vmem>> -> memref<128xi32, #tpu.memory_space<vmem>>
      %dma_start3A_697 = tpu.memref_slice %arg3[%mul3A_691] : memref<327680xi32, #tpu.memory_space<hbm>> -> memref<128xi32, #tpu.memory_space<hbm>>
      %dma_start3A_698 = tpu.memref_slice %arg11[%dma_start3A_693] : memref<2x!tpu.dma_semaphore, #tpu.memory_space<semaphore_mem>> -> memref<1x!tpu.dma_semaphore, #tpu.memory_space<semaphore_mem>>
      %dma_start3A_699 = tpu.memref_squeeze %dma_start3A_698 : memref<1x!tpu.dma_semaphore, #tpu.memory_space<semaphore_mem>> -> memref<!tpu.dma_semaphore, #tpu.memory_space<semaphore_mem>>
      %dma_start3A_700 = arith.constant 0 : i32
      %dma_start3A_701 = tpu.memref_slice %arg8[%dma_start3A_692, %dma_start3A_700] : memref<2x128xi32, #tpu.memory_space<vmem>> -> memref<1x128xi32, #tpu.memory_space<vmem>>
      %dma_start3A_702 = tpu.memref_squeeze %dma_start3A_701 : memref<1x128xi32, #tpu.memory_space<vmem>> -> memref<128xi32, #tpu.memory_space<vmem>>
      %dma_start3A_703 = tpu.memref_slice %arg3[%mul3A_691] : memref<327680xi32, #tpu.memory_space<hbm>> -> memref<128xi32, #tpu.memory_space<hbm>>
      tpu.enqueue_dma source(%dma_start3A_703 : memref<128xi32, #tpu.memory_space<hbm>>) target(%dma_start3A_702 : memref<128xi32, #tpu.memory_space<vmem>>) target_semaphore(%dma_start3A_699 : memref<!tpu.dma_semaphore, #tpu.memory_space<semaphore_mem>>)
      %dma_start3A_704 = arith.constant 1 : i32
      %dma_start3A_705 = arith.constant 1 : i32
      %dma_start3A_706 = arith.constant 0 : i32
      %dma_start3A_707 = tpu.memref_slice %arg9[%dma_start3A_704, %dma_start3A_706] : memref<2x128xi32, #tpu.memory_space<vmem>> -> memref<1x128xi32, #tpu.memory_space<vmem>>
      %dma_start3A_708 = tpu.memref_squeeze %dma_start3A_707 : memref<1x128xi32, #tpu.memory_space<vmem>> -> memref<128xi32, #tpu.memory_space<vmem>>
      %dma_start3A_709 = tpu.memref_slice %arg4[%mul3A_691] : memref<327680xi32, #tpu.memory_space<hbm>> -> memref<128xi32, #tpu.memory_space<hbm>>
      %dma_start3A_710 = tpu.memref_slice %arg11[%dma_start3A_705] : memref<2x!tpu.dma_semaphore, #tpu.memory_space<semaphore_mem>> -> memref<1x!tpu.dma_semaphore, #tpu.memory_space<semaphore_mem>>
      %dma_start3A_711 = tpu.memref_squeeze %dma_start3A_710 : memref<1x!tpu.dma_semaphore, #tpu.memory_space<semaphore_mem>> -> memref<!tpu.dma_semaphore, #tpu.memory_space<semaphore_mem>>
      %dma_start3A_712 = arith.constant 0 : i32
      %dma_start3A_713 = tpu.memref_slice %arg9[%dma_start3A_704, %dma_start3A_712] : memref<2x128xi32, #tpu.memory_space<vmem>> -> memref<1x128xi32, #tpu.memory_space<vmem>>
      %dma_start3A_714 = tpu.memref_squeeze %dma_start3A_713 : memref<1x128xi32, #tpu.memory_space<vmem>> -> memref<128xi32, #tpu.memory_space<vmem>>
      %dma_start3A_715 = tpu.memref_slice %arg4[%mul3A_691] : memref<327680xi32, #tpu.memory_space<hbm>> -> memref<128xi32, #tpu.memory_space<hbm>>
      tpu.enqueue_dma source(%dma_start3A_715 : memref<128xi32, #tpu.memory_space<hbm>>) target(%dma_start3A_714 : memref<128xi32, #tpu.memory_space<vmem>>) target_semaphore(%dma_start3A_711 : memref<!tpu.dma_semaphore, #tpu.memory_space<semaphore_mem>>)
    }
    %scan3A_323 = arith.constant 38 : i32
    %dma_wait3A_324 = arith.constant 1 : i32
    %dma_wait3A_325 = arith.constant 1 : i32
    %dma_wait3A_326 = arith.constant 1 : i32
    %dma_wait3A_327 = arith.constant 0 : i32
    %dma_wait3A_328 = arith.constant 0 : i32
    %dma_wait3A_329 = tpu.memref_slice %arg10[%dma_wait3A_324, %dma_wait3A_327, %dma_wait3A_328] : memref<2x128x128xf32, #tpu.memory_space<vmem>> -> memref<1x128x128xf32, #tpu.memory_space<vmem>>
    %dma_wait3A_330 = tpu.memref_squeeze %dma_wait3A_329 : memref<1x128x128xf32, #tpu.memory_space<vmem>> -> memref<128x128xf32, #tpu.memory_space<vmem>>
    %dma_wait3A_331 = arith.constant 0 : i32
    %dma_wait3A_332 = tpu.memref_slice %arg9[%dma_wait3A_325, %dma_wait3A_331] : memref<2x128xi32, #tpu.memory_space<vmem>> -> memref<1x128xi32, #tpu.memory_space<vmem>>
    %dma_wait3A_333 = tpu.memref_squeeze %dma_wait3A_332 : memref<1x128xi32, #tpu.memory_space<vmem>> -> memref<128xi32, #tpu.memory_space<vmem>>
    %dma_wait3A_334 = arith.constant 0 : i32
    %dma_wait3A_335 = arith.constant 0 : i32
    %dma_wait3A_336 = tpu.memref_slice %arg7[%dma_wait3A_334, %dma_wait3A_335] : memref<10112x128xf32, #tpu.memory_space<vmem_shared>> -> memref<10112x128xf32, #tpu.memory_space<vmem_shared>>
    %dma_wait3A_337 = tpu.memref_slice %arg13[%dma_wait3A_326] : memref<2x!tpu.dma_semaphore, #tpu.memory_space<semaphore_mem>> -> memref<1x!tpu.dma_semaphore, #tpu.memory_space<semaphore_mem>>
    %dma_wait3A_338 = tpu.memref_squeeze %dma_wait3A_337 : memref<1x!tpu.dma_semaphore, #tpu.memory_space<semaphore_mem>> -> memref<!tpu.dma_semaphore, #tpu.memory_space<semaphore_mem>>
    tpu.wait_indirect_dma semaphore(%dma_wait3A_338 : memref<!tpu.dma_semaphore, #tpu.memory_space<semaphore_mem>>) src(%dma_wait3A_330 : memref<128x128xf32, #tpu.memory_space<vmem>>) dst(%dma_wait3A_336 : memref<10112x128xf32, #tpu.memory_space<vmem_shared>>)
    %dma_wait3A_339 = arith.constant 1 : i32
    %dma_wait3A_340 = arith.constant 1 : i32
    %dma_wait3A_341 = arith.constant 0 : i32
    %dma_wait3A_342 = tpu.memref_slice %arg8[%dma_wait3A_339, %dma_wait3A_341] : memref<2x128xi32, #tpu.memory_space<vmem>> -> memref<1x128xi32, #tpu.memory_space<vmem>>
    %dma_wait3A_343 = tpu.memref_squeeze %dma_wait3A_342 : memref<1x128xi32, #tpu.memory_space<vmem>> -> memref<128xi32, #tpu.memory_space<vmem>>
    %dma_wait3A_344 = arith.constant 0 : i32
    %dma_wait3A_345 = tpu.memref_slice %arg3[%dma_wait3A_344] : memref<327680xi32, #tpu.memory_space<hbm>> -> memref<128xi32, #tpu.memory_space<hbm>>
    %dma_wait3A_346 = tpu.memref_slice %arg11[%dma_wait3A_340] : memref<2x!tpu.dma_semaphore, #tpu.memory_space<semaphore_mem>> -> memref<1x!tpu.dma_semaphore, #tpu.memory_space<semaphore_mem>>
    %dma_wait3A_347 = tpu.memref_squeeze %dma_wait3A_346 : memref<1x!tpu.dma_semaphore, #tpu.memory_space<semaphore_mem>> -> memref<!tpu.dma_semaphore, #tpu.memory_space<semaphore_mem>>
    %dma_wait3A_348 = arith.constant 0 : i32
    %dma_wait3A_349 = tpu.memref_slice %arg8[%dma_wait3A_339, %dma_wait3A_348] : memref<2x128xi32, #tpu.memory_space<vmem>> -> memref<1x128xi32, #tpu.memory_space<vmem>>
    %dma_wait3A_350 = tpu.memref_squeeze %dma_wait3A_349 : memref<1x128xi32, #tpu.memory_space<vmem>> -> memref<128xi32, #tpu.memory_space<vmem>>
    %dma_wait3A_351 = arith.constant 0 : i32
    %dma_wait3A_352 = tpu.memref_slice %arg3[%dma_wait3A_351] : memref<327680xi32, #tpu.memory_space<hbm>> -> memref<128xi32, #tpu.memory_space<hbm>>
    tpu.wait_dma2 semaphore(%dma_wait3A_347 : memref<!tpu.dma_semaphore, #tpu.memory_space<semaphore_mem>>) src(%dma_wait3A_352 : memref<128xi32, #tpu.memory_space<hbm>>) dst(%dma_wait3A_350 : memref<128xi32, #tpu.memory_space<vmem>>)
    %dma_wait3A_353 = arith.constant 1 : i32
    %dma_wait3A_354 = arith.constant 1 : i32
    %dma_wait3A_355 = arith.constant 0 : i32
    %dma_wait3A_356 = tpu.memref_slice %arg9[%dma_wait3A_353, %dma_wait3A_355] : memref<2x128xi32, #tpu.memory_space<vmem>> -> memref<1x128xi32, #tpu.memory_space<vmem>>
    %dma_wait3A_357 = tpu.memref_squeeze %dma_wait3A_356 : memref<1x128xi32, #tpu.memory_space<vmem>> -> memref<128xi32, #tpu.memory_space<vmem>>
    %dma_wait3A_358 = arith.constant 0 : i32
    %dma_wait3A_359 = tpu.memref_slice %arg4[%dma_wait3A_358] : memref<327680xi32, #tpu.memory_space<hbm>> -> memref<128xi32, #tpu.memory_space<hbm>>
    %dma_wait3A_360 = tpu.memref_slice %arg11[%dma_wait3A_354] : memref<2x!tpu.dma_semaphore, #tpu.memory_space<semaphore_mem>> -> memref<1x!tpu.dma_semaphore, #tpu.memory_space<semaphore_mem>>
    %dma_wait3A_361 = tpu.memref_squeeze %dma_wait3A_360 : memref<1x!tpu.dma_semaphore, #tpu.memory_space<semaphore_mem>> -> memref<!tpu.dma_semaphore, #tpu.memory_space<semaphore_mem>>
    %dma_wait3A_362 = arith.constant 0 : i32
    %dma_wait3A_363 = tpu.memref_slice %arg9[%dma_wait3A_353, %dma_wait3A_362] : memref<2x128xi32, #tpu.memory_space<vmem>> -> memref<1x128xi32, #tpu.memory_space<vmem>>
    %dma_wait3A_364 = tpu.memref_squeeze %dma_wait3A_363 : memref<1x128xi32, #tpu.memory_space<vmem>> -> memref<128xi32, #tpu.memory_space<vmem>>
    %dma_wait3A_365 = arith.constant 0 : i32
    %dma_wait3A_366 = tpu.memref_slice %arg4[%dma_wait3A_365] : memref<327680xi32, #tpu.memory_space<hbm>> -> memref<128xi32, #tpu.memory_space<hbm>>
    tpu.wait_dma2 semaphore(%dma_wait3A_361 : memref<!tpu.dma_semaphore, #tpu.memory_space<semaphore_mem>>) src(%dma_wait3A_366 : memref<128xi32, #tpu.memory_space<hbm>>) dst(%dma_wait3A_364 : memref<128xi32, #tpu.memory_space<vmem>>)
    %dma_start3A_367 = arith.constant 1 : i32
    %dma_start3A_368 = arith.constant 1 : i32
    %dma_start3A_369 = arith.constant 1 : i32
    %dma_start3A_370 = arith.constant 0 : i32
    %dma_start3A_371 = arith.constant 0 : i32
    %dma_start3A_372 = tpu.memref_slice %arg10[%dma_start3A_368, %dma_start3A_370, %dma_start3A_371] : memref<2x128x128xf32, #tpu.memory_space<vmem>> -> memref<1x128x128xf32, #tpu.memory_space<vmem>>
    %dma_start3A_373 = tpu.memref_squeeze %dma_start3A_372 : memref<1x128x128xf32, #tpu.memory_space<vmem>> -> memref<128x128xf32, #tpu.memory_space<vmem>>
    %dma_start3A_374 = arith.constant 0 : i32
    %dma_start3A_375 = tpu.memref_slice %arg8[%dma_start3A_367, %dma_start3A_374] : memref<2x128xi32, #tpu.memory_space<vmem>> -> memref<1x128xi32, #tpu.memory_space<vmem>>
    %dma_start3A_376 = tpu.memref_squeeze %dma_start3A_375 : memref<1x128xi32, #tpu.memory_space<vmem>> -> memref<128xi32, #tpu.memory_space<vmem>>
    %dma_start3A_377 = arith.constant 0 : i32
    %dma_start3A_378 = arith.constant 0 : i32
    %dma_start3A_379 = tpu.memref_slice %arg2[%dma_start3A_377, %dma_start3A_378] : memref<10000x128xf32, #tpu.memory_space<hbm>> -> memref<10000x128xf32, #tpu.memory_space<hbm>>
    %dma_start3A_380 = tpu.memref_slice %arg12[%dma_start3A_369] : memref<2x!tpu.dma_semaphore, #tpu.memory_space<semaphore_mem>> -> memref<1x!tpu.dma_semaphore, #tpu.memory_space<semaphore_mem>>
    %dma_start3A_381 = tpu.memref_squeeze %dma_start3A_380 : memref<1x!tpu.dma_semaphore, #tpu.memory_space<semaphore_mem>> -> memref<!tpu.dma_semaphore, #tpu.memory_space<semaphore_mem>>
    tpu.enqueue_indirect_dma source(%dma_start3A_379 : memref<10000x128xf32, #tpu.memory_space<hbm>>) target(%dma_start3A_373 : memref<128x128xf32, #tpu.memory_space<vmem>>) offsets(%dma_start3A_376 : memref<128xi32, #tpu.memory_space<vmem>>) semaphore(%dma_start3A_381 : memref<!tpu.dma_semaphore, #tpu.memory_space<semaphore_mem>>)
    %dma_wait3A_382 = arith.constant 0 : i32
    %dma_wait3A_383 = arith.constant 0 : i32
    %dma_wait3A_384 = arith.constant 0 : i32
    %dma_wait3A_385 = arith.constant 0 : i32
    %dma_wait3A_386 = arith.constant 0 : i32
    %dma_wait3A_387 = tpu.memref_slice %arg10[%dma_wait3A_383, %dma_wait3A_385, %dma_wait3A_386] : memref<2x128x128xf32, #tpu.memory_space<vmem>> -> memref<1x128x128xf32, #tpu.memory_space<vmem>>
    %dma_wait3A_388 = tpu.memref_squeeze %dma_wait3A_387 : memref<1x128x128xf32, #tpu.memory_space<vmem>> -> memref<128x128xf32, #tpu.memory_space<vmem>>
    %dma_wait3A_389 = arith.constant 0 : i32
    %dma_wait3A_390 = tpu.memref_slice %arg8[%dma_wait3A_382, %dma_wait3A_389] : memref<2x128xi32, #tpu.memory_space<vmem>> -> memref<1x128xi32, #tpu.memory_space<vmem>>
    %dma_wait3A_391 = tpu.memref_squeeze %dma_wait3A_390 : memref<1x128xi32, #tpu.memory_space<vmem>> -> memref<128xi32, #tpu.memory_space<vmem>>
    %dma_wait3A_392 = arith.constant 0 : i32
    %dma_wait3A_393 = arith.constant 0 : i32
    %dma_wait3A_394 = tpu.memref_slice %arg2[%dma_wait3A_392, %dma_wait3A_393] : memref<10000x128xf32, #tpu.memory_space<hbm>> -> memref<10000x128xf32, #tpu.memory_space<hbm>>
    %dma_wait3A_395 = tpu.memref_slice %arg12[%dma_wait3A_384] : memref<2x!tpu.dma_semaphore, #tpu.memory_space<semaphore_mem>> -> memref<1x!tpu.dma_semaphore, #tpu.memory_space<semaphore_mem>>
    %dma_wait3A_396 = tpu.memref_squeeze %dma_wait3A_395 : memref<1x!tpu.dma_semaphore, #tpu.memory_space<semaphore_mem>> -> memref<!tpu.dma_semaphore, #tpu.memory_space<semaphore_mem>>
    tpu.wait_indirect_dma semaphore(%dma_wait3A_396 : memref<!tpu.dma_semaphore, #tpu.memory_space<semaphore_mem>>) src(%dma_wait3A_394 : memref<10000x128xf32, #tpu.memory_space<hbm>>) dst(%dma_wait3A_388 : memref<128x128xf32, #tpu.memory_space<vmem>>)
    %dma_start3A_397 = arith.constant 0 : i32
    %dma_start3A_398 = arith.constant 0 : i32
    %dma_start3A_399 = arith.constant 0 : i32
    %dma_start3A_400 = arith.constant 0 : i32
    %dma_start3A_401 = arith.constant 0 : i32
    %dma_start3A_402 = tpu.memref_slice %arg10[%dma_start3A_397, %dma_start3A_400, %dma_start3A_401] : memref<2x128x128xf32, #tpu.memory_space<vmem>> -> memref<1x128x128xf32, #tpu.memory_space<vmem>>
    %dma_start3A_403 = tpu.memref_squeeze %dma_start3A_402 : memref<1x128x128xf32, #tpu.memory_space<vmem>> -> memref<128x128xf32, #tpu.memory_space<vmem>>
    %dma_start3A_404 = arith.constant 0 : i32
    %dma_start3A_405 = tpu.memref_slice %arg9[%dma_start3A_398, %dma_start3A_404] : memref<2x128xi32, #tpu.memory_space<vmem>> -> memref<1x128xi32, #tpu.memory_space<vmem>>
    %dma_start3A_406 = tpu.memref_squeeze %dma_start3A_405 : memref<1x128xi32, #tpu.memory_space<vmem>> -> memref<128xi32, #tpu.memory_space<vmem>>
    %dma_start3A_407 = arith.constant 0 : i32
    %dma_start3A_408 = arith.constant 0 : i32
    %dma_start3A_409 = tpu.memref_slice %arg7[%dma_start3A_407, %dma_start3A_408] : memref<10112x128xf32, #tpu.memory_space<vmem_shared>> -> memref<10112x128xf32, #tpu.memory_space<vmem_shared>>
    %dma_start3A_410 = tpu.memref_slice %arg13[%dma_start3A_399] : memref<2x!tpu.dma_semaphore, #tpu.memory_space<semaphore_mem>> -> memref<1x!tpu.dma_semaphore, #tpu.memory_space<semaphore_mem>>
    %dma_start3A_411 = tpu.memref_squeeze %dma_start3A_410 : memref<1x!tpu.dma_semaphore, #tpu.memory_space<semaphore_mem>> -> memref<!tpu.dma_semaphore, #tpu.memory_space<semaphore_mem>>
    tpu.enqueue_indirect_dma source(%dma_start3A_403 : memref<128x128xf32, #tpu.memory_space<vmem>>) target(%dma_start3A_409 : memref<10112x128xf32, #tpu.memory_space<vmem_shared>>) offsets(%dma_start3A_406 : memref<128xi32, #tpu.memory_space<vmem>>) semaphore(%dma_start3A_411 : memref<!tpu.dma_semaphore, #tpu.memory_space<semaphore_mem>>) {add = true}
    %dma_wait3A_412 = arith.constant 0 : i32
    %dma_wait3A_413 = arith.constant 0 : i32
    %dma_wait3A_414 = arith.constant 0 : i32
    %dma_wait3A_415 = arith.constant 0 : i32
    %dma_wait3A_416 = arith.constant 0 : i32
    %dma_wait3A_417 = tpu.memref_slice %arg10[%dma_wait3A_412, %dma_wait3A_415, %dma_wait3A_416] : memref<2x128x128xf32, #tpu.memory_space<vmem>> -> memref<1x128x128xf32, #tpu.memory_space<vmem>>
    %dma_wait3A_418 = tpu.memref_squeeze %dma_wait3A_417 : memref<1x128x128xf32, #tpu.memory_space<vmem>> -> memref<128x128xf32, #tpu.memory_space<vmem>>
    %dma_wait3A_419 = arith.constant 0 : i32
    %dma_wait3A_420 = tpu.memref_slice %arg9[%dma_wait3A_413, %dma_wait3A_419] : memref<2x128xi32, #tpu.memory_space<vmem>> -> memref<1x128xi32, #tpu.memory_space<vmem>>
    %dma_wait3A_421 = tpu.memref_squeeze %dma_wait3A_420 : memref<1x128xi32, #tpu.memory_space<vmem>> -> memref<128xi32, #tpu.memory_space<vmem>>
    %dma_wait3A_422 = arith.constant 0 : i32
    %dma_wait3A_423 = arith.constant 0 : i32
    %dma_wait3A_424 = tpu.memref_slice %arg7[%dma_wait3A_422, %dma_wait3A_423] : memref<10112x128xf32, #tpu.memory_space<vmem_shared>> -> memref<10112x128xf32, #tpu.memory_space<vmem_shared>>
    %dma_wait3A_425 = tpu.memref_slice %arg13[%dma_wait3A_414] : memref<2x!tpu.dma_semaphore, #tpu.memory_space<semaphore_mem>> -> memref<1x!tpu.dma_semaphore, #tpu.memory_space<semaphore_mem>>
    %dma_wait3A_426 = tpu.memref_squeeze %dma_wait3A_425 : memref<1x!tpu.dma_semaphore, #tpu.memory_space<semaphore_mem>> -> memref<!tpu.dma_semaphore, #tpu.memory_space<semaphore_mem>>
    tpu.wait_indirect_dma semaphore(%dma_wait3A_426 : memref<!tpu.dma_semaphore, #tpu.memory_space<semaphore_mem>>) src(%dma_wait3A_418 : memref<128x128xf32, #tpu.memory_space<vmem>>) dst(%dma_wait3A_424 : memref<10112x128xf32, #tpu.memory_space<vmem_shared>>)
    %dma_wait3A_427 = arith.constant 1 : i32
    %dma_wait3A_428 = arith.constant 1 : i32
    %dma_wait3A_429 = arith.constant 1 : i32
    %dma_wait3A_430 = arith.constant 0 : i32
    %dma_wait3A_431 = arith.constant 0 : i32
    %dma_wait3A_432 = tpu.memref_slice %arg10[%dma_wait3A_428, %dma_wait3A_430, %dma_wait3A_431] : memref<2x128x128xf32, #tpu.memory_space<vmem>> -> memref<1x128x128xf32, #tpu.memory_space<vmem>>
    %dma_wait3A_433 = tpu.memref_squeeze %dma_wait3A_432 : memref<1x128x128xf32, #tpu.memory_space<vmem>> -> memref<128x128xf32, #tpu.memory_space<vmem>>
    %dma_wait3A_434 = arith.constant 0 : i32
    %dma_wait3A_435 = tpu.memref_slice %arg8[%dma_wait3A_427, %dma_wait3A_434] : memref<2x128xi32, #tpu.memory_space<vmem>> -> memref<1x128xi32, #tpu.memory_space<vmem>>
    %dma_wait3A_436 = tpu.memref_squeeze %dma_wait3A_435 : memref<1x128xi32, #tpu.memory_space<vmem>> -> memref<128xi32, #tpu.memory_space<vmem>>
    %dma_wait3A_437 = arith.constant 0 : i32
    %dma_wait3A_438 = arith.constant 0 : i32
    %dma_wait3A_439 = tpu.memref_slice %arg2[%dma_wait3A_437, %dma_wait3A_438] : memref<10000x128xf32, #tpu.memory_space<hbm>> -> memref<10000x128xf32, #tpu.memory_space<hbm>>
    %dma_wait3A_440 = tpu.memref_slice %arg12[%dma_wait3A_429] : memref<2x!tpu.dma_semaphore, #tpu.memory_space<semaphore_mem>> -> memref<1x!tpu.dma_semaphore, #tpu.memory_space<semaphore_mem>>
    %dma_wait3A_441 = tpu.memref_squeeze %dma_wait3A_440 : memref<1x!tpu.dma_semaphore, #tpu.memory_space<semaphore_mem>> -> memref<!tpu.dma_semaphore, #tpu.memory_space<semaphore_mem>>
    tpu.wait_indirect_dma semaphore(%dma_wait3A_441 : memref<!tpu.dma_semaphore, #tpu.memory_space<semaphore_mem>>) src(%dma_wait3A_439 : memref<10000x128xf32, #tpu.memory_space<hbm>>) dst(%dma_wait3A_433 : memref<128x128xf32, #tpu.memory_space<vmem>>)
    %dma_start3A_442 = arith.constant 1 : i32
    %dma_start3A_443 = arith.constant 1 : i32
    %dma_start3A_444 = arith.constant 1 : i32
    %dma_start3A_445 = arith.constant 0 : i32
    %dma_start3A_446 = arith.constant 0 : i32
    %dma_start3A_447 = tpu.memref_slice %arg10[%dma_start3A_442, %dma_start3A_445, %dma_start3A_446] : memref<2x128x128xf32, #tpu.memory_space<vmem>> -> memref<1x128x128xf32, #tpu.memory_space<vmem>>
    %dma_start3A_448 = tpu.memref_squeeze %dma_start3A_447 : memref<1x128x128xf32, #tpu.memory_space<vmem>> -> memref<128x128xf32, #tpu.memory_space<vmem>>
    %dma_start3A_449 = arith.constant 0 : i32
    %dma_start3A_450 = tpu.memref_slice %arg9[%dma_start3A_443, %dma_start3A_449] : memref<2x128xi32, #tpu.memory_space<vmem>> -> memref<1x128xi32, #tpu.memory_space<vmem>>
    %dma_start3A_451 = tpu.memref_squeeze %dma_start3A_450 : memref<1x128xi32, #tpu.memory_space<vmem>> -> memref<128xi32, #tpu.memory_space<vmem>>
    %dma_start3A_452 = arith.constant 0 : i32
    %dma_start3A_453 = arith.constant 0 : i32
    %dma_start3A_454 = tpu.memref_slice %arg7[%dma_start3A_452, %dma_start3A_453] : memref<10112x128xf32, #tpu.memory_space<vmem_shared>> -> memref<10112x128xf32, #tpu.memory_space<vmem_shared>>
    %dma_start3A_455 = tpu.memref_slice %arg13[%dma_start3A_444] : memref<2x!tpu.dma_semaphore, #tpu.memory_space<semaphore_mem>> -> memref<1x!tpu.dma_semaphore, #tpu.memory_space<semaphore_mem>>
    %dma_start3A_456 = tpu.memref_squeeze %dma_start3A_455 : memref<1x!tpu.dma_semaphore, #tpu.memory_space<semaphore_mem>> -> memref<!tpu.dma_semaphore, #tpu.memory_space<semaphore_mem>>
    tpu.enqueue_indirect_dma source(%dma_start3A_448 : memref<128x128xf32, #tpu.memory_space<vmem>>) target(%dma_start3A_454 : memref<10112x128xf32, #tpu.memory_space<vmem_shared>>) offsets(%dma_start3A_451 : memref<128xi32, #tpu.memory_space<vmem>>) semaphore(%dma_start3A_456 : memref<!tpu.dma_semaphore, #tpu.memory_space<semaphore_mem>>) {add = true}
    %dma_wait3A_457 = arith.constant 1 : i32
    %dma_wait3A_458 = arith.constant 1 : i32
    %dma_wait3A_459 = arith.constant 1 : i32
    %dma_wait3A_460 = arith.constant 0 : i32
    %dma_wait3A_461 = arith.constant 0 : i32
    %dma_wait3A_462 = tpu.memref_slice %arg10[%dma_wait3A_457, %dma_wait3A_460, %dma_wait3A_461] : memref<2x128x128xf32, #tpu.memory_space<vmem>> -> memref<1x128x128xf32, #tpu.memory_space<vmem>>
    %dma_wait3A_463 = tpu.memref_squeeze %dma_wait3A_462 : memref<1x128x128xf32, #tpu.memory_space<vmem>> -> memref<128x128xf32, #tpu.memory_space<vmem>>
    %dma_wait3A_464 = arith.constant 0 : i32
    %dma_wait3A_465 = tpu.memref_slice %arg9[%dma_wait3A_458, %dma_wait3A_464] : memref<2x128xi32, #tpu.memory_space<vmem>> -> memref<1x128xi32, #tpu.memory_space<vmem>>
    %dma_wait3A_466 = tpu.memref_squeeze %dma_wait3A_465 : memref<1x128xi32, #tpu.memory_space<vmem>> -> memref<128xi32, #tpu.memory_space<vmem>>
    %dma_wait3A_467 = arith.constant 0 : i32
    %dma_wait3A_468 = arith.constant 0 : i32
    %dma_wait3A_469 = tpu.memref_slice %arg7[%dma_wait3A_467, %dma_wait3A_468] : memref<10112x128xf32, #tpu.memory_space<vmem_shared>> -> memref<10112x128xf32, #tpu.memory_space<vmem_shared>>
    %dma_wait3A_470 = tpu.memref_slice %arg13[%dma_wait3A_459] : memref<2x!tpu.dma_semaphore, #tpu.memory_space<semaphore_mem>> -> memref<1x!tpu.dma_semaphore, #tpu.memory_space<semaphore_mem>>
    %dma_wait3A_471 = tpu.memref_squeeze %dma_wait3A_470 : memref<1x!tpu.dma_semaphore, #tpu.memory_space<semaphore_mem>> -> memref<!tpu.dma_semaphore, #tpu.memory_space<semaphore_mem>>
    tpu.wait_indirect_dma semaphore(%dma_wait3A_471 : memref<!tpu.dma_semaphore, #tpu.memory_space<semaphore_mem>>) src(%dma_wait3A_463 : memref<128x128xf32, #tpu.memory_space<vmem>>) dst(%dma_wait3A_469 : memref<10112x128xf32, #tpu.memory_space<vmem_shared>>)
    %barrier3A_472 = arith.constant 0 : index
    tpu.barrier barrier_id(%barrier3A_472)
    "tpu.region"() ({
      %run_scoped3A = tpu.sem_alloc : memref<!tpu.dma_semaphore, #tpu.memory_space<semaphore_mem>>
      %dma_start3A_473 = arith.constant 0 : i32
      %dma_start3A_474 = tpu.memref_slice %arg6[%arg0, %mul3A_2, %dma_start3A_473] : memref<2x10112x128xf32, #tpu.memory_space<hbm>> -> memref<1x632x128xf32, #tpu.memory_space<hbm>>
      %dma_start3A_475 = tpu.memref_squeeze %dma_start3A_474 : memref<1x632x128xf32, #tpu.memory_space<hbm>> -> memref<632x128xf32, #tpu.memory_space<hbm>>
      %dma_start3A_476 = arith.constant 0 : i32
      %dma_start3A_477 = tpu.memref_slice %arg7[%mul3A_2, %dma_start3A_476] : memref<10112x128xf32, #tpu.memory_space<vmem_shared>> -> memref<632x128xf32, #tpu.memory_space<vmem_shared>>
      tpu.enqueue_dma source(%dma_start3A_477 : memref<632x128xf32, #tpu.memory_space<vmem_shared>>) target(%dma_start3A_475 : memref<632x128xf32, #tpu.memory_space<hbm>>) target_semaphore(%run_scoped3A : memref<!tpu.dma_semaphore, #tpu.memory_space<semaphore_mem>>)
      %dma_wait3A_478 = arith.constant 0 : i32
      %dma_wait3A_479 = tpu.memref_slice %arg6[%arg0, %mul3A_2, %dma_wait3A_478] : memref<2x10112x128xf32, #tpu.memory_space<hbm>> -> memref<1x632x128xf32, #tpu.memory_space<hbm>>
      %dma_wait3A_480 = tpu.memref_squeeze %dma_wait3A_479 : memref<1x632x128xf32, #tpu.memory_space<hbm>> -> memref<632x128xf32, #tpu.memory_space<hbm>>
      %dma_wait3A_481 = arith.constant 0 : i32
      %dma_wait3A_482 = tpu.memref_slice %arg7[%mul3A_2, %dma_wait3A_481] : memref<10112x128xf32, #tpu.memory_space<vmem_shared>> -> memref<632x128xf32, #tpu.memory_space<vmem_shared>>
      tpu.wait_dma2 semaphore(%run_scoped3A : memref<!tpu.dma_semaphore, #tpu.memory_space<semaphore_mem>>) src(%dma_wait3A_482 : memref<632x128xf32, #tpu.memory_space<vmem_shared>>) dst(%dma_wait3A_480 : memref<632x128xf32, #tpu.memory_space<hbm>>)
      tpu.yield
    }) : () -> ()
    return
  }
}

#map = affine_map<(d0, d1) -> (0, 0)>
#map1 = affine_map<(d0, d1) -> (0)>
#map2 = affine_map<(d0, d1) -> (0, 0, 0)>
module attributes {stable_mosaic.version = 14 : i64} {
  func.func @_seg2_body(%arg0: i32, %arg1: i32, %arg2: memref<10000x128xf32, #tpu.memory_space<hbm>>, %arg3: memref<327680xi32, #tpu.memory_space<hbm>>, %arg4: memref<327680xi32, #tpu.memory_space<hbm>>, %arg5: memref<10112x128xf32, #tpu.memory_space<hbm>>, %arg6: memref<2x10112x128xf32, #tpu.memory_space<hbm>>, %arg7: memref<10112x128xf32, #tpu.memory_space<vmem_shared>>, %arg8: memref<2x128xi32, #tpu.memory_space<vmem>>, %arg9: memref<2x128xi32, #tpu.memory_space<vmem>>, %arg10: memref<2x128x128xf32, #tpu.memory_space<vmem>>, %arg11: memref<2x!tpu.dma_semaphore, #tpu.memory_space<semaphore_mem>>, %arg12: memref<2x!tpu.dma_semaphore, #tpu.memory_space<semaphore_mem>>, %arg13: memref<2x!tpu.dma_semaphore, #tpu.memory_space<semaphore_mem>>) attributes {dimension_semantics = [#tpu.dimension_semantics<core_parallel>, #tpu.dimension_semantics<subcore_parallel>], iteration_bounds = array<i64: 2, 16>, scalar_prefetch = 0 : i64, scratch_operands = 7 : i64, tpu.core_type = #tpu.core_type<sc_vector_subcore>, window_params = [{transform_indices = #map}, {transform_indices = #map1}, {transform_indices = #map1}, {transform_indices = #map}, {transform_indices = #map2}]} {
    %mul3A = arith.constant 2 : i32
    %mul3A_0 = arith.muli %arg1, %mul3A : i32
    %add3A = arith.addi %mul3A_0, %arg0 : i32
    %mul3A_1 = arith.constant 632 : i32
    %mul3A_2 = arith.muli %arg1, %mul3A_1 : i32
    "tpu.region"() ({
      %run_scoped3A = tpu.sem_alloc : memref<!tpu.dma_semaphore, #tpu.memory_space<semaphore_mem>>
      %dma_start3A_473 = arith.constant 0 : i32
      %dma_start3A_474 = tpu.memref_slice %arg7[%mul3A_2, %dma_start3A_473] : memref<10112x128xf32, #tpu.memory_space<vmem_shared>> -> memref<632x128xf32, #tpu.memory_space<vmem_shared>>
      %dma_start3A_475 = arith.constant 0 : i32
      %dma_start3A_476 = tpu.memref_slice %arg5[%mul3A_2, %dma_start3A_475] : memref<10112x128xf32, #tpu.memory_space<hbm>> -> memref<632x128xf32, #tpu.memory_space<hbm>>
      tpu.enqueue_dma source(%dma_start3A_476 : memref<632x128xf32, #tpu.memory_space<hbm>>) target(%dma_start3A_474 : memref<632x128xf32, #tpu.memory_space<vmem_shared>>) target_semaphore(%run_scoped3A : memref<!tpu.dma_semaphore, #tpu.memory_space<semaphore_mem>>)
      %dma_wait3A_477 = arith.constant 0 : i32
      %dma_wait3A_478 = tpu.memref_slice %arg7[%mul3A_2, %dma_wait3A_477] : memref<10112x128xf32, #tpu.memory_space<vmem_shared>> -> memref<632x128xf32, #tpu.memory_space<vmem_shared>>
      %dma_wait3A_479 = arith.constant 0 : i32
      %dma_wait3A_480 = tpu.memref_slice %arg5[%mul3A_2, %dma_wait3A_479] : memref<10112x128xf32, #tpu.memory_space<hbm>> -> memref<632x128xf32, #tpu.memory_space<hbm>>
      tpu.wait_dma2 semaphore(%run_scoped3A : memref<!tpu.dma_semaphore, #tpu.memory_space<semaphore_mem>>) src(%dma_wait3A_480 : memref<632x128xf32, #tpu.memory_space<hbm>>) dst(%dma_wait3A_478 : memref<632x128xf32, #tpu.memory_space<vmem_shared>>)
      tpu.yield
    }) : () -> ()
    %barrier3A = arith.constant 0 : index
    tpu.barrier barrier_id(%barrier3A)
    %mul3A_3 = arith.constant 80 : i32
    %mul3A_4 = arith.muli %add3A, %mul3A_3 : i32
    %add3A_5 = arith.constant 0 : i32
    %add3A_6 = arith.addi %mul3A_4, %add3A_5 : i32
    %mul3A_7 = arith.constant 128 : i32
    %mul3A_8 = arith.muli %add3A_6, %mul3A_7 : i32
    %dma_start3A = arith.constant 0 : i32
    %dma_start3A_9 = arith.constant 0 : i32
    %dma_start3A_10 = arith.constant 0 : i32
    %dma_start3A_11 = tpu.memref_slice %arg8[%dma_start3A, %dma_start3A_10] : memref<2x128xi32, #tpu.memory_space<vmem>> -> memref<1x128xi32, #tpu.memory_space<vmem>>
    %dma_start3A_12 = tpu.memref_squeeze %dma_start3A_11 : memref<1x128xi32, #tpu.memory_space<vmem>> -> memref<128xi32, #tpu.memory_space<vmem>>
    %dma_start3A_13 = tpu.memref_slice %arg3[%mul3A_8] : memref<327680xi32, #tpu.memory_space<hbm>> -> memref<128xi32, #tpu.memory_space<hbm>>
    %dma_start3A_14 = tpu.memref_slice %arg11[%dma_start3A_9] : memref<2x!tpu.dma_semaphore, #tpu.memory_space<semaphore_mem>> -> memref<1x!tpu.dma_semaphore, #tpu.memory_space<semaphore_mem>>
    %dma_start3A_15 = tpu.memref_squeeze %dma_start3A_14 : memref<1x!tpu.dma_semaphore, #tpu.memory_space<semaphore_mem>> -> memref<!tpu.dma_semaphore, #tpu.memory_space<semaphore_mem>>
    %dma_start3A_16 = arith.constant 0 : i32
    %dma_start3A_17 = tpu.memref_slice %arg8[%dma_start3A, %dma_start3A_16] : memref<2x128xi32, #tpu.memory_space<vmem>> -> memref<1x128xi32, #tpu.memory_space<vmem>>
    %dma_start3A_18 = tpu.memref_squeeze %dma_start3A_17 : memref<1x128xi32, #tpu.memory_space<vmem>> -> memref<128xi32, #tpu.memory_space<vmem>>
    %dma_start3A_19 = tpu.memref_slice %arg3[%mul3A_8] : memref<327680xi32, #tpu.memory_space<hbm>> -> memref<128xi32, #tpu.memory_space<hbm>>
    tpu.enqueue_dma source(%dma_start3A_19 : memref<128xi32, #tpu.memory_space<hbm>>) target(%dma_start3A_18 : memref<128xi32, #tpu.memory_space<vmem>>) target_semaphore(%dma_start3A_15 : memref<!tpu.dma_semaphore, #tpu.memory_space<semaphore_mem>>)
    %dma_start3A_20 = arith.constant 0 : i32
    %dma_start3A_21 = arith.constant 0 : i32
    %dma_start3A_22 = arith.constant 0 : i32
    %dma_start3A_23 = tpu.memref_slice %arg9[%dma_start3A_20, %dma_start3A_22] : memref<2x128xi32, #tpu.memory_space<vmem>> -> memref<1x128xi32, #tpu.memory_space<vmem>>
    %dma_start3A_24 = tpu.memref_squeeze %dma_start3A_23 : memref<1x128xi32, #tpu.memory_space<vmem>> -> memref<128xi32, #tpu.memory_space<vmem>>
    %dma_start3A_25 = tpu.memref_slice %arg4[%mul3A_8] : memref<327680xi32, #tpu.memory_space<hbm>> -> memref<128xi32, #tpu.memory_space<hbm>>
    %dma_start3A_26 = tpu.memref_slice %arg11[%dma_start3A_21] : memref<2x!tpu.dma_semaphore, #tpu.memory_space<semaphore_mem>> -> memref<1x!tpu.dma_semaphore, #tpu.memory_space<semaphore_mem>>
    %dma_start3A_27 = tpu.memref_squeeze %dma_start3A_26 : memref<1x!tpu.dma_semaphore, #tpu.memory_space<semaphore_mem>> -> memref<!tpu.dma_semaphore, #tpu.memory_space<semaphore_mem>>
    %dma_start3A_28 = arith.constant 0 : i32
    %dma_start3A_29 = tpu.memref_slice %arg9[%dma_start3A_20, %dma_start3A_28] : memref<2x128xi32, #tpu.memory_space<vmem>> -> memref<1x128xi32, #tpu.memory_space<vmem>>
    %dma_start3A_30 = tpu.memref_squeeze %dma_start3A_29 : memref<1x128xi32, #tpu.memory_space<vmem>> -> memref<128xi32, #tpu.memory_space<vmem>>
    %dma_start3A_31 = tpu.memref_slice %arg4[%mul3A_8] : memref<327680xi32, #tpu.memory_space<hbm>> -> memref<128xi32, #tpu.memory_space<hbm>>
    tpu.enqueue_dma source(%dma_start3A_31 : memref<128xi32, #tpu.memory_space<hbm>>) target(%dma_start3A_30 : memref<128xi32, #tpu.memory_space<vmem>>) target_semaphore(%dma_start3A_27 : memref<!tpu.dma_semaphore, #tpu.memory_space<semaphore_mem>>)
    %add3A_32 = arith.constant 1 : i32
    %add3A_33 = arith.addi %mul3A_4, %add3A_32 : i32
    %mul3A_34 = arith.constant 128 : i32
    %mul3A_35 = arith.muli %add3A_33, %mul3A_34 : i32
    %dma_start3A_36 = arith.constant 1 : i32
    %dma_start3A_37 = arith.constant 1 : i32
    %dma_start3A_38 = arith.constant 0 : i32
    %dma_start3A_39 = tpu.memref_slice %arg8[%dma_start3A_36, %dma_start3A_38] : memref<2x128xi32, #tpu.memory_space<vmem>> -> memref<1x128xi32, #tpu.memory_space<vmem>>
    %dma_start3A_40 = tpu.memref_squeeze %dma_start3A_39 : memref<1x128xi32, #tpu.memory_space<vmem>> -> memref<128xi32, #tpu.memory_space<vmem>>
    %dma_start3A_41 = tpu.memref_slice %arg3[%mul3A_35] : memref<327680xi32, #tpu.memory_space<hbm>> -> memref<128xi32, #tpu.memory_space<hbm>>
    %dma_start3A_42 = tpu.memref_slice %arg11[%dma_start3A_37] : memref<2x!tpu.dma_semaphore, #tpu.memory_space<semaphore_mem>> -> memref<1x!tpu.dma_semaphore, #tpu.memory_space<semaphore_mem>>
    %dma_start3A_43 = tpu.memref_squeeze %dma_start3A_42 : memref<1x!tpu.dma_semaphore, #tpu.memory_space<semaphore_mem>> -> memref<!tpu.dma_semaphore, #tpu.memory_space<semaphore_mem>>
    %dma_start3A_44 = arith.constant 0 : i32
    %dma_start3A_45 = tpu.memref_slice %arg8[%dma_start3A_36, %dma_start3A_44] : memref<2x128xi32, #tpu.memory_space<vmem>> -> memref<1x128xi32, #tpu.memory_space<vmem>>
    %dma_start3A_46 = tpu.memref_squeeze %dma_start3A_45 : memref<1x128xi32, #tpu.memory_space<vmem>> -> memref<128xi32, #tpu.memory_space<vmem>>
    %dma_start3A_47 = tpu.memref_slice %arg3[%mul3A_35] : memref<327680xi32, #tpu.memory_space<hbm>> -> memref<128xi32, #tpu.memory_space<hbm>>
    tpu.enqueue_dma source(%dma_start3A_47 : memref<128xi32, #tpu.memory_space<hbm>>) target(%dma_start3A_46 : memref<128xi32, #tpu.memory_space<vmem>>) target_semaphore(%dma_start3A_43 : memref<!tpu.dma_semaphore, #tpu.memory_space<semaphore_mem>>)
    %dma_start3A_48 = arith.constant 1 : i32
    %dma_start3A_49 = arith.constant 1 : i32
    %dma_start3A_50 = arith.constant 0 : i32
    %dma_start3A_51 = tpu.memref_slice %arg9[%dma_start3A_48, %dma_start3A_50] : memref<2x128xi32, #tpu.memory_space<vmem>> -> memref<1x128xi32, #tpu.memory_space<vmem>>
    %dma_start3A_52 = tpu.memref_squeeze %dma_start3A_51 : memref<1x128xi32, #tpu.memory_space<vmem>> -> memref<128xi32, #tpu.memory_space<vmem>>
    %dma_start3A_53 = tpu.memref_slice %arg4[%mul3A_35] : memref<327680xi32, #tpu.memory_space<hbm>> -> memref<128xi32, #tpu.memory_space<hbm>>
    %dma_start3A_54 = tpu.memref_slice %arg11[%dma_start3A_49] : memref<2x!tpu.dma_semaphore, #tpu.memory_space<semaphore_mem>> -> memref<1x!tpu.dma_semaphore, #tpu.memory_space<semaphore_mem>>
    %dma_start3A_55 = tpu.memref_squeeze %dma_start3A_54 : memref<1x!tpu.dma_semaphore, #tpu.memory_space<semaphore_mem>> -> memref<!tpu.dma_semaphore, #tpu.memory_space<semaphore_mem>>
    %dma_start3A_56 = arith.constant 0 : i32
    %dma_start3A_57 = tpu.memref_slice %arg9[%dma_start3A_48, %dma_start3A_56] : memref<2x128xi32, #tpu.memory_space<vmem>> -> memref<1x128xi32, #tpu.memory_space<vmem>>
    %dma_start3A_58 = tpu.memref_squeeze %dma_start3A_57 : memref<1x128xi32, #tpu.memory_space<vmem>> -> memref<128xi32, #tpu.memory_space<vmem>>
    %dma_start3A_59 = tpu.memref_slice %arg4[%mul3A_35] : memref<327680xi32, #tpu.memory_space<hbm>> -> memref<128xi32, #tpu.memory_space<hbm>>
    tpu.enqueue_dma source(%dma_start3A_59 : memref<128xi32, #tpu.memory_space<hbm>>) target(%dma_start3A_58 : memref<128xi32, #tpu.memory_space<vmem>>) target_semaphore(%dma_start3A_55 : memref<!tpu.dma_semaphore, #tpu.memory_space<semaphore_mem>>)
    %dma_wait3A = arith.constant 0 : i32
    %dma_wait3A_60 = arith.constant 0 : i32
    %dma_wait3A_61 = arith.constant 0 : i32
    %dma_wait3A_62 = tpu.memref_slice %arg8[%dma_wait3A, %dma_wait3A_61] : memref<2x128xi32, #tpu.memory_space<vmem>> -> memref<1x128xi32, #tpu.memory_space<vmem>>
    %dma_wait3A_63 = tpu.memref_squeeze %dma_wait3A_62 : memref<1x128xi32, #tpu.memory_space<vmem>> -> memref<128xi32, #tpu.memory_space<vmem>>
    %dma_wait3A_64 = arith.constant 0 : i32
    %dma_wait3A_65 = tpu.memref_slice %arg3[%dma_wait3A_64] : memref<327680xi32, #tpu.memory_space<hbm>> -> memref<128xi32, #tpu.memory_space<hbm>>
    %dma_wait3A_66 = tpu.memref_slice %arg11[%dma_wait3A_60] : memref<2x!tpu.dma_semaphore, #tpu.memory_space<semaphore_mem>> -> memref<1x!tpu.dma_semaphore, #tpu.memory_space<semaphore_mem>>
    %dma_wait3A_67 = tpu.memref_squeeze %dma_wait3A_66 : memref<1x!tpu.dma_semaphore, #tpu.memory_space<semaphore_mem>> -> memref<!tpu.dma_semaphore, #tpu.memory_space<semaphore_mem>>
    %dma_wait3A_68 = arith.constant 0 : i32
    %dma_wait3A_69 = tpu.memref_slice %arg8[%dma_wait3A, %dma_wait3A_68] : memref<2x128xi32, #tpu.memory_space<vmem>> -> memref<1x128xi32, #tpu.memory_space<vmem>>
    %dma_wait3A_70 = tpu.memref_squeeze %dma_wait3A_69 : memref<1x128xi32, #tpu.memory_space<vmem>> -> memref<128xi32, #tpu.memory_space<vmem>>
    %dma_wait3A_71 = arith.constant 0 : i32
    %dma_wait3A_72 = tpu.memref_slice %arg3[%dma_wait3A_71] : memref<327680xi32, #tpu.memory_space<hbm>> -> memref<128xi32, #tpu.memory_space<hbm>>
    tpu.wait_dma2 semaphore(%dma_wait3A_67 : memref<!tpu.dma_semaphore, #tpu.memory_space<semaphore_mem>>) src(%dma_wait3A_72 : memref<128xi32, #tpu.memory_space<hbm>>) dst(%dma_wait3A_70 : memref<128xi32, #tpu.memory_space<vmem>>)
    %dma_wait3A_73 = arith.constant 0 : i32
    %dma_wait3A_74 = arith.constant 0 : i32
    %dma_wait3A_75 = arith.constant 0 : i32
    %dma_wait3A_76 = tpu.memref_slice %arg9[%dma_wait3A_73, %dma_wait3A_75] : memref<2x128xi32, #tpu.memory_space<vmem>> -> memref<1x128xi32, #tpu.memory_space<vmem>>
    %dma_wait3A_77 = tpu.memref_squeeze %dma_wait3A_76 : memref<1x128xi32, #tpu.memory_space<vmem>> -> memref<128xi32, #tpu.memory_space<vmem>>
    %dma_wait3A_78 = arith.constant 0 : i32
    %dma_wait3A_79 = tpu.memref_slice %arg4[%dma_wait3A_78] : memref<327680xi32, #tpu.memory_space<hbm>> -> memref<128xi32, #tpu.memory_space<hbm>>
    %dma_wait3A_80 = tpu.memref_slice %arg11[%dma_wait3A_74] : memref<2x!tpu.dma_semaphore, #tpu.memory_space<semaphore_mem>> -> memref<1x!tpu.dma_semaphore, #tpu.memory_space<semaphore_mem>>
    %dma_wait3A_81 = tpu.memref_squeeze %dma_wait3A_80 : memref<1x!tpu.dma_semaphore, #tpu.memory_space<semaphore_mem>> -> memref<!tpu.dma_semaphore, #tpu.memory_space<semaphore_mem>>
    %dma_wait3A_82 = arith.constant 0 : i32
    %dma_wait3A_83 = tpu.memref_slice %arg9[%dma_wait3A_73, %dma_wait3A_82] : memref<2x128xi32, #tpu.memory_space<vmem>> -> memref<1x128xi32, #tpu.memory_space<vmem>>
    %dma_wait3A_84 = tpu.memref_squeeze %dma_wait3A_83 : memref<1x128xi32, #tpu.memory_space<vmem>> -> memref<128xi32, #tpu.memory_space<vmem>>
    %dma_wait3A_85 = arith.constant 0 : i32
    %dma_wait3A_86 = tpu.memref_slice %arg4[%dma_wait3A_85] : memref<327680xi32, #tpu.memory_space<hbm>> -> memref<128xi32, #tpu.memory_space<hbm>>
    tpu.wait_dma2 semaphore(%dma_wait3A_81 : memref<!tpu.dma_semaphore, #tpu.memory_space<semaphore_mem>>) src(%dma_wait3A_86 : memref<128xi32, #tpu.memory_space<hbm>>) dst(%dma_wait3A_84 : memref<128xi32, #tpu.memory_space<vmem>>)
    %dma_start3A_87 = arith.constant 0 : i32
    %dma_start3A_88 = arith.constant 0 : i32
    %dma_start3A_89 = arith.constant 0 : i32
    %dma_start3A_90 = arith.constant 0 : i32
    %dma_start3A_91 = arith.constant 0 : i32
    %dma_start3A_92 = tpu.memref_slice %arg10[%dma_start3A_88, %dma_start3A_90, %dma_start3A_91] : memref<2x128x128xf32, #tpu.memory_space<vmem>> -> memref<1x128x128xf32, #tpu.memory_space<vmem>>
    %dma_start3A_93 = tpu.memref_squeeze %dma_start3A_92 : memref<1x128x128xf32, #tpu.memory_space<vmem>> -> memref<128x128xf32, #tpu.memory_space<vmem>>
    %dma_start3A_94 = arith.constant 0 : i32
    %dma_start3A_95 = tpu.memref_slice %arg8[%dma_start3A_87, %dma_start3A_94] : memref<2x128xi32, #tpu.memory_space<vmem>> -> memref<1x128xi32, #tpu.memory_space<vmem>>
    %dma_start3A_96 = tpu.memref_squeeze %dma_start3A_95 : memref<1x128xi32, #tpu.memory_space<vmem>> -> memref<128xi32, #tpu.memory_space<vmem>>
    %dma_start3A_97 = arith.constant 0 : i32
    %dma_start3A_98 = arith.constant 0 : i32
    %dma_start3A_99 = tpu.memref_slice %arg2[%dma_start3A_97, %dma_start3A_98] : memref<10000x128xf32, #tpu.memory_space<hbm>> -> memref<10000x128xf32, #tpu.memory_space<hbm>>
    %dma_start3A_100 = tpu.memref_slice %arg12[%dma_start3A_89] : memref<2x!tpu.dma_semaphore, #tpu.memory_space<semaphore_mem>> -> memref<1x!tpu.dma_semaphore, #tpu.memory_space<semaphore_mem>>
    %dma_start3A_101 = tpu.memref_squeeze %dma_start3A_100 : memref<1x!tpu.dma_semaphore, #tpu.memory_space<semaphore_mem>> -> memref<!tpu.dma_semaphore, #tpu.memory_space<semaphore_mem>>
    tpu.enqueue_indirect_dma source(%dma_start3A_99 : memref<10000x128xf32, #tpu.memory_space<hbm>>) target(%dma_start3A_93 : memref<128x128xf32, #tpu.memory_space<vmem>>) offsets(%dma_start3A_96 : memref<128xi32, #tpu.memory_space<vmem>>) semaphore(%dma_start3A_101 : memref<!tpu.dma_semaphore, #tpu.memory_space<semaphore_mem>>)
    %dma_wait3A_102 = arith.constant 1 : i32
    %dma_wait3A_103 = arith.constant 1 : i32
    %dma_wait3A_104 = arith.constant 0 : i32
    %dma_wait3A_105 = tpu.memref_slice %arg8[%dma_wait3A_102, %dma_wait3A_104] : memref<2x128xi32, #tpu.memory_space<vmem>> -> memref<1x128xi32, #tpu.memory_space<vmem>>
    %dma_wait3A_106 = tpu.memref_squeeze %dma_wait3A_105 : memref<1x128xi32, #tpu.memory_space<vmem>> -> memref<128xi32, #tpu.memory_space<vmem>>
    %dma_wait3A_107 = arith.constant 0 : i32
    %dma_wait3A_108 = tpu.memref_slice %arg3[%dma_wait3A_107] : memref<327680xi32, #tpu.memory_space<hbm>> -> memref<128xi32, #tpu.memory_space<hbm>>
    %dma_wait3A_109 = tpu.memref_slice %arg11[%dma_wait3A_103] : memref<2x!tpu.dma_semaphore, #tpu.memory_space<semaphore_mem>> -> memref<1x!tpu.dma_semaphore, #tpu.memory_space<semaphore_mem>>
    %dma_wait3A_110 = tpu.memref_squeeze %dma_wait3A_109 : memref<1x!tpu.dma_semaphore, #tpu.memory_space<semaphore_mem>> -> memref<!tpu.dma_semaphore, #tpu.memory_space<semaphore_mem>>
    %dma_wait3A_111 = arith.constant 0 : i32
    %dma_wait3A_112 = tpu.memref_slice %arg8[%dma_wait3A_102, %dma_wait3A_111] : memref<2x128xi32, #tpu.memory_space<vmem>> -> memref<1x128xi32, #tpu.memory_space<vmem>>
    %dma_wait3A_113 = tpu.memref_squeeze %dma_wait3A_112 : memref<1x128xi32, #tpu.memory_space<vmem>> -> memref<128xi32, #tpu.memory_space<vmem>>
    %dma_wait3A_114 = arith.constant 0 : i32
    %dma_wait3A_115 = tpu.memref_slice %arg3[%dma_wait3A_114] : memref<327680xi32, #tpu.memory_space<hbm>> -> memref<128xi32, #tpu.memory_space<hbm>>
    tpu.wait_dma2 semaphore(%dma_wait3A_110 : memref<!tpu.dma_semaphore, #tpu.memory_space<semaphore_mem>>) src(%dma_wait3A_115 : memref<128xi32, #tpu.memory_space<hbm>>) dst(%dma_wait3A_113 : memref<128xi32, #tpu.memory_space<vmem>>)
    %dma_wait3A_116 = arith.constant 1 : i32
    %dma_wait3A_117 = arith.constant 1 : i32
    %dma_wait3A_118 = arith.constant 0 : i32
    %dma_wait3A_119 = tpu.memref_slice %arg9[%dma_wait3A_116, %dma_wait3A_118] : memref<2x128xi32, #tpu.memory_space<vmem>> -> memref<1x128xi32, #tpu.memory_space<vmem>>
    %dma_wait3A_120 = tpu.memref_squeeze %dma_wait3A_119 : memref<1x128xi32, #tpu.memory_space<vmem>> -> memref<128xi32, #tpu.memory_space<vmem>>
    %dma_wait3A_121 = arith.constant 0 : i32
    %dma_wait3A_122 = tpu.memref_slice %arg4[%dma_wait3A_121] : memref<327680xi32, #tpu.memory_space<hbm>> -> memref<128xi32, #tpu.memory_space<hbm>>
    %dma_wait3A_123 = tpu.memref_slice %arg11[%dma_wait3A_117] : memref<2x!tpu.dma_semaphore, #tpu.memory_space<semaphore_mem>> -> memref<1x!tpu.dma_semaphore, #tpu.memory_space<semaphore_mem>>
    %dma_wait3A_124 = tpu.memref_squeeze %dma_wait3A_123 : memref<1x!tpu.dma_semaphore, #tpu.memory_space<semaphore_mem>> -> memref<!tpu.dma_semaphore, #tpu.memory_space<semaphore_mem>>
    %dma_wait3A_125 = arith.constant 0 : i32
    %dma_wait3A_126 = tpu.memref_slice %arg9[%dma_wait3A_116, %dma_wait3A_125] : memref<2x128xi32, #tpu.memory_space<vmem>> -> memref<1x128xi32, #tpu.memory_space<vmem>>
    %dma_wait3A_127 = tpu.memref_squeeze %dma_wait3A_126 : memref<1x128xi32, #tpu.memory_space<vmem>> -> memref<128xi32, #tpu.memory_space<vmem>>
    %dma_wait3A_128 = arith.constant 0 : i32
    %dma_wait3A_129 = tpu.memref_slice %arg4[%dma_wait3A_128] : memref<327680xi32, #tpu.memory_space<hbm>> -> memref<128xi32, #tpu.memory_space<hbm>>
    tpu.wait_dma2 semaphore(%dma_wait3A_124 : memref<!tpu.dma_semaphore, #tpu.memory_space<semaphore_mem>>) src(%dma_wait3A_129 : memref<128xi32, #tpu.memory_space<hbm>>) dst(%dma_wait3A_127 : memref<128xi32, #tpu.memory_space<vmem>>)
    %dma_start3A_130 = arith.constant 1 : i32
    %dma_start3A_131 = arith.constant 1 : i32
    %dma_start3A_132 = arith.constant 1 : i32
    %dma_start3A_133 = arith.constant 0 : i32
    %dma_start3A_134 = arith.constant 0 : i32
    %dma_start3A_135 = tpu.memref_slice %arg10[%dma_start3A_131, %dma_start3A_133, %dma_start3A_134] : memref<2x128x128xf32, #tpu.memory_space<vmem>> -> memref<1x128x128xf32, #tpu.memory_space<vmem>>
    %dma_start3A_136 = tpu.memref_squeeze %dma_start3A_135 : memref<1x128x128xf32, #tpu.memory_space<vmem>> -> memref<128x128xf32, #tpu.memory_space<vmem>>
    %dma_start3A_137 = arith.constant 0 : i32
    %dma_start3A_138 = tpu.memref_slice %arg8[%dma_start3A_130, %dma_start3A_137] : memref<2x128xi32, #tpu.memory_space<vmem>> -> memref<1x128xi32, #tpu.memory_space<vmem>>
    %dma_start3A_139 = tpu.memref_squeeze %dma_start3A_138 : memref<1x128xi32, #tpu.memory_space<vmem>> -> memref<128xi32, #tpu.memory_space<vmem>>
    %dma_start3A_140 = arith.constant 0 : i32
    %dma_start3A_141 = arith.constant 0 : i32
    %dma_start3A_142 = tpu.memref_slice %arg2[%dma_start3A_140, %dma_start3A_141] : memref<10000x128xf32, #tpu.memory_space<hbm>> -> memref<10000x128xf32, #tpu.memory_space<hbm>>
    %dma_start3A_143 = tpu.memref_slice %arg12[%dma_start3A_132] : memref<2x!tpu.dma_semaphore, #tpu.memory_space<semaphore_mem>> -> memref<1x!tpu.dma_semaphore, #tpu.memory_space<semaphore_mem>>
    %dma_start3A_144 = tpu.memref_squeeze %dma_start3A_143 : memref<1x!tpu.dma_semaphore, #tpu.memory_space<semaphore_mem>> -> memref<!tpu.dma_semaphore, #tpu.memory_space<semaphore_mem>>
    tpu.enqueue_indirect_dma source(%dma_start3A_142 : memref<10000x128xf32, #tpu.memory_space<hbm>>) target(%dma_start3A_136 : memref<128x128xf32, #tpu.memory_space<vmem>>) offsets(%dma_start3A_139 : memref<128xi32, #tpu.memory_space<vmem>>) semaphore(%dma_start3A_144 : memref<!tpu.dma_semaphore, #tpu.memory_space<semaphore_mem>>)
    %dma_wait3A_145 = arith.constant 0 : i32
    %dma_wait3A_146 = arith.constant 0 : i32
    %dma_wait3A_147 = arith.constant 0 : i32
    %dma_wait3A_148 = arith.constant 0 : i32
    %dma_wait3A_149 = arith.constant 0 : i32
    %dma_wait3A_150 = tpu.memref_slice %arg10[%dma_wait3A_146, %dma_wait3A_148, %dma_wait3A_149] : memref<2x128x128xf32, #tpu.memory_space<vmem>> -> memref<1x128x128xf32, #tpu.memory_space<vmem>>
    %dma_wait3A_151 = tpu.memref_squeeze %dma_wait3A_150 : memref<1x128x128xf32, #tpu.memory_space<vmem>> -> memref<128x128xf32, #tpu.memory_space<vmem>>
    %dma_wait3A_152 = arith.constant 0 : i32
    %dma_wait3A_153 = tpu.memref_slice %arg8[%dma_wait3A_145, %dma_wait3A_152] : memref<2x128xi32, #tpu.memory_space<vmem>> -> memref<1x128xi32, #tpu.memory_space<vmem>>
    %dma_wait3A_154 = tpu.memref_squeeze %dma_wait3A_153 : memref<1x128xi32, #tpu.memory_space<vmem>> -> memref<128xi32, #tpu.memory_space<vmem>>
    %dma_wait3A_155 = arith.constant 0 : i32
    %dma_wait3A_156 = arith.constant 0 : i32
    %dma_wait3A_157 = tpu.memref_slice %arg2[%dma_wait3A_155, %dma_wait3A_156] : memref<10000x128xf32, #tpu.memory_space<hbm>> -> memref<10000x128xf32, #tpu.memory_space<hbm>>
    %dma_wait3A_158 = tpu.memref_slice %arg12[%dma_wait3A_147] : memref<2x!tpu.dma_semaphore, #tpu.memory_space<semaphore_mem>> -> memref<1x!tpu.dma_semaphore, #tpu.memory_space<semaphore_mem>>
    %dma_wait3A_159 = tpu.memref_squeeze %dma_wait3A_158 : memref<1x!tpu.dma_semaphore, #tpu.memory_space<semaphore_mem>> -> memref<!tpu.dma_semaphore, #tpu.memory_space<semaphore_mem>>
    tpu.wait_indirect_dma semaphore(%dma_wait3A_159 : memref<!tpu.dma_semaphore, #tpu.memory_space<semaphore_mem>>) src(%dma_wait3A_157 : memref<10000x128xf32, #tpu.memory_space<hbm>>) dst(%dma_wait3A_151 : memref<128x128xf32, #tpu.memory_space<vmem>>)
    %dma_start3A_160 = arith.constant 0 : i32
    %dma_start3A_161 = arith.constant 0 : i32
    %dma_start3A_162 = arith.constant 0 : i32
    %dma_start3A_163 = arith.constant 0 : i32
    %dma_start3A_164 = arith.constant 0 : i32
    %dma_start3A_165 = tpu.memref_slice %arg10[%dma_start3A_160, %dma_start3A_163, %dma_start3A_164] : memref<2x128x128xf32, #tpu.memory_space<vmem>> -> memref<1x128x128xf32, #tpu.memory_space<vmem>>
    %dma_start3A_166 = tpu.memref_squeeze %dma_start3A_165 : memref<1x128x128xf32, #tpu.memory_space<vmem>> -> memref<128x128xf32, #tpu.memory_space<vmem>>
    %dma_start3A_167 = arith.constant 0 : i32
    %dma_start3A_168 = tpu.memref_slice %arg9[%dma_start3A_161, %dma_start3A_167] : memref<2x128xi32, #tpu.memory_space<vmem>> -> memref<1x128xi32, #tpu.memory_space<vmem>>
    %dma_start3A_169 = tpu.memref_squeeze %dma_start3A_168 : memref<1x128xi32, #tpu.memory_space<vmem>> -> memref<128xi32, #tpu.memory_space<vmem>>
    %dma_start3A_170 = arith.constant 0 : i32
    %dma_start3A_171 = arith.constant 0 : i32
    %dma_start3A_172 = tpu.memref_slice %arg7[%dma_start3A_170, %dma_start3A_171] : memref<10112x128xf32, #tpu.memory_space<vmem_shared>> -> memref<10112x128xf32, #tpu.memory_space<vmem_shared>>
    %dma_start3A_173 = tpu.memref_slice %arg13[%dma_start3A_162] : memref<2x!tpu.dma_semaphore, #tpu.memory_space<semaphore_mem>> -> memref<1x!tpu.dma_semaphore, #tpu.memory_space<semaphore_mem>>
    %dma_start3A_174 = tpu.memref_squeeze %dma_start3A_173 : memref<1x!tpu.dma_semaphore, #tpu.memory_space<semaphore_mem>> -> memref<!tpu.dma_semaphore, #tpu.memory_space<semaphore_mem>>
    tpu.enqueue_indirect_dma source(%dma_start3A_166 : memref<128x128xf32, #tpu.memory_space<vmem>>) target(%dma_start3A_172 : memref<10112x128xf32, #tpu.memory_space<vmem_shared>>) offsets(%dma_start3A_169 : memref<128xi32, #tpu.memory_space<vmem>>) semaphore(%dma_start3A_174 : memref<!tpu.dma_semaphore, #tpu.memory_space<semaphore_mem>>) {add = true}
    %add3A_175 = arith.constant 2 : i32
    %add3A_176 = arith.addi %mul3A_4, %add3A_175 : i32
    %mul3A_177 = arith.constant 128 : i32
    %mul3A_178 = arith.muli %add3A_176, %mul3A_177 : i32
    %dma_start3A_179 = arith.constant 0 : i32
    %dma_start3A_180 = arith.constant 0 : i32
    %dma_start3A_181 = arith.constant 0 : i32
    %dma_start3A_182 = tpu.memref_slice %arg8[%dma_start3A_179, %dma_start3A_181] : memref<2x128xi32, #tpu.memory_space<vmem>> -> memref<1x128xi32, #tpu.memory_space<vmem>>
    %dma_start3A_183 = tpu.memref_squeeze %dma_start3A_182 : memref<1x128xi32, #tpu.memory_space<vmem>> -> memref<128xi32, #tpu.memory_space<vmem>>
    %dma_start3A_184 = tpu.memref_slice %arg3[%mul3A_178] : memref<327680xi32, #tpu.memory_space<hbm>> -> memref<128xi32, #tpu.memory_space<hbm>>
    %dma_start3A_185 = tpu.memref_slice %arg11[%dma_start3A_180] : memref<2x!tpu.dma_semaphore, #tpu.memory_space<semaphore_mem>> -> memref<1x!tpu.dma_semaphore, #tpu.memory_space<semaphore_mem>>
    %dma_start3A_186 = tpu.memref_squeeze %dma_start3A_185 : memref<1x!tpu.dma_semaphore, #tpu.memory_space<semaphore_mem>> -> memref<!tpu.dma_semaphore, #tpu.memory_space<semaphore_mem>>
    %dma_start3A_187 = arith.constant 0 : i32
    %dma_start3A_188 = tpu.memref_slice %arg8[%dma_start3A_179, %dma_start3A_187] : memref<2x128xi32, #tpu.memory_space<vmem>> -> memref<1x128xi32, #tpu.memory_space<vmem>>
    %dma_start3A_189 = tpu.memref_squeeze %dma_start3A_188 : memref<1x128xi32, #tpu.memory_space<vmem>> -> memref<128xi32, #tpu.memory_space<vmem>>
    %dma_start3A_190 = tpu.memref_slice %arg3[%mul3A_178] : memref<327680xi32, #tpu.memory_space<hbm>> -> memref<128xi32, #tpu.memory_space<hbm>>
    tpu.enqueue_dma source(%dma_start3A_190 : memref<128xi32, #tpu.memory_space<hbm>>) target(%dma_start3A_189 : memref<128xi32, #tpu.memory_space<vmem>>) target_semaphore(%dma_start3A_186 : memref<!tpu.dma_semaphore, #tpu.memory_space<semaphore_mem>>)
    %dma_start3A_191 = arith.constant 0 : i32
    %dma_start3A_192 = arith.constant 0 : i32
    %dma_start3A_193 = arith.constant 0 : i32
    %dma_start3A_194 = tpu.memref_slice %arg9[%dma_start3A_191, %dma_start3A_193] : memref<2x128xi32, #tpu.memory_space<vmem>> -> memref<1x128xi32, #tpu.memory_space<vmem>>
    %dma_start3A_195 = tpu.memref_squeeze %dma_start3A_194 : memref<1x128xi32, #tpu.memory_space<vmem>> -> memref<128xi32, #tpu.memory_space<vmem>>
    %dma_start3A_196 = tpu.memref_slice %arg4[%mul3A_178] : memref<327680xi32, #tpu.memory_space<hbm>> -> memref<128xi32, #tpu.memory_space<hbm>>
    %dma_start3A_197 = tpu.memref_slice %arg11[%dma_start3A_192] : memref<2x!tpu.dma_semaphore, #tpu.memory_space<semaphore_mem>> -> memref<1x!tpu.dma_semaphore, #tpu.memory_space<semaphore_mem>>
    %dma_start3A_198 = tpu.memref_squeeze %dma_start3A_197 : memref<1x!tpu.dma_semaphore, #tpu.memory_space<semaphore_mem>> -> memref<!tpu.dma_semaphore, #tpu.memory_space<semaphore_mem>>
    %dma_start3A_199 = arith.constant 0 : i32
    %dma_start3A_200 = tpu.memref_slice %arg9[%dma_start3A_191, %dma_start3A_199] : memref<2x128xi32, #tpu.memory_space<vmem>> -> memref<1x128xi32, #tpu.memory_space<vmem>>
    %dma_start3A_201 = tpu.memref_squeeze %dma_start3A_200 : memref<1x128xi32, #tpu.memory_space<vmem>> -> memref<128xi32, #tpu.memory_space<vmem>>
    %dma_start3A_202 = tpu.memref_slice %arg4[%mul3A_178] : memref<327680xi32, #tpu.memory_space<hbm>> -> memref<128xi32, #tpu.memory_space<hbm>>
    tpu.enqueue_dma source(%dma_start3A_202 : memref<128xi32, #tpu.memory_space<hbm>>) target(%dma_start3A_201 : memref<128xi32, #tpu.memory_space<vmem>>) target_semaphore(%dma_start3A_198 : memref<!tpu.dma_semaphore, #tpu.memory_space<semaphore_mem>>)
    %dma_wait3A_203 = arith.constant 0 : i32
    %dma_wait3A_204 = arith.constant 0 : i32
    %dma_wait3A_205 = arith.constant 0 : i32
    %dma_wait3A_206 = arith.constant 0 : i32
    %dma_wait3A_207 = arith.constant 0 : i32
    %dma_wait3A_208 = tpu.memref_slice %arg10[%dma_wait3A_203, %dma_wait3A_206, %dma_wait3A_207] : memref<2x128x128xf32, #tpu.memory_space<vmem>> -> memref<1x128x128xf32, #tpu.memory_space<vmem>>
    %dma_wait3A_209 = tpu.memref_squeeze %dma_wait3A_208 : memref<1x128x128xf32, #tpu.memory_space<vmem>> -> memref<128x128xf32, #tpu.memory_space<vmem>>
    %dma_wait3A_210 = arith.constant 0 : i32
    %dma_wait3A_211 = tpu.memref_slice %arg9[%dma_wait3A_204, %dma_wait3A_210] : memref<2x128xi32, #tpu.memory_space<vmem>> -> memref<1x128xi32, #tpu.memory_space<vmem>>
    %dma_wait3A_212 = tpu.memref_squeeze %dma_wait3A_211 : memref<1x128xi32, #tpu.memory_space<vmem>> -> memref<128xi32, #tpu.memory_space<vmem>>
    %dma_wait3A_213 = arith.constant 0 : i32
    %dma_wait3A_214 = arith.constant 0 : i32
    %dma_wait3A_215 = tpu.memref_slice %arg7[%dma_wait3A_213, %dma_wait3A_214] : memref<10112x128xf32, #tpu.memory_space<vmem_shared>> -> memref<10112x128xf32, #tpu.memory_space<vmem_shared>>
    %dma_wait3A_216 = tpu.memref_slice %arg13[%dma_wait3A_205] : memref<2x!tpu.dma_semaphore, #tpu.memory_space<semaphore_mem>> -> memref<1x!tpu.dma_semaphore, #tpu.memory_space<semaphore_mem>>
    %dma_wait3A_217 = tpu.memref_squeeze %dma_wait3A_216 : memref<1x!tpu.dma_semaphore, #tpu.memory_space<semaphore_mem>> -> memref<!tpu.dma_semaphore, #tpu.memory_space<semaphore_mem>>
    tpu.wait_indirect_dma semaphore(%dma_wait3A_217 : memref<!tpu.dma_semaphore, #tpu.memory_space<semaphore_mem>>) src(%dma_wait3A_209 : memref<128x128xf32, #tpu.memory_space<vmem>>) dst(%dma_wait3A_215 : memref<10112x128xf32, #tpu.memory_space<vmem_shared>>)
    %dma_wait3A_218 = arith.constant 0 : i32
    %dma_wait3A_219 = arith.constant 0 : i32
    %dma_wait3A_220 = arith.constant 0 : i32
    %dma_wait3A_221 = tpu.memref_slice %arg8[%dma_wait3A_218, %dma_wait3A_220] : memref<2x128xi32, #tpu.memory_space<vmem>> -> memref<1x128xi32, #tpu.memory_space<vmem>>
    %dma_wait3A_222 = tpu.memref_squeeze %dma_wait3A_221 : memref<1x128xi32, #tpu.memory_space<vmem>> -> memref<128xi32, #tpu.memory_space<vmem>>
    %dma_wait3A_223 = arith.constant 0 : i32
    %dma_wait3A_224 = tpu.memref_slice %arg3[%dma_wait3A_223] : memref<327680xi32, #tpu.memory_space<hbm>> -> memref<128xi32, #tpu.memory_space<hbm>>
    %dma_wait3A_225 = tpu.memref_slice %arg11[%dma_wait3A_219] : memref<2x!tpu.dma_semaphore, #tpu.memory_space<semaphore_mem>> -> memref<1x!tpu.dma_semaphore, #tpu.memory_space<semaphore_mem>>
    %dma_wait3A_226 = tpu.memref_squeeze %dma_wait3A_225 : memref<1x!tpu.dma_semaphore, #tpu.memory_space<semaphore_mem>> -> memref<!tpu.dma_semaphore, #tpu.memory_space<semaphore_mem>>
    %dma_wait3A_227 = arith.constant 0 : i32
    %dma_wait3A_228 = tpu.memref_slice %arg8[%dma_wait3A_218, %dma_wait3A_227] : memref<2x128xi32, #tpu.memory_space<vmem>> -> memref<1x128xi32, #tpu.memory_space<vmem>>
    %dma_wait3A_229 = tpu.memref_squeeze %dma_wait3A_228 : memref<1x128xi32, #tpu.memory_space<vmem>> -> memref<128xi32, #tpu.memory_space<vmem>>
    %dma_wait3A_230 = arith.constant 0 : i32
    %dma_wait3A_231 = tpu.memref_slice %arg3[%dma_wait3A_230] : memref<327680xi32, #tpu.memory_space<hbm>> -> memref<128xi32, #tpu.memory_space<hbm>>
    tpu.wait_dma2 semaphore(%dma_wait3A_226 : memref<!tpu.dma_semaphore, #tpu.memory_space<semaphore_mem>>) src(%dma_wait3A_231 : memref<128xi32, #tpu.memory_space<hbm>>) dst(%dma_wait3A_229 : memref<128xi32, #tpu.memory_space<vmem>>)
    %dma_wait3A_232 = arith.constant 0 : i32
    %dma_wait3A_233 = arith.constant 0 : i32
    %dma_wait3A_234 = arith.constant 0 : i32
    %dma_wait3A_235 = tpu.memref_slice %arg9[%dma_wait3A_232, %dma_wait3A_234] : memref<2x128xi32, #tpu.memory_space<vmem>> -> memref<1x128xi32, #tpu.memory_space<vmem>>
    %dma_wait3A_236 = tpu.memref_squeeze %dma_wait3A_235 : memref<1x128xi32, #tpu.memory_space<vmem>> -> memref<128xi32, #tpu.memory_space<vmem>>
    %dma_wait3A_237 = arith.constant 0 : i32
    %dma_wait3A_238 = tpu.memref_slice %arg4[%dma_wait3A_237] : memref<327680xi32, #tpu.memory_space<hbm>> -> memref<128xi32, #tpu.memory_space<hbm>>
    %dma_wait3A_239 = tpu.memref_slice %arg11[%dma_wait3A_233] : memref<2x!tpu.dma_semaphore, #tpu.memory_space<semaphore_mem>> -> memref<1x!tpu.dma_semaphore, #tpu.memory_space<semaphore_mem>>
    %dma_wait3A_240 = tpu.memref_squeeze %dma_wait3A_239 : memref<1x!tpu.dma_semaphore, #tpu.memory_space<semaphore_mem>> -> memref<!tpu.dma_semaphore, #tpu.memory_space<semaphore_mem>>
    %dma_wait3A_241 = arith.constant 0 : i32
    %dma_wait3A_242 = tpu.memref_slice %arg9[%dma_wait3A_232, %dma_wait3A_241] : memref<2x128xi32, #tpu.memory_space<vmem>> -> memref<1x128xi32, #tpu.memory_space<vmem>>
    %dma_wait3A_243 = tpu.memref_squeeze %dma_wait3A_242 : memref<1x128xi32, #tpu.memory_space<vmem>> -> memref<128xi32, #tpu.memory_space<vmem>>
    %dma_wait3A_244 = arith.constant 0 : i32
    %dma_wait3A_245 = tpu.memref_slice %arg4[%dma_wait3A_244] : memref<327680xi32, #tpu.memory_space<hbm>> -> memref<128xi32, #tpu.memory_space<hbm>>
    tpu.wait_dma2 semaphore(%dma_wait3A_240 : memref<!tpu.dma_semaphore, #tpu.memory_space<semaphore_mem>>) src(%dma_wait3A_245 : memref<128xi32, #tpu.memory_space<hbm>>) dst(%dma_wait3A_243 : memref<128xi32, #tpu.memory_space<vmem>>)
    %dma_start3A_246 = arith.constant 0 : i32
    %dma_start3A_247 = arith.constant 0 : i32
    %dma_start3A_248 = arith.constant 0 : i32
    %dma_start3A_249 = arith.constant 0 : i32
    %dma_start3A_250 = arith.constant 0 : i32
    %dma_start3A_251 = tpu.memref_slice %arg10[%dma_start3A_247, %dma_start3A_249, %dma_start3A_250] : memref<2x128x128xf32, #tpu.memory_space<vmem>> -> memref<1x128x128xf32, #tpu.memory_space<vmem>>
    %dma_start3A_252 = tpu.memref_squeeze %dma_start3A_251 : memref<1x128x128xf32, #tpu.memory_space<vmem>> -> memref<128x128xf32, #tpu.memory_space<vmem>>
    %dma_start3A_253 = arith.constant 0 : i32
    %dma_start3A_254 = tpu.memref_slice %arg8[%dma_start3A_246, %dma_start3A_253] : memref<2x128xi32, #tpu.memory_space<vmem>> -> memref<1x128xi32, #tpu.memory_space<vmem>>
    %dma_start3A_255 = tpu.memref_squeeze %dma_start3A_254 : memref<1x128xi32, #tpu.memory_space<vmem>> -> memref<128xi32, #tpu.memory_space<vmem>>
    %dma_start3A_256 = arith.constant 0 : i32
    %dma_start3A_257 = arith.constant 0 : i32
    %dma_start3A_258 = tpu.memref_slice %arg2[%dma_start3A_256, %dma_start3A_257] : memref<10000x128xf32, #tpu.memory_space<hbm>> -> memref<10000x128xf32, #tpu.memory_space<hbm>>
    %dma_start3A_259 = tpu.memref_slice %arg12[%dma_start3A_248] : memref<2x!tpu.dma_semaphore, #tpu.memory_space<semaphore_mem>> -> memref<1x!tpu.dma_semaphore, #tpu.memory_space<semaphore_mem>>
    %dma_start3A_260 = tpu.memref_squeeze %dma_start3A_259 : memref<1x!tpu.dma_semaphore, #tpu.memory_space<semaphore_mem>> -> memref<!tpu.dma_semaphore, #tpu.memory_space<semaphore_mem>>
    tpu.enqueue_indirect_dma source(%dma_start3A_258 : memref<10000x128xf32, #tpu.memory_space<hbm>>) target(%dma_start3A_252 : memref<128x128xf32, #tpu.memory_space<vmem>>) offsets(%dma_start3A_255 : memref<128xi32, #tpu.memory_space<vmem>>) semaphore(%dma_start3A_260 : memref<!tpu.dma_semaphore, #tpu.memory_space<semaphore_mem>>)
    %dma_wait3A_261 = arith.constant 1 : i32
    %dma_wait3A_262 = arith.constant 1 : i32
    %dma_wait3A_263 = arith.constant 1 : i32
    %dma_wait3A_264 = arith.constant 0 : i32
    %dma_wait3A_265 = arith.constant 0 : i32
    %dma_wait3A_266 = tpu.memref_slice %arg10[%dma_wait3A_262, %dma_wait3A_264, %dma_wait3A_265] : memref<2x128x128xf32, #tpu.memory_space<vmem>> -> memref<1x128x128xf32, #tpu.memory_space<vmem>>
    %dma_wait3A_267 = tpu.memref_squeeze %dma_wait3A_266 : memref<1x128x128xf32, #tpu.memory_space<vmem>> -> memref<128x128xf32, #tpu.memory_space<vmem>>
    %dma_wait3A_268 = arith.constant 0 : i32
    %dma_wait3A_269 = tpu.memref_slice %arg8[%dma_wait3A_261, %dma_wait3A_268] : memref<2x128xi32, #tpu.memory_space<vmem>> -> memref<1x128xi32, #tpu.memory_space<vmem>>
    %dma_wait3A_270 = tpu.memref_squeeze %dma_wait3A_269 : memref<1x128xi32, #tpu.memory_space<vmem>> -> memref<128xi32, #tpu.memory_space<vmem>>
    %dma_wait3A_271 = arith.constant 0 : i32
    %dma_wait3A_272 = arith.constant 0 : i32
    %dma_wait3A_273 = tpu.memref_slice %arg2[%dma_wait3A_271, %dma_wait3A_272] : memref<10000x128xf32, #tpu.memory_space<hbm>> -> memref<10000x128xf32, #tpu.memory_space<hbm>>
    %dma_wait3A_274 = tpu.memref_slice %arg12[%dma_wait3A_263] : memref<2x!tpu.dma_semaphore, #tpu.memory_space<semaphore_mem>> -> memref<1x!tpu.dma_semaphore, #tpu.memory_space<semaphore_mem>>
    %dma_wait3A_275 = tpu.memref_squeeze %dma_wait3A_274 : memref<1x!tpu.dma_semaphore, #tpu.memory_space<semaphore_mem>> -> memref<!tpu.dma_semaphore, #tpu.memory_space<semaphore_mem>>
    tpu.wait_indirect_dma semaphore(%dma_wait3A_275 : memref<!tpu.dma_semaphore, #tpu.memory_space<semaphore_mem>>) src(%dma_wait3A_273 : memref<10000x128xf32, #tpu.memory_space<hbm>>) dst(%dma_wait3A_267 : memref<128x128xf32, #tpu.memory_space<vmem>>)
    %dma_start3A_276 = arith.constant 1 : i32
    %dma_start3A_277 = arith.constant 1 : i32
    %dma_start3A_278 = arith.constant 1 : i32
    %dma_start3A_279 = arith.constant 0 : i32
    %dma_start3A_280 = arith.constant 0 : i32
    %dma_start3A_281 = tpu.memref_slice %arg10[%dma_start3A_276, %dma_start3A_279, %dma_start3A_280] : memref<2x128x128xf32, #tpu.memory_space<vmem>> -> memref<1x128x128xf32, #tpu.memory_space<vmem>>
    %dma_start3A_282 = tpu.memref_squeeze %dma_start3A_281 : memref<1x128x128xf32, #tpu.memory_space<vmem>> -> memref<128x128xf32, #tpu.memory_space<vmem>>
    %dma_start3A_283 = arith.constant 0 : i32
    %dma_start3A_284 = tpu.memref_slice %arg9[%dma_start3A_277, %dma_start3A_283] : memref<2x128xi32, #tpu.memory_space<vmem>> -> memref<1x128xi32, #tpu.memory_space<vmem>>
    %dma_start3A_285 = tpu.memref_squeeze %dma_start3A_284 : memref<1x128xi32, #tpu.memory_space<vmem>> -> memref<128xi32, #tpu.memory_space<vmem>>
    %dma_start3A_286 = arith.constant 0 : i32
    %dma_start3A_287 = arith.constant 0 : i32
    %dma_start3A_288 = tpu.memref_slice %arg7[%dma_start3A_286, %dma_start3A_287] : memref<10112x128xf32, #tpu.memory_space<vmem_shared>> -> memref<10112x128xf32, #tpu.memory_space<vmem_shared>>
    %dma_start3A_289 = tpu.memref_slice %arg13[%dma_start3A_278] : memref<2x!tpu.dma_semaphore, #tpu.memory_space<semaphore_mem>> -> memref<1x!tpu.dma_semaphore, #tpu.memory_space<semaphore_mem>>
    %dma_start3A_290 = tpu.memref_squeeze %dma_start3A_289 : memref<1x!tpu.dma_semaphore, #tpu.memory_space<semaphore_mem>> -> memref<!tpu.dma_semaphore, #tpu.memory_space<semaphore_mem>>
    tpu.enqueue_indirect_dma source(%dma_start3A_282 : memref<128x128xf32, #tpu.memory_space<vmem>>) target(%dma_start3A_288 : memref<10112x128xf32, #tpu.memory_space<vmem_shared>>) offsets(%dma_start3A_285 : memref<128xi32, #tpu.memory_space<vmem>>) semaphore(%dma_start3A_290 : memref<!tpu.dma_semaphore, #tpu.memory_space<semaphore_mem>>) {add = true}
    %add3A_291 = arith.constant 3 : i32
    %add3A_292 = arith.addi %mul3A_4, %add3A_291 : i32
    %mul3A_293 = arith.constant 128 : i32
    %mul3A_294 = arith.muli %add3A_292, %mul3A_293 : i32
    %dma_start3A_295 = arith.constant 1 : i32
    %dma_start3A_296 = arith.constant 1 : i32
    %dma_start3A_297 = arith.constant 0 : i32
    %dma_start3A_298 = tpu.memref_slice %arg8[%dma_start3A_295, %dma_start3A_297] : memref<2x128xi32, #tpu.memory_space<vmem>> -> memref<1x128xi32, #tpu.memory_space<vmem>>
    %dma_start3A_299 = tpu.memref_squeeze %dma_start3A_298 : memref<1x128xi32, #tpu.memory_space<vmem>> -> memref<128xi32, #tpu.memory_space<vmem>>
    %dma_start3A_300 = tpu.memref_slice %arg3[%mul3A_294] : memref<327680xi32, #tpu.memory_space<hbm>> -> memref<128xi32, #tpu.memory_space<hbm>>
    %dma_start3A_301 = tpu.memref_slice %arg11[%dma_start3A_296] : memref<2x!tpu.dma_semaphore, #tpu.memory_space<semaphore_mem>> -> memref<1x!tpu.dma_semaphore, #tpu.memory_space<semaphore_mem>>
    %dma_start3A_302 = tpu.memref_squeeze %dma_start3A_301 : memref<1x!tpu.dma_semaphore, #tpu.memory_space<semaphore_mem>> -> memref<!tpu.dma_semaphore, #tpu.memory_space<semaphore_mem>>
    %dma_start3A_303 = arith.constant 0 : i32
    %dma_start3A_304 = tpu.memref_slice %arg8[%dma_start3A_295, %dma_start3A_303] : memref<2x128xi32, #tpu.memory_space<vmem>> -> memref<1x128xi32, #tpu.memory_space<vmem>>
    %dma_start3A_305 = tpu.memref_squeeze %dma_start3A_304 : memref<1x128xi32, #tpu.memory_space<vmem>> -> memref<128xi32, #tpu.memory_space<vmem>>
    %dma_start3A_306 = tpu.memref_slice %arg3[%mul3A_294] : memref<327680xi32, #tpu.memory_space<hbm>> -> memref<128xi32, #tpu.memory_space<hbm>>
    tpu.enqueue_dma source(%dma_start3A_306 : memref<128xi32, #tpu.memory_space<hbm>>) target(%dma_start3A_305 : memref<128xi32, #tpu.memory_space<vmem>>) target_semaphore(%dma_start3A_302 : memref<!tpu.dma_semaphore, #tpu.memory_space<semaphore_mem>>)
    %dma_start3A_307 = arith.constant 1 : i32
    %dma_start3A_308 = arith.constant 1 : i32
    %dma_start3A_309 = arith.constant 0 : i32
    %dma_start3A_310 = tpu.memref_slice %arg9[%dma_start3A_307, %dma_start3A_309] : memref<2x128xi32, #tpu.memory_space<vmem>> -> memref<1x128xi32, #tpu.memory_space<vmem>>
    %dma_start3A_311 = tpu.memref_squeeze %dma_start3A_310 : memref<1x128xi32, #tpu.memory_space<vmem>> -> memref<128xi32, #tpu.memory_space<vmem>>
    %dma_start3A_312 = tpu.memref_slice %arg4[%mul3A_294] : memref<327680xi32, #tpu.memory_space<hbm>> -> memref<128xi32, #tpu.memory_space<hbm>>
    %dma_start3A_313 = tpu.memref_slice %arg11[%dma_start3A_308] : memref<2x!tpu.dma_semaphore, #tpu.memory_space<semaphore_mem>> -> memref<1x!tpu.dma_semaphore, #tpu.memory_space<semaphore_mem>>
    %dma_start3A_314 = tpu.memref_squeeze %dma_start3A_313 : memref<1x!tpu.dma_semaphore, #tpu.memory_space<semaphore_mem>> -> memref<!tpu.dma_semaphore, #tpu.memory_space<semaphore_mem>>
    %dma_start3A_315 = arith.constant 0 : i32
    %dma_start3A_316 = tpu.memref_slice %arg9[%dma_start3A_307, %dma_start3A_315] : memref<2x128xi32, #tpu.memory_space<vmem>> -> memref<1x128xi32, #tpu.memory_space<vmem>>
    %dma_start3A_317 = tpu.memref_squeeze %dma_start3A_316 : memref<1x128xi32, #tpu.memory_space<vmem>> -> memref<128xi32, #tpu.memory_space<vmem>>
    %dma_start3A_318 = tpu.memref_slice %arg4[%mul3A_294] : memref<327680xi32, #tpu.memory_space<hbm>> -> memref<128xi32, #tpu.memory_space<hbm>>
    tpu.enqueue_dma source(%dma_start3A_318 : memref<128xi32, #tpu.memory_space<hbm>>) target(%dma_start3A_317 : memref<128xi32, #tpu.memory_space<vmem>>) target_semaphore(%dma_start3A_314 : memref<!tpu.dma_semaphore, #tpu.memory_space<semaphore_mem>>)
    %scan3A = arith.constant 0 : i32
    %scan3A_319 = arith.constant 1 : i32
    %scan3A_320 = arith.constant 38 : i32
    %scan3A_321 = arith.addi %scan3A_319, %scan3A_320 : i32
    %scan3A_322 = arith.constant 1 : i32
    scf.for %scan3A_473 = %scan3A_319 to %scan3A_321 step %scan3A_322  : i32 {
      %mul3A_474 = arith.constant 2 : i32
      %mul3A_475 = arith.muli %scan3A_473, %mul3A_474 : i32
      %add3A_476 = arith.constant 0 : i32
      %add3A_477 = arith.addi %mul3A_475, %add3A_476 : i32
      %dma_wait3A_478 = arith.constant 1 : i32
      %dma_wait3A_479 = arith.constant 1 : i32
      %dma_wait3A_480 = arith.constant 1 : i32
      %dma_wait3A_481 = arith.constant 0 : i32
      %dma_wait3A_482 = arith.constant 0 : i32
      %dma_wait3A_483 = tpu.memref_slice %arg10[%dma_wait3A_478, %dma_wait3A_481, %dma_wait3A_482] : memref<2x128x128xf32, #tpu.memory_space<vmem>> -> memref<1x128x128xf32, #tpu.memory_space<vmem>>
      %dma_wait3A_484 = tpu.memref_squeeze %dma_wait3A_483 : memref<1x128x128xf32, #tpu.memory_space<vmem>> -> memref<128x128xf32, #tpu.memory_space<vmem>>
      %dma_wait3A_485 = arith.constant 0 : i32
      %dma_wait3A_486 = tpu.memref_slice %arg9[%dma_wait3A_479, %dma_wait3A_485] : memref<2x128xi32, #tpu.memory_space<vmem>> -> memref<1x128xi32, #tpu.memory_space<vmem>>
      %dma_wait3A_487 = tpu.memref_squeeze %dma_wait3A_486 : memref<1x128xi32, #tpu.memory_space<vmem>> -> memref<128xi32, #tpu.memory_space<vmem>>
      %dma_wait3A_488 = arith.constant 0 : i32
      %dma_wait3A_489 = arith.constant 0 : i32
      %dma_wait3A_490 = tpu.memref_slice %arg7[%dma_wait3A_488, %dma_wait3A_489] : memref<10112x128xf32, #tpu.memory_space<vmem_shared>> -> memref<10112x128xf32, #tpu.memory_space<vmem_shared>>
      %dma_wait3A_491 = tpu.memref_slice %arg13[%dma_wait3A_480] : memref<2x!tpu.dma_semaphore, #tpu.memory_space<semaphore_mem>> -> memref<1x!tpu.dma_semaphore, #tpu.memory_space<semaphore_mem>>
      %dma_wait3A_492 = tpu.memref_squeeze %dma_wait3A_491 : memref<1x!tpu.dma_semaphore, #tpu.memory_space<semaphore_mem>> -> memref<!tpu.dma_semaphore, #tpu.memory_space<semaphore_mem>>
      tpu.wait_indirect_dma semaphore(%dma_wait3A_492 : memref<!tpu.dma_semaphore, #tpu.memory_space<semaphore_mem>>) src(%dma_wait3A_484 : memref<128x128xf32, #tpu.memory_space<vmem>>) dst(%dma_wait3A_490 : memref<10112x128xf32, #tpu.memory_space<vmem_shared>>)
      %dma_wait3A_493 = arith.constant 1 : i32
      %dma_wait3A_494 = arith.constant 1 : i32
      %dma_wait3A_495 = arith.constant 0 : i32
      %dma_wait3A_496 = tpu.memref_slice %arg8[%dma_wait3A_493, %dma_wait3A_495] : memref<2x128xi32, #tpu.memory_space<vmem>> -> memref<1x128xi32, #tpu.memory_space<vmem>>
      %dma_wait3A_497 = tpu.memref_squeeze %dma_wait3A_496 : memref<1x128xi32, #tpu.memory_space<vmem>> -> memref<128xi32, #tpu.memory_space<vmem>>
      %dma_wait3A_498 = arith.constant 0 : i32
      %dma_wait3A_499 = tpu.memref_slice %arg3[%dma_wait3A_498] : memref<327680xi32, #tpu.memory_space<hbm>> -> memref<128xi32, #tpu.memory_space<hbm>>
      %dma_wait3A_500 = tpu.memref_slice %arg11[%dma_wait3A_494] : memref<2x!tpu.dma_semaphore, #tpu.memory_space<semaphore_mem>> -> memref<1x!tpu.dma_semaphore, #tpu.memory_space<semaphore_mem>>
      %dma_wait3A_501 = tpu.memref_squeeze %dma_wait3A_500 : memref<1x!tpu.dma_semaphore, #tpu.memory_space<semaphore_mem>> -> memref<!tpu.dma_semaphore, #tpu.memory_space<semaphore_mem>>
      %dma_wait3A_502 = arith.constant 0 : i32
      %dma_wait3A_503 = tpu.memref_slice %arg8[%dma_wait3A_493, %dma_wait3A_502] : memref<2x128xi32, #tpu.memory_space<vmem>> -> memref<1x128xi32, #tpu.memory_space<vmem>>
      %dma_wait3A_504 = tpu.memref_squeeze %dma_wait3A_503 : memref<1x128xi32, #tpu.memory_space<vmem>> -> memref<128xi32, #tpu.memory_space<vmem>>
      %dma_wait3A_505 = arith.constant 0 : i32
      %dma_wait3A_506 = tpu.memref_slice %arg3[%dma_wait3A_505] : memref<327680xi32, #tpu.memory_space<hbm>> -> memref<128xi32, #tpu.memory_space<hbm>>
      tpu.wait_dma2 semaphore(%dma_wait3A_501 : memref<!tpu.dma_semaphore, #tpu.memory_space<semaphore_mem>>) src(%dma_wait3A_506 : memref<128xi32, #tpu.memory_space<hbm>>) dst(%dma_wait3A_504 : memref<128xi32, #tpu.memory_space<vmem>>)
      %dma_wait3A_507 = arith.constant 1 : i32
      %dma_wait3A_508 = arith.constant 1 : i32
      %dma_wait3A_509 = arith.constant 0 : i32
      %dma_wait3A_510 = tpu.memref_slice %arg9[%dma_wait3A_507, %dma_wait3A_509] : memref<2x128xi32, #tpu.memory_space<vmem>> -> memref<1x128xi32, #tpu.memory_space<vmem>>
      %dma_wait3A_511 = tpu.memref_squeeze %dma_wait3A_510 : memref<1x128xi32, #tpu.memory_space<vmem>> -> memref<128xi32, #tpu.memory_space<vmem>>
      %dma_wait3A_512 = arith.constant 0 : i32
      %dma_wait3A_513 = tpu.memref_slice %arg4[%dma_wait3A_512] : memref<327680xi32, #tpu.memory_space<hbm>> -> memref<128xi32, #tpu.memory_space<hbm>>
      %dma_wait3A_514 = tpu.memref_slice %arg11[%dma_wait3A_508] : memref<2x!tpu.dma_semaphore, #tpu.memory_space<semaphore_mem>> -> memref<1x!tpu.dma_semaphore, #tpu.memory_space<semaphore_mem>>
      %dma_wait3A_515 = tpu.memref_squeeze %dma_wait3A_514 : memref<1x!tpu.dma_semaphore, #tpu.memory_space<semaphore_mem>> -> memref<!tpu.dma_semaphore, #tpu.memory_space<semaphore_mem>>
      %dma_wait3A_516 = arith.constant 0 : i32
      %dma_wait3A_517 = tpu.memref_slice %arg9[%dma_wait3A_507, %dma_wait3A_516] : memref<2x128xi32, #tpu.memory_space<vmem>> -> memref<1x128xi32, #tpu.memory_space<vmem>>
      %dma_wait3A_518 = tpu.memref_squeeze %dma_wait3A_517 : memref<1x128xi32, #tpu.memory_space<vmem>> -> memref<128xi32, #tpu.memory_space<vmem>>
      %dma_wait3A_519 = arith.constant 0 : i32
      %dma_wait3A_520 = tpu.memref_slice %arg4[%dma_wait3A_519] : memref<327680xi32, #tpu.memory_space<hbm>> -> memref<128xi32, #tpu.memory_space<hbm>>
      tpu.wait_dma2 semaphore(%dma_wait3A_515 : memref<!tpu.dma_semaphore, #tpu.memory_space<semaphore_mem>>) src(%dma_wait3A_520 : memref<128xi32, #tpu.memory_space<hbm>>) dst(%dma_wait3A_518 : memref<128xi32, #tpu.memory_space<vmem>>)
      %dma_start3A_521 = arith.constant 1 : i32
      %dma_start3A_522 = arith.constant 1 : i32
      %dma_start3A_523 = arith.constant 1 : i32
      %dma_start3A_524 = arith.constant 0 : i32
      %dma_start3A_525 = arith.constant 0 : i32
      %dma_start3A_526 = tpu.memref_slice %arg10[%dma_start3A_522, %dma_start3A_524, %dma_start3A_525] : memref<2x128x128xf32, #tpu.memory_space<vmem>> -> memref<1x128x128xf32, #tpu.memory_space<vmem>>
      %dma_start3A_527 = tpu.memref_squeeze %dma_start3A_526 : memref<1x128x128xf32, #tpu.memory_space<vmem>> -> memref<128x128xf32, #tpu.memory_space<vmem>>
      %dma_start3A_528 = arith.constant 0 : i32
      %dma_start3A_529 = tpu.memref_slice %arg8[%dma_start3A_521, %dma_start3A_528] : memref<2x128xi32, #tpu.memory_space<vmem>> -> memref<1x128xi32, #tpu.memory_space<vmem>>
      %dma_start3A_530 = tpu.memref_squeeze %dma_start3A_529 : memref<1x128xi32, #tpu.memory_space<vmem>> -> memref<128xi32, #tpu.memory_space<vmem>>
      %dma_start3A_531 = arith.constant 0 : i32
      %dma_start3A_532 = arith.constant 0 : i32
      %dma_start3A_533 = tpu.memref_slice %arg2[%dma_start3A_531, %dma_start3A_532] : memref<10000x128xf32, #tpu.memory_space<hbm>> -> memref<10000x128xf32, #tpu.memory_space<hbm>>
      %dma_start3A_534 = tpu.memref_slice %arg12[%dma_start3A_523] : memref<2x!tpu.dma_semaphore, #tpu.memory_space<semaphore_mem>> -> memref<1x!tpu.dma_semaphore, #tpu.memory_space<semaphore_mem>>
      %dma_start3A_535 = tpu.memref_squeeze %dma_start3A_534 : memref<1x!tpu.dma_semaphore, #tpu.memory_space<semaphore_mem>> -> memref<!tpu.dma_semaphore, #tpu.memory_space<semaphore_mem>>
      tpu.enqueue_indirect_dma source(%dma_start3A_533 : memref<10000x128xf32, #tpu.memory_space<hbm>>) target(%dma_start3A_527 : memref<128x128xf32, #tpu.memory_space<vmem>>) offsets(%dma_start3A_530 : memref<128xi32, #tpu.memory_space<vmem>>) semaphore(%dma_start3A_535 : memref<!tpu.dma_semaphore, #tpu.memory_space<semaphore_mem>>)
      %dma_wait3A_536 = arith.constant 0 : i32
      %dma_wait3A_537 = arith.constant 0 : i32
      %dma_wait3A_538 = arith.constant 0 : i32
      %dma_wait3A_539 = arith.constant 0 : i32
      %dma_wait3A_540 = arith.constant 0 : i32
      %dma_wait3A_541 = tpu.memref_slice %arg10[%dma_wait3A_537, %dma_wait3A_539, %dma_wait3A_540] : memref<2x128x128xf32, #tpu.memory_space<vmem>> -> memref<1x128x128xf32, #tpu.memory_space<vmem>>
      %dma_wait3A_542 = tpu.memref_squeeze %dma_wait3A_541 : memref<1x128x128xf32, #tpu.memory_space<vmem>> -> memref<128x128xf32, #tpu.memory_space<vmem>>
      %dma_wait3A_543 = arith.constant 0 : i32
      %dma_wait3A_544 = tpu.memref_slice %arg8[%dma_wait3A_536, %dma_wait3A_543] : memref<2x128xi32, #tpu.memory_space<vmem>> -> memref<1x128xi32, #tpu.memory_space<vmem>>
      %dma_wait3A_545 = tpu.memref_squeeze %dma_wait3A_544 : memref<1x128xi32, #tpu.memory_space<vmem>> -> memref<128xi32, #tpu.memory_space<vmem>>
      %dma_wait3A_546 = arith.constant 0 : i32
      %dma_wait3A_547 = arith.constant 0 : i32
      %dma_wait3A_548 = tpu.memref_slice %arg2[%dma_wait3A_546, %dma_wait3A_547] : memref<10000x128xf32, #tpu.memory_space<hbm>> -> memref<10000x128xf32, #tpu.memory_space<hbm>>
      %dma_wait3A_549 = tpu.memref_slice %arg12[%dma_wait3A_538] : memref<2x!tpu.dma_semaphore, #tpu.memory_space<semaphore_mem>> -> memref<1x!tpu.dma_semaphore, #tpu.memory_space<semaphore_mem>>
      %dma_wait3A_550 = tpu.memref_squeeze %dma_wait3A_549 : memref<1x!tpu.dma_semaphore, #tpu.memory_space<semaphore_mem>> -> memref<!tpu.dma_semaphore, #tpu.memory_space<semaphore_mem>>
      tpu.wait_indirect_dma semaphore(%dma_wait3A_550 : memref<!tpu.dma_semaphore, #tpu.memory_space<semaphore_mem>>) src(%dma_wait3A_548 : memref<10000x128xf32, #tpu.memory_space<hbm>>) dst(%dma_wait3A_542 : memref<128x128xf32, #tpu.memory_space<vmem>>)
      %dma_start3A_551 = arith.constant 0 : i32
      %dma_start3A_552 = arith.constant 0 : i32
      %dma_start3A_553 = arith.constant 0 : i32
      %dma_start3A_554 = arith.constant 0 : i32
      %dma_start3A_555 = arith.constant 0 : i32
      %dma_start3A_556 = tpu.memref_slice %arg10[%dma_start3A_551, %dma_start3A_554, %dma_start3A_555] : memref<2x128x128xf32, #tpu.memory_space<vmem>> -> memref<1x128x128xf32, #tpu.memory_space<vmem>>
      %dma_start3A_557 = tpu.memref_squeeze %dma_start3A_556 : memref<1x128x128xf32, #tpu.memory_space<vmem>> -> memref<128x128xf32, #tpu.memory_space<vmem>>
      %dma_start3A_558 = arith.constant 0 : i32
      %dma_start3A_559 = tpu.memref_slice %arg9[%dma_start3A_552, %dma_start3A_558] : memref<2x128xi32, #tpu.memory_space<vmem>> -> memref<1x128xi32, #tpu.memory_space<vmem>>
      %dma_start3A_560 = tpu.memref_squeeze %dma_start3A_559 : memref<1x128xi32, #tpu.memory_space<vmem>> -> memref<128xi32, #tpu.memory_space<vmem>>
      %dma_start3A_561 = arith.constant 0 : i32
      %dma_start3A_562 = arith.constant 0 : i32
      %dma_start3A_563 = tpu.memref_slice %arg7[%dma_start3A_561, %dma_start3A_562] : memref<10112x128xf32, #tpu.memory_space<vmem_shared>> -> memref<10112x128xf32, #tpu.memory_space<vmem_shared>>
      %dma_start3A_564 = tpu.memref_slice %arg13[%dma_start3A_553] : memref<2x!tpu.dma_semaphore, #tpu.memory_space<semaphore_mem>> -> memref<1x!tpu.dma_semaphore, #tpu.memory_space<semaphore_mem>>
      %dma_start3A_565 = tpu.memref_squeeze %dma_start3A_564 : memref<1x!tpu.dma_semaphore, #tpu.memory_space<semaphore_mem>> -> memref<!tpu.dma_semaphore, #tpu.memory_space<semaphore_mem>>
      tpu.enqueue_indirect_dma source(%dma_start3A_557 : memref<128x128xf32, #tpu.memory_space<vmem>>) target(%dma_start3A_563 : memref<10112x128xf32, #tpu.memory_space<vmem_shared>>) offsets(%dma_start3A_560 : memref<128xi32, #tpu.memory_space<vmem>>) semaphore(%dma_start3A_565 : memref<!tpu.dma_semaphore, #tpu.memory_space<semaphore_mem>>) {add = true}
      %add3A_566 = arith.constant 2 : i32
      %add3A_567 = arith.addi %add3A_477, %add3A_566 : i32
      %add3A_568 = arith.addi %mul3A_4, %add3A_567 : i32
      %mul3A_569 = arith.constant 128 : i32
      %mul3A_570 = arith.muli %add3A_568, %mul3A_569 : i32
      %dma_start3A_571 = arith.constant 0 : i32
      %dma_start3A_572 = arith.constant 0 : i32
      %dma_start3A_573 = arith.constant 0 : i32
      %dma_start3A_574 = tpu.memref_slice %arg8[%dma_start3A_571, %dma_start3A_573] : memref<2x128xi32, #tpu.memory_space<vmem>> -> memref<1x128xi32, #tpu.memory_space<vmem>>
      %dma_start3A_575 = tpu.memref_squeeze %dma_start3A_574 : memref<1x128xi32, #tpu.memory_space<vmem>> -> memref<128xi32, #tpu.memory_space<vmem>>
      %dma_start3A_576 = tpu.memref_slice %arg3[%mul3A_570] : memref<327680xi32, #tpu.memory_space<hbm>> -> memref<128xi32, #tpu.memory_space<hbm>>
      %dma_start3A_577 = tpu.memref_slice %arg11[%dma_start3A_572] : memref<2x!tpu.dma_semaphore, #tpu.memory_space<semaphore_mem>> -> memref<1x!tpu.dma_semaphore, #tpu.memory_space<semaphore_mem>>
      %dma_start3A_578 = tpu.memref_squeeze %dma_start3A_577 : memref<1x!tpu.dma_semaphore, #tpu.memory_space<semaphore_mem>> -> memref<!tpu.dma_semaphore, #tpu.memory_space<semaphore_mem>>
      %dma_start3A_579 = arith.constant 0 : i32
      %dma_start3A_580 = tpu.memref_slice %arg8[%dma_start3A_571, %dma_start3A_579] : memref<2x128xi32, #tpu.memory_space<vmem>> -> memref<1x128xi32, #tpu.memory_space<vmem>>
      %dma_start3A_581 = tpu.memref_squeeze %dma_start3A_580 : memref<1x128xi32, #tpu.memory_space<vmem>> -> memref<128xi32, #tpu.memory_space<vmem>>
      %dma_start3A_582 = tpu.memref_slice %arg3[%mul3A_570] : memref<327680xi32, #tpu.memory_space<hbm>> -> memref<128xi32, #tpu.memory_space<hbm>>
      tpu.enqueue_dma source(%dma_start3A_582 : memref<128xi32, #tpu.memory_space<hbm>>) target(%dma_start3A_581 : memref<128xi32, #tpu.memory_space<vmem>>) target_semaphore(%dma_start3A_578 : memref<!tpu.dma_semaphore, #tpu.memory_space<semaphore_mem>>)
      %dma_start3A_583 = arith.constant 0 : i32
      %dma_start3A_584 = arith.constant 0 : i32
      %dma_start3A_585 = arith.constant 0 : i32
      %dma_start3A_586 = tpu.memref_slice %arg9[%dma_start3A_583, %dma_start3A_585] : memref<2x128xi32, #tpu.memory_space<vmem>> -> memref<1x128xi32, #tpu.memory_space<vmem>>
      %dma_start3A_587 = tpu.memref_squeeze %dma_start3A_586 : memref<1x128xi32, #tpu.memory_space<vmem>> -> memref<128xi32, #tpu.memory_space<vmem>>
      %dma_start3A_588 = tpu.memref_slice %arg4[%mul3A_570] : memref<327680xi32, #tpu.memory_space<hbm>> -> memref<128xi32, #tpu.memory_space<hbm>>
      %dma_start3A_589 = tpu.memref_slice %arg11[%dma_start3A_584] : memref<2x!tpu.dma_semaphore, #tpu.memory_space<semaphore_mem>> -> memref<1x!tpu.dma_semaphore, #tpu.memory_space<semaphore_mem>>
      %dma_start3A_590 = tpu.memref_squeeze %dma_start3A_589 : memref<1x!tpu.dma_semaphore, #tpu.memory_space<semaphore_mem>> -> memref<!tpu.dma_semaphore, #tpu.memory_space<semaphore_mem>>
      %dma_start3A_591 = arith.constant 0 : i32
      %dma_start3A_592 = tpu.memref_slice %arg9[%dma_start3A_583, %dma_start3A_591] : memref<2x128xi32, #tpu.memory_space<vmem>> -> memref<1x128xi32, #tpu.memory_space<vmem>>
      %dma_start3A_593 = tpu.memref_squeeze %dma_start3A_592 : memref<1x128xi32, #tpu.memory_space<vmem>> -> memref<128xi32, #tpu.memory_space<vmem>>
      %dma_start3A_594 = tpu.memref_slice %arg4[%mul3A_570] : memref<327680xi32, #tpu.memory_space<hbm>> -> memref<128xi32, #tpu.memory_space<hbm>>
      tpu.enqueue_dma source(%dma_start3A_594 : memref<128xi32, #tpu.memory_space<hbm>>) target(%dma_start3A_593 : memref<128xi32, #tpu.memory_space<vmem>>) target_semaphore(%dma_start3A_590 : memref<!tpu.dma_semaphore, #tpu.memory_space<semaphore_mem>>)
      %mul3A_595 = arith.constant 2 : i32
      %mul3A_596 = arith.muli %scan3A_473, %mul3A_595 : i32
      %add3A_597 = arith.constant 1 : i32
      %add3A_598 = arith.addi %mul3A_596, %add3A_597 : i32
      %dma_wait3A_599 = arith.constant 0 : i32
      %dma_wait3A_600 = arith.constant 0 : i32
      %dma_wait3A_601 = arith.constant 0 : i32
      %dma_wait3A_602 = arith.constant 0 : i32
      %dma_wait3A_603 = arith.constant 0 : i32
      %dma_wait3A_604 = tpu.memref_slice %arg10[%dma_wait3A_599, %dma_wait3A_602, %dma_wait3A_603] : memref<2x128x128xf32, #tpu.memory_space<vmem>> -> memref<1x128x128xf32, #tpu.memory_space<vmem>>
      %dma_wait3A_605 = tpu.memref_squeeze %dma_wait3A_604 : memref<1x128x128xf32, #tpu.memory_space<vmem>> -> memref<128x128xf32, #tpu.memory_space<vmem>>
      %dma_wait3A_606 = arith.constant 0 : i32
      %dma_wait3A_607 = tpu.memref_slice %arg9[%dma_wait3A_600, %dma_wait3A_606] : memref<2x128xi32, #tpu.memory_space<vmem>> -> memref<1x128xi32, #tpu.memory_space<vmem>>
      %dma_wait3A_608 = tpu.memref_squeeze %dma_wait3A_607 : memref<1x128xi32, #tpu.memory_space<vmem>> -> memref<128xi32, #tpu.memory_space<vmem>>
      %dma_wait3A_609 = arith.constant 0 : i32
      %dma_wait3A_610 = arith.constant 0 : i32
      %dma_wait3A_611 = tpu.memref_slice %arg7[%dma_wait3A_609, %dma_wait3A_610] : memref<10112x128xf32, #tpu.memory_space<vmem_shared>> -> memref<10112x128xf32, #tpu.memory_space<vmem_shared>>
      %dma_wait3A_612 = tpu.memref_slice %arg13[%dma_wait3A_601] : memref<2x!tpu.dma_semaphore, #tpu.memory_space<semaphore_mem>> -> memref<1x!tpu.dma_semaphore, #tpu.memory_space<semaphore_mem>>
      %dma_wait3A_613 = tpu.memref_squeeze %dma_wait3A_612 : memref<1x!tpu.dma_semaphore, #tpu.memory_space<semaphore_mem>> -> memref<!tpu.dma_semaphore, #tpu.memory_space<semaphore_mem>>
      tpu.wait_indirect_dma semaphore(%dma_wait3A_613 : memref<!tpu.dma_semaphore, #tpu.memory_space<semaphore_mem>>) src(%dma_wait3A_605 : memref<128x128xf32, #tpu.memory_space<vmem>>) dst(%dma_wait3A_611 : memref<10112x128xf32, #tpu.memory_space<vmem_shared>>)
      %dma_wait3A_614 = arith.constant 0 : i32
      %dma_wait3A_615 = arith.constant 0 : i32
      %dma_wait3A_616 = arith.constant 0 : i32
      %dma_wait3A_617 = tpu.memref_slice %arg8[%dma_wait3A_614, %dma_wait3A_616] : memref<2x128xi32, #tpu.memory_space<vmem>> -> memref<1x128xi32, #tpu.memory_space<vmem>>
      %dma_wait3A_618 = tpu.memref_squeeze %dma_wait3A_617 : memref<1x128xi32, #tpu.memory_space<vmem>> -> memref<128xi32, #tpu.memory_space<vmem>>
      %dma_wait3A_619 = arith.constant 0 : i32
      %dma_wait3A_620 = tpu.memref_slice %arg3[%dma_wait3A_619] : memref<327680xi32, #tpu.memory_space<hbm>> -> memref<128xi32, #tpu.memory_space<hbm>>
      %dma_wait3A_621 = tpu.memref_slice %arg11[%dma_wait3A_615] : memref<2x!tpu.dma_semaphore, #tpu.memory_space<semaphore_mem>> -> memref<1x!tpu.dma_semaphore, #tpu.memory_space<semaphore_mem>>
      %dma_wait3A_622 = tpu.memref_squeeze %dma_wait3A_621 : memref<1x!tpu.dma_semaphore, #tpu.memory_space<semaphore_mem>> -> memref<!tpu.dma_semaphore, #tpu.memory_space<semaphore_mem>>
      %dma_wait3A_623 = arith.constant 0 : i32
      %dma_wait3A_624 = tpu.memref_slice %arg8[%dma_wait3A_614, %dma_wait3A_623] : memref<2x128xi32, #tpu.memory_space<vmem>> -> memref<1x128xi32, #tpu.memory_space<vmem>>
      %dma_wait3A_625 = tpu.memref_squeeze %dma_wait3A_624 : memref<1x128xi32, #tpu.memory_space<vmem>> -> memref<128xi32, #tpu.memory_space<vmem>>
      %dma_wait3A_626 = arith.constant 0 : i32
      %dma_wait3A_627 = tpu.memref_slice %arg3[%dma_wait3A_626] : memref<327680xi32, #tpu.memory_space<hbm>> -> memref<128xi32, #tpu.memory_space<hbm>>
      tpu.wait_dma2 semaphore(%dma_wait3A_622 : memref<!tpu.dma_semaphore, #tpu.memory_space<semaphore_mem>>) src(%dma_wait3A_627 : memref<128xi32, #tpu.memory_space<hbm>>) dst(%dma_wait3A_625 : memref<128xi32, #tpu.memory_space<vmem>>)
      %dma_wait3A_628 = arith.constant 0 : i32
      %dma_wait3A_629 = arith.constant 0 : i32
      %dma_wait3A_630 = arith.constant 0 : i32
      %dma_wait3A_631 = tpu.memref_slice %arg9[%dma_wait3A_628, %dma_wait3A_630] : memref<2x128xi32, #tpu.memory_space<vmem>> -> memref<1x128xi32, #tpu.memory_space<vmem>>
      %dma_wait3A_632 = tpu.memref_squeeze %dma_wait3A_631 : memref<1x128xi32, #tpu.memory_space<vmem>> -> memref<128xi32, #tpu.memory_space<vmem>>
      %dma_wait3A_633 = arith.constant 0 : i32
      %dma_wait3A_634 = tpu.memref_slice %arg4[%dma_wait3A_633] : memref<327680xi32, #tpu.memory_space<hbm>> -> memref<128xi32, #tpu.memory_space<hbm>>
      %dma_wait3A_635 = tpu.memref_slice %arg11[%dma_wait3A_629] : memref<2x!tpu.dma_semaphore, #tpu.memory_space<semaphore_mem>> -> memref<1x!tpu.dma_semaphore, #tpu.memory_space<semaphore_mem>>
      %dma_wait3A_636 = tpu.memref_squeeze %dma_wait3A_635 : memref<1x!tpu.dma_semaphore, #tpu.memory_space<semaphore_mem>> -> memref<!tpu.dma_semaphore, #tpu.memory_space<semaphore_mem>>
      %dma_wait3A_637 = arith.constant 0 : i32
      %dma_wait3A_638 = tpu.memref_slice %arg9[%dma_wait3A_628, %dma_wait3A_637] : memref<2x128xi32, #tpu.memory_space<vmem>> -> memref<1x128xi32, #tpu.memory_space<vmem>>
      %dma_wait3A_639 = tpu.memref_squeeze %dma_wait3A_638 : memref<1x128xi32, #tpu.memory_space<vmem>> -> memref<128xi32, #tpu.memory_space<vmem>>
      %dma_wait3A_640 = arith.constant 0 : i32
      %dma_wait3A_641 = tpu.memref_slice %arg4[%dma_wait3A_640] : memref<327680xi32, #tpu.memory_space<hbm>> -> memref<128xi32, #tpu.memory_space<hbm>>
      tpu.wait_dma2 semaphore(%dma_wait3A_636 : memref<!tpu.dma_semaphore, #tpu.memory_space<semaphore_mem>>) src(%dma_wait3A_641 : memref<128xi32, #tpu.memory_space<hbm>>) dst(%dma_wait3A_639 : memref<128xi32, #tpu.memory_space<vmem>>)
      %dma_start3A_642 = arith.constant 0 : i32
      %dma_start3A_643 = arith.constant 0 : i32
      %dma_start3A_644 = arith.constant 0 : i32
      %dma_start3A_645 = arith.constant 0 : i32
      %dma_start3A_646 = arith.constant 0 : i32
      %dma_start3A_647 = tpu.memref_slice %arg10[%dma_start3A_643, %dma_start3A_645, %dma_start3A_646] : memref<2x128x128xf32, #tpu.memory_space<vmem>> -> memref<1x128x128xf32, #tpu.memory_space<vmem>>
      %dma_start3A_648 = tpu.memref_squeeze %dma_start3A_647 : memref<1x128x128xf32, #tpu.memory_space<vmem>> -> memref<128x128xf32, #tpu.memory_space<vmem>>
      %dma_start3A_649 = arith.constant 0 : i32
      %dma_start3A_650 = tpu.memref_slice %arg8[%dma_start3A_642, %dma_start3A_649] : memref<2x128xi32, #tpu.memory_space<vmem>> -> memref<1x128xi32, #tpu.memory_space<vmem>>
      %dma_start3A_651 = tpu.memref_squeeze %dma_start3A_650 : memref<1x128xi32, #tpu.memory_space<vmem>> -> memref<128xi32, #tpu.memory_space<vmem>>
      %dma_start3A_652 = arith.constant 0 : i32
      %dma_start3A_653 = arith.constant 0 : i32
      %dma_start3A_654 = tpu.memref_slice %arg2[%dma_start3A_652, %dma_start3A_653] : memref<10000x128xf32, #tpu.memory_space<hbm>> -> memref<10000x128xf32, #tpu.memory_space<hbm>>
      %dma_start3A_655 = tpu.memref_slice %arg12[%dma_start3A_644] : memref<2x!tpu.dma_semaphore, #tpu.memory_space<semaphore_mem>> -> memref<1x!tpu.dma_semaphore, #tpu.memory_space<semaphore_mem>>
      %dma_start3A_656 = tpu.memref_squeeze %dma_start3A_655 : memref<1x!tpu.dma_semaphore, #tpu.memory_space<semaphore_mem>> -> memref<!tpu.dma_semaphore, #tpu.memory_space<semaphore_mem>>
      tpu.enqueue_indirect_dma source(%dma_start3A_654 : memref<10000x128xf32, #tpu.memory_space<hbm>>) target(%dma_start3A_648 : memref<128x128xf32, #tpu.memory_space<vmem>>) offsets(%dma_start3A_651 : memref<128xi32, #tpu.memory_space<vmem>>) semaphore(%dma_start3A_656 : memref<!tpu.dma_semaphore, #tpu.memory_space<semaphore_mem>>)
      %dma_wait3A_657 = arith.constant 1 : i32
      %dma_wait3A_658 = arith.constant 1 : i32
      %dma_wait3A_659 = arith.constant 1 : i32
      %dma_wait3A_660 = arith.constant 0 : i32
      %dma_wait3A_661 = arith.constant 0 : i32
      %dma_wait3A_662 = tpu.memref_slice %arg10[%dma_wait3A_658, %dma_wait3A_660, %dma_wait3A_661] : memref<2x128x128xf32, #tpu.memory_space<vmem>> -> memref<1x128x128xf32, #tpu.memory_space<vmem>>
      %dma_wait3A_663 = tpu.memref_squeeze %dma_wait3A_662 : memref<1x128x128xf32, #tpu.memory_space<vmem>> -> memref<128x128xf32, #tpu.memory_space<vmem>>
      %dma_wait3A_664 = arith.constant 0 : i32
      %dma_wait3A_665 = tpu.memref_slice %arg8[%dma_wait3A_657, %dma_wait3A_664] : memref<2x128xi32, #tpu.memory_space<vmem>> -> memref<1x128xi32, #tpu.memory_space<vmem>>
      %dma_wait3A_666 = tpu.memref_squeeze %dma_wait3A_665 : memref<1x128xi32, #tpu.memory_space<vmem>> -> memref<128xi32, #tpu.memory_space<vmem>>
      %dma_wait3A_667 = arith.constant 0 : i32
      %dma_wait3A_668 = arith.constant 0 : i32
      %dma_wait3A_669 = tpu.memref_slice %arg2[%dma_wait3A_667, %dma_wait3A_668] : memref<10000x128xf32, #tpu.memory_space<hbm>> -> memref<10000x128xf32, #tpu.memory_space<hbm>>
      %dma_wait3A_670 = tpu.memref_slice %arg12[%dma_wait3A_659] : memref<2x!tpu.dma_semaphore, #tpu.memory_space<semaphore_mem>> -> memref<1x!tpu.dma_semaphore, #tpu.memory_space<semaphore_mem>>
      %dma_wait3A_671 = tpu.memref_squeeze %dma_wait3A_670 : memref<1x!tpu.dma_semaphore, #tpu.memory_space<semaphore_mem>> -> memref<!tpu.dma_semaphore, #tpu.memory_space<semaphore_mem>>
      tpu.wait_indirect_dma semaphore(%dma_wait3A_671 : memref<!tpu.dma_semaphore, #tpu.memory_space<semaphore_mem>>) src(%dma_wait3A_669 : memref<10000x128xf32, #tpu.memory_space<hbm>>) dst(%dma_wait3A_663 : memref<128x128xf32, #tpu.memory_space<vmem>>)
      %dma_start3A_672 = arith.constant 1 : i32
      %dma_start3A_673 = arith.constant 1 : i32
      %dma_start3A_674 = arith.constant 1 : i32
      %dma_start3A_675 = arith.constant 0 : i32
      %dma_start3A_676 = arith.constant 0 : i32
      %dma_start3A_677 = tpu.memref_slice %arg10[%dma_start3A_672, %dma_start3A_675, %dma_start3A_676] : memref<2x128x128xf32, #tpu.memory_space<vmem>> -> memref<1x128x128xf32, #tpu.memory_space<vmem>>
      %dma_start3A_678 = tpu.memref_squeeze %dma_start3A_677 : memref<1x128x128xf32, #tpu.memory_space<vmem>> -> memref<128x128xf32, #tpu.memory_space<vmem>>
      %dma_start3A_679 = arith.constant 0 : i32
      %dma_start3A_680 = tpu.memref_slice %arg9[%dma_start3A_673, %dma_start3A_679] : memref<2x128xi32, #tpu.memory_space<vmem>> -> memref<1x128xi32, #tpu.memory_space<vmem>>
      %dma_start3A_681 = tpu.memref_squeeze %dma_start3A_680 : memref<1x128xi32, #tpu.memory_space<vmem>> -> memref<128xi32, #tpu.memory_space<vmem>>
      %dma_start3A_682 = arith.constant 0 : i32
      %dma_start3A_683 = arith.constant 0 : i32
      %dma_start3A_684 = tpu.memref_slice %arg7[%dma_start3A_682, %dma_start3A_683] : memref<10112x128xf32, #tpu.memory_space<vmem_shared>> -> memref<10112x128xf32, #tpu.memory_space<vmem_shared>>
      %dma_start3A_685 = tpu.memref_slice %arg13[%dma_start3A_674] : memref<2x!tpu.dma_semaphore, #tpu.memory_space<semaphore_mem>> -> memref<1x!tpu.dma_semaphore, #tpu.memory_space<semaphore_mem>>
      %dma_start3A_686 = tpu.memref_squeeze %dma_start3A_685 : memref<1x!tpu.dma_semaphore, #tpu.memory_space<semaphore_mem>> -> memref<!tpu.dma_semaphore, #tpu.memory_space<semaphore_mem>>
      tpu.enqueue_indirect_dma source(%dma_start3A_678 : memref<128x128xf32, #tpu.memory_space<vmem>>) target(%dma_start3A_684 : memref<10112x128xf32, #tpu.memory_space<vmem_shared>>) offsets(%dma_start3A_681 : memref<128xi32, #tpu.memory_space<vmem>>) semaphore(%dma_start3A_686 : memref<!tpu.dma_semaphore, #tpu.memory_space<semaphore_mem>>) {add = true}
      %add3A_687 = arith.constant 2 : i32
      %add3A_688 = arith.addi %add3A_598, %add3A_687 : i32
      %add3A_689 = arith.addi %mul3A_4, %add3A_688 : i32
      %mul3A_690 = arith.constant 128 : i32
      %mul3A_691 = arith.muli %add3A_689, %mul3A_690 : i32
      %dma_start3A_692 = arith.constant 1 : i32
      %dma_start3A_693 = arith.constant 1 : i32
      %dma_start3A_694 = arith.constant 0 : i32
      %dma_start3A_695 = tpu.memref_slice %arg8[%dma_start3A_692, %dma_start3A_694] : memref<2x128xi32, #tpu.memory_space<vmem>> -> memref<1x128xi32, #tpu.memory_space<vmem>>
      %dma_start3A_696 = tpu.memref_squeeze %dma_start3A_695 : memref<1x128xi32, #tpu.memory_space<vmem>> -> memref<128xi32, #tpu.memory_space<vmem>>
      %dma_start3A_697 = tpu.memref_slice %arg3[%mul3A_691] : memref<327680xi32, #tpu.memory_space<hbm>> -> memref<128xi32, #tpu.memory_space<hbm>>
      %dma_start3A_698 = tpu.memref_slice %arg11[%dma_start3A_693] : memref<2x!tpu.dma_semaphore, #tpu.memory_space<semaphore_mem>> -> memref<1x!tpu.dma_semaphore, #tpu.memory_space<semaphore_mem>>
      %dma_start3A_699 = tpu.memref_squeeze %dma_start3A_698 : memref<1x!tpu.dma_semaphore, #tpu.memory_space<semaphore_mem>> -> memref<!tpu.dma_semaphore, #tpu.memory_space<semaphore_mem>>
      %dma_start3A_700 = arith.constant 0 : i32
      %dma_start3A_701 = tpu.memref_slice %arg8[%dma_start3A_692, %dma_start3A_700] : memref<2x128xi32, #tpu.memory_space<vmem>> -> memref<1x128xi32, #tpu.memory_space<vmem>>
      %dma_start3A_702 = tpu.memref_squeeze %dma_start3A_701 : memref<1x128xi32, #tpu.memory_space<vmem>> -> memref<128xi32, #tpu.memory_space<vmem>>
      %dma_start3A_703 = tpu.memref_slice %arg3[%mul3A_691] : memref<327680xi32, #tpu.memory_space<hbm>> -> memref<128xi32, #tpu.memory_space<hbm>>
      tpu.enqueue_dma source(%dma_start3A_703 : memref<128xi32, #tpu.memory_space<hbm>>) target(%dma_start3A_702 : memref<128xi32, #tpu.memory_space<vmem>>) target_semaphore(%dma_start3A_699 : memref<!tpu.dma_semaphore, #tpu.memory_space<semaphore_mem>>)
      %dma_start3A_704 = arith.constant 1 : i32
      %dma_start3A_705 = arith.constant 1 : i32
      %dma_start3A_706 = arith.constant 0 : i32
      %dma_start3A_707 = tpu.memref_slice %arg9[%dma_start3A_704, %dma_start3A_706] : memref<2x128xi32, #tpu.memory_space<vmem>> -> memref<1x128xi32, #tpu.memory_space<vmem>>
      %dma_start3A_708 = tpu.memref_squeeze %dma_start3A_707 : memref<1x128xi32, #tpu.memory_space<vmem>> -> memref<128xi32, #tpu.memory_space<vmem>>
      %dma_start3A_709 = tpu.memref_slice %arg4[%mul3A_691] : memref<327680xi32, #tpu.memory_space<hbm>> -> memref<128xi32, #tpu.memory_space<hbm>>
      %dma_start3A_710 = tpu.memref_slice %arg11[%dma_start3A_705] : memref<2x!tpu.dma_semaphore, #tpu.memory_space<semaphore_mem>> -> memref<1x!tpu.dma_semaphore, #tpu.memory_space<semaphore_mem>>
      %dma_start3A_711 = tpu.memref_squeeze %dma_start3A_710 : memref<1x!tpu.dma_semaphore, #tpu.memory_space<semaphore_mem>> -> memref<!tpu.dma_semaphore, #tpu.memory_space<semaphore_mem>>
      %dma_start3A_712 = arith.constant 0 : i32
      %dma_start3A_713 = tpu.memref_slice %arg9[%dma_start3A_704, %dma_start3A_712] : memref<2x128xi32, #tpu.memory_space<vmem>> -> memref<1x128xi32, #tpu.memory_space<vmem>>
      %dma_start3A_714 = tpu.memref_squeeze %dma_start3A_713 : memref<1x128xi32, #tpu.memory_space<vmem>> -> memref<128xi32, #tpu.memory_space<vmem>>
      %dma_start3A_715 = tpu.memref_slice %arg4[%mul3A_691] : memref<327680xi32, #tpu.memory_space<hbm>> -> memref<128xi32, #tpu.memory_space<hbm>>
      tpu.enqueue_dma source(%dma_start3A_715 : memref<128xi32, #tpu.memory_space<hbm>>) target(%dma_start3A_714 : memref<128xi32, #tpu.memory_space<vmem>>) target_semaphore(%dma_start3A_711 : memref<!tpu.dma_semaphore, #tpu.memory_space<semaphore_mem>>)
    }
    %scan3A_323 = arith.constant 38 : i32
    %dma_wait3A_324 = arith.constant 1 : i32
    %dma_wait3A_325 = arith.constant 1 : i32
    %dma_wait3A_326 = arith.constant 1 : i32
    %dma_wait3A_327 = arith.constant 0 : i32
    %dma_wait3A_328 = arith.constant 0 : i32
    %dma_wait3A_329 = tpu.memref_slice %arg10[%dma_wait3A_324, %dma_wait3A_327, %dma_wait3A_328] : memref<2x128x128xf32, #tpu.memory_space<vmem>> -> memref<1x128x128xf32, #tpu.memory_space<vmem>>
    %dma_wait3A_330 = tpu.memref_squeeze %dma_wait3A_329 : memref<1x128x128xf32, #tpu.memory_space<vmem>> -> memref<128x128xf32, #tpu.memory_space<vmem>>
    %dma_wait3A_331 = arith.constant 0 : i32
    %dma_wait3A_332 = tpu.memref_slice %arg9[%dma_wait3A_325, %dma_wait3A_331] : memref<2x128xi32, #tpu.memory_space<vmem>> -> memref<1x128xi32, #tpu.memory_space<vmem>>
    %dma_wait3A_333 = tpu.memref_squeeze %dma_wait3A_332 : memref<1x128xi32, #tpu.memory_space<vmem>> -> memref<128xi32, #tpu.memory_space<vmem>>
    %dma_wait3A_334 = arith.constant 0 : i32
    %dma_wait3A_335 = arith.constant 0 : i32
    %dma_wait3A_336 = tpu.memref_slice %arg7[%dma_wait3A_334, %dma_wait3A_335] : memref<10112x128xf32, #tpu.memory_space<vmem_shared>> -> memref<10112x128xf32, #tpu.memory_space<vmem_shared>>
    %dma_wait3A_337 = tpu.memref_slice %arg13[%dma_wait3A_326] : memref<2x!tpu.dma_semaphore, #tpu.memory_space<semaphore_mem>> -> memref<1x!tpu.dma_semaphore, #tpu.memory_space<semaphore_mem>>
    %dma_wait3A_338 = tpu.memref_squeeze %dma_wait3A_337 : memref<1x!tpu.dma_semaphore, #tpu.memory_space<semaphore_mem>> -> memref<!tpu.dma_semaphore, #tpu.memory_space<semaphore_mem>>
    tpu.wait_indirect_dma semaphore(%dma_wait3A_338 : memref<!tpu.dma_semaphore, #tpu.memory_space<semaphore_mem>>) src(%dma_wait3A_330 : memref<128x128xf32, #tpu.memory_space<vmem>>) dst(%dma_wait3A_336 : memref<10112x128xf32, #tpu.memory_space<vmem_shared>>)
    %dma_wait3A_339 = arith.constant 1 : i32
    %dma_wait3A_340 = arith.constant 1 : i32
    %dma_wait3A_341 = arith.constant 0 : i32
    %dma_wait3A_342 = tpu.memref_slice %arg8[%dma_wait3A_339, %dma_wait3A_341] : memref<2x128xi32, #tpu.memory_space<vmem>> -> memref<1x128xi32, #tpu.memory_space<vmem>>
    %dma_wait3A_343 = tpu.memref_squeeze %dma_wait3A_342 : memref<1x128xi32, #tpu.memory_space<vmem>> -> memref<128xi32, #tpu.memory_space<vmem>>
    %dma_wait3A_344 = arith.constant 0 : i32
    %dma_wait3A_345 = tpu.memref_slice %arg3[%dma_wait3A_344] : memref<327680xi32, #tpu.memory_space<hbm>> -> memref<128xi32, #tpu.memory_space<hbm>>
    %dma_wait3A_346 = tpu.memref_slice %arg11[%dma_wait3A_340] : memref<2x!tpu.dma_semaphore, #tpu.memory_space<semaphore_mem>> -> memref<1x!tpu.dma_semaphore, #tpu.memory_space<semaphore_mem>>
    %dma_wait3A_347 = tpu.memref_squeeze %dma_wait3A_346 : memref<1x!tpu.dma_semaphore, #tpu.memory_space<semaphore_mem>> -> memref<!tpu.dma_semaphore, #tpu.memory_space<semaphore_mem>>
    %dma_wait3A_348 = arith.constant 0 : i32
    %dma_wait3A_349 = tpu.memref_slice %arg8[%dma_wait3A_339, %dma_wait3A_348] : memref<2x128xi32, #tpu.memory_space<vmem>> -> memref<1x128xi32, #tpu.memory_space<vmem>>
    %dma_wait3A_350 = tpu.memref_squeeze %dma_wait3A_349 : memref<1x128xi32, #tpu.memory_space<vmem>> -> memref<128xi32, #tpu.memory_space<vmem>>
    %dma_wait3A_351 = arith.constant 0 : i32
    %dma_wait3A_352 = tpu.memref_slice %arg3[%dma_wait3A_351] : memref<327680xi32, #tpu.memory_space<hbm>> -> memref<128xi32, #tpu.memory_space<hbm>>
    tpu.wait_dma2 semaphore(%dma_wait3A_347 : memref<!tpu.dma_semaphore, #tpu.memory_space<semaphore_mem>>) src(%dma_wait3A_352 : memref<128xi32, #tpu.memory_space<hbm>>) dst(%dma_wait3A_350 : memref<128xi32, #tpu.memory_space<vmem>>)
    %dma_wait3A_353 = arith.constant 1 : i32
    %dma_wait3A_354 = arith.constant 1 : i32
    %dma_wait3A_355 = arith.constant 0 : i32
    %dma_wait3A_356 = tpu.memref_slice %arg9[%dma_wait3A_353, %dma_wait3A_355] : memref<2x128xi32, #tpu.memory_space<vmem>> -> memref<1x128xi32, #tpu.memory_space<vmem>>
    %dma_wait3A_357 = tpu.memref_squeeze %dma_wait3A_356 : memref<1x128xi32, #tpu.memory_space<vmem>> -> memref<128xi32, #tpu.memory_space<vmem>>
    %dma_wait3A_358 = arith.constant 0 : i32
    %dma_wait3A_359 = tpu.memref_slice %arg4[%dma_wait3A_358] : memref<327680xi32, #tpu.memory_space<hbm>> -> memref<128xi32, #tpu.memory_space<hbm>>
    %dma_wait3A_360 = tpu.memref_slice %arg11[%dma_wait3A_354] : memref<2x!tpu.dma_semaphore, #tpu.memory_space<semaphore_mem>> -> memref<1x!tpu.dma_semaphore, #tpu.memory_space<semaphore_mem>>
    %dma_wait3A_361 = tpu.memref_squeeze %dma_wait3A_360 : memref<1x!tpu.dma_semaphore, #tpu.memory_space<semaphore_mem>> -> memref<!tpu.dma_semaphore, #tpu.memory_space<semaphore_mem>>
    %dma_wait3A_362 = arith.constant 0 : i32
    %dma_wait3A_363 = tpu.memref_slice %arg9[%dma_wait3A_353, %dma_wait3A_362] : memref<2x128xi32, #tpu.memory_space<vmem>> -> memref<1x128xi32, #tpu.memory_space<vmem>>
    %dma_wait3A_364 = tpu.memref_squeeze %dma_wait3A_363 : memref<1x128xi32, #tpu.memory_space<vmem>> -> memref<128xi32, #tpu.memory_space<vmem>>
    %dma_wait3A_365 = arith.constant 0 : i32
    %dma_wait3A_366 = tpu.memref_slice %arg4[%dma_wait3A_365] : memref<327680xi32, #tpu.memory_space<hbm>> -> memref<128xi32, #tpu.memory_space<hbm>>
    tpu.wait_dma2 semaphore(%dma_wait3A_361 : memref<!tpu.dma_semaphore, #tpu.memory_space<semaphore_mem>>) src(%dma_wait3A_366 : memref<128xi32, #tpu.memory_space<hbm>>) dst(%dma_wait3A_364 : memref<128xi32, #tpu.memory_space<vmem>>)
    %dma_start3A_367 = arith.constant 1 : i32
    %dma_start3A_368 = arith.constant 1 : i32
    %dma_start3A_369 = arith.constant 1 : i32
    %dma_start3A_370 = arith.constant 0 : i32
    %dma_start3A_371 = arith.constant 0 : i32
    %dma_start3A_372 = tpu.memref_slice %arg10[%dma_start3A_368, %dma_start3A_370, %dma_start3A_371] : memref<2x128x128xf32, #tpu.memory_space<vmem>> -> memref<1x128x128xf32, #tpu.memory_space<vmem>>
    %dma_start3A_373 = tpu.memref_squeeze %dma_start3A_372 : memref<1x128x128xf32, #tpu.memory_space<vmem>> -> memref<128x128xf32, #tpu.memory_space<vmem>>
    %dma_start3A_374 = arith.constant 0 : i32
    %dma_start3A_375 = tpu.memref_slice %arg8[%dma_start3A_367, %dma_start3A_374] : memref<2x128xi32, #tpu.memory_space<vmem>> -> memref<1x128xi32, #tpu.memory_space<vmem>>
    %dma_start3A_376 = tpu.memref_squeeze %dma_start3A_375 : memref<1x128xi32, #tpu.memory_space<vmem>> -> memref<128xi32, #tpu.memory_space<vmem>>
    %dma_start3A_377 = arith.constant 0 : i32
    %dma_start3A_378 = arith.constant 0 : i32
    %dma_start3A_379 = tpu.memref_slice %arg2[%dma_start3A_377, %dma_start3A_378] : memref<10000x128xf32, #tpu.memory_space<hbm>> -> memref<10000x128xf32, #tpu.memory_space<hbm>>
    %dma_start3A_380 = tpu.memref_slice %arg12[%dma_start3A_369] : memref<2x!tpu.dma_semaphore, #tpu.memory_space<semaphore_mem>> -> memref<1x!tpu.dma_semaphore, #tpu.memory_space<semaphore_mem>>
    %dma_start3A_381 = tpu.memref_squeeze %dma_start3A_380 : memref<1x!tpu.dma_semaphore, #tpu.memory_space<semaphore_mem>> -> memref<!tpu.dma_semaphore, #tpu.memory_space<semaphore_mem>>
    tpu.enqueue_indirect_dma source(%dma_start3A_379 : memref<10000x128xf32, #tpu.memory_space<hbm>>) target(%dma_start3A_373 : memref<128x128xf32, #tpu.memory_space<vmem>>) offsets(%dma_start3A_376 : memref<128xi32, #tpu.memory_space<vmem>>) semaphore(%dma_start3A_381 : memref<!tpu.dma_semaphore, #tpu.memory_space<semaphore_mem>>)
    %dma_wait3A_382 = arith.constant 0 : i32
    %dma_wait3A_383 = arith.constant 0 : i32
    %dma_wait3A_384 = arith.constant 0 : i32
    %dma_wait3A_385 = arith.constant 0 : i32
    %dma_wait3A_386 = arith.constant 0 : i32
    %dma_wait3A_387 = tpu.memref_slice %arg10[%dma_wait3A_383, %dma_wait3A_385, %dma_wait3A_386] : memref<2x128x128xf32, #tpu.memory_space<vmem>> -> memref<1x128x128xf32, #tpu.memory_space<vmem>>
    %dma_wait3A_388 = tpu.memref_squeeze %dma_wait3A_387 : memref<1x128x128xf32, #tpu.memory_space<vmem>> -> memref<128x128xf32, #tpu.memory_space<vmem>>
    %dma_wait3A_389 = arith.constant 0 : i32
    %dma_wait3A_390 = tpu.memref_slice %arg8[%dma_wait3A_382, %dma_wait3A_389] : memref<2x128xi32, #tpu.memory_space<vmem>> -> memref<1x128xi32, #tpu.memory_space<vmem>>
    %dma_wait3A_391 = tpu.memref_squeeze %dma_wait3A_390 : memref<1x128xi32, #tpu.memory_space<vmem>> -> memref<128xi32, #tpu.memory_space<vmem>>
    %dma_wait3A_392 = arith.constant 0 : i32
    %dma_wait3A_393 = arith.constant 0 : i32
    %dma_wait3A_394 = tpu.memref_slice %arg2[%dma_wait3A_392, %dma_wait3A_393] : memref<10000x128xf32, #tpu.memory_space<hbm>> -> memref<10000x128xf32, #tpu.memory_space<hbm>>
    %dma_wait3A_395 = tpu.memref_slice %arg12[%dma_wait3A_384] : memref<2x!tpu.dma_semaphore, #tpu.memory_space<semaphore_mem>> -> memref<1x!tpu.dma_semaphore, #tpu.memory_space<semaphore_mem>>
    %dma_wait3A_396 = tpu.memref_squeeze %dma_wait3A_395 : memref<1x!tpu.dma_semaphore, #tpu.memory_space<semaphore_mem>> -> memref<!tpu.dma_semaphore, #tpu.memory_space<semaphore_mem>>
    tpu.wait_indirect_dma semaphore(%dma_wait3A_396 : memref<!tpu.dma_semaphore, #tpu.memory_space<semaphore_mem>>) src(%dma_wait3A_394 : memref<10000x128xf32, #tpu.memory_space<hbm>>) dst(%dma_wait3A_388 : memref<128x128xf32, #tpu.memory_space<vmem>>)
    %dma_start3A_397 = arith.constant 0 : i32
    %dma_start3A_398 = arith.constant 0 : i32
    %dma_start3A_399 = arith.constant 0 : i32
    %dma_start3A_400 = arith.constant 0 : i32
    %dma_start3A_401 = arith.constant 0 : i32
    %dma_start3A_402 = tpu.memref_slice %arg10[%dma_start3A_397, %dma_start3A_400, %dma_start3A_401] : memref<2x128x128xf32, #tpu.memory_space<vmem>> -> memref<1x128x128xf32, #tpu.memory_space<vmem>>
    %dma_start3A_403 = tpu.memref_squeeze %dma_start3A_402 : memref<1x128x128xf32, #tpu.memory_space<vmem>> -> memref<128x128xf32, #tpu.memory_space<vmem>>
    %dma_start3A_404 = arith.constant 0 : i32
    %dma_start3A_405 = tpu.memref_slice %arg9[%dma_start3A_398, %dma_start3A_404] : memref<2x128xi32, #tpu.memory_space<vmem>> -> memref<1x128xi32, #tpu.memory_space<vmem>>
    %dma_start3A_406 = tpu.memref_squeeze %dma_start3A_405 : memref<1x128xi32, #tpu.memory_space<vmem>> -> memref<128xi32, #tpu.memory_space<vmem>>
    %dma_start3A_407 = arith.constant 0 : i32
    %dma_start3A_408 = arith.constant 0 : i32
    %dma_start3A_409 = tpu.memref_slice %arg7[%dma_start3A_407, %dma_start3A_408] : memref<10112x128xf32, #tpu.memory_space<vmem_shared>> -> memref<10112x128xf32, #tpu.memory_space<vmem_shared>>
    %dma_start3A_410 = tpu.memref_slice %arg13[%dma_start3A_399] : memref<2x!tpu.dma_semaphore, #tpu.memory_space<semaphore_mem>> -> memref<1x!tpu.dma_semaphore, #tpu.memory_space<semaphore_mem>>
    %dma_start3A_411 = tpu.memref_squeeze %dma_start3A_410 : memref<1x!tpu.dma_semaphore, #tpu.memory_space<semaphore_mem>> -> memref<!tpu.dma_semaphore, #tpu.memory_space<semaphore_mem>>
    tpu.enqueue_indirect_dma source(%dma_start3A_403 : memref<128x128xf32, #tpu.memory_space<vmem>>) target(%dma_start3A_409 : memref<10112x128xf32, #tpu.memory_space<vmem_shared>>) offsets(%dma_start3A_406 : memref<128xi32, #tpu.memory_space<vmem>>) semaphore(%dma_start3A_411 : memref<!tpu.dma_semaphore, #tpu.memory_space<semaphore_mem>>) {add = true}
    %dma_wait3A_412 = arith.constant 0 : i32
    %dma_wait3A_413 = arith.constant 0 : i32
    %dma_wait3A_414 = arith.constant 0 : i32
    %dma_wait3A_415 = arith.constant 0 : i32
    %dma_wait3A_416 = arith.constant 0 : i32
    %dma_wait3A_417 = tpu.memref_slice %arg10[%dma_wait3A_412, %dma_wait3A_415, %dma_wait3A_416] : memref<2x128x128xf32, #tpu.memory_space<vmem>> -> memref<1x128x128xf32, #tpu.memory_space<vmem>>
    %dma_wait3A_418 = tpu.memref_squeeze %dma_wait3A_417 : memref<1x128x128xf32, #tpu.memory_space<vmem>> -> memref<128x128xf32, #tpu.memory_space<vmem>>
    %dma_wait3A_419 = arith.constant 0 : i32
    %dma_wait3A_420 = tpu.memref_slice %arg9[%dma_wait3A_413, %dma_wait3A_419] : memref<2x128xi32, #tpu.memory_space<vmem>> -> memref<1x128xi32, #tpu.memory_space<vmem>>
    %dma_wait3A_421 = tpu.memref_squeeze %dma_wait3A_420 : memref<1x128xi32, #tpu.memory_space<vmem>> -> memref<128xi32, #tpu.memory_space<vmem>>
    %dma_wait3A_422 = arith.constant 0 : i32
    %dma_wait3A_423 = arith.constant 0 : i32
    %dma_wait3A_424 = tpu.memref_slice %arg7[%dma_wait3A_422, %dma_wait3A_423] : memref<10112x128xf32, #tpu.memory_space<vmem_shared>> -> memref<10112x128xf32, #tpu.memory_space<vmem_shared>>
    %dma_wait3A_425 = tpu.memref_slice %arg13[%dma_wait3A_414] : memref<2x!tpu.dma_semaphore, #tpu.memory_space<semaphore_mem>> -> memref<1x!tpu.dma_semaphore, #tpu.memory_space<semaphore_mem>>
    %dma_wait3A_426 = tpu.memref_squeeze %dma_wait3A_425 : memref<1x!tpu.dma_semaphore, #tpu.memory_space<semaphore_mem>> -> memref<!tpu.dma_semaphore, #tpu.memory_space<semaphore_mem>>
    tpu.wait_indirect_dma semaphore(%dma_wait3A_426 : memref<!tpu.dma_semaphore, #tpu.memory_space<semaphore_mem>>) src(%dma_wait3A_418 : memref<128x128xf32, #tpu.memory_space<vmem>>) dst(%dma_wait3A_424 : memref<10112x128xf32, #tpu.memory_space<vmem_shared>>)
    %dma_wait3A_427 = arith.constant 1 : i32
    %dma_wait3A_428 = arith.constant 1 : i32
    %dma_wait3A_429 = arith.constant 1 : i32
    %dma_wait3A_430 = arith.constant 0 : i32
    %dma_wait3A_431 = arith.constant 0 : i32
    %dma_wait3A_432 = tpu.memref_slice %arg10[%dma_wait3A_428, %dma_wait3A_430, %dma_wait3A_431] : memref<2x128x128xf32, #tpu.memory_space<vmem>> -> memref<1x128x128xf32, #tpu.memory_space<vmem>>
    %dma_wait3A_433 = tpu.memref_squeeze %dma_wait3A_432 : memref<1x128x128xf32, #tpu.memory_space<vmem>> -> memref<128x128xf32, #tpu.memory_space<vmem>>
    %dma_wait3A_434 = arith.constant 0 : i32
    %dma_wait3A_435 = tpu.memref_slice %arg8[%dma_wait3A_427, %dma_wait3A_434] : memref<2x128xi32, #tpu.memory_space<vmem>> -> memref<1x128xi32, #tpu.memory_space<vmem>>
    %dma_wait3A_436 = tpu.memref_squeeze %dma_wait3A_435 : memref<1x128xi32, #tpu.memory_space<vmem>> -> memref<128xi32, #tpu.memory_space<vmem>>
    %dma_wait3A_437 = arith.constant 0 : i32
    %dma_wait3A_438 = arith.constant 0 : i32
    %dma_wait3A_439 = tpu.memref_slice %arg2[%dma_wait3A_437, %dma_wait3A_438] : memref<10000x128xf32, #tpu.memory_space<hbm>> -> memref<10000x128xf32, #tpu.memory_space<hbm>>
    %dma_wait3A_440 = tpu.memref_slice %arg12[%dma_wait3A_429] : memref<2x!tpu.dma_semaphore, #tpu.memory_space<semaphore_mem>> -> memref<1x!tpu.dma_semaphore, #tpu.memory_space<semaphore_mem>>
    %dma_wait3A_441 = tpu.memref_squeeze %dma_wait3A_440 : memref<1x!tpu.dma_semaphore, #tpu.memory_space<semaphore_mem>> -> memref<!tpu.dma_semaphore, #tpu.memory_space<semaphore_mem>>
    tpu.wait_indirect_dma semaphore(%dma_wait3A_441 : memref<!tpu.dma_semaphore, #tpu.memory_space<semaphore_mem>>) src(%dma_wait3A_439 : memref<10000x128xf32, #tpu.memory_space<hbm>>) dst(%dma_wait3A_433 : memref<128x128xf32, #tpu.memory_space<vmem>>)
    %dma_start3A_442 = arith.constant 1 : i32
    %dma_start3A_443 = arith.constant 1 : i32
    %dma_start3A_444 = arith.constant 1 : i32
    %dma_start3A_445 = arith.constant 0 : i32
    %dma_start3A_446 = arith.constant 0 : i32
    %dma_start3A_447 = tpu.memref_slice %arg10[%dma_start3A_442, %dma_start3A_445, %dma_start3A_446] : memref<2x128x128xf32, #tpu.memory_space<vmem>> -> memref<1x128x128xf32, #tpu.memory_space<vmem>>
    %dma_start3A_448 = tpu.memref_squeeze %dma_start3A_447 : memref<1x128x128xf32, #tpu.memory_space<vmem>> -> memref<128x128xf32, #tpu.memory_space<vmem>>
    %dma_start3A_449 = arith.constant 0 : i32
    %dma_start3A_450 = tpu.memref_slice %arg9[%dma_start3A_443, %dma_start3A_449] : memref<2x128xi32, #tpu.memory_space<vmem>> -> memref<1x128xi32, #tpu.memory_space<vmem>>
    %dma_start3A_451 = tpu.memref_squeeze %dma_start3A_450 : memref<1x128xi32, #tpu.memory_space<vmem>> -> memref<128xi32, #tpu.memory_space<vmem>>
    %dma_start3A_452 = arith.constant 0 : i32
    %dma_start3A_453 = arith.constant 0 : i32
    %dma_start3A_454 = tpu.memref_slice %arg7[%dma_start3A_452, %dma_start3A_453] : memref<10112x128xf32, #tpu.memory_space<vmem_shared>> -> memref<10112x128xf32, #tpu.memory_space<vmem_shared>>
    %dma_start3A_455 = tpu.memref_slice %arg13[%dma_start3A_444] : memref<2x!tpu.dma_semaphore, #tpu.memory_space<semaphore_mem>> -> memref<1x!tpu.dma_semaphore, #tpu.memory_space<semaphore_mem>>
    %dma_start3A_456 = tpu.memref_squeeze %dma_start3A_455 : memref<1x!tpu.dma_semaphore, #tpu.memory_space<semaphore_mem>> -> memref<!tpu.dma_semaphore, #tpu.memory_space<semaphore_mem>>
    tpu.enqueue_indirect_dma source(%dma_start3A_448 : memref<128x128xf32, #tpu.memory_space<vmem>>) target(%dma_start3A_454 : memref<10112x128xf32, #tpu.memory_space<vmem_shared>>) offsets(%dma_start3A_451 : memref<128xi32, #tpu.memory_space<vmem>>) semaphore(%dma_start3A_456 : memref<!tpu.dma_semaphore, #tpu.memory_space<semaphore_mem>>) {add = true}
    %dma_wait3A_457 = arith.constant 1 : i32
    %dma_wait3A_458 = arith.constant 1 : i32
    %dma_wait3A_459 = arith.constant 1 : i32
    %dma_wait3A_460 = arith.constant 0 : i32
    %dma_wait3A_461 = arith.constant 0 : i32
    %dma_wait3A_462 = tpu.memref_slice %arg10[%dma_wait3A_457, %dma_wait3A_460, %dma_wait3A_461] : memref<2x128x128xf32, #tpu.memory_space<vmem>> -> memref<1x128x128xf32, #tpu.memory_space<vmem>>
    %dma_wait3A_463 = tpu.memref_squeeze %dma_wait3A_462 : memref<1x128x128xf32, #tpu.memory_space<vmem>> -> memref<128x128xf32, #tpu.memory_space<vmem>>
    %dma_wait3A_464 = arith.constant 0 : i32
    %dma_wait3A_465 = tpu.memref_slice %arg9[%dma_wait3A_458, %dma_wait3A_464] : memref<2x128xi32, #tpu.memory_space<vmem>> -> memref<1x128xi32, #tpu.memory_space<vmem>>
    %dma_wait3A_466 = tpu.memref_squeeze %dma_wait3A_465 : memref<1x128xi32, #tpu.memory_space<vmem>> -> memref<128xi32, #tpu.memory_space<vmem>>
    %dma_wait3A_467 = arith.constant 0 : i32
    %dma_wait3A_468 = arith.constant 0 : i32
    %dma_wait3A_469 = tpu.memref_slice %arg7[%dma_wait3A_467, %dma_wait3A_468] : memref<10112x128xf32, #tpu.memory_space<vmem_shared>> -> memref<10112x128xf32, #tpu.memory_space<vmem_shared>>
    %dma_wait3A_470 = tpu.memref_slice %arg13[%dma_wait3A_459] : memref<2x!tpu.dma_semaphore, #tpu.memory_space<semaphore_mem>> -> memref<1x!tpu.dma_semaphore, #tpu.memory_space<semaphore_mem>>
    %dma_wait3A_471 = tpu.memref_squeeze %dma_wait3A_470 : memref<1x!tpu.dma_semaphore, #tpu.memory_space<semaphore_mem>> -> memref<!tpu.dma_semaphore, #tpu.memory_space<semaphore_mem>>
    tpu.wait_indirect_dma semaphore(%dma_wait3A_471 : memref<!tpu.dma_semaphore, #tpu.memory_space<semaphore_mem>>) src(%dma_wait3A_463 : memref<128x128xf32, #tpu.memory_space<vmem>>) dst(%dma_wait3A_469 : memref<10112x128xf32, #tpu.memory_space<vmem_shared>>)
    %barrier3A_472 = arith.constant 0 : index
    tpu.barrier barrier_id(%barrier3A_472)
    "tpu.region"() ({
      %run_scoped3A = tpu.sem_alloc : memref<!tpu.dma_semaphore, #tpu.memory_space<semaphore_mem>>
      %dma_start3A_473 = arith.constant 0 : i32
      %dma_start3A_474 = tpu.memref_slice %arg6[%arg0, %mul3A_2, %dma_start3A_473] : memref<2x10112x128xf32, #tpu.memory_space<hbm>> -> memref<1x632x128xf32, #tpu.memory_space<hbm>>
      %dma_start3A_475 = tpu.memref_squeeze %dma_start3A_474 : memref<1x632x128xf32, #tpu.memory_space<hbm>> -> memref<632x128xf32, #tpu.memory_space<hbm>>
      %dma_start3A_476 = arith.constant 0 : i32
      %dma_start3A_477 = tpu.memref_slice %arg7[%mul3A_2, %dma_start3A_476] : memref<10112x128xf32, #tpu.memory_space<vmem_shared>> -> memref<632x128xf32, #tpu.memory_space<vmem_shared>>
      tpu.enqueue_dma source(%dma_start3A_477 : memref<632x128xf32, #tpu.memory_space<vmem_shared>>) target(%dma_start3A_475 : memref<632x128xf32, #tpu.memory_space<hbm>>) target_semaphore(%run_scoped3A : memref<!tpu.dma_semaphore, #tpu.memory_space<semaphore_mem>>)
      %dma_wait3A_478 = arith.constant 0 : i32
      %dma_wait3A_479 = tpu.memref_slice %arg6[%arg0, %mul3A_2, %dma_wait3A_478] : memref<2x10112x128xf32, #tpu.memory_space<hbm>> -> memref<1x632x128xf32, #tpu.memory_space<hbm>>
      %dma_wait3A_480 = tpu.memref_squeeze %dma_wait3A_479 : memref<1x632x128xf32, #tpu.memory_space<hbm>> -> memref<632x128xf32, #tpu.memory_space<hbm>>
      %dma_wait3A_481 = arith.constant 0 : i32
      %dma_wait3A_482 = tpu.memref_slice %arg7[%mul3A_2, %dma_wait3A_481] : memref<10112x128xf32, #tpu.memory_space<vmem_shared>> -> memref<632x128xf32, #tpu.memory_space<vmem_shared>>
      tpu.wait_dma2 semaphore(%run_scoped3A : memref<!tpu.dma_semaphore, #tpu.memory_space<semaphore_mem>>) src(%dma_wait3A_482 : memref<632x128xf32, #tpu.memory_space<vmem_shared>>) dst(%dma_wait3A_480 : memref<632x128xf32, #tpu.memory_space<hbm>>)
      tpu.yield
    }) : () -> ()
    return
  }
}

module attributes {stable_mosaic.version = 14 : i64} {
  func.func @_stage_a(%arg0: i32, %arg1: memref<2x1000x128xf32, #tpu.memory_space<vmem>>, %arg2: memref<1x1000x128xf32, #tpu.memory_space<vmem>>, %arg3: memref<1000x128xf32, #tpu.memory_space<vmem>>, %arg4: memref<128x128xf32, #tpu.memory_space<vmem>>, %arg5: memref<1x128xf32, #tpu.memory_space<vmem>>, %arg6: memref<128x128xf32, #tpu.memory_space<vmem>>, %arg7: memref<16x128xf32, #tpu.memory_space<vmem>>, %arg8: memref<1x128xf32, #tpu.memory_space<vmem>>, %arg9: memref<256x128xf32, #tpu.memory_space<vmem>>, %arg10: memref<1x128xf32, #tpu.memory_space<vmem>>, %arg11: memref<1000x128xf32, #tpu.memory_space<vmem>>, %arg12: memref<8x128xf32, #tpu.memory_space<vmem>>) attributes {dimension_semantics = [#tpu.dimension_semantics<arbitrary>], iteration_bounds = array<i64: 10>, scalar_prefetch = 0 : i64, scratch_operands = 0 : i64, tpu.core_type = #tpu.core_type<tc>, window_params = [{transform_indices = @transform_0, window_bounds = array<i64: 2, 1000, 128>}, {transform_indices = @transform_1, window_bounds = array<i64: 1, 1000, 128>}, {transform_indices = @transform_2, window_bounds = array<i64: 1000, 128>}, {pipeline_mode = #tpu.pipeline_mode<synchronous>, transform_indices = @transform_3, window_bounds = array<i64: 128, 128>}, {pipeline_mode = #tpu.pipeline_mode<synchronous>, transform_indices = @transform_4, window_bounds = array<i64: 1, 128>}, {pipeline_mode = #tpu.pipeline_mode<synchronous>, transform_indices = @transform_5, window_bounds = array<i64: 128, 128>}, {pipeline_mode = #tpu.pipeline_mode<synchronous>, transform_indices = @transform_6, window_bounds = array<i64: 16, 128>}, {pipeline_mode = #tpu.pipeline_mode<synchronous>, transform_indices = @transform_7, window_bounds = array<i64: 1, 128>}, {pipeline_mode = #tpu.pipeline_mode<synchronous>, transform_indices = @transform_8, window_bounds = array<i64: 256, 128>}, {pipeline_mode = #tpu.pipeline_mode<synchronous>, transform_indices = @transform_9, window_bounds = array<i64: 1, 128>}, {transform_indices = @transform_10, window_bounds = array<i64: 1000, 128>}, {pipeline_mode = #tpu.pipeline_mode<synchronous>, transform_indices = @transform_11, window_bounds = array<i64: 8, 128>}]} {
    %get3A = arith.constant 0 : index
    %get3A_0 = arith.constant 0 : index
    %get3A_1 = arith.constant 0 : index
    %get3A_2 = vector.load %arg1[%get3A, %get3A_0, %get3A_1] : memref<2x1000x128xf32, #tpu.memory_space<vmem>>, vector<1x1000x128xf32>
    %get3A_3 = vector.shape_cast %get3A_2 : vector<1x1000x128xf32> to vector<1000x128xf32>
    %get3A_4 = arith.constant 1 : index
    %get3A_5 = arith.constant 0 : index
    %get3A_6 = arith.constant 0 : index
    %get3A_7 = vector.load %arg1[%get3A_4, %get3A_5, %get3A_6] : memref<2x1000x128xf32, #tpu.memory_space<vmem>>, vector<1x1000x128xf32>
    %get3A_8 = vector.shape_cast %get3A_7 : vector<1x1000x128xf32> to vector<1000x128xf32>
    %add3A = arith.addf %get3A_3, %get3A_8 : vector<1000x128xf32>
    %get3A_9 = arith.constant 0 : index
    %get3A_10 = arith.constant 0 : index
    %get3A_11 = vector.load %arg3[%get3A_9, %get3A_10] : memref<1000x128xf32, #tpu.memory_space<vmem>>, vector<1000x128xf32>
    %add3A_12 = arith.addf %add3A, %get3A_11 : vector<1000x128xf32>
    %get3A_13 = arith.constant 0 : index
    %get3A_14 = arith.constant 0 : index
    %get3A_15 = arith.constant 0 : index
    %get3A_16 = vector.load %arg2[%get3A_13, %get3A_14, %get3A_15] : memref<1x1000x128xf32, #tpu.memory_space<vmem>>, vector<1x1000x128xf32>
    %get3A_17 = vector.shape_cast %get3A_16 : vector<1x1000x128xf32> to vector<1000x128xf32>
    %add3A_18 = arith.constant 1.000000e+00 : f32
    %add3A_19 = vector.broadcast %add3A_18 : f32 to vector<1000x128xf32>
    %add3A_20 = arith.addf %get3A_17, %add3A_19 : vector<1000x128xf32>
    %div3A = arith.divf %add3A_12, %add3A_20 : vector<1000x128xf32>
    %get3A_21 = arith.constant 0 : index
    %get3A_22 = arith.constant 0 : index
    %get3A_23 = vector.load %arg4[%get3A_21, %get3A_22] : memref<128x128xf32, #tpu.memory_space<vmem>>, vector<128x128xf32>
    %dot_general3A = arith.constant dense<0.000000e+00> : vector<1000x128xf32>
    %dot_general3A_24 = tpu.matmul %div3A, %get3A_23, %dot_general3A {dimension_numbers = #tpu.dot_dimension_numbers<[1], [0], [0], [1], [0, 0, 1, 1], [], []>, transpose_lhs_hint = false} : vector<1000x128xf32>, vector<128x128xf32>, vector<1000x128xf32> -> vector<1000x128xf32>
    %get3A_25 = arith.constant 0 : index
    %get3A_26 = arith.constant 0 : index
    %get3A_27 = vector.load %arg3[%get3A_25, %get3A_26] : memref<1000x128xf32, #tpu.memory_space<vmem>>, vector<1000x128xf32>
    %get3A_28 = arith.constant 0 : index
    %get3A_29 = arith.constant 0 : index
    %get3A_30 = vector.load %arg6[%get3A_28, %get3A_29] : memref<128x128xf32, #tpu.memory_space<vmem>>, vector<128x128xf32>
    %dot_general3A_31 = arith.constant dense<0.000000e+00> : vector<1000x128xf32>
    %dot_general3A_32 = tpu.matmul %get3A_27, %get3A_30, %dot_general3A_31 {dimension_numbers = #tpu.dot_dimension_numbers<[1], [0], [0], [1], [0, 0, 1, 1], [], []>, transpose_lhs_hint = false} : vector<1000x128xf32>, vector<128x128xf32>, vector<1000x128xf32> -> vector<1000x128xf32>
    %add3A_33 = arith.addf %dot_general3A_24, %dot_general3A_32 : vector<1000x128xf32>
    %get3A_34 = arith.constant 0 : index
    %get3A_35 = arith.constant 0 : index
    %get3A_36 = vector.load %arg5[%get3A_34, %get3A_35] : memref<1x128xf32, #tpu.memory_space<vmem>>, vector<1x128xf32>
    %add3A_37 = vector.broadcast %get3A_36 : vector<1x128xf32> to vector<1000x128xf32>
    %add3A_38 = arith.addf %add3A_33, %add3A_37 : vector<1000x128xf32>
    %get3A_39 = arith.constant 0 : index
    %get3A_40 = arith.constant 0 : index
    %get3A_41 = vector.load %arg7[%get3A_39, %get3A_40] : memref<16x128xf32, #tpu.memory_space<vmem>>, vector<16x128xf32>
    %reduce_sum3A = arith.constant dense<0.000000e+00> : vector<128xf32>
    %reduce_sum3A_42 = vector.multi_reduction <add>, %get3A_41, %reduce_sum3A [0] : vector<16x128xf32> to vector<128xf32>
    %broadcast_in_dim3A = vector.shape_cast %reduce_sum3A_42 : vector<128xf32> to vector<1x128xf32>
    %get3A_43 = arith.constant 0 : index
    %get3A_44 = arith.constant 0 : index
    %get3A_45 = vector.load %arg8[%get3A_43, %get3A_44] : memref<1x128xf32, #tpu.memory_space<vmem>>, vector<1x128xf32>
    %add3A_46 = arith.addf %broadcast_in_dim3A, %get3A_45 : vector<1x128xf32>
    %get3A_47 = arith.constant 0 : index
    %get3A_48 = arith.constant 0 : index
    %get3A_49 = vector.load %arg9[%get3A_47, %get3A_48] : memref<256x128xf32, #tpu.memory_space<vmem>>, vector<256x128xf32>
    %slice3A = vector.extract_strided_slice %get3A_49 {offsets = [128, 0], sizes = [128, 128], strides = [1, 1]} : vector<256x128xf32> to vector<128x128xf32>
    %dot_general3A_50 = arith.constant dense<0.000000e+00> : vector<1x128xf32>
    %dot_general3A_51 = tpu.matmul %add3A_46, %slice3A, %dot_general3A_50 {dimension_numbers = #tpu.dot_dimension_numbers<[1], [0], [0], [1], [0, 0, 1, 1], [], []>, transpose_lhs_hint = false} : vector<1x128xf32>, vector<128x128xf32>, vector<1x128xf32> -> vector<1x128xf32>
    %get3A_52 = arith.constant 0 : index
    %get3A_53 = arith.constant 0 : index
    %get3A_54 = vector.load %arg10[%get3A_52, %get3A_53] : memref<1x128xf32, #tpu.memory_space<vmem>>, vector<1x128xf32>
    %add3A_55 = arith.addf %dot_general3A_51, %get3A_54 : vector<1x128xf32>
    %slice3A_56 = vector.extract_strided_slice %get3A_49 {offsets = [0, 0], sizes = [128, 128], strides = [1, 1]} : vector<256x128xf32> to vector<128x128xf32>
    %dot_general3A_57 = arith.constant dense<0.000000e+00> : vector<1000x128xf32>
    %dot_general3A_58 = tpu.matmul %add3A_38, %slice3A_56, %dot_general3A_57 {dimension_numbers = #tpu.dot_dimension_numbers<[1], [0], [0], [1], [0, 0, 1, 1], [], []>, transpose_lhs_hint = false} : vector<1000x128xf32>, vector<128x128xf32>, vector<1000x128xf32> -> vector<1000x128xf32>
    %add3A_59 = vector.broadcast %add3A_55 : vector<1x128xf32> to vector<1000x128xf32>
    %add3A_60 = arith.addf %dot_general3A_58, %add3A_59 : vector<1000x128xf32>
    %logistic3A = arith.negf %add3A_60 : vector<1000x128xf32>
    %logistic3A_61 = math.exp %logistic3A : vector<1000x128xf32>
    %logistic3A_62 = arith.constant 1.000000e+00 : f32
    %logistic3A_63 = vector.broadcast %logistic3A_62 : f32 to vector<1000x128xf32>
    %logistic3A_64 = arith.addf %logistic3A_63, %logistic3A_61 : vector<1000x128xf32>
    %logistic3A_65 = arith.divf %logistic3A_63, %logistic3A_64 : vector<1000x128xf32>
    %mul3A = vector.broadcast %add3A_46 : vector<1x128xf32> to vector<1000x128xf32>
    %mul3A_66 = arith.mulf %logistic3A_65, %mul3A : vector<1000x128xf32>
    %add3A_67 = arith.addf %add3A_38, %mul3A_66 : vector<1000x128xf32>
    %swap3A = arith.constant 0 : index
    %swap3A_68 = arith.constant 0 : index
    %swap3A_69 = vector.load %arg11[%swap3A, %swap3A_68] : memref<1000x128xf32, #tpu.memory_space<vmem>>, vector<1000x128xf32>
    tpu.vector_store %arg11[%swap3A, %swap3A_68], %add3A_67 {strides = array<i32>} : memref<1000x128xf32, #tpu.memory_space<vmem>>, vector<1000x128xf32>,
    %reduce_sum3A_70 = arith.constant dense<0.000000e+00> : vector<128xf32>
    %reduce_sum3A_71 = vector.multi_reduction <add>, %add3A_67, %reduce_sum3A_70 [0] : vector<1000x128xf32> to vector<128xf32>
    %broadcast_in_dim3A_72 = vector.shape_cast %reduce_sum3A_71 : vector<128xf32> to vector<1x128xf32>
    %mul3A_73 = arith.mulf %add3A_67, %add3A_67 : vector<1000x128xf32>
    %reduce_sum3A_74 = arith.constant dense<0.000000e+00> : vector<128xf32>
    %reduce_sum3A_75 = vector.multi_reduction <add>, %mul3A_73, %reduce_sum3A_74 [0] : vector<1000x128xf32> to vector<128xf32>
    %broadcast_in_dim3A_76 = vector.shape_cast %reduce_sum3A_75 : vector<128xf32> to vector<1x128xf32>
    %broadcast_in_dim3A_77 = arith.constant 0.000000e+00 : f32
    %broadcast_in_dim3A_78 = vector.broadcast %broadcast_in_dim3A_77 : f32 to vector<6x128xf32>
    %concatenate3A = tpu.concatenate %broadcast_in_dim3A_72, %broadcast_in_dim3A_76, %broadcast_in_dim3A_78 in 0 : vector<1x128xf32>, vector<1x128xf32>, vector<6x128xf32> -> vector<8x128xf32>
    %eq3A = arith.constant 0 : i32
    %eq3A_79 = arith.cmpi eq, %arg0, %eq3A : i32
    %convert_element_type3A = arith.extui %eq3A_79 : i1 to i32
    %cond3A = arith.constant 0 : i32
    %cond3A_80 = arith.cmpi ne, %convert_element_type3A, %cond3A : i32
    scf.if %cond3A_80 {
      %swap3A_85 = arith.constant 0 : index
      %swap3A_86 = arith.constant 0 : index
      %swap3A_87 = vector.load %arg12[%swap3A_85, %swap3A_86] : memref<8x128xf32, #tpu.memory_space<vmem>>, vector<8x128xf32>
      tpu.vector_store %arg12[%swap3A_85, %swap3A_86], %concatenate3A {strides = array<i32>} : memref<8x128xf32, #tpu.memory_space<vmem>>, vector<8x128xf32>,
    } else {
    }
    %gt3A = arith.constant 0 : i32
    %gt3A_81 = arith.cmpi sgt, %arg0, %gt3A : i32
    %convert_element_type3A_82 = arith.extui %gt3A_81 : i1 to i32
    %cond3A_83 = arith.constant 0 : i32
    %cond3A_84 = arith.cmpi ne, %convert_element_type3A_82, %cond3A_83 : i32
    scf.if %cond3A_84 {
      %get3A_85 = arith.constant 0 : index
      %get3A_86 = arith.constant 0 : index
      %get3A_87 = vector.load %arg12[%get3A_85, %get3A_86] : memref<8x128xf32, #tpu.memory_space<vmem>>, vector<8x128xf32>
      %add3A_88 = arith.addf %get3A_87, %concatenate3A : vector<8x128xf32>
      %swap3A_89 = arith.constant 0 : index
      %swap3A_90 = arith.constant 0 : index
      %swap3A_91 = vector.load %arg12[%swap3A_89, %swap3A_90] : memref<8x128xf32, #tpu.memory_space<vmem>>, vector<8x128xf32>
      tpu.vector_store %arg12[%swap3A_89, %swap3A_90], %add3A_88 {strides = array<i32>} : memref<8x128xf32, #tpu.memory_space<vmem>>, vector<8x128xf32>,
    } else {
    }
    return
  }
  func.func @transform_0(%arg0: i32) -> (i32, i32, i32) {
    %c0_i32 = arith.constant 0 : i32
    %c0_i32_0 = arith.constant 0 : i32
    %c0_i32_1 = arith.constant 0 : i32
    return %c0_i32, %arg0, %c0_i32_0 : i32, i32, i32
  }
  func.func @transform_1(%arg0: i32) -> (i32, i32, i32) {
    %jit3A = arith.constant 5 : i32
    %div3A = arith.divsi %arg0, %jit3A : i32
    %sign3A = arith.constant 0 : i32
    %sign3A_0 = arith.cmpi sgt, %arg0, %sign3A : i32
    %sign3A_1 = arith.extui %sign3A_0 : i1 to i32
    %sign3A_2 = arith.constant 0 : i32
    %sign3A_3 = arith.cmpi slt, %arg0, %sign3A_2 : i32
    %sign3A_4 = arith.extui %sign3A_3 : i1 to i32
    %sign3A_5 = arith.subi %sign3A_1, %sign3A_4 : i32
    %sign3A_6 = arith.constant 0 : i32
    %sign3A_7 = arith.cmpi sgt, %jit3A, %sign3A_6 : i32
    %sign3A_8 = arith.extui %sign3A_7 : i1 to i32
    %sign3A_9 = arith.constant 0 : i32
    %sign3A_10 = arith.cmpi slt, %jit3A, %sign3A_9 : i32
    %sign3A_11 = arith.extui %sign3A_10 : i1 to i32
    %sign3A_12 = arith.subi %sign3A_8, %sign3A_11 : i32
    %ne3A = arith.cmpi ne, %sign3A_5, %sign3A_12 : i32
    %rem3A = arith.remsi %arg0, %jit3A : i32
    %ne3A_13 = arith.constant 0 : i32
    %ne3A_14 = arith.cmpi ne, %rem3A, %ne3A_13 : i32
    %and3A = arith.andi %ne3A, %ne3A_14 : i1
    %sub3A = arith.constant 1 : i32
    %sub3A_15 = arith.subi %div3A, %sub3A : i32
    %select_n3A = arith.select %and3A, %sub3A_15, %div3A : i32
    %jit3A_16 = arith.constant 5 : i32
    %eq3A = arith.constant 0 : i32
    %eq3A_17 = arith.cmpi eq, %jit3A_16, %eq3A : i32
    %jit3A_18 = arith.constant 1 : i32
    %select_n3A_19 = arith.select %eq3A_17, %jit3A_18, %jit3A_16 : i32
    %rem3A_20 = arith.remsi %arg0, %select_n3A_19 : i32
    %ne3A_21 = arith.constant 0 : i32
    %ne3A_22 = arith.cmpi ne, %rem3A_20, %ne3A_21 : i32
    %lt3A = arith.constant 0 : i32
    %lt3A_23 = arith.cmpi slt, %rem3A_20, %lt3A : i32
    %lt3A_24 = arith.constant 0 : i32
    %lt3A_25 = arith.cmpi slt, %select_n3A_19, %lt3A_24 : i32
    %ne3A_26 = arith.xori %lt3A_23, %lt3A_25 : i1
    %and3A_27 = arith.andi %ne3A_26, %ne3A_22 : i1
    %add3A = arith.addi %rem3A_20, %select_n3A_19 : i32
    %select_n3A_28 = arith.select %and3A_27, %add3A, %rem3A_20 : i32
    %c0_i32 = arith.constant 0 : i32
    %c0_i32_29 = arith.constant 0 : i32
    return %select_n3A, %select_n3A_28, %c0_i32 : i32, i32, i32
  }
  func.func @transform_2(%arg0: i32) -> (i32, i32) {
    %c0_i32 = arith.constant 0 : i32
    %c0_i32_0 = arith.constant 0 : i32
    return %arg0, %c0_i32 : i32, i32
  }
  func.func @transform_3(%arg0: i32) -> (i32, i32) {
    %c0_i32 = arith.constant 0 : i32
    %c0_i32_0 = arith.constant 0 : i32
    %c0_i32_1 = arith.constant 0 : i32
    return %c0_i32, %c0_i32_0 : i32, i32
  }
  func.func @transform_4(%arg0: i32) -> (i32, i32) {
    %c0_i32 = arith.constant 0 : i32
    %c0_i32_0 = arith.constant 0 : i32
    %c0_i32_1 = arith.constant 0 : i32
    return %c0_i32, %c0_i32_0 : i32, i32
  }
  func.func @transform_5(%arg0: i32) -> (i32, i32) {
    %c0_i32 = arith.constant 0 : i32
    %c0_i32_0 = arith.constant 0 : i32
    %c0_i32_1 = arith.constant 0 : i32
    return %c0_i32, %c0_i32_0 : i32, i32
  }
  func.func @transform_6(%arg0: i32) -> (i32, i32) {
    %c0_i32 = arith.constant 0 : i32
    %c0_i32_0 = arith.constant 0 : i32
    %c0_i32_1 = arith.constant 0 : i32
    return %c0_i32, %c0_i32_0 : i32, i32
  }
  func.func @transform_7(%arg0: i32) -> (i32, i32) {
    %c0_i32 = arith.constant 0 : i32
    %c0_i32_0 = arith.constant 0 : i32
    %c0_i32_1 = arith.constant 0 : i32
    return %c0_i32, %c0_i32_0 : i32, i32
  }
  func.func @transform_8(%arg0: i32) -> (i32, i32) {
    %c0_i32 = arith.constant 0 : i32
    %c0_i32_0 = arith.constant 0 : i32
    %c0_i32_1 = arith.constant 0 : i32
    return %c0_i32, %c0_i32_0 : i32, i32
  }
  func.func @transform_9(%arg0: i32) -> (i32, i32) {
    %c0_i32 = arith.constant 0 : i32
    %c0_i32_0 = arith.constant 0 : i32
    %c0_i32_1 = arith.constant 0 : i32
    return %c0_i32, %c0_i32_0 : i32, i32
  }
  func.func @transform_10(%arg0: i32) -> (i32, i32) {
    %c0_i32 = arith.constant 0 : i32
    %c0_i32_0 = arith.constant 0 : i32
    return %arg0, %c0_i32 : i32, i32
  }
  func.func @transform_11(%arg0: i32) -> (i32, i32) {
    %c0_i32 = arith.constant 0 : i32
    %c0_i32_0 = arith.constant 0 : i32
    %c0_i32_1 = arith.constant 0 : i32
    return %c0_i32, %c0_i32_0 : i32, i32
  }
}

module attributes {stable_mosaic.version = 14 : i64} {
  func.func @_stage_b(%arg0: i32, %arg1: memref<1000x128xf32, #tpu.memory_space<vmem>>, %arg2: memref<8x128xf32, #tpu.memory_space<vmem>>, %arg3: memref<1x128xf32, #tpu.memory_space<vmem>>, %arg4: memref<1x128xf32, #tpu.memory_space<vmem>>, %arg5: memref<1000x128xf32, #tpu.memory_space<vmem>>, %arg6: memref<8x128xf32, #tpu.memory_space<vmem>>) attributes {dimension_semantics = [#tpu.dimension_semantics<arbitrary>], iteration_bounds = array<i64: 10>, scalar_prefetch = 0 : i64, scratch_operands = 0 : i64, tpu.core_type = #tpu.core_type<tc>, window_params = [{transform_indices = @transform_0, window_bounds = array<i64: 1000, 128>}, {pipeline_mode = #tpu.pipeline_mode<synchronous>, transform_indices = @transform_1, window_bounds = array<i64: 8, 128>}, {pipeline_mode = #tpu.pipeline_mode<synchronous>, transform_indices = @transform_2, window_bounds = array<i64: 1, 128>}, {pipeline_mode = #tpu.pipeline_mode<synchronous>, transform_indices = @transform_3, window_bounds = array<i64: 1, 128>}, {transform_indices = @transform_4, window_bounds = array<i64: 1000, 128>}, {pipeline_mode = #tpu.pipeline_mode<synchronous>, transform_indices = @transform_5, window_bounds = array<i64: 8, 128>}]} {
    %get3A = arith.constant 0 : index
    %get3A_0 = arith.constant 0 : index
    %get3A_1 = vector.load %arg2[%get3A, %get3A_0] : memref<8x128xf32, #tpu.memory_space<vmem>>, vector<1x128xf32>
    %mul3A = arith.constant 9.99999974E-5 : f32
    %mul3A_2 = vector.broadcast %mul3A : f32 to vector<1x128xf32>
    %mul3A_3 = arith.mulf %get3A_1, %mul3A_2 : vector<1x128xf32>
    %get3A_4 = arith.constant 1 : index
    %get3A_5 = arith.constant 0 : index
    %get3A_6 = vector.load %arg2[%get3A_4, %get3A_5] : memref<8x128xf32, #tpu.memory_space<vmem>>, vector<1x128xf32>
    %mul3A_7 = arith.constant 9.99999974E-5 : f32
    %mul3A_8 = vector.broadcast %mul3A_7 : f32 to vector<1x128xf32>
    %mul3A_9 = arith.mulf %get3A_6, %mul3A_8 : vector<1x128xf32>
    %mul3A_10 = arith.mulf %mul3A_3, %mul3A_3 : vector<1x128xf32>
    %sub3A = arith.subf %mul3A_9, %mul3A_10 : vector<1x128xf32>
    %add3A = arith.constant 9.99999974E-6 : f32
    %add3A_11 = vector.broadcast %add3A : f32 to vector<1x128xf32>
    %add3A_12 = arith.addf %sub3A, %add3A_11 : vector<1x128xf32>
    %rsqrt3A = math.rsqrt %add3A_12 : vector<1x128xf32>
    %get3A_13 = arith.constant 0 : index
    %get3A_14 = arith.constant 0 : index
    %get3A_15 = vector.load %arg1[%get3A_13, %get3A_14] : memref<1000x128xf32, #tpu.memory_space<vmem>>, vector<1000x128xf32>
    %sub3A_16 = vector.broadcast %mul3A_3 : vector<1x128xf32> to vector<1000x128xf32>
    %sub3A_17 = arith.subf %get3A_15, %sub3A_16 : vector<1000x128xf32>
    %get3A_18 = arith.constant 0 : index
    %get3A_19 = arith.constant 0 : index
    %get3A_20 = vector.load %arg3[%get3A_18, %get3A_19] : memref<1x128xf32, #tpu.memory_space<vmem>>, vector<1x128xf32>
    %mul3A_21 = arith.mulf %rsqrt3A, %get3A_20 : vector<1x128xf32>
    %mul3A_22 = vector.broadcast %mul3A_21 : vector<1x128xf32> to vector<1000x128xf32>
    %mul3A_23 = arith.mulf %sub3A_17, %mul3A_22 : vector<1000x128xf32>
    %get3A_24 = arith.constant 0 : index
    %get3A_25 = arith.constant 0 : index
    %get3A_26 = vector.load %arg4[%get3A_24, %get3A_25] : memref<1x128xf32, #tpu.memory_space<vmem>>, vector<1x128xf32>
    %add3A_27 = vector.broadcast %get3A_26 : vector<1x128xf32> to vector<1000x128xf32>
    %add3A_28 = arith.addf %mul3A_23, %add3A_27 : vector<1000x128xf32>
    %add3A_29 = arith.addf %add3A_28, %add3A_28 : vector<1000x128xf32>
    %max3A = arith.constant 0.000000e+00 : f32
    %max3A_30 = vector.broadcast %max3A : f32 to vector<1000x128xf32>
    %max3A_31 = arith.maximumf %add3A_29, %max3A_30 : vector<1000x128xf32>
    %swap3A = arith.constant 0 : index
    %swap3A_32 = arith.constant 0 : index
    %swap3A_33 = vector.load %arg5[%swap3A, %swap3A_32] : memref<1000x128xf32, #tpu.memory_space<vmem>>, vector<1000x128xf32>
    tpu.vector_store %arg5[%swap3A, %swap3A_32], %max3A_31 {strides = array<i32>} : memref<1000x128xf32, #tpu.memory_space<vmem>>, vector<1000x128xf32>,
    %reduce_sum3A = arith.constant dense<0.000000e+00> : vector<128xf32>
    %reduce_sum3A_34 = vector.multi_reduction <add>, %max3A_31, %reduce_sum3A [0] : vector<1000x128xf32> to vector<128xf32>
    %broadcast_in_dim3A = vector.shape_cast %reduce_sum3A_34 : vector<128xf32> to vector<1x128xf32>
    %mul3A_35 = arith.mulf %max3A_31, %max3A_31 : vector<1000x128xf32>
    %reduce_sum3A_36 = arith.constant dense<0.000000e+00> : vector<128xf32>
    %reduce_sum3A_37 = vector.multi_reduction <add>, %mul3A_35, %reduce_sum3A_36 [0] : vector<1000x128xf32> to vector<128xf32>
    %broadcast_in_dim3A_38 = vector.shape_cast %reduce_sum3A_37 : vector<128xf32> to vector<1x128xf32>
    %broadcast_in_dim3A_39 = arith.constant 0.000000e+00 : f32
    %broadcast_in_dim3A_40 = vector.broadcast %broadcast_in_dim3A_39 : f32 to vector<6x128xf32>
    %concatenate3A = tpu.concatenate %broadcast_in_dim3A, %broadcast_in_dim3A_38, %broadcast_in_dim3A_40 in 0 : vector<1x128xf32>, vector<1x128xf32>, vector<6x128xf32> -> vector<8x128xf32>
    %eq3A = arith.constant 0 : i32
    %eq3A_41 = arith.cmpi eq, %arg0, %eq3A : i32
    %convert_element_type3A = arith.extui %eq3A_41 : i1 to i32
    %cond3A = arith.constant 0 : i32
    %cond3A_42 = arith.cmpi ne, %convert_element_type3A, %cond3A : i32
    scf.if %cond3A_42 {
      %swap3A_47 = arith.constant 0 : index
      %swap3A_48 = arith.constant 0 : index
      %swap3A_49 = vector.load %arg6[%swap3A_47, %swap3A_48] : memref<8x128xf32, #tpu.memory_space<vmem>>, vector<8x128xf32>
      tpu.vector_store %arg6[%swap3A_47, %swap3A_48], %concatenate3A {strides = array<i32>} : memref<8x128xf32, #tpu.memory_space<vmem>>, vector<8x128xf32>,
    } else {
    }
    %gt3A = arith.constant 0 : i32
    %gt3A_43 = arith.cmpi sgt, %arg0, %gt3A : i32
    %convert_element_type3A_44 = arith.extui %gt3A_43 : i1 to i32
    %cond3A_45 = arith.constant 0 : i32
    %cond3A_46 = arith.cmpi ne, %convert_element_type3A_44, %cond3A_45 : i32
    scf.if %cond3A_46 {
      %get3A_47 = arith.constant 0 : index
      %get3A_48 = arith.constant 0 : index
      %get3A_49 = vector.load %arg6[%get3A_47, %get3A_48] : memref<8x128xf32, #tpu.memory_space<vmem>>, vector<8x128xf32>
      %add3A_50 = arith.addf %get3A_49, %concatenate3A : vector<8x128xf32>
      %swap3A_51 = arith.constant 0 : index
      %swap3A_52 = arith.constant 0 : index
      %swap3A_53 = vector.load %arg6[%swap3A_51, %swap3A_52] : memref<8x128xf32, #tpu.memory_space<vmem>>, vector<8x128xf32>
      tpu.vector_store %arg6[%swap3A_51, %swap3A_52], %add3A_50 {strides = array<i32>} : memref<8x128xf32, #tpu.memory_space<vmem>>, vector<8x128xf32>,
    } else {
    }
    return
  }
  func.func @transform_0(%arg0: i32) -> (i32, i32) {
    %c0_i32 = arith.constant 0 : i32
    %c0_i32_0 = arith.constant 0 : i32
    return %arg0, %c0_i32 : i32, i32
  }
  func.func @transform_1(%arg0: i32) -> (i32, i32) {
    %c0_i32 = arith.constant 0 : i32
    %c0_i32_0 = arith.constant 0 : i32
    %c0_i32_1 = arith.constant 0 : i32
    return %c0_i32, %c0_i32_0 : i32, i32
  }
  func.func @transform_2(%arg0: i32) -> (i32, i32) {
    %c0_i32 = arith.constant 0 : i32
    %c0_i32_0 = arith.constant 0 : i32
    %c0_i32_1 = arith.constant 0 : i32
    return %c0_i32, %c0_i32_0 : i32, i32
  }
  func.func @transform_3(%arg0: i32) -> (i32, i32) {
    %c0_i32 = arith.constant 0 : i32
    %c0_i32_0 = arith.constant 0 : i32
    %c0_i32_1 = arith.constant 0 : i32
    return %c0_i32, %c0_i32_0 : i32, i32
  }
  func.func @transform_4(%arg0: i32) -> (i32, i32) {
    %c0_i32 = arith.constant 0 : i32
    %c0_i32_0 = arith.constant 0 : i32
    return %arg0, %c0_i32 : i32, i32
  }
  func.func @transform_5(%arg0: i32) -> (i32, i32) {
    %c0_i32 = arith.constant 0 : i32
    %c0_i32_0 = arith.constant 0 : i32
    %c0_i32_1 = arith.constant 0 : i32
    return %c0_i32, %c0_i32_0 : i32, i32
  }
}

module attributes {stable_mosaic.version = 14 : i64} {
  func.func @_stage_c(%arg0: i32, %arg1: memref<1000x128xf32, #tpu.memory_space<vmem>>, %arg2: memref<8x128xf32, #tpu.memory_space<vmem>>, %arg3: memref<1x128xf32, #tpu.memory_space<vmem>>, %arg4: memref<1x128xf32, #tpu.memory_space<vmem>>, %arg5: memref<1x128xf32, #tpu.memory_space<vmem>>, %arg6: memref<1000x128xf32, #tpu.memory_space<vmem>>) attributes {dimension_semantics = [#tpu.dimension_semantics<arbitrary>], iteration_bounds = array<i64: 10>, scalar_prefetch = 0 : i64, scratch_operands = 0 : i64, tpu.core_type = #tpu.core_type<tc>, window_params = [{transform_indices = @transform_0, window_bounds = array<i64: 1000, 128>}, {pipeline_mode = #tpu.pipeline_mode<synchronous>, transform_indices = @transform_1, window_bounds = array<i64: 8, 128>}, {pipeline_mode = #tpu.pipeline_mode<synchronous>, transform_indices = @transform_2, window_bounds = array<i64: 1, 128>}, {pipeline_mode = #tpu.pipeline_mode<synchronous>, transform_indices = @transform_3, window_bounds = array<i64: 1, 128>}, {pipeline_mode = #tpu.pipeline_mode<synchronous>, transform_indices = @transform_4, window_bounds = array<i64: 1, 128>}, {transform_indices = @transform_5, window_bounds = array<i64: 1000, 128>}]} {
    %get3A = arith.constant 0 : index
    %get3A_0 = arith.constant 0 : index
    %get3A_1 = vector.load %arg1[%get3A, %get3A_0] : memref<1000x128xf32, #tpu.memory_space<vmem>>, vector<1000x128xf32>
    %get3A_2 = arith.constant 0 : index
    %get3A_3 = arith.constant 0 : index
    %get3A_4 = vector.load %arg2[%get3A_2, %get3A_3] : memref<8x128xf32, #tpu.memory_space<vmem>>, vector<1x128xf32>
    %mul3A = arith.constant 9.99999974E-5 : f32
    %mul3A_5 = vector.broadcast %mul3A : f32 to vector<1x128xf32>
    %mul3A_6 = arith.mulf %get3A_4, %mul3A_5 : vector<1x128xf32>
    %get3A_7 = arith.constant 1 : index
    %get3A_8 = arith.constant 0 : index
    %get3A_9 = vector.load %arg2[%get3A_7, %get3A_8] : memref<8x128xf32, #tpu.memory_space<vmem>>, vector<1x128xf32>
    %mul3A_10 = arith.constant 9.99999974E-5 : f32
    %mul3A_11 = vector.broadcast %mul3A_10 : f32 to vector<1x128xf32>
    %mul3A_12 = arith.mulf %get3A_9, %mul3A_11 : vector<1x128xf32>
    %get3A_13 = arith.constant 0 : index
    %get3A_14 = arith.constant 0 : index
    %get3A_15 = vector.load %arg5[%get3A_13, %get3A_14] : memref<1x128xf32, #tpu.memory_space<vmem>>, vector<1x128xf32>
    %mul3A_16 = arith.constant 2.000000e+00 : f32
    %mul3A_17 = vector.broadcast %mul3A_16 : f32 to vector<1x128xf32>
    %mul3A_18 = arith.mulf %mul3A_17, %get3A_15 : vector<1x128xf32>
    %mul3A_19 = arith.mulf %get3A_15, %get3A_15 : vector<1x128xf32>
    %sub3A = arith.subf %mul3A_18, %mul3A_19 : vector<1x128xf32>
    %mul3A_20 = arith.mulf %sub3A, %mul3A_6 : vector<1x128xf32>
    %mul3A_21 = arith.mulf %mul3A_20, %mul3A_6 : vector<1x128xf32>
    %sub3A_22 = arith.subf %mul3A_12, %mul3A_21 : vector<1x128xf32>
    %mul3A_23 = arith.mulf %get3A_15, %mul3A_6 : vector<1x128xf32>
    %sub3A_24 = vector.broadcast %mul3A_23 : vector<1x128xf32> to vector<1000x128xf32>
    %sub3A_25 = arith.subf %get3A_1, %sub3A_24 : vector<1000x128xf32>
    %get3A_26 = arith.constant 0 : index
    %get3A_27 = arith.constant 0 : index
    %get3A_28 = vector.load %arg3[%get3A_26, %get3A_27] : memref<1x128xf32, #tpu.memory_space<vmem>>, vector<1x128xf32>
    %mul3A_29 = vector.broadcast %get3A_28 : vector<1x128xf32> to vector<1000x128xf32>
    %mul3A_30 = arith.mulf %mul3A_29, %sub3A_25 : vector<1000x128xf32>
    %add3A = arith.constant 9.99999974E-6 : f32
    %add3A_31 = vector.broadcast %add3A : f32 to vector<1x128xf32>
    %add3A_32 = arith.addf %sub3A_22, %add3A_31 : vector<1x128xf32>
    %rsqrt3A = math.rsqrt %add3A_32 : vector<1x128xf32>
    %mul3A_33 = vector.broadcast %rsqrt3A : vector<1x128xf32> to vector<1000x128xf32>
    %mul3A_34 = arith.mulf %mul3A_30, %mul3A_33 : vector<1000x128xf32>
    %get3A_35 = arith.constant 0 : index
    %get3A_36 = arith.constant 0 : index
    %get3A_37 = vector.load %arg4[%get3A_35, %get3A_36] : memref<1x128xf32, #tpu.memory_space<vmem>>, vector<1x128xf32>
    %add3A_38 = vector.broadcast %get3A_37 : vector<1x128xf32> to vector<1000x128xf32>
    %add3A_39 = arith.addf %mul3A_34, %add3A_38 : vector<1000x128xf32>
    %max3A = arith.constant 0.000000e+00 : f32
    %max3A_40 = vector.broadcast %max3A : f32 to vector<1000x128xf32>
    %max3A_41 = arith.maximumf %add3A_39, %max3A_40 : vector<1000x128xf32>
    %swap3A = arith.constant 0 : index
    %swap3A_42 = arith.constant 0 : index
    %swap3A_43 = vector.load %arg6[%swap3A, %swap3A_42] : memref<1000x128xf32, #tpu.memory_space<vmem>>, vector<1000x128xf32>
    tpu.vector_store %arg6[%swap3A, %swap3A_42], %max3A_41 {strides = array<i32>} : memref<1000x128xf32, #tpu.memory_space<vmem>>, vector<1000x128xf32>,
    return
  }
  func.func @transform_0(%arg0: i32) -> (i32, i32) {
    %c0_i32 = arith.constant 0 : i32
    %c0_i32_0 = arith.constant 0 : i32
    return %arg0, %c0_i32 : i32, i32
  }
  func.func @transform_1(%arg0: i32) -> (i32, i32) {
    %c0_i32 = arith.constant 0 : i32
    %c0_i32_0 = arith.constant 0 : i32
    %c0_i32_1 = arith.constant 0 : i32
    return %c0_i32, %c0_i32_0 : i32, i32
  }
  func.func @transform_2(%arg0: i32) -> (i32, i32) {
    %c0_i32 = arith.constant 0 : i32
    %c0_i32_0 = arith.constant 0 : i32
    %c0_i32_1 = arith.constant 0 : i32
    return %c0_i32, %c0_i32_0 : i32, i32
  }
  func.func @transform_3(%arg0: i32) -> (i32, i32) {
    %c0_i32 = arith.constant 0 : i32
    %c0_i32_0 = arith.constant 0 : i32
    %c0_i32_1 = arith.constant 0 : i32
    return %c0_i32, %c0_i32_0 : i32, i32
  }
  func.func @transform_4(%arg0: i32) -> (i32, i32) {
    %c0_i32 = arith.constant 0 : i32
    %c0_i32_0 = arith.constant 0 : i32
    %c0_i32_1 = arith.constant 0 : i32
    return %c0_i32, %c0_i32_0 : i32, i32
  }
  func.func @transform_5(%arg0: i32) -> (i32, i32) {
    %c0_i32 = arith.constant 0 : i32
    %c0_i32_0 = arith.constant 0 : i32
    return %arg0, %c0_i32 : i32, i32
  }
}

module attributes {stable_mosaic.version = 14 : i64} {
  func.func @_stage_c_final(%arg0: i32, %arg1: memref<1000x128xf32, #tpu.memory_space<vmem>>, %arg2: memref<8x128xf32, #tpu.memory_space<vmem>>, %arg3: memref<1x128xf32, #tpu.memory_space<vmem>>, %arg4: memref<1x128xf32, #tpu.memory_space<vmem>>, %arg5: memref<1x128xf32, #tpu.memory_space<vmem>>, %arg6: memref<128x128xf32, #tpu.memory_space<vmem>>, %arg7: memref<1x128xf32, #tpu.memory_space<vmem>>, %arg8: memref<1000x128xf32, #tpu.memory_space<vmem>>) attributes {dimension_semantics = [#tpu.dimension_semantics<arbitrary>], iteration_bounds = array<i64: 10>, scalar_prefetch = 0 : i64, scratch_operands = 0 : i64, tpu.core_type = #tpu.core_type<tc>, window_params = [{transform_indices = @transform_0, window_bounds = array<i64: 1000, 128>}, {pipeline_mode = #tpu.pipeline_mode<synchronous>, transform_indices = @transform_1, window_bounds = array<i64: 8, 128>}, {pipeline_mode = #tpu.pipeline_mode<synchronous>, transform_indices = @transform_2, window_bounds = array<i64: 1, 128>}, {pipeline_mode = #tpu.pipeline_mode<synchronous>, transform_indices = @transform_3, window_bounds = array<i64: 1, 128>}, {pipeline_mode = #tpu.pipeline_mode<synchronous>, transform_indices = @transform_4, window_bounds = array<i64: 1, 128>}, {pipeline_mode = #tpu.pipeline_mode<synchronous>, transform_indices = @transform_5, window_bounds = array<i64: 128, 128>}, {pipeline_mode = #tpu.pipeline_mode<synchronous>, transform_indices = @transform_6, window_bounds = array<i64: 1, 128>}, {transform_indices = @transform_7, window_bounds = array<i64: 1000, 128>}]} {
    %get3A = arith.constant 0 : index
    %get3A_0 = arith.constant 0 : index
    %get3A_1 = vector.load %arg1[%get3A, %get3A_0] : memref<1000x128xf32, #tpu.memory_space<vmem>>, vector<1000x128xf32>
    %get3A_2 = arith.constant 0 : index
    %get3A_3 = arith.constant 0 : index
    %get3A_4 = vector.load %arg2[%get3A_2, %get3A_3] : memref<8x128xf32, #tpu.memory_space<vmem>>, vector<1x128xf32>
    %mul3A = arith.constant 9.99999974E-5 : f32
    %mul3A_5 = vector.broadcast %mul3A : f32 to vector<1x128xf32>
    %mul3A_6 = arith.mulf %get3A_4, %mul3A_5 : vector<1x128xf32>
    %get3A_7 = arith.constant 1 : index
    %get3A_8 = arith.constant 0 : index
    %get3A_9 = vector.load %arg2[%get3A_7, %get3A_8] : memref<8x128xf32, #tpu.memory_space<vmem>>, vector<1x128xf32>
    %mul3A_10 = arith.constant 9.99999974E-5 : f32
    %mul3A_11 = vector.broadcast %mul3A_10 : f32 to vector<1x128xf32>
    %mul3A_12 = arith.mulf %get3A_9, %mul3A_11 : vector<1x128xf32>
    %get3A_13 = arith.constant 0 : index
    %get3A_14 = arith.constant 0 : index
    %get3A_15 = vector.load %arg5[%get3A_13, %get3A_14] : memref<1x128xf32, #tpu.memory_space<vmem>>, vector<1x128xf32>
    %mul3A_16 = arith.constant 2.000000e+00 : f32
    %mul3A_17 = vector.broadcast %mul3A_16 : f32 to vector<1x128xf32>
    %mul3A_18 = arith.mulf %mul3A_17, %get3A_15 : vector<1x128xf32>
    %mul3A_19 = arith.mulf %get3A_15, %get3A_15 : vector<1x128xf32>
    %sub3A = arith.subf %mul3A_18, %mul3A_19 : vector<1x128xf32>
    %mul3A_20 = arith.mulf %sub3A, %mul3A_6 : vector<1x128xf32>
    %mul3A_21 = arith.mulf %mul3A_20, %mul3A_6 : vector<1x128xf32>
    %sub3A_22 = arith.subf %mul3A_12, %mul3A_21 : vector<1x128xf32>
    %mul3A_23 = arith.mulf %get3A_15, %mul3A_6 : vector<1x128xf32>
    %sub3A_24 = vector.broadcast %mul3A_23 : vector<1x128xf32> to vector<1000x128xf32>
    %sub3A_25 = arith.subf %get3A_1, %sub3A_24 : vector<1000x128xf32>
    %get3A_26 = arith.constant 0 : index
    %get3A_27 = arith.constant 0 : index
    %get3A_28 = vector.load %arg3[%get3A_26, %get3A_27] : memref<1x128xf32, #tpu.memory_space<vmem>>, vector<1x128xf32>
    %mul3A_29 = vector.broadcast %get3A_28 : vector<1x128xf32> to vector<1000x128xf32>
    %mul3A_30 = arith.mulf %mul3A_29, %sub3A_25 : vector<1000x128xf32>
    %add3A = arith.constant 9.99999974E-6 : f32
    %add3A_31 = vector.broadcast %add3A : f32 to vector<1x128xf32>
    %add3A_32 = arith.addf %sub3A_22, %add3A_31 : vector<1x128xf32>
    %rsqrt3A = math.rsqrt %add3A_32 : vector<1x128xf32>
    %mul3A_33 = vector.broadcast %rsqrt3A : vector<1x128xf32> to vector<1000x128xf32>
    %mul3A_34 = arith.mulf %mul3A_30, %mul3A_33 : vector<1000x128xf32>
    %get3A_35 = arith.constant 0 : index
    %get3A_36 = arith.constant 0 : index
    %get3A_37 = vector.load %arg4[%get3A_35, %get3A_36] : memref<1x128xf32, #tpu.memory_space<vmem>>, vector<1x128xf32>
    %add3A_38 = vector.broadcast %get3A_37 : vector<1x128xf32> to vector<1000x128xf32>
    %add3A_39 = arith.addf %mul3A_34, %add3A_38 : vector<1000x128xf32>
    %max3A = arith.constant 0.000000e+00 : f32
    %max3A_40 = vector.broadcast %max3A : f32 to vector<1000x128xf32>
    %max3A_41 = arith.maximumf %add3A_39, %max3A_40 : vector<1000x128xf32>
    %get3A_42 = arith.constant 0 : index
    %get3A_43 = arith.constant 0 : index
    %get3A_44 = vector.load %arg6[%get3A_42, %get3A_43] : memref<128x128xf32, #tpu.memory_space<vmem>>, vector<128x128xf32>
    %dot_general3A = arith.constant dense<0.000000e+00> : vector<1000x128xf32>
    %dot_general3A_45 = tpu.matmul %max3A_41, %get3A_44, %dot_general3A {dimension_numbers = #tpu.dot_dimension_numbers<[1], [0], [0], [1], [0, 0, 1, 1], [], []>, transpose_lhs_hint = false} : vector<1000x128xf32>, vector<128x128xf32>, vector<1000x128xf32> -> vector<1000x128xf32>
    %get3A_46 = arith.constant 0 : index
    %get3A_47 = arith.constant 0 : index
    %get3A_48 = vector.load %arg7[%get3A_46, %get3A_47] : memref<1x128xf32, #tpu.memory_space<vmem>>, vector<1x128xf32>
    %add3A_49 = vector.broadcast %get3A_48 : vector<1x128xf32> to vector<1000x128xf32>
    %add3A_50 = arith.addf %dot_general3A_45, %add3A_49 : vector<1000x128xf32>
    %swap3A = arith.constant 0 : index
    %swap3A_51 = arith.constant 0 : index
    %swap3A_52 = vector.load %arg8[%swap3A, %swap3A_51] : memref<1000x128xf32, #tpu.memory_space<vmem>>, vector<1000x128xf32>
    tpu.vector_store %arg8[%swap3A, %swap3A_51], %add3A_50 {strides = array<i32>} : memref<1000x128xf32, #tpu.memory_space<vmem>>, vector<1000x128xf32>,
    return
  }
  func.func @transform_0(%arg0: i32) -> (i32, i32) {
    %c0_i32 = arith.constant 0 : i32
    %c0_i32_0 = arith.constant 0 : i32
    return %arg0, %c0_i32 : i32, i32
  }
  func.func @transform_1(%arg0: i32) -> (i32, i32) {
    %c0_i32 = arith.constant 0 : i32
    %c0_i32_0 = arith.constant 0 : i32
    %c0_i32_1 = arith.constant 0 : i32
    return %c0_i32, %c0_i32_0 : i32, i32
  }
  func.func @transform_2(%arg0: i32) -> (i32, i32) {
    %c0_i32 = arith.constant 0 : i32
    %c0_i32_0 = arith.constant 0 : i32
    %c0_i32_1 = arith.constant 0 : i32
    return %c0_i32, %c0_i32_0 : i32, i32
  }
  func.func @transform_3(%arg0: i32) -> (i32, i32) {
    %c0_i32 = arith.constant 0 : i32
    %c0_i32_0 = arith.constant 0 : i32
    %c0_i32_1 = arith.constant 0 : i32
    return %c0_i32, %c0_i32_0 : i32, i32
  }
  func.func @transform_4(%arg0: i32) -> (i32, i32) {
    %c0_i32 = arith.constant 0 : i32
    %c0_i32_0 = arith.constant 0 : i32
    %c0_i32_1 = arith.constant 0 : i32
    return %c0_i32, %c0_i32_0 : i32, i32
  }
  func.func @transform_5(%arg0: i32) -> (i32, i32) {
    %c0_i32 = arith.constant 0 : i32
    %c0_i32_0 = arith.constant 0 : i32
    %c0_i32_1 = arith.constant 0 : i32
    return %c0_i32, %c0_i32_0 : i32, i32
  }
  func.func @transform_6(%arg0: i32) -> (i32, i32) {
    %c0_i32 = arith.constant 0 : i32
    %c0_i32_0 = arith.constant 0 : i32
    %c0_i32_1 = arith.constant 0 : i32
    return %c0_i32, %c0_i32_0 : i32, i32
  }
  func.func @transform_7(%arg0: i32) -> (i32, i32) {
    %c0_i32 = arith.constant 0 : i32
    %c0_i32_0 = arith.constant 0 : i32
    return %arg0, %c0_i32 : i32, i32
  }
}

</mosaic_0001>

<sc_bundles>
// kernel: kernel.11.cloned.1.call-start
scs
__scs_entry_jumppad:
0x0: {  	(pc) =	sbr.rel $0x88, $3  }
0x1: {  	(tag) =	ssettag $0x0;
	lr =	simm.s32 $0x1  }
0x2: {  	[smem:$0x3F85] =	sst lr;
	_ =	strace $0xD0000000  }
0x3: {  	_ = 	snop  }
0x4: {  	_ = 	snop  }
0x5: {  	_ = 	snop  }
0x6: {  	_ = 	snop  }
0x7: {  	_ = 	snop  }
__scs_overlays_trampoline_lowered:
0x8: {  	[smem:$0x3F94] =	sst s0  }
0x9: {  	[smem:$0x3F95] =	sst s1  }
0xa: {  	[smem:$0x3F96] =	sst s2  }
0xb: {  	[smem:$0x3F97] =	sst s3  }
0xc: {  	[smem:$0x3F98] =	sst s4  }
0xd: {  	[smem:$0x3F99] =	sst s5  }
0xe: {  	[smem:$0x3F9A] =	sst s6  }
0xf: {  	[smem:$0x3F9B] =	sst s7  }
0x10: {  	[smem:$0x3F9C] =	sst s8  }
0x11: {  	[smem:$0x3F9D] =	sst s9;
	s0 =	simm.s32 @!p0 $0x0  }
0x12: {  	s1 =	sld [smem:$0x3F83];
	s0 =	simm.s32 @p0 $0x1  }
0x13: {  	[smem:$0x3F9E] =	sst s0;
	s0 =	simm.s32 @!p1 $0x0  }
0x14: {  	s2 =	sld [smem:$0x3F82];
	s0 =	simm.s32 @p1 $0x1  }
0x15: {  	[smem:$0x3F9F] =	sst s0;
	s0 =	simm.s32 @!p2 $0x0  }
0x16: {  	s3 =	sld [smem:$0x3FDB];
	s0 =	simm.s32 @p2 $0x1  }
0x17: {  	s4 =	simm.s32 $0x1BF5;
	[smem:$0x3FA1] =	sst s0  }
0x18: {  	s0 =	sld [smem:$0x3F84];
	_ =	swait.ge [sflag:s4], $0x0  }
0x19: {  	s7 =	sld [smem:$0x3F85]  }
0x1a: {  	s8 =	sadd.s32 $0xFFFFE003, lr  }
0x1b: {  	s9 =	sadd.s32 $0xFFFFFEF7, lr;
	s5 =	simm.s32 $0xFFFFFFFF;
	p2 =	slt.u32 s8, $0xFFFFF086  }
0x1c: {  	p1 =	slt.u32 s9, $0xF7A;
	s5 =	simm.s32 @!p2 $0x0  }
0x1d: {  	s5 =	simm.s32 @p1 $0x1;
	p0 =	seq.s32 s7, s2  }
0x1e: {  	s7 =	smul.u32 @!p0 $0xF7A, s2;
	p2 =	seq.s32 @!p0 s5, $0x0  }
0x1f: {  	s9 =	smul.u32 $0xF7A, s1;
	s8 =	simm.s32 @!p0 $0x1BF5;
	p2 =	por !p2, p0  }
0x20: {  	[sflag:s8] =	ssyncset.s32 @!p0 $0xFFFFF086;
	s6 =	sadd.s32 @!p0 s3, s7;
	s7 =	simm.s32 @!p0 $0x108  }
0x21: {  	s3 =	sadd.s32 s3, s9;
	s6 =	sadd.s32 @!p0 $0x88, s6;
	s7 =	simm.s32 @p2 $0x1082  }
0x22: {  	[simem:s7], [sflag:s8] =	dma.local @!p0 [hbm:s6], $0xF7A  }
0x23: {  	s9 =	sor.u32 $0xD0000000, s2;
	s6 =	simm.s32 $0x108;
	_ =	swait.ge @!p0 [sflag:s8], $0x0  }
0x24: {  	s3 =	sadd.s32 $0x88, s3;
	s6 =	simm.s32 @!p1 $0x1082;
	[sflag:s4] =	ssyncset.s32 $0xFFFFF086  }
0x25: {  	[simem:s6], [sflag:s4] =	dma.local [hbm:s3], $0xF7A  }
0x26: {  	[smem:$0x3F85] =	sst s1;
	(tag) =	ssettag s2;
	_ =	strace s9  }
0x27: {  	s1 =	sld [smem:$0x3F95]  }
0x28: {  	s2 =	sld [smem:$0x3F96]  }
0x29: {  	s4 =	sld [smem:$0x3F98]  }
0x2a: {  	p0 =	seq.s32 s5, $0x0;
	s5 =	sld [smem:$0x3F99]  }
0x2b: {  	s6 =	sld [smem:$0x3F9A]  }
0x2c: {  	s7 =	sld [smem:$0x3F9B]  }
0x2d: {  	s3 =	simm.s32 $0x108;
	s8 =	sld [smem:$0x3F9C]  }
0x2e: {  	s3 =	simm.s32 @!p0 $0x1082;
	s9 =	sld [smem:$0x3F9D]  }
0x2f: {  	lr =	sadd.s32 s0, s3;
	s0 =	sld [smem:$0x3F94]  }
0x30: {  	s3 =	sld [smem:$0x3F97]  }
0x31: {  	[smem:$0x3FA0] =	sst s10  }
0x32: {  	s10 =	sld [smem:$0x3F9E];
	_ =	sdelay $0x3  }
0x33: {  	p0 =	seq.s32 s10, $0x1;
	s10 =	sld [smem:$0x3FA0];
	_ =	sdelay $0x3  }
0x34: {  	[smem:$0x3FA0] =	sst s10  }
0x35: {  	s10 =	sld [smem:$0x3F9F];
	_ =	sdelay $0x3  }
0x36: {  	p1 =	seq.s32 s10, $0x1;
	s10 =	sld [smem:$0x3FA0];
	_ =	sdelay $0x3  }
0x37: {  	[smem:$0x3FA0] =	sst s10  }
0x38: {  	s10 =	sld [smem:$0x3FA1]  }
0x39: {  	_ = 	snop;
	(pc) =	sbr.ind lr, $3  }
0x3a: {  	_ = 	snop  }
0x3b: {  	_ = 	snop  }
0x3c: {  	p2 =	seq.s32 s10, $0x1;
	s10 =	sld [smem:$0x3FA0]  }
0x3d: {  	_ =	shalt  }
0x3e: {  	_ =	shalt  }
0x3f: {  	_ =	shalt  }
0x40: {  	_ =	shalt  }
0x41: {  	_ =	shalt  }
0x42: {  	_ =	shalt  }
0x43: {  	_ =	shalt  }
0x44: {  	_ =	shalt  }
0x45: {  	_ =	shalt  }
0x46: {  	_ =	shalt  }
0x47: {  	_ =	shalt  }
0x48: {  	_ =	shalt  }
0x49: {  	_ =	shalt  }
0x4a: {  	_ =	shalt  }
0x4b: {  	_ =	shalt  }
0x4c: {  	_ =	shalt  }
0x4d: {  	_ =	shalt  }
0x4e: {  	_ =	shalt  }
0x4f: {  	_ =	shalt  }
0x50: {  	_ =	shalt  }
0x51: {  	_ =	shalt  }
0x52: {  	_ =	shalt  }
0x53: {  	_ =	shalt  }
0x54: {  	_ =	shalt  }
0x55: {  	_ =	shalt  }
0x56: {  	_ =	shalt  }
0x57: {  	_ =	shalt  }
0x58: {  	_ =	shalt  }
0x59: {  	_ =	shalt  }
0x5a: {  	_ =	shalt  }
0x5b: {  	_ =	shalt  }
0x5c: {  	_ =	shalt  }
0x5d: {  	_ =	shalt  }
0x5e: {  	_ =	shalt  }
0x5f: {  	_ =	shalt  }
0x60: {  	_ =	shalt  }
0x61: {  	_ =	shalt  }
0x62: {  	_ =	shalt  }
0x63: {  	_ =	shalt  }
0x64: {  	_ =	shalt  }
0x65: {  	_ =	shalt  }
0x66: {  	_ =	shalt  }
0x67: {  	_ =	shalt  }
0x68: {  	_ =	shalt  }
0x69: {  	_ =	shalt  }
0x6a: {  	_ =	shalt  }
0x6b: {  	_ =	shalt  }
0x6c: {  	_ =	shalt  }
0x6d: {  	_ =	shalt  }
0x6e: {  	_ =	shalt  }
0x6f: {  	_ =	shalt  }
0x70: {  	_ =	shalt  }
0x71: {  	_ =	shalt  }
0x72: {  	_ =	shalt  }
0x73: {  	_ =	shalt  }
0x74: {  	_ =	shalt  }
0x75: {  	_ =	shalt  }
0x76: {  	_ =	shalt  }
0x77: {  	_ =	shalt  }
0x78: {  	_ =	shalt  }
0x79: {  	_ =	shalt  }
0x7a: {  	_ =	shalt  }
0x7b: {  	_ =	shalt  }
0x7c: {  	_ =	shalt  }
0x7d: {  	_ =	shalt  }
0x7e: {  	_ =	shalt  }
0x7f: {  	_ =	shalt  }
0x80: {  	_ =	shalt  }
0x81: {  	_ =	shalt  }
0x82: {  	_ =	shalt  }
0x83: {  	_ =	shalt  }
0x84: {  	_ =	shalt  }
0x85: {  	_ =	shalt  }
0x86: {  	_ =	shalt  }
0x87: {  	_ =	shalt  }
.Lfunc_end0:
.L_simem_size_0:
called_computation_lowered:
.L_overlay_start_0:
0x88: {  	s2 =	sld [smem:$0x3FD9]  }
0x89: {  	s3 =	sld [smem:$0x3FFE];
	_ =	sdelay $0x1  }
0x8a: {  	s1 =	srdreg.scid  }
0x8b: {  	s0 =	sand.u32 $0x1, s1  }
0x8c: {  	s17 =	sshll.u32 s0, $0xA;
	s2 =	sadd.s32 s3, s2  }
0x8d: {  	s2 =	sadd.s32 s2, s17  }
0x8e: {  	[smem:$0x3FAC] =	sst s2  }
0x8f: {  	_ = 	snop  }
0x90: {  	s2 =	sld [smem:$0x3FD0];
	(tm) =	ssettm $0x1  }
0x91: {  	s18 =	sld [smem:$0x3FFB];
	_ =	sdelay $0x3  }
0x92: {  	_ =	strace s18  }
0x93: {  	s3 =	sld [smem:$0x3FFC];
	_ =	sdelay $0x3  }
0x94: {  	_ =	strace s3  }
0x95: {  	s3 =	sld [smem:$0x3FFD];
	_ =	sdelay $0x3  }
0x96: {  	_ =	strace s3  }
0x97: {  	_ =	strace $0x8FFFFFFF  }
0x98: {  	s19 =	sld [smem:$0x3FDB];
	_ =	sdelay $0x1  }
0x99: {  	s4 =	simm.s32 $_scs_section_size  }
0x9a: {  	s5 =	simm.s32 $_size__tile_overlayer_lowered;
	s6 =	simm.s32 $_tile_overlayer_lowered  }
0x9b: {  	s22 =	simm.s32 $0x1BFF;
	s21 =	sshll.u32 s6, $0x1;
	s3 =	sadd.s32 s4, s19  }
0x9c: {  	s7 =	simm.s32 $0x0;
	s20 =	sshll.u32 s5, $0x1;
	s5 =	sadd.s32 s21, s3  }
0x9d: {  	[timem:s7], [sflag:s22] =	dma.local [hbm:s5], s20  }
0x9e: {  	_ =	swait.ge [sflag:s22], s20  }
0x9f: {  	s4 =	ssub.s32 $0x0, s20;
	[sflag:s22] =	ssyncset.done $0x0  }
0xa0: {  	[sflag:s22] =	ssyncadd.s32 s4;
	_ =	sdelay $0x1  }
0xa1: {  	s23 =	simm.s32 $0x1B8B  }
0xa2: {  	_ =	swait.ge [sflag:s23], $0x1  }
0xa3: {  	[sflag:s23] =	ssyncset.done $0x0  }
0xa4: {  	s25 =	simm.s32 $0x1B8E;
	s24 =	sld [smem:$0x3FFE];
	[sflag:s23] =	ssyncadd.s32 $0xFFFFFFFF  }
0xa5: {  	s26 =	simm.s32 $execute0_lowered;
	[smem:$0x3FD2] =	sst s25  }
0xa6: {  	s5 =	sshll.u32 s26, $0x1;
	_ =	strace $0x80000046;
	[dreg:$0x1] =	wrdreg $0xFFFFFFFF  }
0xa7: {  	s28 =	simm.s32 $_size_execute0_lowered;
	s3 =	sadd.s32 s3, s5;
	[dreg:$0x0] =	wrdreg $0x0  }
0xa8: {  	s5 =	sshll.u32 s28, $0x1;
	[dreg:$0x2] =	wrdreg s3  }
0xa9: {  	[dreg:$0x3] =	wrdreg s5  }
0xaa: {  	[dreg:$0x4] =	wrdreg $0xC0  }
0xab: {  	_ =	task [dreg:s7], $0x5FFFF  }
0xac: {  	[dreg:$0x1] =	wrdreg $0xFFFFFFFF  }
0xad: {  	[dreg:$0x0] =	wrdreg $0x60  }
0xae: {  	[dreg:$0x2] =	wrdreg s2  }
0xaf: {  	[dreg:$0x3] =	wrdreg s24  }
0xb0: {  	[dreg:$0x4] =	wrdreg $0x0  }
0xb1: {  	[dreg:$0x5] =	wrdreg $0x9  }
0xb2: {  	_ =	task.clear_ibuf [dreg:s7], $0x6FFFF;
	_ =	strace $0x90000046  }
0xb3: {  	s29 =	simm.s32 $0x9;
	_ =	strace $0x80000048  }
0xb4: {  	_ =	swait.ge [sflag:s29], $0x1  }
0xb5: {  	[sflag:s29] =	ssyncadd.s32 $0xFFFFFFFF  }
0xb6: {  	_ =	strace $0x90000048  }
0xb7: {  	_ =	sfence  }
0xb8: {  	s30 =	sld [smem:$0x0];
	_ =	sdelay $0x2  }
0xb9: {  	s31 =	sshll.u32 s1, $0xD;
	s1 =	sshrl.u32 s1, $0x2  }
0xba: {  	s3 =	sand.u32 $0x4000, s31;
	s1 =	sadd.s32 s1, s30  }
0xbb: {  	s0 =	sor.u32 s3, s0;
	s1 =	sshll.u32 s1, $0x11  }
0xbc: {  	s0 =	sor.u32 s1, s0  }
0xbd: {  	s0 =	sadd.s32 $0x8F2B, s0  }
0xbe: {  	[sflag:s0] =	ssyncadd.remote.s32 $0x1  }
0xbf: {  	_ =	sfence.sel $0xFFFF  }
0xc0: {  	[dreg:$0x0] =	wrdreg $0xFFFFFFFF;
	(pc) =	sbr.abs _section_cstart, $3  }
0xc1: {  	[dreg:$0x1] =	wrdreg $0xFFFFFFFF  }
0xc2: {  	_ =	task.clear_ibuf [dreg:s7], $0x2FFFF;
	_ =	strace $0x9FFFFFFF  }
0xc3: {  	(tm) =	ssettm $0x7FFFFFFF  }
tec
execute0_lowered:
.L_overlay_start_1:
0x0: {  	(tag) =	ssettag $0x1  }
0x1: {  	s0 =	rddreg [dreg:$0x0]  }
0x2: {  	s1 =	rddreg [dreg:$0x1];
	s9 =	stileid.u32  }
0x3: {  	s2 =	srdreg.scid;
	s6 =	smul.u32 $0xA000, s9  }
0x4: {  	s4 =	rddreg [dreg:$0x2];
	s18 =	smul.u32 $0x9E40, s9  }
0x5: {  	s3 =	simm.s32 $0x0;
	s29 =	simm.s32 $0x2790;
	s8 =	smul.u32 $0x500, s9  }
0x6: {  	s30 =	simm.s32 $0x1;
	s2 =	sand.u32 $0x1, s2;
	s28 =	smul.u32 $0x4F80, s9  }
0x7: {  	s31 =	simm.s32 $0x2E90;
	[smem:$0x7FF] =	sst s3;
	s5 =	smul.u32 $0xA0000, s2  }
0x8: {  	_ =	strace $0x80000047;
	s7 =	ssub.s32 $0x2, s2;
	s2 =	smul.u32 $0x4E20, s2  }
0x9: {  	s19 =	sshrl.u32 s7, $0x1;
	s20 =	sshrl.u32 s18, $0x2;
	s21 =	sshrl.u32 s8, $0x2  }
0xa: {  	s5 =	sadd.s32 s6, s5;
	s7 =	ssub.s32 s7, s19;
	s2 =	sshrl.u32 s2, $0x2  }
0xb: {  	s6 =	simm.s32 $0x0;
	s5 =	sshrl.u32 s5, $0x3;
	s2 =	sadd.s32 s2, s4  }
0xc: {  	s1 =	sadd.s32 s5, s1;
	s5 =	sadd.s32 s20, s4;
	s4 =	simm.s32 $0x5990  }
0xd: {  	[dreg:$0x4] =	wrdreg s5;
	s5 =	sadd.s32 s21, s2;
	s22 =	sadd.s32 $0x5600, s1  }
0xe: {  	s23 =	sadd.s32 $0x5700, s1;
	s24 =	sadd.s32 $0x5800, s1;
	s25 =	sadd.s32 $0x5900, s1  }
0xf: {  	s26 =	sadd.s32 $0x5A00, s1;
	s11 =	sadd.s32 $0x5B00, s1;
	s12 =	sadd.s32 $0x5C00, s1  }
0x10: {  	s13 =	sadd.s32 $0x5D00, s1;
	s14 =	sadd.s32 $0x5E00, s1;
	[dreg:$0x5] =	wrdreg s22  }
0x11: {  	s15 =	sadd.s32 $0x5F00, s1;
	s16 =	sadd.s32 $0x6000, s1;
	[dreg:$0x6] =	wrdreg s23  }
0x12: {  	s17 =	sadd.s32 $0x6100, s1;
	s18 =	sadd.s32 $0x6200, s1;
	[dreg:$0x7] =	wrdreg s24  }
0x13: {  	s19 =	sadd.s32 $0x6300, s1;
	s20 =	sadd.s32 $0x6400, s1;
	[dreg:$0x8] =	wrdreg s25  }
0x14: {  	s21 =	sadd.s32 $0x6500, s1;
	s2 =	simm.s32 $0x5690;
	[dreg:$0x9] =	wrdreg s26  }
0x15: {  	s22 =	sadd.s32 $0x6600, s1;
	s23 =	sadd.s32 $0x6700, s1;
	s24 =	sadd.s32 $0x6800, s1  }
0x16: {  	v0 =	vimm.f32 $0.0e+00;
	s25 =	sadd.s32 $0x6900, s1;
	s26 =	smax.u32 s7, $0x1;
	s1 =	simm.s32 $0x5810  }
.LBB2_1:
0x17: {  	s7 =	simm.s32 $0x40;
	s8 =	simm.s32 $0x0  }
.LBB2_2:
0x18: {  	p0 =	sne.s32 s7, $0x9E00;
	[tilespmem:s8+$0x2E90] =	vst v0;
	s8 =	smov.u32 s7;
	s7 =	sadd.s32 $0x40, s7  }
.Ltmp0:
0x19: {  	(pc) =	sbr.rel @p0 .LBB2_2-.Ltmp0, $2  }
0x1a: {  	_ =	sdelay $0x2  }
0x1b: {  	s8 =	sshra.s32 s8, $0x2  }
0x1c: {  	[tilespmem:s8+$0x2E90] =	vst v0;
	s7 =	simm.s32 $0x0;
	s8 =	simm.s32 $0x0  }
.LBB2_4:
0x1d: {  	s9 =	smul.u32 $0x6A0, s8;
	_ =	sdelay $0x1  }
0x1e: {  	s9 =	sadd.s32 s28, s9  }
0x1f: {  	s9 =	sshrl.u32 s9, $0x3  }
0x20: {  	s9 =	sadd.s32 s0, s9  }
0x21: {  	[tilespmem:s29], [sflag:$0x1] =	stream.linear.gather [hbm4b:s9+s7], $0x6A0, $0x38;
	[tilespmem:$0x6190] =	vst v63  }
0x22: {  	_ =	swait.ge [sflag:s30], $0x6A0  }
0x23: {  	[sflag:s30] =	ssyncset.done $0x0  }
0x24: {  	s10 =	simm.s32 $0x0;
	s9 =	simm.s32 $0x40;
	[sflag:s30] =	ssyncadd.s32 $0xFFFFF960  }
.LBB2_5:
0x25: {  	p0 =	sne.s32 s9, $0x1A40;
	v1 =	vld [tilespmem:s10+$0x2790];
	_ =	sdelay $0x4  }
0x26: {  	(xrf1) =	vunique.msk.u32 $0xffff, v1;
	_ =	sdelay $0xd  }
0x27: {  	_, v2, vm0 =	vpop (xrf1);
	_ =	sdelay $0x1  }
.Ltmp1:
0x28: {  	(pc) =	sbr.rel @p0 .LBB2_5-.Ltmp1, $3  }
0x29: {  	_ = 	snop  }
0x2a: {  	v2 =	vcvt.s32.f32 v2;
	_ =	sdelay $0x1  }
0x2b: {  	s10 =	sshra.s32 s9, $0x2;
	s9 =	sadd.s32 $0x40, s9;
	[tilespmem:v1+s31+$0x0] =	vst.idx.add.f32.msk vm0, v2  }
0x2c: {  	v1 =	vld [tilespmem:s10+$0x2790];
	_ =	sdelay $0x4  }
0x2d: {  	(xrf1) =	vunique.msk.u32 $0xffff, v1;
	_ =	sdelay $0xd  }
0x2e: {  	s8 =	sadd.s32 $0x1, s8;
	_, v2, vm0 =	vpop (xrf1)  }
0x2f: {  	p0 =	sne.s32 s8, $0xC  }
.Ltmp2:
0x30: {  	_ = 	snop;
	(pc) =	sbr.rel @p0 .LBB2_4-.Ltmp2, $3  }
0x31: {  	_ = 	snop  }
0x32: {  	v2 =	vcvt.s32.f32 v2;
	_ =	sdelay $0x1  }
0x33: {  	[tilespmem:v1+s31+$0x0] =	vst.idx.add.f32.msk vm0, v2  }
0x34: {  	s7 =	rddreg [dreg:$0x4]  }
0x35: {  	[spmem:s7] =	stream.linear.scatter [tilespmem:s31], [sflag:$0x1], $0x2790, $0x38;
	[tilespmem:$0x6190] =	vst v63  }
0x36: {  	s7 =	simm.s32 $0x1  }
0x37: {  	_ =	swait.ge [sflag:s7], $0x2790  }
0x38: {  	[sflag:s7] =	ssyncset.done $0x0  }
0x39: {  	[sflag:s7] =	ssyncadd.s32 $0xFFFFD870  }
0x3a: {  	[bflag:$0x0] =	sbarrier.arrive $0xFFFF  }
0x3b: {  	[tilespmem:s1], [sflag:$0x1] =	stream.linear.gather [spmem:s5], $0x140, $0x38;
	[tilespmem:$0x6190] =	vst v63  }
0x3c: {  	_ =	swait.ge [sflag:s7], $0x140  }
0x3d: {  	[sflag:s7] =	ssyncset.done $0x0  }
0x3e: {  	[sflag:s7] =	ssyncadd.s32 $0xFFFFFEC0  }
.LBB2_8:
0x3f: {  	s8 =	smul.u32 $0x9E40, s7;
	_ =	sdelay $0x1  }
0x40: {  	s8 =	sshra.s32 s8, $0x2  }
0x41: {  	s8 =	sadd.s32 s8, s5  }
0x42: {  	[tilespmem:s2], [sflag:$0x1] =	stream.linear.gather [spmem:s8], $0x140, $0x38;
	[tilespmem:$0x6190] =	vst v63  }
0x43: {  	_ =	swait.ge [sflag:s30], $0x140  }
0x44: {  	[sflag:s30] =	ssyncset.done $0x0  }
0x45: {  	s8 =	simm.s32 $0x0;
	[sflag:s30] =	ssyncadd.s32 $0xFFFFFEC0  }
0x46: {  	s9 =	simm.s32 $0x40;
	v1 =	vld [tilespmem:s8+$0x5690]  }
.LBB2_9:
0x47: {  	p0 =	sne.s32 s9, $0x4C0;
	v2 =	vld [tilespmem:s8+$0x5810];
	_ =	sdelay $0x2  }
.Ltmp3:
0x48: {  	(pc) =	sbr.rel @p0 .LBB2_9-.Ltmp3, $4  }
0x49: {  	_ = 	snop  }
0x4a: {  	v2 =	vadd.f32 v1, v2  }
0x4b: {  	s10 =	sshra.s32 s9, $0x2  }
0x4c: {  	s9 =	sadd.s32 $0x40, s9;
	v1 =	vld [tilespmem:s10+$0x5690];
	[tilespmem:s8+$0x5810] =	vst v2;
	s8 =	smov.u32 s10  }
0x4d: {  	v2 =	vld [tilespmem:s8+$0x5810]  }
0x4e: {  	s7 =	sadd.s32 $0x1, s7  }
0x4f: {  	p0 =	sne.s32 s7, $0x10  }
.Ltmp4:
0x50: {  	_ = 	snop;
	(pc) =	sbr.rel @p0 .LBB2_8-.Ltmp4, $3  }
0x51: {  	_ = 	snop  }
0x52: {  	v1 =	vadd.f32 v1, v2;
	_ =	sdelay $0x1  }
0x53: {  	[tilespmem:s8+$0x5810] =	vst v1  }
0x54: {  	s7 =	simm.s32 $0x0  }
0x55: {  	v1 =	vmov s7;
	_ =	sdelay $0x4  }
0x56: {  	v1 =	vld.idx.msk [tilespmem:v1+s1+$0x0], $0xffff;
	_ =	sdelay $0x3  }
0x57: {  	s7 =	simm.s32 $0x59D0  }
0x58: {  	[tilespmem:s7+$0xFFFFFFC0] =	vst v1  }
0x59: {  	[tilespmem:s7+$0xFFFFFFD0] =	vst v1  }
0x5a: {  	s8 =	simm.s32 $0x1;
	[tilespmem:s7+$0xFFFFFFE0] =	vst v1  }
0x5b: {  	v2 =	vmov s8;
	s8 =	simm.s32 $0x2;
	[tilespmem:s7+$0xFFFFFFF0] =	vst v1  }
.LBB2_12:
0x5c: {  	p0 =	sne.s32 s8, $0xF;
	[tilespmem:s7+$0x0] =	vst v1  }
0x5d: {  	[tilespmem:s7+$0x10] =	vst v1  }
0x5e: {  	[tilespmem:s7+$0x20] =	vst v1  }
0x5f: {  	[tilespmem:s7+$0x30] =	vst v1  }
0x60: {  	v1 =	vld.idx.msk [tilespmem:v2+s1+$0x0], $0xffff;
	_ =	sdelay $0x4  }
.Ltmp5:
0x61: {  	s7 =	sadd.s32 $0x80, s7;
	(pc) =	sbr.rel @p0 .LBB2_12-.Ltmp5, $4  }
0x62: {  	[tilespmem:s7+$0xFFFFFFC0] =	vst v1  }
0x63: {  	[tilespmem:s7+$0xFFFFFFD0] =	vst v1  }
0x64: {  	[tilespmem:s7+$0xFFFFFFE0] =	vst v1  }
0x65: {  	v2 =	vmov s8;
	s8 =	sadd.s32 $0x1, s8;
	[tilespmem:s7+$0xFFFFFFF0] =	vst v1  }
0x66: {  	[tilespmem:s7+$0x0] =	vst v1  }
0x67: {  	[tilespmem:s7+$0x10] =	vst v1  }
0x68: {  	[tilespmem:s7+$0x20] =	vst v1  }
0x69: {  	[tilespmem:s7+$0x30] =	vst v1  }
0x6a: {  	v1 =	vld.idx.msk [tilespmem:v2+s1+$0x0], $0xffff;
	_ =	sdelay $0x3  }
0x6b: {  	s10 =	sadd.s32 $0x80, s7  }
0x6c: {  	[tilespmem:s10+$0xFFFFFFC0] =	vst v1  }
0x6d: {  	[tilespmem:s10+$0xFFFFFFD0] =	vst v1  }
0x6e: {  	[tilespmem:s10+$0xFFFFFFE0] =	vst v1  }
0x6f: {  	[tilespmem:s10+$0xFFFFFFF0] =	vst v1  }
0x70: {  	[tilespmem:s10+$0x0] =	vst v1  }
0x71: {  	[tilespmem:s10+$0x10] =	vst v1  }
0x72: {  	s8 =	simm.s32 $0x10;
	[tilespmem:s10+$0x20] =	vst v1  }
0x73: {  	s9 =	rddreg [dreg:$0x5];
	[tilespmem:s10+$0x30] =	vst v1;
	v1 =	vmov s8  }
0x74: {  	[hbm4b:s9+s3] =	stream.linear.scatter [tilespmem:s4], [sflag:$0x1], $0x800, $0x38;
	[tilespmem:$0x6190] =	vst v63  }
0x75: {  	_ =	swait.ge [sflag:s30], $0x800  }
0x76: {  	[sflag:s30] =	ssyncset.done $0x0  }
0x77: {  	[sflag:s30] =	ssyncadd.s32 $0xFFFFF800  }
0x78: {  	v1 =	vld.idx.msk [tilespmem:v1+s1+$0x0], $0xffff;
	_ =	sdelay $0x3  }
0x79: {  	s7 =	simm.s32 $0x59D0  }
0x7a: {  	[tilespmem:s7+$0xFFFFFFC0] =	vst v1  }
0x7b: {  	[tilespmem:s7+$0xFFFFFFD0] =	vst v1  }
0x7c: {  	s10 =	simm.s32 $0x11;
	[tilespmem:s7+$0xFFFFFFE0] =	vst v1  }
0x7d: {  	s8 =	simm.s32 $0x12;
	v2 =	vmov s10;
	[tilespmem:s7+$0xFFFFFFF0] =	vst v1  }
.LBB2_14:
0x7e: {  	p0 =	sne.s32 s8, $0x1F;
	[tilespmem:s7+$0x0] =	vst v1  }
0x7f: {  	[tilespmem:s7+$0x10] =	vst v1  }
0x80: {  	[tilespmem:s7+$0x20] =	vst v1  }
0x81: {  	[tilespmem:s7+$0x30] =	vst v1  }
0x82: {  	v1 =	vld.idx.msk [tilespmem:v2+s1+$0x0], $0xffff;
	_ =	sdelay $0x4  }
.Ltmp6:
0x83: {  	s7 =	sadd.s32 $0x80, s7;
	(pc) =	sbr.rel @p0 .LBB2_14-.Ltmp6, $4  }
0x84: {  	[tilespmem:s7+$0xFFFFFFC0] =	vst v1  }
0x85: {  	[tilespmem:s7+$0xFFFFFFD0] =	vst v1  }
0x86: {  	[tilespmem:s7+$0xFFFFFFE0] =	vst v1  }
0x87: {  	v2 =	vmov s8;
	s8 =	sadd.s32 $0x1, s8;
	[tilespmem:s7+$0xFFFFFFF0] =	vst v1  }
0x88: {  	[tilespmem:s7+$0x0] =	vst v1  }
0x89: {  	[tilespmem:s7+$0x10] =	vst v1  }
0x8a: {  	[tilespmem:s7+$0x20] =	vst v1  }
0x8b: {  	[tilespmem:s7+$0x30] =	vst v1  }
0x8c: {  	v1 =	vld.idx.msk [tilespmem:v2+s1+$0x0], $0xffff;
	_ =	sdelay $0x3  }
0x8d: {  	s10 =	sadd.s32 $0x80, s7  }
0x8e: {  	[tilespmem:s10+$0xFFFFFFC0] =	vst v1  }
0x8f: {  	[tilespmem:s10+$0xFFFFFFD0] =	vst v1  }
0x90: {  	[tilespmem:s10+$0xFFFFFFE0] =	vst v1  }
0x91: {  	[tilespmem:s10+$0xFFFFFFF0] =	vst v1  }
0x92: {  	[tilespmem:s10+$0x0] =	vst v1  }
0x93: {  	[tilespmem:s10+$0x10] =	vst v1  }
0x94: {  	s8 =	simm.s32 $0x20;
	[tilespmem:s10+$0x20] =	vst v1  }
0x95: {  	s9 =	rddreg [dreg:$0x6];
	[tilespmem:s10+$0x30] =	vst v1;
	v1 =	vmov s8  }
0x96: {  	[hbm4b:s9+s3] =	stream.linear.scatter [tilespmem:s4], [sflag:$0x1], $0x800, $0x38;
	[tilespmem:$0x6190] =	vst v63  }
0x97: {  	_ =	swait.ge [sflag:s30], $0x800  }
0x98: {  	[sflag:s30] =	ssyncset.done $0x0  }
0x99: {  	[sflag:s30] =	ssyncadd.s32 $0xFFFFF800  }
0x9a: {  	v1 =	vld.idx.msk [tilespmem:v1+s1+$0x0], $0xffff;
	_ =	sdelay $0x3  }
0x9b: {  	s7 =	simm.s32 $0x59D0  }
0x9c: {  	[tilespmem:s7+$0xFFFFFFC0] =	vst v1  }
0x9d: {  	[tilespmem:s7+$0xFFFFFFD0] =	vst v1  }
0x9e: {  	s10 =	simm.s32 $0x21;
	[tilespmem:s7+$0xFFFFFFE0] =	vst v1  }
0x9f: {  	s8 =	simm.s32 $0x22;
	v2 =	vmov s10;
	[tilespmem:s7+$0xFFFFFFF0] =	vst v1  }
.LBB2_16:
0xa0: {  	p0 =	sne.s32 s8, $0x2F;
	[tilespmem:s7+$0x0] =	vst v1  }
0xa1: {  	[tilespmem:s7+$0x10] =	vst v1  }
0xa2: {  	[tilespmem:s7+$0x20] =	vst v1  }
0xa3: {  	[tilespmem:s7+$0x30] =	vst v1  }
0xa4: {  	v1 =	vld.idx.msk [tilespmem:v2+s1+$0x0], $0xffff;
	_ =	sdelay $0x4  }
.Ltmp7:
0xa5: {  	s7 =	sadd.s32 $0x80, s7;
	(pc) =	sbr.rel @p0 .LBB2_16-.Ltmp7, $4  }
0xa6: {  	[tilespmem:s7+$0xFFFFFFC0] =	vst v1  }
0xa7: {  	[tilespmem:s7+$0xFFFFFFD0] =	vst v1  }
0xa8: {  	[tilespmem:s7+$0xFFFFFFE0] =	vst v1  }
0xa9: {  	v2 =	vmov s8;
	s8 =	sadd.s32 $0x1, s8;
	[tilespmem:s7+$0xFFFFFFF0] =	vst v1  }
0xaa: {  	[tilespmem:s7+$0x0] =	vst v1  }
0xab: {  	[tilespmem:s7+$0x10] =	vst v1  }
0xac: {  	[tilespmem:s7+$0x20] =	vst v1  }
0xad: {  	[tilespmem:s7+$0x30] =	vst v1  }
0xae: {  	v1 =	vld.idx.msk [tilespmem:v2+s1+$0x0], $0xffff;
	_ =	sdelay $0x3  }
0xaf: {  	s10 =	sadd.s32 $0x80, s7  }
0xb0: {  	[tilespmem:s10+$0xFFFFFFC0] =	vst v1  }
0xb1: {  	[tilespmem:s10+$0xFFFFFFD0] =	vst v1  }
0xb2: {  	[tilespmem:s10+$0xFFFFFFE0] =	vst v1  }
0xb3: {  	[tilespmem:s10+$0xFFFFFFF0] =	vst v1  }
0xb4: {  	[tilespmem:s10+$0x0] =	vst v1  }
0xb5: {  	[tilespmem:s10+$0x10] =	vst v1  }
0xb6: {  	s8 =	simm.s32 $0x30;
	[tilespmem:s10+$0x20] =	vst v1  }
0xb7: {  	s9 =	rddreg [dreg:$0x7];
	[tilespmem:s10+$0x30] =	vst v1;
	v1 =	vmov s8  }
0xb8: {  	[hbm4b:s9+s3] =	stream.linear.scatter [tilespmem:s4], [sflag:$0x1], $0x800, $0x38;
	[tilespmem:$0x6190] =	vst v63  }
0xb9: {  	_ =	swait.ge [sflag:s30], $0x800  }
0xba: {  	[sflag:s30] =	ssyncset.done $0x0  }
0xbb: {  	[sflag:s30] =	ssyncadd.s32 $0xFFFFF800  }
0xbc: {  	v1 =	vld.idx.msk [tilespmem:v1+s1+$0x0], $0xffff;
	_ =	sdelay $0x3  }
0xbd: {  	s7 =	simm.s32 $0x59D0  }
0xbe: {  	[tilespmem:s7+$0xFFFFFFC0] =	vst v1  }
0xbf: {  	[tilespmem:s7+$0xFFFFFFD0] =	vst v1  }
0xc0: {  	s10 =	simm.s32 $0x31;
	[tilespmem:s7+$0xFFFFFFE0] =	vst v1  }
0xc1: {  	s8 =	simm.s32 $0x32;
	v2 =	vmov s10;
	[tilespmem:s7+$0xFFFFFFF0] =	vst v1  }
.LBB2_18:
0xc2: {  	p0 =	sne.s32 s8, $0x3F;
	[tilespmem:s7+$0x0] =	vst v1  }
0xc3: {  	[tilespmem:s7+$0x10] =	vst v1  }
0xc4: {  	[tilespmem:s7+$0x20] =	vst v1  }
0xc5: {  	[tilespmem:s7+$0x30] =	vst v1  }
0xc6: {  	v1 =	vld.idx.msk [tilespmem:v2+s1+$0x0], $0xffff;
	_ =	sdelay $0x4  }
.Ltmp8:
0xc7: {  	s7 =	sadd.s32 $0x80, s7;
	(pc) =	sbr.rel @p0 .LBB2_18-.Ltmp8, $4  }
0xc8: {  	[tilespmem:s7+$0xFFFFFFC0] =	vst v1  }
0xc9: {  	[tilespmem:s7+$0xFFFFFFD0] =	vst v1  }
0xca: {  	[tilespmem:s7+$0xFFFFFFE0] =	vst v1  }
0xcb: {  	v2 =	vmov s8;
	s8 =	sadd.s32 $0x1, s8;
	[tilespmem:s7+$0xFFFFFFF0] =	vst v1  }
0xcc: {  	[tilespmem:s7+$0x0] =	vst v1  }
0xcd: {  	[tilespmem:s7+$0x10] =	vst v1  }
0xce: {  	[tilespmem:s7+$0x20] =	vst v1  }
0xcf: {  	[tilespmem:s7+$0x30] =	vst v1  }
0xd0: {  	v1 =	vld.idx.msk [tilespmem:v2+s1+$0x0], $0xffff;
	_ =	sdelay $0x3  }
0xd1: {  	s10 =	sadd.s32 $0x80, s7  }
0xd2: {  	[tilespmem:s10+$0xFFFFFFC0] =	vst v1  }
0xd3: {  	[tilespmem:s10+$0xFFFFFFD0] =	vst v1  }
0xd4: {  	[tilespmem:s10+$0xFFFFFFE0] =	vst v1  }
0xd5: {  	[tilespmem:s10+$0xFFFFFFF0] =	vst v1  }
0xd6: {  	[tilespmem:s10+$0x0] =	vst v1  }
0xd7: {  	[tilespmem:s10+$0x10] =	vst v1  }
0xd8: {  	s8 =	simm.s32 $0x40;
	[tilespmem:s10+$0x20] =	vst v1  }
0xd9: {  	s9 =	rddreg [dreg:$0x8];
	[tilespmem:s10+$0x30] =	vst v1;
	v1 =	vmov s8  }
0xda: {  	[hbm4b:s9+s3] =	stream.linear.scatter [tilespmem:s4], [sflag:$0x1], $0x800, $0x38;
	[tilespmem:$0x6190] =	vst v63  }
0xdb: {  	_ =	swait.ge [sflag:s30], $0x800  }
0xdc: {  	[sflag:s30] =	ssyncset.done $0x0  }
0xdd: {  	[sflag:s30] =	ssyncadd.s32 $0xFFFFF800  }
0xde: {  	v1 =	vld.idx.msk [tilespmem:v1+s1+$0x0], $0xffff;
	_ =	sdelay $0x3  }
0xdf: {  	s7 =	simm.s32 $0x59D0  }
0xe0: {  	[tilespmem:s7+$0xFFFFFFC0] =	vst v1  }
0xe1: {  	[tilespmem:s7+$0xFFFFFFD0] =	vst v1  }
0xe2: {  	s10 =	simm.s32 $0x41;
	[tilespmem:s7+$0xFFFFFFE0] =	vst v1  }
0xe3: {  	s8 =	simm.s32 $0x42;
	v2 =	vmov s10;
	[tilespmem:s7+$0xFFFFFFF0] =	vst v1  }
.LBB2_20:
0xe4: {  	p0 =	sne.s32 s8, $0x4F;
	[tilespmem:s7+$0x0] =	vst v1  }
0xe5: {  	[tilespmem:s7+$0x10] =	vst v1  }
0xe6: {  	[tilespmem:s7+$0x20] =	vst v1  }
0xe7: {  	[tilespmem:s7+$0x30] =	vst v1  }
0xe8: {  	v1 =	vld.idx.msk [tilespmem:v2+s1+$0x0], $0xffff;
	_ =	sdelay $0x4  }
.Ltmp9:
0xe9: {  	s7 =	sadd.s32 $0x80, s7;
	(pc) =	sbr.rel @p0 .LBB2_20-.Ltmp9, $4  }
0xea: {  	[tilespmem:s7+$0xFFFFFFC0] =	vst v1  }
0xeb: {  	[tilespmem:s7+$0xFFFFFFD0] =	vst v1  }
0xec: {  	[tilespmem:s7+$0xFFFFFFE0] =	vst v1  }
0xed: {  	v2 =	vmov s8;
	s8 =	sadd.s32 $0x1, s8;
	[tilespmem:s7+$0xFFFFFFF0] =	vst v1  }
0xee: {  	[tilespmem:s7+$0x0] =	vst v1  }
0xef: {  	[tilespmem:s7+$0x10] =	vst v1  }
0xf0: {  	[tilespmem:s7+$0x20] =	vst v1  }
0xf1: {  	[tilespmem:s7+$0x30] =	vst v1  }
0xf2: {  	v1 =	vld.idx.msk [tilespmem:v2+s1+$0x0], $0xffff;
	_ =	sdelay $0x3  }
0xf3: {  	s10 =	sadd.s32 $0x80, s7  }
0xf4: {  	[tilespmem:s10+$0xFFFFFFC0] =	vst v1  }
0xf5: {  	[tilespmem:s10+$0xFFFFFFD0] =	vst v1  }
0xf6: {  	[tilespmem:s10+$0xFFFFFFE0] =	vst v1  }
0xf7: {  	[tilespmem:s10+$0xFFFFFFF0] =	vst v1  }
0xf8: {  	[tilespmem:s10+$0x0] =	vst v1  }
0xf9: {  	[tilespmem:s10+$0x10] =	vst v1  }
0xfa: {  	s8 =	simm.s32 $0x50;
	[tilespmem:s10+$0x20] =	vst v1  }
0xfb: {  	s9 =	rddreg [dreg:$0x9];
	[tilespmem:s10+$0x30] =	vst v1;
	v1 =	vmov s8  }
0xfc: {  	[hbm4b:s9+s3] =	stream.linear.scatter [tilespmem:s4], [sflag:$0x1], $0x800, $0x38;
	[tilespmem:$0x6190] =	vst v63  }
0xfd: {  	_ =	swait.ge [sflag:s30], $0x800  }
0xfe: {  	[sflag:s30] =	ssyncset.done $0x0  }
0xff: {  	[sflag:s30] =	ssyncadd.s32 $0xFFFFF800  }
0x100: {  	v1 =	vld.idx.msk [tilespmem:v1+s1+$0x0], $0xffff;
	_ =	sdelay $0x3  }
0x101: {  	s7 =	simm.s32 $0x59D0  }
0x102: {  	[tilespmem:s7+$0xFFFFFFC0] =	vst v1  }
0x103: {  	[tilespmem:s7+$0xFFFFFFD0] =	vst v1  }
0x104: {  	s10 =	simm.s32 $0x51;
	[tilespmem:s7+$0xFFFFFFE0] =	vst v1  }
0x105: {  	s8 =	simm.s32 $0x52;
	v2 =	vmov s10;
	[tilespmem:s7+$0xFFFFFFF0] =	vst v1  }
.LBB2_22:
0x106: {  	p0 =	sne.s32 s8, $0x5F;
	[tilespmem:s7+$0x0] =	vst v1  }
0x107: {  	[tilespmem:s7+$0x10] =	vst v1  }
0x108: {  	[tilespmem:s7+$0x20] =	vst v1  }
0x109: {  	[tilespmem:s7+$0x30] =	vst v1  }
0x10a: {  	v1 =	vld.idx.msk [tilespmem:v2+s1+$0x0], $0xffff;
	_ =	sdelay $0x4  }
.Ltmp10:
0x10b: {  	s7 =	sadd.s32 $0x80, s7;
	(pc) =	sbr.rel @p0 .LBB2_22-.Ltmp10, $4  }
0x10c: {  	[tilespmem:s7+$0xFFFFFFC0] =	vst v1  }
0x10d: {  	[tilespmem:s7+$0xFFFFFFD0] =	vst v1  }
0x10e: {  	[tilespmem:s7+$0xFFFFFFE0] =	vst v1  }
0x10f: {  	v2 =	vmov s8;
	s8 =	sadd.s32 $0x1, s8;
	[tilespmem:s7+$0xFFFFFFF0] =	vst v1  }
0x110: {  	[tilespmem:s7+$0x0] =	vst v1  }
0x111: {  	[tilespmem:s7+$0x10] =	vst v1  }
0x112: {  	[tilespmem:s7+$0x20] =	vst v1  }
0x113: {  	[tilespmem:s7+$0x30] =	vst v1  }
0x114: {  	v1 =	vld.idx.msk [tilespmem:v2+s1+$0x0], $0xffff;
	_ =	sdelay $0x3  }
0x115: {  	s9 =	sadd.s32 $0x80, s7  }
0x116: {  	[tilespmem:s9+$0xFFFFFFC0] =	vst v1  }
0x117: {  	[tilespmem:s9+$0xFFFFFFD0] =	vst v1  }
0x118: {  	[tilespmem:s9+$0xFFFFFFE0] =	vst v1  }
0x119: {  	[tilespmem:s9+$0xFFFFFFF0] =	vst v1  }
0x11a: {  	[tilespmem:s9+$0x0] =	vst v1  }
0x11b: {  	[tilespmem:s9+$0x10] =	vst v1  }
0x11c: {  	s8 =	simm.s32 $0x60;
	[tilespmem:s9+$0x20] =	vst v1  }
0x11d: {  	[tilespmem:s9+$0x30] =	vst v1;
	v1 =	vmov s8  }
0x11e: {  	[hbm4b:s11+s3] =	stream.linear.scatter [tilespmem:s4], [sflag:$0x1], $0x800, $0x38;
	[tilespmem:$0x6190] =	vst v63  }
0x11f: {  	_ =	swait.ge [sflag:s30], $0x800  }
0x120: {  	[sflag:s30] =	ssyncset.done $0x0  }
0x121: {  	[sflag:s30] =	ssyncadd.s32 $0xFFFFF800  }
0x122: {  	v1 =	vld.idx.msk [tilespmem:v1+s1+$0x0], $0xffff;
	_ =	sdelay $0x3  }
0x123: {  	s7 =	simm.s32 $0x59D0  }
0x124: {  	[tilespmem:s7+$0xFFFFFFC0] =	vst v1  }
0x125: {  	[tilespmem:s7+$0xFFFFFFD0] =	vst v1  }
0x126: {  	s10 =	simm.s32 $0x61;
	[tilespmem:s7+$0xFFFFFFE0] =	vst v1  }
0x127: {  	v2 =	vmov s10;
	s8 =	simm.s32 $0x62;
	[tilespmem:s7+$0xFFFFFFF0] =	vst v1  }
.LBB2_24:
0x128: {  	p0 =	sne.s32 s8, $0x6F;
	[tilespmem:s7+$0x0] =	vst v1  }
0x129: {  	[tilespmem:s7+$0x10] =	vst v1  }
0x12a: {  	[tilespmem:s7+$0x20] =	vst v1  }
0x12b: {  	[tilespmem:s7+$0x30] =	vst v1  }
0x12c: {  	v1 =	vld.idx.msk [tilespmem:v2+s1+$0x0], $0xffff;
	_ =	sdelay $0x4  }
.Ltmp11:
0x12d: {  	s7 =	sadd.s32 $0x80, s7;
	(pc) =	sbr.rel @p0 .LBB2_24-.Ltmp11, $4  }
0x12e: {  	[tilespmem:s7+$0xFFFFFFC0] =	vst v1  }
0x12f: {  	[tilespmem:s7+$0xFFFFFFD0] =	vst v1  }
0x130: {  	[tilespmem:s7+$0xFFFFFFE0] =	vst v1  }
0x131: {  	v2 =	vmov s8;
	s8 =	sadd.s32 $0x1, s8;
	[tilespmem:s7+$0xFFFFFFF0] =	vst v1  }
0x132: {  	[tilespmem:s7+$0x0] =	vst v1  }
0x133: {  	[tilespmem:s7+$0x10] =	vst v1  }
0x134: {  	[tilespmem:s7+$0x20] =	vst v1  }
0x135: {  	[tilespmem:s7+$0x30] =	vst v1  }
0x136: {  	v1 =	vld.idx.msk [tilespmem:v2+s1+$0x0], $0xffff;
	_ =	sdelay $0x3  }
0x137: {  	s9 =	sadd.s32 $0x80, s7  }
0x138: {  	[tilespmem:s9+$0xFFFFFFC0] =	vst v1  }
0x139: {  	[tilespmem:s9+$0xFFFFFFD0] =	vst v1  }
0x13a: {  	[tilespmem:s9+$0xFFFFFFE0] =	vst v1  }
0x13b: {  	[tilespmem:s9+$0xFFFFFFF0] =	vst v1  }
0x13c: {  	[tilespmem:s9+$0x0] =	vst v1  }
0x13d: {  	[tilespmem:s9+$0x10] =	vst v1  }
0x13e: {  	s8 =	simm.s32 $0x70;
	[tilespmem:s9+$0x20] =	vst v1  }
0x13f: {  	[tilespmem:s9+$0x30] =	vst v1;
	v1 =	vmov s8  }
0x140: {  	[hbm4b:s12+s3] =	stream.linear.scatter [tilespmem:s4], [sflag:$0x1], $0x800, $0x38;
	[tilespmem:$0x6190] =	vst v63  }
0x141: {  	_ =	swait.ge [sflag:s30], $0x800  }
0x142: {  	[sflag:s30] =	ssyncset.done $0x0  }
0x143: {  	[sflag:s30] =	ssyncadd.s32 $0xFFFFF800  }
0x144: {  	v1 =	vld.idx.msk [tilespmem:v1+s1+$0x0], $0xffff;
	_ =	sdelay $0x3  }
0x145: {  	s7 =	simm.s32 $0x59D0  }
0x146: {  	[tilespmem:s7+$0xFFFFFFC0] =	vst v1  }
0x147: {  	[tilespmem:s7+$0xFFFFFFD0] =	vst v1  }
0x148: {  	s10 =	simm.s32 $0x71;
	[tilespmem:s7+$0xFFFFFFE0] =	vst v1  }
0x149: {  	v2 =	vmov s10;
	s8 =	simm.s32 $0x72;
	[tilespmem:s7+$0xFFFFFFF0] =	vst v1  }
.LBB2_26:
0x14a: {  	p0 =	sne.s32 s8, $0x7F;
	[tilespmem:s7+$0x0] =	vst v1  }
0x14b: {  	[tilespmem:s7+$0x10] =	vst v1  }
0x14c: {  	[tilespmem:s7+$0x20] =	vst v1  }
0x14d: {  	[tilespmem:s7+$0x30] =	vst v1  }
0x14e: {  	v1 =	vld.idx.msk [tilespmem:v2+s1+$0x0], $0xffff;
	_ =	sdelay $0x4  }
.Ltmp12:
0x14f: {  	s7 =	sadd.s32 $0x80, s7;
	(pc) =	sbr.rel @p0 .LBB2_26-.Ltmp12, $4  }
0x150: {  	[tilespmem:s7+$0xFFFFFFC0] =	vst v1  }
0x151: {  	[tilespmem:s7+$0xFFFFFFD0] =	vst v1  }
0x152: {  	[tilespmem:s7+$0xFFFFFFE0] =	vst v1  }
0x153: {  	v2 =	vmov s8;
	s8 =	sadd.s32 $0x1, s8;
	[tilespmem:s7+$0xFFFFFFF0] =	vst v1  }
0x154: {  	[tilespmem:s7+$0x0] =	vst v1  }
0x155: {  	[tilespmem:s7+$0x10] =	vst v1  }
0x156: {  	[tilespmem:s7+$0x20] =	vst v1  }
0x157: {  	[tilespmem:s7+$0x30] =	vst v1  }
0x158: {  	v1 =	vld.idx.msk [tilespmem:v2+s1+$0x0], $0xffff;
	_ =	sdelay $0x3  }
0x159: {  	s9 =	sadd.s32 $0x80, s7  }
0x15a: {  	[tilespmem:s9+$0xFFFFFFC0] =	vst v1  }
0x15b: {  	[tilespmem:s9+$0xFFFFFFD0] =	vst v1  }
0x15c: {  	[tilespmem:s9+$0xFFFFFFE0] =	vst v1  }
0x15d: {  	[tilespmem:s9+$0xFFFFFFF0] =	vst v1  }
0x15e: {  	[tilespmem:s9+$0x0] =	vst v1  }
0x15f: {  	[tilespmem:s9+$0x10] =	vst v1  }
0x160: {  	s8 =	simm.s32 $0x80;
	[tilespmem:s9+$0x20] =	vst v1  }
0x161: {  	[tilespmem:s9+$0x30] =	vst v1;
	v1 =	vmov s8  }
0x162: {  	[hbm4b:s13+s3] =	stream.linear.scatter [tilespmem:s4], [sflag:$0x1], $0x800, $0x38;
	[tilespmem:$0x6190] =	vst v63  }
0x163: {  	_ =	swait.ge [sflag:s30], $0x800  }
0x164: {  	[sflag:s30] =	ssyncset.done $0x0  }
0x165: {  	[sflag:s30] =	ssyncadd.s32 $0xFFFFF800  }
0x166: {  	v1 =	vld.idx.msk [tilespmem:v1+s1+$0x0], $0xffff;
	_ =	sdelay $0x3  }
0x167: {  	s7 =	simm.s32 $0x59D0  }
0x168: {  	[tilespmem:s7+$0xFFFFFFC0] =	vst v1  }
0x169: {  	[tilespmem:s7+$0xFFFFFFD0] =	vst v1  }
0x16a: {  	s10 =	simm.s32 $0x81;
	[tilespmem:s7+$0xFFFFFFE0] =	vst v1  }
0x16b: {  	v2 =	vmov s10;
	s8 =	simm.s32 $0x82;
	[tilespmem:s7+$0xFFFFFFF0] =	vst v1  }
.LBB2_28:
0x16c: {  	p0 =	sne.s32 s8, $0x8F;
	[tilespmem:s7+$0x0] =	vst v1  }
0x16d: {  	[tilespmem:s7+$0x10] =	vst v1  }
0x16e: {  	[tilespmem:s7+$0x20] =	vst v1  }
0x16f: {  	[tilespmem:s7+$0x30] =	vst v1  }
0x170: {  	v1 =	vld.idx.msk [tilespmem:v2+s1+$0x0], $0xffff;
	_ =	sdelay $0x4  }
.Ltmp13:
0x171: {  	s7 =	sadd.s32 $0x80, s7;
	(pc) =	sbr.rel @p0 .LBB2_28-.Ltmp13, $4  }
0x172: {  	[tilespmem:s7+$0xFFFFFFC0] =	vst v1  }
0x173: {  	[tilespmem:s7+$0xFFFFFFD0] =	vst v1  }
0x174: {  	[tilespmem:s7+$0xFFFFFFE0] =	vst v1  }
0x175: {  	v2 =	vmov s8;
	s8 =	sadd.s32 $0x1, s8;
	[tilespmem:s7+$0xFFFFFFF0] =	vst v1  }
0x176: {  	[tilespmem:s7+$0x0] =	vst v1  }
0x177: {  	[tilespmem:s7+$0x10] =	vst v1  }
0x178: {  	[tilespmem:s7+$0x20] =	vst v1  }
0x179: {  	[tilespmem:s7+$0x30] =	vst v1  }
0x17a: {  	v1 =	vld.idx.msk [tilespmem:v2+s1+$0x0], $0xffff;
	_ =	sdelay $0x3  }
0x17b: {  	s9 =	sadd.s32 $0x80, s7  }
0x17c: {  	[tilespmem:s9+$0xFFFFFFC0] =	vst v1  }
0x17d: {  	[tilespmem:s9+$0xFFFFFFD0] =	vst v1  }
0x17e: {  	[tilespmem:s9+$0xFFFFFFE0] =	vst v1  }
0x17f: {  	[tilespmem:s9+$0xFFFFFFF0] =	vst v1  }
0x180: {  	[tilespmem:s9+$0x0] =	vst v1  }
0x181: {  	[tilespmem:s9+$0x10] =	vst v1  }
0x182: {  	s8 =	simm.s32 $0x90;
	[tilespmem:s9+$0x20] =	vst v1  }
0x183: {  	[tilespmem:s9+$0x30] =	vst v1;
	v1 =	vmov s8  }
0x184: {  	[hbm4b:s14+s3] =	stream.linear.scatter [tilespmem:s4], [sflag:$0x1], $0x800, $0x38;
	[tilespmem:$0x6190] =	vst v63  }
0x185: {  	_ =	swait.ge [sflag:s30], $0x800  }
0x186: {  	[sflag:s30] =	ssyncset.done $0x0  }
0x187: {  	[sflag:s30] =	ssyncadd.s32 $0xFFFFF800  }
0x188: {  	v1 =	vld.idx.msk [tilespmem:v1+s1+$0x0], $0xffff;
	_ =	sdelay $0x3  }
0x189: {  	s7 =	simm.s32 $0x59D0  }
0x18a: {  	[tilespmem:s7+$0xFFFFFFC0] =	vst v1  }
0x18b: {  	[tilespmem:s7+$0xFFFFFFD0] =	vst v1  }
0x18c: {  	s10 =	simm.s32 $0x91;
	[tilespmem:s7+$0xFFFFFFE0] =	vst v1  }
0x18d: {  	v2 =	vmov s10;
	s8 =	simm.s32 $0x92;
	[tilespmem:s7+$0xFFFFFFF0] =	vst v1  }
.LBB2_30:
0x18e: {  	p0 =	sne.s32 s8, $0x9F;
	[tilespmem:s7+$0x0] =	vst v1  }
0x18f: {  	[tilespmem:s7+$0x10] =	vst v1  }
0x190: {  	[tilespmem:s7+$0x20] =	vst v1  }
0x191: {  	[tilespmem:s7+$0x30] =	vst v1  }
0x192: {  	v1 =	vld.idx.msk [tilespmem:v2+s1+$0x0], $0xffff;
	_ =	sdelay $0x4  }
.Ltmp14:
0x193: {  	s7 =	sadd.s32 $0x80, s7;
	(pc) =	sbr.rel @p0 .LBB2_30-.Ltmp14, $4  }
0x194: {  	[tilespmem:s7+$0xFFFFFFC0] =	vst v1  }
0x195: {  	[tilespmem:s7+$0xFFFFFFD0] =	vst v1  }
0x196: {  	[tilespmem:s7+$0xFFFFFFE0] =	vst v1  }
0x197: {  	v2 =	vmov s8;
	s8 =	sadd.s32 $0x1, s8;
	[tilespmem:s7+$0xFFFFFFF0] =	vst v1  }
0x198: {  	[tilespmem:s7+$0x0] =	vst v1  }
0x199: {  	[tilespmem:s7+$0x10] =	vst v1  }
0x19a: {  	[tilespmem:s7+$0x20] =	vst v1  }
0x19b: {  	[tilespmem:s7+$0x30] =	vst v1  }
0x19c: {  	v1 =	vld.idx.msk [tilespmem:v2+s1+$0x0], $0xffff;
	_ =	sdelay $0x3  }
0x19d: {  	s9 =	sadd.s32 $0x80, s7  }
0x19e: {  	[tilespmem:s9+$0xFFFFFFC0] =	vst v1  }
0x19f: {  	[tilespmem:s9+$0xFFFFFFD0] =	vst v1  }
0x1a0: {  	[tilespmem:s9+$0xFFFFFFE0] =	vst v1  }
0x1a1: {  	[tilespmem:s9+$0xFFFFFFF0] =	vst v1  }
0x1a2: {  	[tilespmem:s9+$0x0] =	vst v1  }
0x1a3: {  	[tilespmem:s9+$0x10] =	vst v1  }
0x1a4: {  	s8 =	simm.s32 $0xA0;
	[tilespmem:s9+$0x20] =	vst v1  }
0x1a5: {  	[tilespmem:s9+$0x30] =	vst v1;
	v1 =	vmov s8  }
0x1a6: {  	[hbm4b:s15+s3] =	stream.linear.scatter [tilespmem:s4], [sflag:$0x1], $0x800, $0x38;
	[tilespmem:$0x6190] =	vst v63  }
0x1a7: {  	_ =	swait.ge [sflag:s30], $0x800  }
0x1a8: {  	[sflag:s30] =	ssyncset.done $0x0  }
0x1a9: {  	[sflag:s30] =	ssyncadd.s32 $0xFFFFF800  }
0x1aa: {  	v1 =	vld.idx.msk [tilespmem:v1+s1+$0x0], $0xffff;
	_ =	sdelay $0x3  }
0x1ab: {  	s7 =	simm.s32 $0x59D0  }
0x1ac: {  	[tilespmem:s7+$0xFFFFFFC0] =	vst v1  }
0x1ad: {  	[tilespmem:s7+$0xFFFFFFD0] =	vst v1  }
0x1ae: {  	s10 =	simm.s32 $0xA1;
	[tilespmem:s7+$0xFFFFFFE0] =	vst v1  }
0x1af: {  	v2 =	vmov s10;
	s8 =	simm.s32 $0xA2;
	[tilespmem:s7+$0xFFFFFFF0] =	vst v1  }
.LBB2_32:
0x1b0: {  	p0 =	sne.s32 s8, $0xAF;
	[tilespmem:s7+$0x0] =	vst v1  }
0x1b1: {  	[tilespmem:s7+$0x10] =	vst v1  }
0x1b2: {  	[tilespmem:s7+$0x20] =	vst v1  }
0x1b3: {  	[tilespmem:s7+$0x30] =	vst v1  }
0x1b4: {  	v1 =	vld.idx.msk [tilespmem:v2+s1+$0x0], $0xffff;
	_ =	sdelay $0x4  }
.Ltmp15:
0x1b5: {  	s7 =	sadd.s32 $0x80, s7;
	(pc) =	sbr.rel @p0 .LBB2_32-.Ltmp15, $4  }
0x1b6: {  	[tilespmem:s7+$0xFFFFFFC0] =	vst v1  }
0x1b7: {  	[tilespmem:s7+$0xFFFFFFD0] =	vst v1  }
0x1b8: {  	[tilespmem:s7+$0xFFFFFFE0] =	vst v1  }
0x1b9: {  	v2 =	vmov s8;
	s8 =	sadd.s32 $0x1, s8;
	[tilespmem:s7+$0xFFFFFFF0] =	vst v1  }
0x1ba: {  	[tilespmem:s7+$0x0] =	vst v1  }
0x1bb: {  	[tilespmem:s7+$0x10] =	vst v1  }
0x1bc: {  	[tilespmem:s7+$0x20] =	vst v1  }
0x1bd: {  	[tilespmem:s7+$0x30] =	vst v1  }
0x1be: {  	v1 =	vld.idx.msk [tilespmem:v2+s1+$0x0], $0xffff;
	_ =	sdelay $0x3  }
0x1bf: {  	s9 =	sadd.s32 $0x80, s7  }
0x1c0: {  	[tilespmem:s9+$0xFFFFFFC0] =	vst v1  }
0x1c1: {  	[tilespmem:s9+$0xFFFFFFD0] =	vst v1  }
0x1c2: {  	[tilespmem:s9+$0xFFFFFFE0] =	vst v1  }
0x1c3: {  	[tilespmem:s9+$0xFFFFFFF0] =	vst v1  }
0x1c4: {  	[tilespmem:s9+$0x0] =	vst v1  }
0x1c5: {  	[tilespmem:s9+$0x10] =	vst v1  }
0x1c6: {  	s8 =	simm.s32 $0xB0;
	[tilespmem:s9+$0x20] =	vst v1  }
0x1c7: {  	[tilespmem:s9+$0x30] =	vst v1;
	v1 =	vmov s8  }
0x1c8: {  	[hbm4b:s16+s3] =	stream.linear.scatter [tilespmem:s4], [sflag:$0x1], $0x800, $0x38;
	[tilespmem:$0x6190] =	vst v63  }
0x1c9: {  	_ =	swait.ge [sflag:s30], $0x800  }
0x1ca: {  	[sflag:s30] =	ssyncset.done $0x0  }
0x1cb: {  	[sflag:s30] =	ssyncadd.s32 $0xFFFFF800  }
0x1cc: {  	v1 =	vld.idx.msk [tilespmem:v1+s1+$0x0], $0xffff;
	_ =	sdelay $0x3  }
0x1cd: {  	s7 =	simm.s32 $0x59D0  }
0x1ce: {  	[tilespmem:s7+$0xFFFFFFC0] =	vst v1  }
0x1cf: {  	[tilespmem:s7+$0xFFFFFFD0] =	vst v1  }
0x1d0: {  	s10 =	simm.s32 $0xB1;
	[tilespmem:s7+$0xFFFFFFE0] =	vst v1  }
0x1d1: {  	v2 =	vmov s10;
	s8 =	simm.s32 $0xB2;
	[tilespmem:s7+$0xFFFFFFF0] =	vst v1  }
.LBB2_34:
0x1d2: {  	p0 =	sne.s32 s8, $0xBF;
	[tilespmem:s7+$0x0] =	vst v1  }
0x1d3: {  	[tilespmem:s7+$0x10] =	vst v1  }
0x1d4: {  	[tilespmem:s7+$0x20] =	vst v1  }
0x1d5: {  	[tilespmem:s7+$0x30] =	vst v1  }
0x1d6: {  	v1 =	vld.idx.msk [tilespmem:v2+s1+$0x0], $0xffff;
	_ =	sdelay $0x4  }
.Ltmp16:
0x1d7: {  	s7 =	sadd.s32 $0x80, s7;
	(pc) =	sbr.rel @p0 .LBB2_34-.Ltmp16, $4  }
0x1d8: {  	[tilespmem:s7+$0xFFFFFFC0] =	vst v1  }
0x1d9: {  	[tilespmem:s7+$0xFFFFFFD0] =	vst v1  }
0x1da: {  	[tilespmem:s7+$0xFFFFFFE0] =	vst v1  }
0x1db: {  	v2 =	vmov s8;
	s8 =	sadd.s32 $0x1, s8;
	[tilespmem:s7+$0xFFFFFFF0] =	vst v1  }
0x1dc: {  	[tilespmem:s7+$0x0] =	vst v1  }
0x1dd: {  	[tilespmem:s7+$0x10] =	vst v1  }
0x1de: {  	[tilespmem:s7+$0x20] =	vst v1  }
0x1df: {  	[tilespmem:s7+$0x30] =	vst v1  }
0x1e0: {  	v1 =	vld.idx.msk [tilespmem:v2+s1+$0x0], $0xffff;
	_ =	sdelay $0x3  }
0x1e1: {  	s9 =	sadd.s32 $0x80, s7  }
0x1e2: {  	[tilespmem:s9+$0xFFFFFFC0] =	vst v1  }
0x1e3: {  	[tilespmem:s9+$0xFFFFFFD0] =	vst v1  }
0x1e4: {  	[tilespmem:s9+$0xFFFFFFE0] =	vst v1  }
0x1e5: {  	[tilespmem:s9+$0xFFFFFFF0] =	vst v1  }
0x1e6: {  	[tilespmem:s9+$0x0] =	vst v1  }
0x1e7: {  	[tilespmem:s9+$0x10] =	vst v1  }
0x1e8: {  	s8 =	simm.s32 $0xC0;
	[tilespmem:s9+$0x20] =	vst v1  }
0x1e9: {  	[tilespmem:s9+$0x30] =	vst v1;
	v1 =	vmov s8  }
0x1ea: {  	[hbm4b:s17+s3] =	stream.linear.scatter [tilespmem:s4], [sflag:$0x1], $0x800, $0x38;
	[tilespmem:$0x6190] =	vst v63  }
0x1eb: {  	_ =	swait.ge [sflag:s30], $0x800  }
0x1ec: {  	[sflag:s30] =	ssyncset.done $0x0  }
0x1ed: {  	[sflag:s30] =	ssyncadd.s32 $0xFFFFF800  }
0x1ee: {  	v1 =	vld.idx.msk [tilespmem:v1+s1+$0x0], $0xffff;
	_ =	sdelay $0x3  }
0x1ef: {  	s7 =	simm.s32 $0x59D0  }
0x1f0: {  	[tilespmem:s7+$0xFFFFFFC0] =	vst v1  }
0x1f1: {  	[tilespmem:s7+$0xFFFFFFD0] =	vst v1  }
0x1f2: {  	s10 =	simm.s32 $0xC1;
	[tilespmem:s7+$0xFFFFFFE0] =	vst v1  }
0x1f3: {  	v2 =	vmov s10;
	s8 =	simm.s32 $0xC2;
	[tilespmem:s7+$0xFFFFFFF0] =	vst v1  }
.LBB2_36:
0x1f4: {  	p0 =	sne.s32 s8, $0xCF;
	[tilespmem:s7+$0x0] =	vst v1  }
0x1f5: {  	[tilespmem:s7+$0x10] =	vst v1  }
0x1f6: {  	[tilespmem:s7+$0x20] =	vst v1  }
0x1f7: {  	[tilespmem:s7+$0x30] =	vst v1  }
0x1f8: {  	v1 =	vld.idx.msk [tilespmem:v2+s1+$0x0], $0xffff;
	_ =	sdelay $0x4  }
.Ltmp17:
0x1f9: {  	s7 =	sadd.s32 $0x80, s7;
	(pc) =	sbr.rel @p0 .LBB2_36-.Ltmp17, $4  }
0x1fa: {  	[tilespmem:s7+$0xFFFFFFC0] =	vst v1  }
0x1fb: {  	[tilespmem:s7+$0xFFFFFFD0] =	vst v1  }
0x1fc: {  	[tilespmem:s7+$0xFFFFFFE0] =	vst v1  }
0x1fd: {  	v2 =	vmov s8;
	s8 =	sadd.s32 $0x1, s8;
	[tilespmem:s7+$0xFFFFFFF0] =	vst v1  }
0x1fe: {  	[tilespmem:s7+$0x0] =	vst v1  }
0x1ff: {  	[tilespmem:s7+$0x10] =	vst v1  }
0x200: {  	[tilespmem:s7+$0x20] =	vst v1  }
0x201: {  	[tilespmem:s7+$0x30] =	vst v1  }
0x202: {  	v1 =	vld.idx.msk [tilespmem:v2+s1+$0x0], $0xffff;
	_ =	sdelay $0x3  }
0x203: {  	s9 =	sadd.s32 $0x80, s7  }
0x204: {  	[tilespmem:s9+$0xFFFFFFC0] =	vst v1  }
0x205: {  	[tilespmem:s9+$0xFFFFFFD0] =	vst v1  }
0x206: {  	[tilespmem:s9+$0xFFFFFFE0] =	vst v1  }
0x207: {  	[tilespmem:s9+$0xFFFFFFF0] =	vst v1  }
0x208: {  	[tilespmem:s9+$0x0] =	vst v1  }
0x209: {  	[tilespmem:s9+$0x10] =	vst v1  }
0x20a: {  	s8 =	simm.s32 $0xD0;
	[tilespmem:s9+$0x20] =	vst v1  }
0x20b: {  	[tilespmem:s9+$0x30] =	vst v1;
	v1 =	vmov s8  }
0x20c: {  	[hbm4b:s18+s3] =	stream.linear.scatter [tilespmem:s4], [sflag:$0x1], $0x800, $0x38;
	[tilespmem:$0x6190] =	vst v63  }
0x20d: {  	_ =	swait.ge [sflag:s30], $0x800  }
0x20e: {  	[sflag:s30] =	ssyncset.done $0x0  }
0x20f: {  	[sflag:s30] =	ssyncadd.s32 $0xFFFFF800  }
0x210: {  	v1 =	vld.idx.msk [tilespmem:v1+s1+$0x0], $0xffff;
	_ =	sdelay $0x3  }
0x211: {  	s7 =	simm.s32 $0x59D0  }
0x212: {  	[tilespmem:s7+$0xFFFFFFC0] =	vst v1  }
0x213: {  	[tilespmem:s7+$0xFFFFFFD0] =	vst v1  }
0x214: {  	s10 =	simm.s32 $0xD1;
	[tilespmem:s7+$0xFFFFFFE0] =	vst v1  }
0x215: {  	v2 =	vmov s10;
	s8 =	simm.s32 $0xD2;
	[tilespmem:s7+$0xFFFFFFF0] =	vst v1  }
.LBB2_38:
0x216: {  	p0 =	sne.s32 s8, $0xDF;
	[tilespmem:s7+$0x0] =	vst v1  }
0x217: {  	[tilespmem:s7+$0x10] =	vst v1  }
0x218: {  	[tilespmem:s7+$0x20] =	vst v1  }
0x219: {  	[tilespmem:s7+$0x30] =	vst v1  }
0x21a: {  	v1 =	vld.idx.msk [tilespmem:v2+s1+$0x0], $0xffff;
	_ =	sdelay $0x4  }
.Ltmp18:
0x21b: {  	s7 =	sadd.s32 $0x80, s7;
	(pc) =	sbr.rel @p0 .LBB2_38-.Ltmp18, $4  }
0x21c: {  	[tilespmem:s7+$0xFFFFFFC0] =	vst v1  }
0x21d: {  	[tilespmem:s7+$0xFFFFFFD0] =	vst v1  }
0x21e: {  	[tilespmem:s7+$0xFFFFFFE0] =	vst v1  }
0x21f: {  	v2 =	vmov s8;
	s8 =	sadd.s32 $0x1, s8;
	[tilespmem:s7+$0xFFFFFFF0] =	vst v1  }
0x220: {  	[tilespmem:s7+$0x0] =	vst v1  }
0x221: {  	[tilespmem:s7+$0x10] =	vst v1  }
0x222: {  	[tilespmem:s7+$0x20] =	vst v1  }
0x223: {  	[tilespmem:s7+$0x30] =	vst v1  }
0x224: {  	v1 =	vld.idx.msk [tilespmem:v2+s1+$0x0], $0xffff;
	_ =	sdelay $0x3  }
0x225: {  	s9 =	sadd.s32 $0x80, s7  }
0x226: {  	[tilespmem:s9+$0xFFFFFFC0] =	vst v1  }
0x227: {  	[tilespmem:s9+$0xFFFFFFD0] =	vst v1  }
0x228: {  	[tilespmem:s9+$0xFFFFFFE0] =	vst v1  }
0x229: {  	[tilespmem:s9+$0xFFFFFFF0] =	vst v1  }
0x22a: {  	[tilespmem:s9+$0x0] =	vst v1  }
0x22b: {  	[tilespmem:s9+$0x10] =	vst v1  }
0x22c: {  	s8 =	simm.s32 $0xE0;
	[tilespmem:s9+$0x20] =	vst v1  }
0x22d: {  	[tilespmem:s9+$0x30] =	vst v1;
	v1 =	vmov s8  }
0x22e: {  	[hbm4b:s19+s3] =	stream.linear.scatter [tilespmem:s4], [sflag:$0x1], $0x800, $0x38;
	[tilespmem:$0x6190] =	vst v63  }
0x22f: {  	_ =	swait.ge [sflag:s30], $0x800  }
0x230: {  	[sflag:s30] =	ssyncset.done $0x0  }
0x231: {  	[sflag:s30] =	ssyncadd.s32 $0xFFFFF800  }
0x232: {  	v1 =	vld.idx.msk [tilespmem:v1+s1+$0x0], $0xffff;
	_ =	sdelay $0x3  }
0x233: {  	s7 =	simm.s32 $0x59D0  }
0x234: {  	[tilespmem:s7+$0xFFFFFFC0] =	vst v1  }
0x235: {  	[tilespmem:s7+$0xFFFFFFD0] =	vst v1  }
0x236: {  	s10 =	simm.s32 $0xE1;
	[tilespmem:s7+$0xFFFFFFE0] =	vst v1  }
0x237: {  	v2 =	vmov s10;
	s8 =	simm.s32 $0xE2;
	[tilespmem:s7+$0xFFFFFFF0] =	vst v1  }
.LBB2_40:
0x238: {  	p0 =	sne.s32 s8, $0xEF;
	[tilespmem:s7+$0x0] =	vst v1  }
0x239: {  	[tilespmem:s7+$0x10] =	vst v1  }
0x23a: {  	[tilespmem:s7+$0x20] =	vst v1  }
0x23b: {  	[tilespmem:s7+$0x30] =	vst v1  }
0x23c: {  	v1 =	vld.idx.msk [tilespmem:v2+s1+$0x0], $0xffff;
	_ =	sdelay $0x4  }
.Ltmp19:
0x23d: {  	s7 =	sadd.s32 $0x80, s7;
	(pc) =	sbr.rel @p0 .LBB2_40-.Ltmp19, $4  }
0x23e: {  	[tilespmem:s7+$0xFFFFFFC0] =	vst v1  }
0x23f: {  	[tilespmem:s7+$0xFFFFFFD0] =	vst v1  }
0x240: {  	[tilespmem:s7+$0xFFFFFFE0] =	vst v1  }
0x241: {  	v2 =	vmov s8;
	s8 =	sadd.s32 $0x1, s8;
	[tilespmem:s7+$0xFFFFFFF0] =	vst v1  }
0x242: {  	[tilespmem:s7+$0x0] =	vst v1  }
0x243: {  	[tilespmem:s7+$0x10] =	vst v1  }
0x244: {  	[tilespmem:s7+$0x20] =	vst v1  }
0x245: {  	[tilespmem:s7+$0x30] =	vst v1  }
0x246: {  	v1 =	vld.idx.msk [tilespmem:v2+s1+$0x0], $0xffff;
	_ =	sdelay $0x3  }
0x247: {  	s9 =	sadd.s32 $0x80, s7  }
0x248: {  	[tilespmem:s9+$0xFFFFFFC0] =	vst v1  }
0x249: {  	[tilespmem:s9+$0xFFFFFFD0] =	vst v1  }
0x24a: {  	[tilespmem:s9+$0xFFFFFFE0] =	vst v1  }
0x24b: {  	[tilespmem:s9+$0xFFFFFFF0] =	vst v1  }
0x24c: {  	[tilespmem:s9+$0x0] =	vst v1  }
0x24d: {  	[tilespmem:s9+$0x10] =	vst v1  }
0x24e: {  	s8 =	simm.s32 $0xF0;
	[tilespmem:s9+$0x20] =	vst v1  }
0x24f: {  	[tilespmem:s9+$0x30] =	vst v1;
	v1 =	vmov s8  }
0x250: {  	[hbm4b:s20+s3] =	stream.linear.scatter [tilespmem:s4], [sflag:$0x1], $0x800, $0x38;
	[tilespmem:$0x6190] =	vst v63  }
0x251: {  	_ =	swait.ge [sflag:s30], $0x800  }
0x252: {  	[sflag:s30] =	ssyncset.done $0x0  }
0x253: {  	[sflag:s30] =	ssyncadd.s32 $0xFFFFF800  }
0x254: {  	v1 =	vld.idx.msk [tilespmem:v1+s1+$0x0], $0xffff;
	_ =	sdelay $0x3  }
0x255: {  	s7 =	simm.s32 $0x59D0  }
0x256: {  	[tilespmem:s7+$0xFFFFFFC0] =	vst v1  }
0x257: {  	[tilespmem:s7+$0xFFFFFFD0] =	vst v1  }
0x258: {  	s10 =	simm.s32 $0xF1;
	[tilespmem:s7+$0xFFFFFFE0] =	vst v1  }
0x259: {  	v2 =	vmov s10;
	s8 =	simm.s32 $0xF2;
	[tilespmem:s7+$0xFFFFFFF0] =	vst v1  }
.LBB2_42:
0x25a: {  	p0 =	sne.s32 s8, $0xFF;
	[tilespmem:s7+$0x0] =	vst v1  }
0x25b: {  	[tilespmem:s7+$0x10] =	vst v1  }
0x25c: {  	[tilespmem:s7+$0x20] =	vst v1  }
0x25d: {  	[tilespmem:s7+$0x30] =	vst v1  }
0x25e: {  	v1 =	vld.idx.msk [tilespmem:v2+s1+$0x0], $0xffff;
	_ =	sdelay $0x4  }
.Ltmp20:
0x25f: {  	s7 =	sadd.s32 $0x80, s7;
	(pc) =	sbr.rel @p0 .LBB2_42-.Ltmp20, $4  }
0x260: {  	[tilespmem:s7+$0xFFFFFFC0] =	vst v1  }
0x261: {  	[tilespmem:s7+$0xFFFFFFD0] =	vst v1  }
0x262: {  	[tilespmem:s7+$0xFFFFFFE0] =	vst v1  }
0x263: {  	v2 =	vmov s8;
	s8 =	sadd.s32 $0x1, s8;
	[tilespmem:s7+$0xFFFFFFF0] =	vst v1  }
0x264: {  	[tilespmem:s7+$0x0] =	vst v1  }
0x265: {  	[tilespmem:s7+$0x10] =	vst v1  }
0x266: {  	[tilespmem:s7+$0x20] =	vst v1  }
0x267: {  	[tilespmem:s7+$0x30] =	vst v1  }
0x268: {  	v1 =	vld.idx.msk [tilespmem:v2+s1+$0x0], $0xffff;
	_ =	sdelay $0x3  }
0x269: {  	s9 =	sadd.s32 $0x80, s7  }
0x26a: {  	[tilespmem:s9+$0xFFFFFFC0] =	vst v1  }
0x26b: {  	[tilespmem:s9+$0xFFFFFFD0] =	vst v1  }
0x26c: {  	[tilespmem:s9+$0xFFFFFFE0] =	vst v1  }
0x26d: {  	[tilespmem:s9+$0xFFFFFFF0] =	vst v1  }
0x26e: {  	[tilespmem:s9+$0x0] =	vst v1  }
0x26f: {  	[tilespmem:s9+$0x10] =	vst v1  }
0x270: {  	s8 =	simm.s32 $0x100;
	[tilespmem:s9+$0x20] =	vst v1  }
0x271: {  	[tilespmem:s9+$0x30] =	vst v1;
	v1 =	vmov s8  }
0x272: {  	[hbm4b:s21+s3] =	stream.linear.scatter [tilespmem:s4], [sflag:$0x1], $0x800, $0x38;
	[tilespmem:$0x6190] =	vst v63  }
0x273: {  	_ =	swait.ge [sflag:s30], $0x800  }
0x274: {  	[sflag:s30] =	ssyncset.done $0x0  }
0x275: {  	[sflag:s30] =	ssyncadd.s32 $0xFFFFF800  }
0x276: {  	v1 =	vld.idx.msk [tilespmem:v1+s1+$0x0], $0xffff;
	_ =	sdelay $0x3  }
0x277: {  	s7 =	simm.s32 $0x59D0  }
0x278: {  	[tilespmem:s7+$0xFFFFFFC0] =	vst v1  }
0x279: {  	[tilespmem:s7+$0xFFFFFFD0] =	vst v1  }
0x27a: {  	s10 =	simm.s32 $0x101;
	[tilespmem:s7+$0xFFFFFFE0] =	vst v1  }
0x27b: {  	v2 =	vmov s10;
	s8 =	simm.s32 $0x102;
	[tilespmem:s7+$0xFFFFFFF0] =	vst v1  }
.LBB2_44:
0x27c: {  	p0 =	sne.s32 s8, $0x10F;
	[tilespmem:s7+$0x0] =	vst v1  }
0x27d: {  	[tilespmem:s7+$0x10] =	vst v1  }
0x27e: {  	[tilespmem:s7+$0x20] =	vst v1  }
0x27f: {  	[tilespmem:s7+$0x30] =	vst v1  }
0x280: {  	v1 =	vld.idx.msk [tilespmem:v2+s1+$0x0], $0xffff;
	_ =	sdelay $0x4  }
.Ltmp21:
0x281: {  	s7 =	sadd.s32 $0x80, s7;
	(pc) =	sbr.rel @p0 .LBB2_44-.Ltmp21, $4  }
0x282: {  	[tilespmem:s7+$0xFFFFFFC0] =	vst v1  }
0x283: {  	[tilespmem:s7+$0xFFFFFFD0] =	vst v1  }
0x284: {  	[tilespmem:s7+$0xFFFFFFE0] =	vst v1  }
0x285: {  	v2 =	vmov s8;
	s8 =	sadd.s32 $0x1, s8;
	[tilespmem:s7+$0xFFFFFFF0] =	vst v1  }
0x286: {  	[tilespmem:s7+$0x0] =	vst v1  }
0x287: {  	[tilespmem:s7+$0x10] =	vst v1  }
0x288: {  	[tilespmem:s7+$0x20] =	vst v1  }
0x289: {  	[tilespmem:s7+$0x30] =	vst v1  }
0x28a: {  	v1 =	vld.idx.msk [tilespmem:v2+s1+$0x0], $0xffff;
	_ =	sdelay $0x3  }
0x28b: {  	s9 =	sadd.s32 $0x80, s7  }
0x28c: {  	[tilespmem:s9+$0xFFFFFFC0] =	vst v1  }
0x28d: {  	[tilespmem:s9+$0xFFFFFFD0] =	vst v1  }
0x28e: {  	[tilespmem:s9+$0xFFFFFFE0] =	vst v1  }
0x28f: {  	[tilespmem:s9+$0xFFFFFFF0] =	vst v1  }
0x290: {  	[tilespmem:s9+$0x0] =	vst v1  }
0x291: {  	[tilespmem:s9+$0x10] =	vst v1  }
0x292: {  	s8 =	simm.s32 $0x110;
	[tilespmem:s9+$0x20] =	vst v1  }
0x293: {  	[tilespmem:s9+$0x30] =	vst v1;
	v1 =	vmov s8  }
0x294: {  	[hbm4b:s22+s3] =	stream.linear.scatter [tilespmem:s4], [sflag:$0x1], $0x800, $0x38;
	[tilespmem:$0x6190] =	vst v63  }
0x295: {  	_ =	swait.ge [sflag:s30], $0x800  }
0x296: {  	[sflag:s30] =	ssyncset.done $0x0  }
0x297: {  	[sflag:s30] =	ssyncadd.s32 $0xFFFFF800  }
0x298: {  	v1 =	vld.idx.msk [tilespmem:v1+s1+$0x0], $0xffff;
	_ =	sdelay $0x3  }
0x299: {  	s7 =	simm.s32 $0x59D0  }
0x29a: {  	[tilespmem:s7+$0xFFFFFFC0] =	vst v1  }
0x29b: {  	[tilespmem:s7+$0xFFFFFFD0] =	vst v1  }
0x29c: {  	s10 =	simm.s32 $0x111;
	[tilespmem:s7+$0xFFFFFFE0] =	vst v1  }
0x29d: {  	v2 =	vmov s10;
	s8 =	simm.s32 $0x112;
	[tilespmem:s7+$0xFFFFFFF0] =	vst v1  }
.LBB2_46:
0x29e: {  	p0 =	sne.s32 s8, $0x11F;
	[tilespmem:s7+$0x0] =	vst v1  }
0x29f: {  	[tilespmem:s7+$0x10] =	vst v1  }
0x2a0: {  	[tilespmem:s7+$0x20] =	vst v1  }
0x2a1: {  	[tilespmem:s7+$0x30] =	vst v1  }
0x2a2: {  	v1 =	vld.idx.msk [tilespmem:v2+s1+$0x0], $0xffff;
	_ =	sdelay $0x4  }
.Ltmp22:
0x2a3: {  	s7 =	sadd.s32 $0x80, s7;
	(pc) =	sbr.rel @p0 .LBB2_46-.Ltmp22, $4  }
0x2a4: {  	[tilespmem:s7+$0xFFFFFFC0] =	vst v1  }
0x2a5: {  	[tilespmem:s7+$0xFFFFFFD0] =	vst v1  }
0x2a6: {  	[tilespmem:s7+$0xFFFFFFE0] =	vst v1  }
0x2a7: {  	v2 =	vmov s8;
	s8 =	sadd.s32 $0x1, s8;
	[tilespmem:s7+$0xFFFFFFF0] =	vst v1  }
0x2a8: {  	[tilespmem:s7+$0x0] =	vst v1  }
0x2a9: {  	[tilespmem:s7+$0x10] =	vst v1  }
0x2aa: {  	[tilespmem:s7+$0x20] =	vst v1  }
0x2ab: {  	[tilespmem:s7+$0x30] =	vst v1  }
0x2ac: {  	v1 =	vld.idx.msk [tilespmem:v2+s1+$0x0], $0xffff;
	_ =	sdelay $0x3  }
0x2ad: {  	s9 =	sadd.s32 $0x80, s7  }
0x2ae: {  	[tilespmem:s9+$0xFFFFFFC0] =	vst v1  }
0x2af: {  	[tilespmem:s9+$0xFFFFFFD0] =	vst v1  }
0x2b0: {  	[tilespmem:s9+$0xFFFFFFE0] =	vst v1  }
0x2b1: {  	[tilespmem:s9+$0xFFFFFFF0] =	vst v1  }
0x2b2: {  	[tilespmem:s9+$0x0] =	vst v1  }
0x2b3: {  	[tilespmem:s9+$0x10] =	vst v1  }
0x2b4: {  	s8 =	simm.s32 $0x120;
	[tilespmem:s9+$0x20] =	vst v1  }
0x2b5: {  	[tilespmem:s9+$0x30] =	vst v1;
	v1 =	vmov s8  }
0x2b6: {  	[hbm4b:s23+s3] =	stream.linear.scatter [tilespmem:s4], [sflag:$0x1], $0x800, $0x38;
	[tilespmem:$0x6190] =	vst v63  }
0x2b7: {  	_ =	swait.ge [sflag:s30], $0x800  }
0x2b8: {  	[sflag:s30] =	ssyncset.done $0x0  }
0x2b9: {  	[sflag:s30] =	ssyncadd.s32 $0xFFFFF800  }
0x2ba: {  	v1 =	vld.idx.msk [tilespmem:v1+s1+$0x0], $0xffff;
	_ =	sdelay $0x3  }
0x2bb: {  	s7 =	simm.s32 $0x59D0  }
0x2bc: {  	[tilespmem:s7+$0xFFFFFFC0] =	vst v1  }
0x2bd: {  	[tilespmem:s7+$0xFFFFFFD0] =	vst v1  }
0x2be: {  	s10 =	simm.s32 $0x121;
	[tilespmem:s7+$0xFFFFFFE0] =	vst v1  }
0x2bf: {  	v2 =	vmov s10;
	s8 =	simm.s32 $0x122;
	[tilespmem:s7+$0xFFFFFFF0] =	vst v1  }
.LBB2_48:
0x2c0: {  	p0 =	sne.s32 s8, $0x12F;
	[tilespmem:s7+$0x0] =	vst v1  }
0x2c1: {  	[tilespmem:s7+$0x10] =	vst v1  }
0x2c2: {  	[tilespmem:s7+$0x20] =	vst v1  }
0x2c3: {  	[tilespmem:s7+$0x30] =	vst v1  }
0x2c4: {  	v1 =	vld.idx.msk [tilespmem:v2+s1+$0x0], $0xffff;
	_ =	sdelay $0x4  }
.Ltmp23:
0x2c5: {  	s7 =	sadd.s32 $0x80, s7;
	(pc) =	sbr.rel @p0 .LBB2_48-.Ltmp23, $4  }
0x2c6: {  	[tilespmem:s7+$0xFFFFFFC0] =	vst v1  }
0x2c7: {  	[tilespmem:s7+$0xFFFFFFD0] =	vst v1  }
0x2c8: {  	[tilespmem:s7+$0xFFFFFFE0] =	vst v1  }
0x2c9: {  	v2 =	vmov s8;
	s8 =	sadd.s32 $0x1, s8;
	[tilespmem:s7+$0xFFFFFFF0] =	vst v1  }
0x2ca: {  	[tilespmem:s7+$0x0] =	vst v1  }
0x2cb: {  	[tilespmem:s7+$0x10] =	vst v1  }
0x2cc: {  	[tilespmem:s7+$0x20] =	vst v1  }
0x2cd: {  	[tilespmem:s7+$0x30] =	vst v1  }
0x2ce: {  	v1 =	vld.idx.msk [tilespmem:v2+s1+$0x0], $0xffff;
	_ =	sdelay $0x3  }
0x2cf: {  	s9 =	sadd.s32 $0x80, s7  }
0x2d0: {  	[tilespmem:s9+$0xFFFFFFC0] =	vst v1  }
0x2d1: {  	[tilespmem:s9+$0xFFFFFFD0] =	vst v1  }
0x2d2: {  	[tilespmem:s9+$0xFFFFFFE0] =	vst v1  }
0x2d3: {  	[tilespmem:s9+$0xFFFFFFF0] =	vst v1  }
0x2d4: {  	[tilespmem:s9+$0x0] =	vst v1  }
0x2d5: {  	[tilespmem:s9+$0x10] =	vst v1  }
0x2d6: {  	s8 =	simm.s32 $0x130;
	[tilespmem:s9+$0x20] =	vst v1  }
0x2d7: {  	[tilespmem:s9+$0x30] =	vst v1;
	v1 =	vmov s8  }
0x2d8: {  	[hbm4b:s24+s3] =	stream.linear.scatter [tilespmem:s4], [sflag:$0x1], $0x800, $0x38;
	[tilespmem:$0x6190] =	vst v63  }
0x2d9: {  	_ =	swait.ge [sflag:s30], $0x800  }
0x2da: {  	[sflag:s30] =	ssyncset.done $0x0  }
0x2db: {  	[sflag:s30] =	ssyncadd.s32 $0xFFFFF800  }
0x2dc: {  	v1 =	vld.idx.msk [tilespmem:v1+s1+$0x0], $0xffff;
	_ =	sdelay $0x3  }
0x2dd: {  	s7 =	simm.s32 $0x59D0  }
0x2de: {  	[tilespmem:s7+$0xFFFFFFC0] =	vst v1  }
0x2df: {  	[tilespmem:s7+$0xFFFFFFD0] =	vst v1  }
0x2e0: {  	s10 =	simm.s32 $0x131;
	[tilespmem:s7+$0xFFFFFFE0] =	vst v1  }
0x2e1: {  	v2 =	vmov s10;
	s8 =	simm.s32 $0x132;
	[tilespmem:s7+$0xFFFFFFF0] =	vst v1  }
.LBB2_50:
0x2e2: {  	p0 =	sne.s32 s8, $0x13F;
	[tilespmem:s7+$0x0] =	vst v1  }
0x2e3: {  	[tilespmem:s7+$0x10] =	vst v1  }
0x2e4: {  	[tilespmem:s7+$0x20] =	vst v1  }
0x2e5: {  	[tilespmem:s7+$0x30] =	vst v1  }
0x2e6: {  	v1 =	vld.idx.msk [tilespmem:v2+s1+$0x0], $0xffff;
	_ =	sdelay $0x4  }
.Ltmp24:
0x2e7: {  	s7 =	sadd.s32 $0x80, s7;
	(pc) =	sbr.rel @p0 .LBB2_50-.Ltmp24, $4  }
0x2e8: {  	[tilespmem:s7+$0xFFFFFFC0] =	vst v1  }
0x2e9: {  	[tilespmem:s7+$0xFFFFFFD0] =	vst v1  }
0x2ea: {  	[tilespmem:s7+$0xFFFFFFE0] =	vst v1  }
0x2eb: {  	v2 =	vmov s8;
	s8 =	sadd.s32 $0x1, s8;
	[tilespmem:s7+$0xFFFFFFF0] =	vst v1  }
0x2ec: {  	[tilespmem:s7+$0x0] =	vst v1  }
0x2ed: {  	[tilespmem:s7+$0x10] =	vst v1  }
0x2ee: {  	[tilespmem:s7+$0x20] =	vst v1  }
0x2ef: {  	[tilespmem:s7+$0x30] =	vst v1  }
0x2f0: {  	v1 =	vld.idx.msk [tilespmem:v2+s1+$0x0], $0xffff;
	_ =	sdelay $0x3  }
0x2f1: {  	s10 =	sadd.s32 $0x80, s7  }
0x2f2: {  	[tilespmem:s10+$0xFFFFFFC0] =	vst v1  }
0x2f3: {  	[tilespmem:s10+$0xFFFFFFD0] =	vst v1  }
0x2f4: {  	[tilespmem:s10+$0xFFFFFFE0] =	vst v1  }
0x2f5: {  	[tilespmem:s10+$0xFFFFFFF0] =	vst v1  }
0x2f6: {  	[tilespmem:s10+$0x0] =	vst v1  }
0x2f7: {  	s6 =	sadd.s32 $0x1, s6;
	[tilespmem:s10+$0x10] =	vst v1  }
0x2f8: {  	p0 =	sne.s32 s6, s26;
	[tilespmem:s10+$0x20] =	vst v1  }
.Ltmp25:
0x2f9: {  	[tilespmem:s10+$0x30] =	vst v1;
	(pc) =	sbr.rel @p0 .LBB2_1-.Ltmp25, $4  }
0x2fa: {  	[hbm4b:s25+s3] =	stream.linear.scatter [tilespmem:s4], [sflag:$0x1], $0x800, $0x38;
	[tilespmem:$0x6190] =	vst v63  }
0x2fb: {  	_ =	swait.ge [sflag:s30], $0x800  }
0x2fc: {  	[sflag:s30] =	ssyncset.done $0x0  }
0x2fd: {  	[sflag:s30] =	ssyncadd.s32 $0xFFFFF800  }
0x2fe: {  	_ =	sfence.sel $0x180000  }
0x2ff: {  	[bflag:$0x0] =	sbarrier.arrive $0xFFFF  }
0x300: {  	_ =	strace $0x90000047  }
0x301: {  	s0 =	stileid.u32;
	[bflag:$0x2] =	sbarrier.arrive $0xFFFF  }
0x302: {  	p0 =	sne.s32 s0, $0x0;
	s0 =	rddreg [dreg:$0x3]  }
0x303: {  	s0 =	sadd.s32 @!p0 $0x100000, s0  }
0x304: {  	[sflag:s0] =	ssyncadd.tile.s32 @!p0 $0x1;
	_ =	shalt  }
.Lfunc_end2:
_tile_overlayer_lowered:
.L_overlay_start_2:
0x305: {  	(tag) =	ssettag $0x2  }
0x306: {  	s0 =	rddreg [dreg:$0x0];
	s2 =	stileid.u32  }
0x307: {  	s1 =	rddreg [dreg:$0x1];
	p0 =	sne.s32 s2, $0x0  }
0x308: {  	s3 =	rddreg [dreg:$0x2];
	[bflag:$0x3] =	sbarrier.arrive $0xFFFF;
	s2 =	simm.s32 @!p0 $0x1C01  }
0x309: {  	[timem:s3], [sflag:s2] =	dma.local @!p0 [hbm:s0], s1  }
0x30a: {  	s0 =	simm.s32 @!p0 $0x1  }
0x30b: {  	_ =	swait.ge @!p0 [sflag:s0], s1  }
0x30c: {  	s1 =	ssub.s32 @!p0 $0x0, s1;
	[sflag:s0] =	ssyncset.done @!p0 $0x0  }
0x30d: {  	[sflag:s0] =	ssyncadd.s32 @!p0 s1  }
0x30e: {  	[bflag:$0x3] =	sbarrier.arrive $0xFFFF  }
0x30f: {  	_ =	shalt  }

// kernel: kernel.14.cloned.1.call-start
scs
__scs_entry_jumppad:
0x0: {  	(pc) =	sbr.rel $0x88, $3  }
0x1: {  	(tag) =	ssettag $0x0;
	lr =	simm.s32 $0x1  }
0x2: {  	[smem:$0x3F85] =	sst lr;
	_ =	strace $0xD0000000  }
0x3: {  	_ = 	snop  }
0x4: {  	_ = 	snop  }
0x5: {  	_ = 	snop  }
0x6: {  	_ = 	snop  }
0x7: {  	_ = 	snop  }
__scs_overlays_trampoline_lowered:
0x8: {  	[smem:$0x3F94] =	sst s0  }
0x9: {  	[smem:$0x3F95] =	sst s1  }
0xa: {  	[smem:$0x3F96] =	sst s2  }
0xb: {  	[smem:$0x3F97] =	sst s3  }
0xc: {  	[smem:$0x3F98] =	sst s4  }
0xd: {  	[smem:$0x3F99] =	sst s5  }
0xe: {  	[smem:$0x3F9A] =	sst s6  }
0xf: {  	[smem:$0x3F9B] =	sst s7  }
0x10: {  	[smem:$0x3F9C] =	sst s8  }
0x11: {  	[smem:$0x3F9D] =	sst s9;
	s0 =	simm.s32 @!p0 $0x0  }
0x12: {  	s1 =	sld [smem:$0x3F83];
	s0 =	simm.s32 @p0 $0x1  }
0x13: {  	[smem:$0x3F9E] =	sst s0;
	s0 =	simm.s32 @!p1 $0x0  }
0x14: {  	s2 =	sld [smem:$0x3F82];
	s0 =	simm.s32 @p1 $0x1  }
0x15: {  	[smem:$0x3F9F] =	sst s0;
	s0 =	simm.s32 @!p2 $0x0  }
0x16: {  	s3 =	sld [smem:$0x3FDB];
	s0 =	simm.s32 @p2 $0x1  }
0x17: {  	s4 =	simm.s32 $0x1BF5;
	[smem:$0x3FA1] =	sst s0  }
0x18: {  	s0 =	sld [smem:$0x3F84];
	_ =	swait.ge [sflag:s4], $0x0  }
0x19: {  	s7 =	sld [smem:$0x3F85]  }
0x1a: {  	s8 =	sadd.s32 $0xFFFFE003, lr  }
0x1b: {  	s9 =	sadd.s32 $0xFFFFFEF7, lr;
	s5 =	simm.s32 $0xFFFFFFFF;
	p2 =	slt.u32 s8, $0xFFFFF086  }
0x1c: {  	p1 =	slt.u32 s9, $0xF7A;
	s5 =	simm.s32 @!p2 $0x0  }
0x1d: {  	s5 =	simm.s32 @p1 $0x1;
	p0 =	seq.s32 s7, s2  }
0x1e: {  	s7 =	smul.u32 @!p0 $0xF7A, s2;
	p2 =	seq.s32 @!p0 s5, $0x0  }
0x1f: {  	s9 =	smul.u32 $0xF7A, s1;
	s8 =	simm.s32 @!p0 $0x1BF5;
	p2 =	por !p2, p0  }
0x20: {  	[sflag:s8] =	ssyncset.s32 @!p0 $0xFFFFF086;
	s6 =	sadd.s32 @!p0 s3, s7;
	s7 =	simm.s32 @!p0 $0x108  }
0x21: {  	s3 =	sadd.s32 s3, s9;
	s6 =	sadd.s32 @!p0 $0x88, s6;
	s7 =	simm.s32 @p2 $0x1082  }
0x22: {  	[simem:s7], [sflag:s8] =	dma.local @!p0 [hbm:s6], $0xF7A  }
0x23: {  	s9 =	sor.u32 $0xD0000000, s2;
	s6 =	simm.s32 $0x108;
	_ =	swait.ge @!p0 [sflag:s8], $0x0  }
0x24: {  	s3 =	sadd.s32 $0x88, s3;
	s6 =	simm.s32 @!p1 $0x1082;
	[sflag:s4] =	ssyncset.s32 $0xFFFFF086  }
0x25: {  	[simem:s6], [sflag:s4] =	dma.local [hbm:s3], $0xF7A  }
0x26: {  	[smem:$0x3F85] =	sst s1;
	(tag) =	ssettag s2;
	_ =	strace s9  }
0x27: {  	s1 =	sld [smem:$0x3F95]  }
0x28: {  	s2 =	sld [smem:$0x3F96]  }
0x29: {  	s4 =	sld [smem:$0x3F98]  }
0x2a: {  	p0 =	seq.s32 s5, $0x0;
	s5 =	sld [smem:$0x3F99]  }
0x2b: {  	s6 =	sld [smem:$0x3F9A]  }
0x2c: {  	s7 =	sld [smem:$0x3F9B]  }
0x2d: {  	s3 =	simm.s32 $0x108;
	s8 =	sld [smem:$0x3F9C]  }
0x2e: {  	s3 =	simm.s32 @!p0 $0x1082;
	s9 =	sld [smem:$0x3F9D]  }
0x2f: {  	lr =	sadd.s32 s0, s3;
	s0 =	sld [smem:$0x3F94]  }
0x30: {  	s3 =	sld [smem:$0x3F97]  }
0x31: {  	[smem:$0x3FA0] =	sst s10  }
0x32: {  	s10 =	sld [smem:$0x3F9E];
	_ =	sdelay $0x3  }
0x33: {  	p0 =	seq.s32 s10, $0x1;
	s10 =	sld [smem:$0x3FA0];
	_ =	sdelay $0x3  }
0x34: {  	[smem:$0x3FA0] =	sst s10  }
0x35: {  	s10 =	sld [smem:$0x3F9F];
	_ =	sdelay $0x3  }
0x36: {  	p1 =	seq.s32 s10, $0x1;
	s10 =	sld [smem:$0x3FA0];
	_ =	sdelay $0x3  }
0x37: {  	[smem:$0x3FA0] =	sst s10  }
0x38: {  	s10 =	sld [smem:$0x3FA1]  }
0x39: {  	_ = 	snop;
	(pc) =	sbr.ind lr, $3  }
0x3a: {  	_ = 	snop  }
0x3b: {  	_ = 	snop  }
0x3c: {  	p2 =	seq.s32 s10, $0x1;
	s10 =	sld [smem:$0x3FA0]  }
0x3d: {  	_ =	shalt  }
0x3e: {  	_ =	shalt  }
0x3f: {  	_ =	shalt  }
0x40: {  	_ =	shalt  }
0x41: {  	_ =	shalt  }
0x42: {  	_ =	shalt  }
0x43: {  	_ =	shalt  }
0x44: {  	_ =	shalt  }
0x45: {  	_ =	shalt  }
0x46: {  	_ =	shalt  }
0x47: {  	_ =	shalt  }
0x48: {  	_ =	shalt  }
0x49: {  	_ =	shalt  }
0x4a: {  	_ =	shalt  }
0x4b: {  	_ =	shalt  }
0x4c: {  	_ =	shalt  }
0x4d: {  	_ =	shalt  }
0x4e: {  	_ =	shalt  }
0x4f: {  	_ =	shalt  }
0x50: {  	_ =	shalt  }
0x51: {  	_ =	shalt  }
0x52: {  	_ =	shalt  }
0x53: {  	_ =	shalt  }
0x54: {  	_ =	shalt  }
0x55: {  	_ =	shalt  }
0x56: {  	_ =	shalt  }
0x57: {  	_ =	shalt  }
0x58: {  	_ =	shalt  }
0x59: {  	_ =	shalt  }
0x5a: {  	_ =	shalt  }
0x5b: {  	_ =	shalt  }
0x5c: {  	_ =	shalt  }
0x5d: {  	_ =	shalt  }
0x5e: {  	_ =	shalt  }
0x5f: {  	_ =	shalt  }
0x60: {  	_ =	shalt  }
0x61: {  	_ =	shalt  }
0x62: {  	_ =	shalt  }
0x63: {  	_ =	shalt  }
0x64: {  	_ =	shalt  }
0x65: {  	_ =	shalt  }
0x66: {  	_ =	shalt  }
0x67: {  	_ =	shalt  }
0x68: {  	_ =	shalt  }
0x69: {  	_ =	shalt  }
0x6a: {  	_ =	shalt  }
0x6b: {  	_ =	shalt  }
0x6c: {  	_ =	shalt  }
0x6d: {  	_ =	shalt  }
0x6e: {  	_ =	shalt  }
0x6f: {  	_ =	shalt  }
0x70: {  	_ =	shalt  }
0x71: {  	_ =	shalt  }
0x72: {  	_ =	shalt  }
0x73: {  	_ =	shalt  }
0x74: {  	_ =	shalt  }
0x75: {  	_ =	shalt  }
0x76: {  	_ =	shalt  }
0x77: {  	_ =	shalt  }
0x78: {  	_ =	shalt  }
0x79: {  	_ =	shalt  }
0x7a: {  	_ =	shalt  }
0x7b: {  	_ =	shalt  }
0x7c: {  	_ =	shalt  }
0x7d: {  	_ =	shalt  }
0x7e: {  	_ =	shalt  }
0x7f: {  	_ =	shalt  }
0x80: {  	_ =	shalt  }
0x81: {  	_ =	shalt  }
0x82: {  	_ =	shalt  }
0x83: {  	_ =	shalt  }
0x84: {  	_ =	shalt  }
0x85: {  	_ =	shalt  }
0x86: {  	_ =	shalt  }
0x87: {  	_ =	shalt  }
.Lfunc_end0:
.L_simem_size_0:
called_computation.1_lowered:
.L_overlay_start_0:
0x88: {  	s2 =	sld [smem:$0x3FD9]  }
0x89: {  	s3 =	sld [smem:$0x3FFE];
	_ =	sdelay $0x1  }
0x8a: {  	s1 =	srdreg.scid  }
0x8b: {  	s0 =	sand.u32 $0x1, s1  }
0x8c: {  	s17 =	sshll.u32 s0, $0xA;
	s2 =	sadd.s32 s3, s2  }
0x8d: {  	s2 =	sadd.s32 s2, s17  }
0x8e: {  	[smem:$0x3FAC] =	sst s2  }
0x8f: {  	_ = 	snop  }
0x90: {  	s18 =	sld [smem:$0x3FC9];
	(tm) =	ssettm $0x1  }
0x91: {  	s19 =	sld [smem:$0x3FFB];
	_ =	sdelay $0x3  }
0x92: {  	_ =	strace s19  }
0x93: {  	s2 =	sld [smem:$0x3FFC];
	_ =	sdelay $0x3  }
0x94: {  	_ =	strace s2  }
0x95: {  	s2 =	sld [smem:$0x3FFD];
	_ =	sdelay $0x3  }
0x96: {  	_ =	strace s2  }
0x97: {  	_ =	strace $0x8FFFFFFF  }
0x98: {  	s20 =	sld [smem:$0x3FDB];
	_ =	sdelay $0x1  }
0x99: {  	s4 =	simm.s32 $_scs_section_size  }
0x9a: {  	s5 =	simm.s32 $_size__tile_overlayer_lowered;
	s6 =	simm.s32 $_tile_overlayer_lowered  }
0x9b: {  	s7 =	simm.s32 $0x1BFF;
	s21 =	sshll.u32 s6, $0x1;
	s4 =	sadd.s32 s4, s20  }
0x9c: {  	s22 =	simm.s32 $0x0;
	s5 =	sshll.u32 s5, $0x1;
	s6 =	sadd.s32 s21, s4  }
0x9d: {  	[timem:s22], [sflag:s7] =	dma.local [hbm:s6], s5  }
0x9e: {  	_ =	swait.ge [sflag:s7], s5  }
0x9f: {  	s5 =	ssub.s32 $0x0, s5;
	[sflag:s7] =	ssyncset.done $0x0  }
0xa0: {  	[sflag:s7] =	ssyncadd.s32 s5;
	_ =	sdelay $0x1  }
0xa1: {  	s23 =	simm.s32 $0x1B8B  }
0xa2: {  	_ =	swait.ge [sflag:s23], $0x1  }
0xa3: {  	[sflag:s23] =	ssyncset.done $0x0  }
0xa4: {  	[sflag:s23] =	ssyncadd.s32 $0xFFFFFFFF  }
0xa5: {  	s5 =	sld [smem:$0x0]  }
0xa6: {  	s6 =	sand.u32 $0xFFFFFFFE, s1  }
0xa7: {  	p0 =	sne.s32 s1, s6  }
0xa8: {  	s6 =	sshll.u32 @p0 s6, $0xE  }
0xa9: {  	s6 =	sadd.s32 @p0 $0x11B8D, s6;
	s7 =	sshll.u32 @p0 s5, $0x11  }
0xaa: {  	s6 =	sor.u32 @p0 s7, s6  }
0xab: {  	[sflag:s6] =	ssyncadd.remote.s32 @p0 $0x1;
	_ =	sdelay $0x1  }
0xac: {  	s6 =	simm.s32 @p0 $0x1B8D  }
0xad: {  	_ =	swait.eq @p0 [sflag:s6], $0x1  }
0xae: {  	[sflag:s6] =	ssyncadd.s32 @p0 $0xFFFFFFFF  }
0xaf: {  	s7 =	sshll.u32 @!p0 s1, $0xE  }
0xb0: {  	s7 =	sor.u32 @!p0 $0x4000, s7;
	s6 =	simm.s32 @!p0 $0x1B8D  }
0xb1: {  	s5 =	sshll.u32 @!p0 s5, $0x11;
	s7 =	sadd.s32 @!p0 $0x11B8D, s7;
	_ =	swait.eq @!p0 [sflag:s6], $0x1  }
0xb2: {  	s5 =	sor.u32 @!p0 s5, s7;
	[sflag:s6] =	ssyncadd.s32 @!p0 $0xFFFFFFFF  }
0xb3: {  	s25 =	simm.s32 $0x1B8E;
	s24 =	sld [smem:$0x3FFE];
	[sflag:s5] =	ssyncadd.remote.s32 @!p0 $0x1  }
0xb4: {  	s26 =	simm.s32 $execute0_lowered;
	[smem:$0x3FD2] =	sst s25  }
0xb5: {  	s6 =	sshll.u32 s26, $0x1;
	_ =	strace $0x80000049;
	[dreg:$0x1] =	wrdreg $0xFFFFFFFF  }
0xb6: {  	s28 =	simm.s32 $_size_execute0_lowered;
	s4 =	sadd.s32 s4, s6;
	[dreg:$0x0] =	wrdreg $0x0  }
0xb7: {  	s6 =	sshll.u32 s28, $0x1;
	[dreg:$0x2] =	wrdreg s4  }
0xb8: {  	[dreg:$0x3] =	wrdreg s6  }
0xb9: {  	[dreg:$0x4] =	wrdreg $0xC0  }
0xba: {  	_ =	task [dreg:s22], $0x5FFFF  }
0xbb: {  	[dreg:$0x1] =	wrdreg $0xFFFFFFFF  }
0xbc: {  	[dreg:$0x0] =	wrdreg $0x60  }
0xbd: {  	[dreg:$0x2] =	wrdreg s18  }
0xbe: {  	[dreg:$0x3] =	wrdreg s24  }
0xbf: {  	[dreg:$0x4] =	wrdreg $0x0  }
0xc0: {  	[dreg:$0x5] =	wrdreg $0xA  }
0xc1: {  	_ =	task.clear_ibuf [dreg:s22], $0x6FFFF;
	_ =	strace $0x90000049  }
0xc2: {  	s29 =	simm.s32 $0xA;
	_ =	strace $0x8000004B  }
0xc3: {  	_ =	swait.ge [sflag:s29], $0x1  }
0xc4: {  	[sflag:s29] =	ssyncadd.s32 $0xFFFFFFFF  }
0xc5: {  	_ =	strace $0x9000004B  }
0xc6: {  	_ =	sfence  }
0xc7: {  	s30 =	sld [smem:$0x0];
	_ =	sdelay $0x2  }
0xc8: {  	s31 =	sshll.u32 s1, $0xD;
	s1 =	sshrl.u32 s1, $0x2  }
0xc9: {  	s4 =	sand.u32 $0x4000, s31;
	s1 =	sadd.s32 s1, s30  }
0xca: {  	s0 =	sor.u32 s4, s0;
	s1 =	sshll.u32 s1, $0x11  }
0xcb: {  	s0 =	sor.u32 s1, s0  }
0xcc: {  	s0 =	sadd.s32 $0x8F2B, s0  }
0xcd: {  	[sflag:s0] =	ssyncadd.remote.s32 $0x1  }
0xce: {  	_ =	sfence.sel $0xFFFF  }
0xcf: {  	[dreg:$0x0] =	wrdreg $0xFFFFFFFF;
	(pc) =	sbr.abs _section_cstart, $3  }
0xd0: {  	[dreg:$0x1] =	wrdreg $0xFFFFFFFF  }
0xd1: {  	_ =	task.clear_ibuf [dreg:s22], $0x2FFFF;
	_ =	strace $0x9FFFFFFF  }
0xd2: {  	(tm) =	ssettm $0x7FFFFFFF  }
0xd3: {  	_ =	shalt  }
tec
execute0_lowered:
.L_overlay_start_1:
0x0: {  	(tag) =	ssettag $0x1  }
0x1: {  	s2 =	rddreg [dreg:$0x0]  }
0x2: {  	s0 =	rddreg [dreg:$0x1]  }
0x3: {  	s3 =	rddreg [dreg:$0x2]  }
0x4: {  	s13 =	stileid.u32;
	s1 =	srdreg.scid  }
0x5: {  	s4 =	simm.s32 $0x0;
	s28 =	simm.s32 $0x1;
	s29 =	simm.s32 $0x80  }
0x6: {  	s30 =	simm.s32 $0x13E00;
	s31 =	simm.s32 $0x2;
	s5 =	smul.u32 $0x13C00, s13  }
0x7: {  	s1 =	sand.u32 $0x1, s1;
	[smem:$0x7FF] =	sst s4;
	s12 =	smul.u32 $0x4F000, s13  }
0x8: {  	s8 =	sadd.s32 $0x2D600, s0;
	s9 =	sadd.s32 $0x37600, s0;
	s18 =	smul.u32 $0xA0, s13  }
0x9: {  	s11 =	sshll.u32 s13, $0x1;
	s6 =	smul.u32 $0x13C000, s1;
	s25 =	ssub.s32 $0x2, s1  }
0xa: {  	_ =	strace $0x8000004A;
	s7 =	sshrl.u32 s5, $0x3;
	s10 =	sshrl.u32 s25, $0x1  }
0xb: {  	s5 =	sadd.s32 s5, s6;
	s24 =	sadd.s32 s7, s0;
	s26 =	ssub.s32 s25, s10  }
0xc: {  	s10 =	sor.u32 s1, s11;
	s11 =	sshrl.u32 s12, $0x2;
	s12 =	sshll.u32 s13, $0x6  }
0xd: {  	s1 =	smul.u32 $0x50, s1;
	s5 =	sshrl.u32 s5, $0x3;
	s15 =	sadd.s32 s11, s3  }
0xe: {  	s14 =	smul.u32 $0x500, s10;
	s6 =	sadd.s32 $0x41600, s24;
	[dreg:$0x4] =	wrdreg s15  }
0xf: {  	s7 =	sor.u32 $0x1C07, s12;
	s0 =	sadd.s32 s5, s0;
	[dreg:$0x5] =	wrdreg s6  }
0x10: {  	s1 =	sadd.s32 s1, s18;
	s5 =	simm.s32 $0x5;
	s6 =	simm.s32 $0x4  }
0x11: {  	s16 =	sadd.s32 s8, s14;
	s17 =	sadd.s32 s9, s14;
	s19 =	sor.u32 $0x10, s14  }
0x12: {  	s20 =	sor.u32 $0x20, s14;
	s24 =	sor.u32 $0x30, s14;
	[dreg:$0x6] =	wrdreg s16  }
0x13: {  	s1 =	sshll.u32 s1, $0x4;
	[dreg:$0x7] =	wrdreg s17;
	s21 =	sadd.s32 s8, s19  }
0x14: {  	s10 =	sadd.s32 s9, s19;
	s22 =	sadd.s32 s8, s20;
	s23 =	sadd.s32 s9, s20  }
0x15: {  	s14 =	sadd.s32 s8, s24;
	s15 =	sadd.s32 s9, s24;
	s16 =	sadd.s32 $0x68E00, s0  }
0x16: {  	s17 =	smax.u32 s26, $0x1;
	s25 =	sadd.s32 s1, s8;
	[dreg:$0x8] =	wrdreg s21  }
0x17: {  	s26 =	sadd.s32 s1, s9;
	s1 =	sor.u32 $0x40, s1;
	[dreg:$0x9] =	wrdreg s10  }
0x18: {  	s24 =	simm.s32 $0x13D00;
	s0 =	simm.s32 $0x17E00;
	[dreg:$0xa] =	wrdreg s22  }
0x19: {  	[dreg:$0xb] =	wrdreg s23;
	s18 =	sadd.s32 $0x50, s25;
	s19 =	sadd.s32 $0x50, s26  }
0x1a: {  	s20 =	sadd.s32 s1, s8;
	s21 =	sadd.s32 s1, s9;
	s22 =	simm.s32 $0x7  }
0x1b: {  	s23 =	simm.s32 $0x13C00;
	s25 =	simm.s32 $0x13C80;
	s26 =	simm.s32 $0x13D80  }
0x1c: {  	s1 =	simm.s32 $0x3;
	s8 =	simm.s32 $0x6;
	s9 =	simm.s32 $0x0  }
.LBB2_1:
0x1d: {  	s10 =	rddreg [dreg:$0x4]  }
0x1e: {  	s11 =	rddreg [dreg:$0x5];
	s10 =	sshrl.u32 s10, $0x3  }
0x1f: {  	[spmem:s10], [sflag:s7] =	dma.local [hbm:s11], $0x2780  }
0x20: {  	_ =	swait.ge [sflag:s22], $0x2780  }
0x21: {  	[sflag:s22] =	ssyncset.done $0x0  }
0x22: {  	[sflag:s22] =	ssyncadd.s32 $0xFFFFD880  }
0x23: {  	[bflag:$0x0] =	sbarrier.arrive $0xFFFF  }
0x24: {  	s13 =	rddreg [dreg:$0x6]  }
0x25: {  	[tilespmem:s23], [sflag:$0x1] =	stream.linear.gather [hbm4b:s13+s4], $0x80, $0x38;
	[tilespmem:$0x1BE00] =	vst v63  }
0x26: {  	s12 =	rddreg [dreg:$0x7]  }
0x27: {  	[tilespmem:s24], [sflag:$0x1] =	stream.linear.gather [hbm4b:s12+s4], $0x80, $0x38;
	[tilespmem:$0x1BE00] =	vst v63  }
0x28: {  	s13 =	rddreg [dreg:$0x8]  }
0x29: {  	[tilespmem:s25], [sflag:$0x2] =	stream.linear.gather [hbm4b:s13+s4], $0x80, $0x38;
	[tilespmem:$0x1BE00] =	vst v63  }
0x2a: {  	s12 =	rddreg [dreg:$0x9]  }
0x2b: {  	[tilespmem:s26], [sflag:$0x2] =	stream.linear.gather [hbm4b:s12+s4], $0x80, $0x38;
	[tilespmem:$0x1BE00] =	vst v63  }
0x2c: {  	_ =	swait.ge [sflag:s28], $0x80  }
0x2d: {  	[sflag:s28] =	ssyncset.done $0x0  }
0x2e: {  	[sflag:s28] =	ssyncadd.s32 $0xFFFFFF80  }
0x2f: {  	_ =	swait.ge [sflag:s28], $0x80  }
0x30: {  	[sflag:s28] =	ssyncset.done $0x0  }
0x31: {  	[sflag:s28] =	ssyncadd.s32 $0xFFFFFF80  }
0x32: {  	[tilespmem:s30], [sflag:$0x3] =	stream.indirect.gather [hbm4b:s2+s29], $0x80, s23, s29, $0xb8;
	[tilespmem:$0x1BE00] =	vst v63  }
0x33: {  	_ =	swait.ge [sflag:s31], $0x80  }
0x34: {  	[sflag:s31] =	ssyncset.done $0x0  }
0x35: {  	[sflag:s31] =	ssyncadd.s32 $0xFFFFFF80  }
0x36: {  	_ =	swait.ge [sflag:s31], $0x80  }
0x37: {  	[sflag:s31] =	ssyncset.done $0x0  }
0x38: {  	[sflag:s31] =	ssyncadd.s32 $0xFFFFFF80  }
0x39: {  	[tilespmem:s0], [sflag:$0x4] =	stream.indirect.gather [hbm4b:s2+s29], $0x80, s25, s29, $0xb8;
	[tilespmem:$0x1BE00] =	vst v63  }
0x3a: {  	_ =	swait.ge [sflag:s1], $0x4000  }
0x3b: {  	[sflag:s1] =	ssyncset.done $0x0  }
0x3c: {  	[sflag:s1] =	ssyncadd.s32 $0xFFFFC000  }
0x3d: {  	[spmem:s3] =	stream.indirect.scatter.add.f32 [tilespmem:s30], [sflag:$0x5], $0x80, s24, s29, $0xb8;
	[tilespmem:$0x1BE00] =	vst v63  }
0x3e: {  	s13 =	rddreg [dreg:$0xa]  }
0x3f: {  	[tilespmem:s23], [sflag:$0x1] =	stream.linear.gather [hbm4b:s13+s4], $0x80, $0x38;
	[tilespmem:$0x1BE00] =	vst v63  }
0x40: {  	s12 =	rddreg [dreg:$0xb]  }
0x41: {  	[tilespmem:s24], [sflag:$0x1] =	stream.linear.gather [hbm4b:s12+s4], $0x80, $0x38;
	[tilespmem:$0x1BE00] =	vst v63  }
0x42: {  	_ =	swait.ge [sflag:s5], $0x4000  }
0x43: {  	[sflag:s5] =	ssyncset.done $0x0  }
0x44: {  	[sflag:s5] =	ssyncadd.s32 $0xFFFFC000  }
0x45: {  	_ =	swait.ge [sflag:s28], $0x80  }
0x46: {  	[sflag:s28] =	ssyncset.done $0x0  }
0x47: {  	[sflag:s28] =	ssyncadd.s32 $0xFFFFFF80  }
0x48: {  	_ =	swait.ge [sflag:s28], $0x80  }
0x49: {  	[sflag:s28] =	ssyncset.done $0x0  }
0x4a: {  	[sflag:s28] =	ssyncadd.s32 $0xFFFFFF80  }
0x4b: {  	[tilespmem:s30], [sflag:$0x3] =	stream.indirect.gather [hbm4b:s2+s29], $0x80, s23, s29, $0xb8;
	[tilespmem:$0x1BE00] =	vst v63  }
0x4c: {  	_ =	swait.ge [sflag:s6], $0x4000  }
0x4d: {  	[sflag:s6] =	ssyncset.done $0x0  }
0x4e: {  	[sflag:s6] =	ssyncadd.s32 $0xFFFFC000  }
0x4f: {  	[spmem:s3] =	stream.indirect.scatter.add.f32 [tilespmem:s0], [sflag:$0x6], $0x80, s26, s29, $0xb8;
	[tilespmem:$0x1BE00] =	vst v63  }
0x50: {  	_ = 	snop  }
0x51: {  	[tilespmem:s25], [sflag:$0x2] =	stream.linear.gather [hbm4b:s14+s4], $0x80, $0x38;
	[tilespmem:$0x1BE00] =	vst v63  }
0x52: {  	_ = 	snop  }
0x53: {  	[tilespmem:s26], [sflag:$0x2] =	stream.linear.gather [hbm4b:s15+s4], $0x80, $0x38;
	[tilespmem:$0x1BE00] =	vst v63  }
0x54: {  	_ =	swait.ge [sflag:s8], $0x4000  }
0x55: {  	[sflag:s8] =	ssyncset.done $0x0  }
0x56: {  	[sflag:s8] =	ssyncadd.s32 $0xFFFFC000  }
0x57: {  	_ =	swait.ge [sflag:s31], $0x80  }
0x58: {  	[sflag:s31] =	ssyncset.done $0x0  }
0x59: {  	[sflag:s31] =	ssyncadd.s32 $0xFFFFFF80  }
0x5a: {  	_ =	swait.ge [sflag:s31], $0x80  }
0x5b: {  	[sflag:s31] =	ssyncset.done $0x0  }
0x5c: {  	[sflag:s31] =	ssyncadd.s32 $0xFFFFFF80  }
0x5d: {  	[tilespmem:s0], [sflag:$0x4] =	stream.indirect.gather [hbm4b:s2+s29], $0x80, s25, s29, $0xb8;
	[tilespmem:$0x1BE00] =	vst v63  }
0x5e: {  	_ =	swait.ge [sflag:s1], $0x4000  }
0x5f: {  	[sflag:s1] =	ssyncset.done $0x0  }
0x60: {  	[sflag:s1] =	ssyncadd.s32 $0xFFFFC000  }
0x61: {  	[spmem:s3] =	stream.indirect.scatter.add.f32 [tilespmem:s30], [sflag:$0x5], $0x80, s24, s29, $0xb8;
	[tilespmem:$0x1BE00] =	vst v63  }
0x62: {  	s13 =	sadd.s32 $0x0, s20  }
0x63: {  	[tilespmem:s23], [sflag:$0x1] =	stream.linear.gather [hbm4b:s13+s4], $0x80, $0x38;
	[tilespmem:$0x1BE00] =	vst v63  }
0x64: {  	s12 =	sadd.s32 $0x0, s21  }
0x65: {  	[tilespmem:s24], [sflag:$0x1] =	stream.linear.gather [hbm4b:s12+s4], $0x80, $0x38;
	[tilespmem:$0x1BE00] =	vst v63  }
0x66: {  	_ =	swait.ge [sflag:s5], $0x4000  }
0x67: {  	[sflag:s5] =	ssyncset.done $0x0  }
0x68: {  	[sflag:s5] =	ssyncadd.s32 $0xFFFFC000  }
0x69: {  	_ =	swait.ge [sflag:s28], $0x80  }
0x6a: {  	[sflag:s28] =	ssyncset.done $0x0  }
0x6b: {  	[sflag:s28] =	ssyncadd.s32 $0xFFFFFF80  }
0x6c: {  	_ =	swait.ge [sflag:s28], $0x80  }
0x6d: {  	[sflag:s28] =	ssyncset.done $0x0  }
0x6e: {  	[sflag:s28] =	ssyncadd.s32 $0xFFFFFF80  }
0x6f: {  	[tilespmem:s30], [sflag:$0x3] =	stream.indirect.gather [hbm4b:s2+s29], $0x80, s23, s29, $0xb8;
	[tilespmem:$0x1BE00] =	vst v63  }
0x70: {  	_ =	swait.ge [sflag:s6], $0x4000  }
0x71: {  	[sflag:s6] =	ssyncset.done $0x0  }
0x72: {  	[sflag:s6] =	ssyncadd.s32 $0xFFFFC000  }
0x73: {  	[spmem:s3] =	stream.indirect.scatter.add.f32 [tilespmem:s0], [sflag:$0x6], $0x80, s26, s29, $0xb8;
	[tilespmem:$0x1BE00] =	vst v63  }
0x74: {  	s11 =	simm.s32 $0x20;
	s13 =	sadd.s32 $0x0, s18;
	s12 =	sadd.s32 $0x0, s19  }
0x75: {  	[tilespmem:s25], [sflag:$0x2] =	stream.linear.gather [hbm4b:s13+s4], $0x80, $0x38;
	[tilespmem:$0x1BE00] =	vst v63  }
.LBB2_2:
0x76: {  	[tilespmem:s26], [sflag:$0x2] =	stream.linear.gather [hbm4b:s12+s4], $0x80, $0x38;
	[tilespmem:$0x1BE00] =	vst v63  }
0x77: {  	s12 =	smov.u32 s11  }
0x78: {  	p0 =	sne.s32 s11, $0x4A0;
	s11 =	sadd.s32 $0x20, s11;
	_ =	swait.ge [sflag:s8], $0x4000  }
0x79: {  	[sflag:s8] =	ssyncset.done $0x0  }
0x7a: {  	[sflag:s8] =	ssyncadd.s32 $0xFFFFC000  }
0x7b: {  	_ =	swait.ge [sflag:s31], $0x80  }
0x7c: {  	[sflag:s31] =	ssyncset.done $0x0  }
0x7d: {  	[sflag:s31] =	ssyncadd.s32 $0xFFFFFF80  }
0x7e: {  	_ =	swait.ge [sflag:s31], $0x80  }
0x7f: {  	[sflag:s31] =	ssyncset.done $0x0  }
0x80: {  	[sflag:s31] =	ssyncadd.s32 $0xFFFFFF80  }
0x81: {  	[tilespmem:s0], [sflag:$0x4] =	stream.indirect.gather [hbm4b:s2+s29], $0x80, s25, s29, $0xb8;
	[tilespmem:$0x1BE00] =	vst v63  }
0x82: {  	_ =	swait.ge [sflag:s1], $0x4000  }
0x83: {  	[sflag:s1] =	ssyncset.done $0x0  }
0x84: {  	[sflag:s1] =	ssyncadd.s32 $0xFFFFC000  }
0x85: {  	[spmem:s3] =	stream.indirect.scatter.add.f32 [tilespmem:s30], [sflag:$0x5], $0x80, s24, s29, $0xb8;
	[tilespmem:$0x1BE00] =	vst v63  }
0x86: {  	s13 =	sadd.s32 s12, s20  }
0x87: {  	[tilespmem:s23], [sflag:$0x1] =	stream.linear.gather [hbm4b:s13+s4], $0x80, $0x38;
	[tilespmem:$0x1BE00] =	vst v63  }
0x88: {  	s13 =	sadd.s32 s12, s21  }
0x89: {  	[tilespmem:s24], [sflag:$0x1] =	stream.linear.gather [hbm4b:s13+s4], $0x80, $0x38;
	[tilespmem:$0x1BE00] =	vst v63  }
0x8a: {  	_ =	swait.ge [sflag:s5], $0x4000  }
0x8b: {  	[sflag:s5] =	ssyncset.done $0x0  }
0x8c: {  	[sflag:s5] =	ssyncadd.s32 $0xFFFFC000  }
0x8d: {  	_ =	swait.ge [sflag:s28], $0x80  }
0x8e: {  	[sflag:s28] =	ssyncset.done $0x0  }
0x8f: {  	[sflag:s28] =	ssyncadd.s32 $0xFFFFFF80  }
0x90: {  	_ =	swait.ge [sflag:s28], $0x80  }
0x91: {  	[sflag:s28] =	ssyncset.done $0x0  }
0x92: {  	[sflag:s28] =	ssyncadd.s32 $0xFFFFFF80  }
0x93: {  	[tilespmem:s30], [sflag:$0x3] =	stream.indirect.gather [hbm4b:s2+s29], $0x80, s23, s29, $0xb8;
	[tilespmem:$0x1BE00] =	vst v63  }
0x94: {  	_ =	swait.ge [sflag:s6], $0x4000  }
0x95: {  	[sflag:s6] =	ssyncset.done $0x0  }
.Ltmp0:
0x96: {  	[sflag:s6] =	ssyncadd.s32 $0xFFFFC000;
	(pc) =	sbr.rel @p0 .LBB2_2-.Ltmp0, $4  }
0x97: {  	[spmem:s3] =	stream.indirect.scatter.add.f32 [tilespmem:s0], [sflag:$0x6], $0x80, s26, s29, $0xb8;
	[tilespmem:$0x1BE00] =	vst v63  }
0x98: {  	s13 =	sadd.s32 s12, s18  }
0x99: {  	[tilespmem:s25], [sflag:$0x2] =	stream.linear.gather [hbm4b:s13+s4], $0x80, $0x38;
	[tilespmem:$0x1BE00] =	vst v63  }
0x9a: {  	s12 =	sadd.s32 s12, s19  }
0x9b: {  	[tilespmem:s26], [sflag:$0x2] =	stream.linear.gather [hbm4b:s12+s4], $0x80, $0x38;
	[tilespmem:$0x1BE00] =	vst v63  }
0x9c: {  	_ =	swait.ge [sflag:s8], $0x4000  }
0x9d: {  	[sflag:s8] =	ssyncset.done $0x0  }
0x9e: {  	[sflag:s8] =	ssyncadd.s32 $0xFFFFC000  }
0x9f: {  	_ =	swait.ge [sflag:s31], $0x80  }
0xa0: {  	[sflag:s31] =	ssyncset.done $0x0  }
0xa1: {  	[sflag:s31] =	ssyncadd.s32 $0xFFFFFF80  }
0xa2: {  	_ =	swait.ge [sflag:s31], $0x80  }
0xa3: {  	[sflag:s31] =	ssyncset.done $0x0  }
0xa4: {  	[sflag:s31] =	ssyncadd.s32 $0xFFFFFF80  }
0xa5: {  	[tilespmem:s0], [sflag:$0x4] =	stream.indirect.gather [hbm4b:s2+s29], $0x80, s25, s29, $0xb8;
	[tilespmem:$0x1BE00] =	vst v63  }
0xa6: {  	_ =	swait.ge [sflag:s1], $0x4000  }
0xa7: {  	[sflag:s1] =	ssyncset.done $0x0  }
0xa8: {  	[sflag:s1] =	ssyncadd.s32 $0xFFFFC000  }
0xa9: {  	[spmem:s3] =	stream.indirect.scatter.add.f32 [tilespmem:s30], [sflag:$0x5], $0x80, s24, s29, $0xb8;
	[tilespmem:$0x1BE00] =	vst v63  }
0xaa: {  	_ =	swait.ge [sflag:s5], $0x4000  }
0xab: {  	[sflag:s5] =	ssyncset.done $0x0  }
0xac: {  	[sflag:s5] =	ssyncadd.s32 $0xFFFFC000  }
0xad: {  	_ =	swait.ge [sflag:s6], $0x4000  }
0xae: {  	[sflag:s6] =	ssyncset.done $0x0  }
0xaf: {  	[sflag:s6] =	ssyncadd.s32 $0xFFFFC000  }
0xb0: {  	[spmem:s3] =	stream.indirect.scatter.add.f32 [tilespmem:s0], [sflag:$0x6], $0x80, s26, s29, $0xb8;
	[tilespmem:$0x1BE00] =	vst v63  }
0xb1: {  	_ =	swait.ge [sflag:s8], $0x4000  }
0xb2: {  	s9 =	sadd.s32 $0x1, s9;
	[sflag:s8] =	ssyncset.done $0x0  }
0xb3: {  	p0 =	sne.s32 s9, s17;
	[sflag:s8] =	ssyncadd.s32 $0xFFFFC000  }
.Ltmp1:
0xb4: {  	[bflag:$0x0] =	sbarrier.arrive $0xFFFF;
	(pc) =	sbr.rel @p0 .LBB2_1-.Ltmp1, $4  }
0xb5: {  	[hbm:s16], [sflag:s7] =	dma.local [spmem:s10], $0x2780  }
0xb6: {  	_ =	swait.ge [sflag:s22], $0x2780  }
0xb7: {  	[sflag:s22] =	ssyncset.done $0x0  }
0xb8: {  	[sflag:s22] =	ssyncadd.s32 $0xFFFFD880  }
0xb9: {  	_ =	sfence.sel $0x180000  }
0xba: {  	[bflag:$0x0] =	sbarrier.arrive $0xFFFF  }
0xbb: {  	_ =	strace $0x9000004A  }
0xbc: {  	s0 =	stileid.u32;
	[bflag:$0x2] =	sbarrier.arrive $0xFFFF  }
0xbd: {  	p0 =	sne.s32 s0, $0x0;
	s0 =	rddreg [dreg:$0x3]  }
0xbe: {  	s0 =	sadd.s32 @!p0 $0x100000, s0  }
0xbf: {  	[sflag:s0] =	ssyncadd.tile.s32 @!p0 $0x1;
	_ =	shalt  }
.Lfunc_end2:
_tile_overlayer_lowered:
.L_overlay_start_2:
0xc0: {  	(tag) =	ssettag $0x2  }
0xc1: {  	s0 =	rddreg [dreg:$0x0];
	s2 =	stileid.u32  }
0xc2: {  	s1 =	rddreg [dreg:$0x1];
	p0 =	sne.s32 s2, $0x0  }
0xc3: {  	s3 =	rddreg [dreg:$0x2];
	[bflag:$0x3] =	sbarrier.arrive $0xFFFF;
	s2 =	simm.s32 @!p0 $0x1C07  }
0xc4: {  	[timem:s3], [sflag:s2] =	dma.local @!p0 [hbm:s0], s1  }
0xc5: {  	s0 =	simm.s32 @!p0 $0x7  }
0xc6: {  	_ =	swait.ge @!p0 [sflag:s0], s1  }
0xc7: {  	s1 =	ssub.s32 @!p0 $0x0, s1;
	[sflag:s0] =	ssyncset.done @!p0 $0x0  }
0xc8: {  	[sflag:s0] =	ssyncadd.s32 @!p0 s1  }
0xc9: {  	[bflag:$0x3] =	sbarrier.arrive $0xFFFF  }
0xca: {  	_ =	shalt  }

// kernel: kernel.17.cloned.1.call-start
scs
__scs_entry_jumppad:
0x0: {  	(pc) =	sbr.rel $0x88, $3  }
0x1: {  	(tag) =	ssettag $0x0;
	lr =	simm.s32 $0x1  }
0x2: {  	[smem:$0x3F85] =	sst lr;
	_ =	strace $0xD0000000  }
0x3: {  	_ = 	snop  }
0x4: {  	_ = 	snop  }
0x5: {  	_ = 	snop  }
0x6: {  	_ = 	snop  }
0x7: {  	_ = 	snop  }
__scs_overlays_trampoline_lowered:
0x8: {  	[smem:$0x3F94] =	sst s0  }
0x9: {  	[smem:$0x3F95] =	sst s1  }
0xa: {  	[smem:$0x3F96] =	sst s2  }
0xb: {  	[smem:$0x3F97] =	sst s3  }
0xc: {  	[smem:$0x3F98] =	sst s4  }
0xd: {  	[smem:$0x3F99] =	sst s5  }
0xe: {  	[smem:$0x3F9A] =	sst s6  }
0xf: {  	[smem:$0x3F9B] =	sst s7  }
0x10: {  	[smem:$0x3F9C] =	sst s8  }
0x11: {  	[smem:$0x3F9D] =	sst s9;
	s0 =	simm.s32 @!p0 $0x0  }
0x12: {  	s1 =	sld [smem:$0x3F83];
	s0 =	simm.s32 @p0 $0x1  }
0x13: {  	[smem:$0x3F9E] =	sst s0;
	s0 =	simm.s32 @!p1 $0x0  }
0x14: {  	s2 =	sld [smem:$0x3F82];
	s0 =	simm.s32 @p1 $0x1  }
0x15: {  	[smem:$0x3F9F] =	sst s0;
	s0 =	simm.s32 @!p2 $0x0  }
0x16: {  	s3 =	sld [smem:$0x3FDB];
	s0 =	simm.s32 @p2 $0x1  }
0x17: {  	s4 =	simm.s32 $0x1BF5;
	[smem:$0x3FA1] =	sst s0  }
0x18: {  	s0 =	sld [smem:$0x3F84];
	_ =	swait.ge [sflag:s4], $0x0  }
0x19: {  	s7 =	sld [smem:$0x3F85]  }
0x1a: {  	s8 =	sadd.s32 $0xFFFFE003, lr  }
0x1b: {  	s9 =	sadd.s32 $0xFFFFFEF7, lr;
	s5 =	simm.s32 $0xFFFFFFFF;
	p2 =	slt.u32 s8, $0xFFFFF086  }
0x1c: {  	p1 =	slt.u32 s9, $0xF7A;
	s5 =	simm.s32 @!p2 $0x0  }
0x1d: {  	s5 =	simm.s32 @p1 $0x1;
	p0 =	seq.s32 s7, s2  }
0x1e: {  	s7 =	smul.u32 @!p0 $0xF7A, s2;
	p2 =	seq.s32 @!p0 s5, $0x0  }
0x1f: {  	s9 =	smul.u32 $0xF7A, s1;
	s8 =	simm.s32 @!p0 $0x1BF5;
	p2 =	por !p2, p0  }
0x20: {  	[sflag:s8] =	ssyncset.s32 @!p0 $0xFFFFF086;
	s6 =	sadd.s32 @!p0 s3, s7;
	s7 =	simm.s32 @!p0 $0x108  }
0x21: {  	s3 =	sadd.s32 s3, s9;
	s6 =	sadd.s32 @!p0 $0x88, s6;
	s7 =	simm.s32 @p2 $0x1082  }
0x22: {  	[simem:s7], [sflag:s8] =	dma.local @!p0 [hbm:s6], $0xF7A  }
0x23: {  	s9 =	sor.u32 $0xD0000000, s2;
	s6 =	simm.s32 $0x108;
	_ =	swait.ge @!p0 [sflag:s8], $0x0  }
0x24: {  	s3 =	sadd.s32 $0x88, s3;
	s6 =	simm.s32 @!p1 $0x1082;
	[sflag:s4] =	ssyncset.s32 $0xFFFFF086  }
0x25: {  	[simem:s6], [sflag:s4] =	dma.local [hbm:s3], $0xF7A  }
0x26: {  	[smem:$0x3F85] =	sst s1;
	(tag) =	ssettag s2;
	_ =	strace s9  }
0x27: {  	s1 =	sld [smem:$0x3F95]  }
0x28: {  	s2 =	sld [smem:$0x3F96]  }
0x29: {  	s4 =	sld [smem:$0x3F98]  }
0x2a: {  	p0 =	seq.s32 s5, $0x0;
	s5 =	sld [smem:$0x3F99]  }
0x2b: {  	s6 =	sld [smem:$0x3F9A]  }
0x2c: {  	s7 =	sld [smem:$0x3F9B]  }
0x2d: {  	s3 =	simm.s32 $0x108;
	s8 =	sld [smem:$0x3F9C]  }
0x2e: {  	s3 =	simm.s32 @!p0 $0x1082;
	s9 =	sld [smem:$0x3F9D]  }
0x2f: {  	lr =	sadd.s32 s0, s3;
	s0 =	sld [smem:$0x3F94]  }
0x30: {  	s3 =	sld [smem:$0x3F97]  }
0x31: {  	[smem:$0x3FA0] =	sst s10  }
0x32: {  	s10 =	sld [smem:$0x3F9E];
	_ =	sdelay $0x3  }
0x33: {  	p0 =	seq.s32 s10, $0x1;
	s10 =	sld [smem:$0x3FA0];
	_ =	sdelay $0x3  }
0x34: {  	[smem:$0x3FA0] =	sst s10  }
0x35: {  	s10 =	sld [smem:$0x3F9F];
	_ =	sdelay $0x3  }
0x36: {  	p1 =	seq.s32 s10, $0x1;
	s10 =	sld [smem:$0x3FA0];
	_ =	sdelay $0x3  }
0x37: {  	[smem:$0x3FA0] =	sst s10  }
0x38: {  	s10 =	sld [smem:$0x3FA1]  }
0x39: {  	_ = 	snop;
	(pc) =	sbr.ind lr, $3  }
0x3a: {  	_ = 	snop  }
0x3b: {  	_ = 	snop  }
0x3c: {  	p2 =	seq.s32 s10, $0x1;
	s10 =	sld [smem:$0x3FA0]  }
0x3d: {  	_ =	shalt  }
0x3e: {  	_ =	shalt  }
0x3f: {  	_ =	shalt  }
0x40: {  	_ =	shalt  }
0x41: {  	_ =	shalt  }
0x42: {  	_ =	shalt  }
0x43: {  	_ =	shalt  }
0x44: {  	_ =	shalt  }
0x45: {  	_ =	shalt  }
0x46: {  	_ =	shalt  }
0x47: {  	_ =	shalt  }
0x48: {  	_ =	shalt  }
0x49: {  	_ =	shalt  }
0x4a: {  	_ =	shalt  }
0x4b: {  	_ =	shalt  }
0x4c: {  	_ =	shalt  }
0x4d: {  	_ =	shalt  }
0x4e: {  	_ =	shalt  }
0x4f: {  	_ =	shalt  }
0x50: {  	_ =	shalt  }
0x51: {  	_ =	shalt  }
0x52: {  	_ =	shalt  }
0x53: {  	_ =	shalt  }
0x54: {  	_ =	shalt  }
0x55: {  	_ =	shalt  }
0x56: {  	_ =	shalt  }
0x57: {  	_ =	shalt  }
0x58: {  	_ =	shalt  }
0x59: {  	_ =	shalt  }
0x5a: {  	_ =	shalt  }
0x5b: {  	_ =	shalt  }
0x5c: {  	_ =	shalt  }
0x5d: {  	_ =	shalt  }
0x5e: {  	_ =	shalt  }
0x5f: {  	_ =	shalt  }
0x60: {  	_ =	shalt  }
0x61: {  	_ =	shalt  }
0x62: {  	_ =	shalt  }
0x63: {  	_ =	shalt  }
0x64: {  	_ =	shalt  }
0x65: {  	_ =	shalt  }
0x66: {  	_ =	shalt  }
0x67: {  	_ =	shalt  }
0x68: {  	_ =	shalt  }
0x69: {  	_ =	shalt  }
0x6a: {  	_ =	shalt  }
0x6b: {  	_ =	shalt  }
0x6c: {  	_ =	shalt  }
0x6d: {  	_ =	shalt  }
0x6e: {  	_ =	shalt  }
0x6f: {  	_ =	shalt  }
0x70: {  	_ =	shalt  }
0x71: {  	_ =	shalt  }
0x72: {  	_ =	shalt  }
0x73: {  	_ =	shalt  }
0x74: {  	_ =	shalt  }
0x75: {  	_ =	shalt  }
0x76: {  	_ =	shalt  }
0x77: {  	_ =	shalt  }
0x78: {  	_ =	shalt  }
0x79: {  	_ =	shalt  }
0x7a: {  	_ =	shalt  }
0x7b: {  	_ =	shalt  }
0x7c: {  	_ =	shalt  }
0x7d: {  	_ =	shalt  }
0x7e: {  	_ =	shalt  }
0x7f: {  	_ =	shalt  }
0x80: {  	_ =	shalt  }
0x81: {  	_ =	shalt  }
0x82: {  	_ =	shalt  }
0x83: {  	_ =	shalt  }
0x84: {  	_ =	shalt  }
0x85: {  	_ =	shalt  }
0x86: {  	_ =	shalt  }
0x87: {  	_ =	shalt  }
.Lfunc_end0:
.L_simem_size_0:
called_computation.2_lowered:
.L_overlay_start_0:
0x88: {  	s2 =	sld [smem:$0x3FD9]  }
0x89: {  	s3 =	sld [smem:$0x3FFE];
	_ =	sdelay $0x1  }
0x8a: {  	s1 =	srdreg.scid  }
0x8b: {  	s0 =	sand.u32 $0x1, s1  }
0x8c: {  	s17 =	sshll.u32 s0, $0xA;
	s2 =	sadd.s32 s3, s2  }
0x8d: {  	s2 =	sadd.s32 s2, s17  }
0x8e: {  	[smem:$0x3FAC] =	sst s2  }
0x8f: {  	_ = 	snop  }
0x90: {  	s2 =	sld [smem:$0x3FD0];
	(tm) =	ssettm $0x1  }
0x91: {  	s18 =	sld [smem:$0x3FFB];
	_ =	sdelay $0x3  }
0x92: {  	_ =	strace s18  }
0x93: {  	s3 =	sld [smem:$0x3FFC];
	_ =	sdelay $0x3  }
0x94: {  	_ =	strace s3  }
0x95: {  	s3 =	sld [smem:$0x3FFD];
	_ =	sdelay $0x3  }
0x96: {  	_ =	strace s3  }
0x97: {  	_ =	strace $0x8FFFFFFF  }
0x98: {  	s19 =	sld [smem:$0x3FDB];
	_ =	sdelay $0x1  }
0x99: {  	s4 =	simm.s32 $_scs_section_size  }
0x9a: {  	s5 =	simm.s32 $_size__tile_overlayer_lowered;
	s6 =	simm.s32 $_tile_overlayer_lowered  }
0x9b: {  	s22 =	simm.s32 $0x1BFF;
	s21 =	sshll.u32 s6, $0x1;
	s3 =	sadd.s32 s4, s19  }
0x9c: {  	s7 =	simm.s32 $0x0;
	s20 =	sshll.u32 s5, $0x1;
	s5 =	sadd.s32 s21, s3  }
0x9d: {  	[timem:s7], [sflag:s22] =	dma.local [hbm:s5], s20  }
0x9e: {  	_ =	swait.ge [sflag:s22], s20  }
0x9f: {  	s4 =	ssub.s32 $0x0, s20;
	[sflag:s22] =	ssyncset.done $0x0  }
0xa0: {  	[sflag:s22] =	ssyncadd.s32 s4;
	_ =	sdelay $0x1  }
0xa1: {  	s23 =	simm.s32 $0x1B8B  }
0xa2: {  	_ =	swait.ge [sflag:s23], $0x1  }
0xa3: {  	[sflag:s23] =	ssyncset.done $0x0  }
0xa4: {  	s25 =	simm.s32 $0x1B8E;
	s24 =	sld [smem:$0x3FFE];
	[sflag:s23] =	ssyncadd.s32 $0xFFFFFFFF  }
0xa5: {  	s26 =	simm.s32 $execute0_lowered;
	[smem:$0x3FD2] =	sst s25  }
0xa6: {  	s5 =	sshll.u32 s26, $0x1;
	_ =	strace $0x8000004C;
	[dreg:$0x1] =	wrdreg $0xFFFFFFFF  }
0xa7: {  	s28 =	simm.s32 $_size_execute0_lowered;
	s3 =	sadd.s32 s3, s5;
	[dreg:$0x0] =	wrdreg $0x0  }
0xa8: {  	s5 =	sshll.u32 s28, $0x1;
	[dreg:$0x2] =	wrdreg s3  }
0xa9: {  	[dreg:$0x3] =	wrdreg s5  }
0xaa: {  	[dreg:$0x4] =	wrdreg $0xC0  }
0xab: {  	_ =	task [dreg:s7], $0x5FFFF  }
0xac: {  	[dreg:$0x1] =	wrdreg $0xFFFFFFFF  }
0xad: {  	[dreg:$0x0] =	wrdreg $0x60  }
0xae: {  	[dreg:$0x2] =	wrdreg s2  }
0xaf: {  	[dreg:$0x3] =	wrdreg s24  }
0xb0: {  	[dreg:$0x4] =	wrdreg $0x0  }
0xb1: {  	[dreg:$0x5] =	wrdreg $0x9  }
0xb2: {  	_ =	task.clear_ibuf [dreg:s7], $0x6FFFF;
	_ =	strace $0x9000004C  }
0xb3: {  	s29 =	simm.s32 $0x9;
	_ =	strace $0x8000004E  }
0xb4: {  	_ =	swait.ge [sflag:s29], $0x1  }
0xb5: {  	[sflag:s29] =	ssyncadd.s32 $0xFFFFFFFF  }
0xb6: {  	_ =	strace $0x9000004E  }
0xb7: {  	_ =	sfence  }
0xb8: {  	s30 =	sld [smem:$0x0];
	_ =	sdelay $0x2  }
0xb9: {  	s31 =	sshll.u32 s1, $0xD;
	s1 =	sshrl.u32 s1, $0x2  }
0xba: {  	s3 =	sand.u32 $0x4000, s31;
	s1 =	sadd.s32 s1, s30  }
0xbb: {  	s0 =	sor.u32 s3, s0;
	s1 =	sshll.u32 s1, $0x11  }
0xbc: {  	s0 =	sor.u32 s1, s0  }
0xbd: {  	s0 =	sadd.s32 $0x8F2B, s0  }
0xbe: {  	[sflag:s0] =	ssyncadd.remote.s32 $0x1  }
0xbf: {  	_ =	sfence.sel $0xFFFF  }
0xc0: {  	[dreg:$0x0] =	wrdreg $0xFFFFFFFF;
	(pc) =	sbr.abs _section_cstart, $3  }
0xc1: {  	[dreg:$0x1] =	wrdreg $0xFFFFFFFF  }
0xc2: {  	_ =	task.clear_ibuf [dreg:s7], $0x2FFFF;
	_ =	strace $0x9FFFFFFF  }
0xc3: {  	(tm) =	ssettm $0x7FFFFFFF  }
tec
execute0_lowered:
.L_overlay_start_1:
0x0: {  	(tag) =	ssettag $0x1  }
0x1: {  	s2 =	rddreg [dreg:$0x0]  }
0x2: {  	s0 =	rddreg [dreg:$0x1]  }
0x3: {  	s3 =	rddreg [dreg:$0x2]  }
0x4: {  	s13 =	stileid.u32;
	s1 =	srdreg.scid  }
0x5: {  	s4 =	simm.s32 $0x0;
	s28 =	simm.s32 $0x1;
	s29 =	simm.s32 $0x80  }
0x6: {  	s30 =	simm.s32 $0x13E00;
	s31 =	simm.s32 $0x2;
	s5 =	smul.u32 $0x13C00, s13  }
0x7: {  	s1 =	sand.u32 $0x1, s1;
	[smem:$0x7FF] =	sst s4;
	s12 =	smul.u32 $0x4F000, s13  }
0x8: {  	s8 =	sadd.s32 $0x2D600, s0;
	s9 =	sadd.s32 $0x37600, s0;
	s18 =	smul.u32 $0xA0, s13  }
0x9: {  	s11 =	sshll.u32 s13, $0x1;
	s6 =	smul.u32 $0x13C000, s1;
	s25 =	ssub.s32 $0x2, s1  }
0xa: {  	_ =	strace $0x8000004D;
	s7 =	sshrl.u32 s5, $0x3;
	s10 =	sshrl.u32 s25, $0x1  }
0xb: {  	s5 =	sadd.s32 s5, s6;
	s24 =	sadd.s32 s7, s0;
	s26 =	ssub.s32 s25, s10  }
0xc: {  	s10 =	sor.u32 s1, s11;
	s11 =	sshrl.u32 s12, $0x2;
	s12 =	sshll.u32 s13, $0x6  }
0xd: {  	s1 =	smul.u32 $0x50, s1;
	s5 =	sshrl.u32 s5, $0x3;
	s15 =	sadd.s32 s11, s3  }
0xe: {  	s14 =	smul.u32 $0x500, s10;
	s6 =	sadd.s32 $0x41600, s24;
	[dreg:$0x4] =	wrdreg s15  }
0xf: {  	s7 =	sor.u32 $0x1C07, s12;
	s0 =	sadd.s32 s5, s0;
	[dreg:$0x5] =	wrdreg s6  }
0x10: {  	s1 =	sadd.s32 s1, s18;
	s5 =	simm.s32 $0x5;
	s6 =	simm.s32 $0x4  }
0x11: {  	s16 =	sadd.s32 s8, s14;
	s17 =	sadd.s32 s9, s14;
	s19 =	sor.u32 $0x10, s14  }
0x12: {  	s20 =	sor.u32 $0x20, s14;
	s24 =	sor.u32 $0x30, s14;
	[dreg:$0x6] =	wrdreg s16  }
0x13: {  	s1 =	sshll.u32 s1, $0x4;
	[dreg:$0x7] =	wrdreg s17;
	s21 =	sadd.s32 s8, s19  }
0x14: {  	s10 =	sadd.s32 s9, s19;
	s22 =	sadd.s32 s8, s20;
	s23 =	sadd.s32 s9, s20  }
0x15: {  	s14 =	sadd.s32 s8, s24;
	s15 =	sadd.s32 s9, s24;
	s16 =	sadd.s32 $0x68E00, s0  }
0x16: {  	s17 =	smax.u32 s26, $0x1;
	s25 =	sadd.s32 s1, s8;
	[dreg:$0x8] =	wrdreg s21  }
0x17: {  	s26 =	sadd.s32 s1, s9;
	s1 =	sor.u32 $0x40, s1;
	[dreg:$0x9] =	wrdreg s10  }
0x18: {  	s24 =	simm.s32 $0x13D00;
	s0 =	simm.s32 $0x17E00;
	[dreg:$0xa] =	wrdreg s22  }
0x19: {  	[dreg:$0xb] =	wrdreg s23;
	s18 =	sadd.s32 $0x50, s25;
	s19 =	sadd.s32 $0x50, s26  }
0x1a: {  	s20 =	sadd.s32 s1, s8;
	s21 =	sadd.s32 s1, s9;
	s22 =	simm.s32 $0x7  }
0x1b: {  	s23 =	simm.s32 $0x13C00;
	s25 =	simm.s32 $0x13C80;
	s26 =	simm.s32 $0x13D80  }
0x1c: {  	s1 =	simm.s32 $0x3;
	s8 =	simm.s32 $0x6;
	s9 =	simm.s32 $0x0  }
.LBB2_1:
0x1d: {  	s10 =	rddreg [dreg:$0x4]  }
0x1e: {  	s11 =	rddreg [dreg:$0x5];
	s10 =	sshrl.u32 s10, $0x3  }
0x1f: {  	[spmem:s10], [sflag:s7] =	dma.local [hbm:s11], $0x2780  }
0x20: {  	_ =	swait.ge [sflag:s22], $0x2780  }
0x21: {  	[sflag:s22] =	ssyncset.done $0x0  }
0x22: {  	[sflag:s22] =	ssyncadd.s32 $0xFFFFD880  }
0x23: {  	[bflag:$0x0] =	sbarrier.arrive $0xFFFF  }
0x24: {  	s13 =	rddreg [dreg:$0x6]  }
0x25: {  	[tilespmem:s23], [sflag:$0x1] =	stream.linear.gather [hbm4b:s13+s4], $0x80, $0x38;
	[tilespmem:$0x1BE00] =	vst v63  }
0x26: {  	s12 =	rddreg [dreg:$0x7]  }
0x27: {  	[tilespmem:s24], [sflag:$0x1] =	stream.linear.gather [hbm4b:s12+s4], $0x80, $0x38;
	[tilespmem:$0x1BE00] =	vst v63  }
0x28: {  	s13 =	rddreg [dreg:$0x8]  }
0x29: {  	[tilespmem:s25], [sflag:$0x2] =	stream.linear.gather [hbm4b:s13+s4], $0x80, $0x38;
	[tilespmem:$0x1BE00] =	vst v63  }
0x2a: {  	s12 =	rddreg [dreg:$0x9]  }
0x2b: {  	[tilespmem:s26], [sflag:$0x2] =	stream.linear.gather [hbm4b:s12+s4], $0x80, $0x38;
	[tilespmem:$0x1BE00] =	vst v63  }
0x2c: {  	_ =	swait.ge [sflag:s28], $0x80  }
0x2d: {  	[sflag:s28] =	ssyncset.done $0x0  }
0x2e: {  	[sflag:s28] =	ssyncadd.s32 $0xFFFFFF80  }
0x2f: {  	_ =	swait.ge [sflag:s28], $0x80  }
0x30: {  	[sflag:s28] =	ssyncset.done $0x0  }
0x31: {  	[sflag:s28] =	ssyncadd.s32 $0xFFFFFF80  }
0x32: {  	[tilespmem:s30], [sflag:$0x3] =	stream.indirect.gather [hbm4b:s2+s29], $0x80, s23, s29, $0xb8;
	[tilespmem:$0x1BE00] =	vst v63  }
0x33: {  	_ =	swait.ge [sflag:s31], $0x80  }
0x34: {  	[sflag:s31] =	ssyncset.done $0x0  }
0x35: {  	[sflag:s31] =	ssyncadd.s32 $0xFFFFFF80  }
0x36: {  	_ =	swait.ge [sflag:s31], $0x80  }
0x37: {  	[sflag:s31] =	ssyncset.done $0x0  }
0x38: {  	[sflag:s31] =	ssyncadd.s32 $0xFFFFFF80  }
0x39: {  	[tilespmem:s0], [sflag:$0x4] =	stream.indirect.gather [hbm4b:s2+s29], $0x80, s25, s29, $0xb8;
	[tilespmem:$0x1BE00] =	vst v63  }
0x3a: {  	_ =	swait.ge [sflag:s1], $0x4000  }
0x3b: {  	[sflag:s1] =	ssyncset.done $0x0  }
0x3c: {  	[sflag:s1] =	ssyncadd.s32 $0xFFFFC000  }
0x3d: {  	[spmem:s3] =	stream.indirect.scatter.add.f32 [tilespmem:s30], [sflag:$0x5], $0x80, s24, s29, $0xb8;
	[tilespmem:$0x1BE00] =	vst v63  }
0x3e: {  	s13 =	rddreg [dreg:$0xa]  }
0x3f: {  	[tilespmem:s23], [sflag:$0x1] =	stream.linear.gather [hbm4b:s13+s4], $0x80, $0x38;
	[tilespmem:$0x1BE00] =	vst v63  }
0x40: {  	s12 =	rddreg [dreg:$0xb]  }
0x41: {  	[tilespmem:s24], [sflag:$0x1] =	stream.linear.gather [hbm4b:s12+s4], $0x80, $0x38;
	[tilespmem:$0x1BE00] =	vst v63  }
0x42: {  	_ =	swait.ge [sflag:s5], $0x4000  }
0x43: {  	[sflag:s5] =	ssyncset.done $0x0  }
0x44: {  	[sflag:s5] =	ssyncadd.s32 $0xFFFFC000  }
0x45: {  	_ =	swait.ge [sflag:s28], $0x80  }
0x46: {  	[sflag:s28] =	ssyncset.done $0x0  }
0x47: {  	[sflag:s28] =	ssyncadd.s32 $0xFFFFFF80  }
0x48: {  	_ =	swait.ge [sflag:s28], $0x80  }
0x49: {  	[sflag:s28] =	ssyncset.done $0x0  }
0x4a: {  	[sflag:s28] =	ssyncadd.s32 $0xFFFFFF80  }
0x4b: {  	[tilespmem:s30], [sflag:$0x3] =	stream.indirect.gather [hbm4b:s2+s29], $0x80, s23, s29, $0xb8;
	[tilespmem:$0x1BE00] =	vst v63  }
0x4c: {  	_ =	swait.ge [sflag:s6], $0x4000  }
0x4d: {  	[sflag:s6] =	ssyncset.done $0x0  }
0x4e: {  	[sflag:s6] =	ssyncadd.s32 $0xFFFFC000  }
0x4f: {  	[spmem:s3] =	stream.indirect.scatter.add.f32 [tilespmem:s0], [sflag:$0x6], $0x80, s26, s29, $0xb8;
	[tilespmem:$0x1BE00] =	vst v63  }
0x50: {  	_ = 	snop  }
0x51: {  	[tilespmem:s25], [sflag:$0x2] =	stream.linear.gather [hbm4b:s14+s4], $0x80, $0x38;
	[tilespmem:$0x1BE00] =	vst v63  }
0x52: {  	_ = 	snop  }
0x53: {  	[tilespmem:s26], [sflag:$0x2] =	stream.linear.gather [hbm4b:s15+s4], $0x80, $0x38;
	[tilespmem:$0x1BE00] =	vst v63  }
0x54: {  	_ =	swait.ge [sflag:s8], $0x4000  }
0x55: {  	[sflag:s8] =	ssyncset.done $0x0  }
0x56: {  	[sflag:s8] =	ssyncadd.s32 $0xFFFFC000  }
0x57: {  	_ =	swait.ge [sflag:s31], $0x80  }
0x58: {  	[sflag:s31] =	ssyncset.done $0x0  }
0x59: {  	[sflag:s31] =	ssyncadd.s32 $0xFFFFFF80  }
0x5a: {  	_ =	swait.ge [sflag:s31], $0x80  }
0x5b: {  	[sflag:s31] =	ssyncset.done $0x0  }
0x5c: {  	[sflag:s31] =	ssyncadd.s32 $0xFFFFFF80  }
0x5d: {  	[tilespmem:s0], [sflag:$0x4] =	stream.indirect.gather [hbm4b:s2+s29], $0x80, s25, s29, $0xb8;
	[tilespmem:$0x1BE00] =	vst v63  }
0x5e: {  	_ =	swait.ge [sflag:s1], $0x4000  }
0x5f: {  	[sflag:s1] =	ssyncset.done $0x0  }
0x60: {  	[sflag:s1] =	ssyncadd.s32 $0xFFFFC000  }
0x61: {  	[spmem:s3] =	stream.indirect.scatter.add.f32 [tilespmem:s30], [sflag:$0x5], $0x80, s24, s29, $0xb8;
	[tilespmem:$0x1BE00] =	vst v63  }
0x62: {  	s13 =	sadd.s32 $0x0, s20  }
0x63: {  	[tilespmem:s23], [sflag:$0x1] =	stream.linear.gather [hbm4b:s13+s4], $0x80, $0x38;
	[tilespmem:$0x1BE00] =	vst v63  }
0x64: {  	s12 =	sadd.s32 $0x0, s21  }
0x65: {  	[tilespmem:s24], [sflag:$0x1] =	stream.linear.gather [hbm4b:s12+s4], $0x80, $0x38;
	[tilespmem:$0x1BE00] =	vst v63  }
0x66: {  	_ =	swait.ge [sflag:s5], $0x4000  }
0x67: {  	[sflag:s5] =	ssyncset.done $0x0  }
0x68: {  	[sflag:s5] =	ssyncadd.s32 $0xFFFFC000  }
0x69: {  	_ =	swait.ge [sflag:s28], $0x80  }
0x6a: {  	[sflag:s28] =	ssyncset.done $0x0  }
0x6b: {  	[sflag:s28] =	ssyncadd.s32 $0xFFFFFF80  }
0x6c: {  	_ =	swait.ge [sflag:s28], $0x80  }
0x6d: {  	[sflag:s28] =	ssyncset.done $0x0  }
0x6e: {  	[sflag:s28] =	ssyncadd.s32 $0xFFFFFF80  }
0x6f: {  	[tilespmem:s30], [sflag:$0x3] =	stream.indirect.gather [hbm4b:s2+s29], $0x80, s23, s29, $0xb8;
	[tilespmem:$0x1BE00] =	vst v63  }
0x70: {  	_ =	swait.ge [sflag:s6], $0x4000  }
0x71: {  	[sflag:s6] =	ssyncset.done $0x0  }
0x72: {  	[sflag:s6] =	ssyncadd.s32 $0xFFFFC000  }
0x73: {  	[spmem:s3] =	stream.indirect.scatter.add.f32 [tilespmem:s0], [sflag:$0x6], $0x80, s26, s29, $0xb8;
	[tilespmem:$0x1BE00] =	vst v63  }
0x74: {  	s11 =	simm.s32 $0x20;
	s13 =	sadd.s32 $0x0, s18;
	s12 =	sadd.s32 $0x0, s19  }
0x75: {  	[tilespmem:s25], [sflag:$0x2] =	stream.linear.gather [hbm4b:s13+s4], $0x80, $0x38;
	[tilespmem:$0x1BE00] =	vst v63  }
.LBB2_2:
0x76: {  	[tilespmem:s26], [sflag:$0x2] =	stream.linear.gather [hbm4b:s12+s4], $0x80, $0x38;
	[tilespmem:$0x1BE00] =	vst v63  }
0x77: {  	s12 =	smov.u32 s11  }
0x78: {  	p0 =	sne.s32 s11, $0x4A0;
	s11 =	sadd.s32 $0x20, s11;
	_ =	swait.ge [sflag:s8], $0x4000  }
0x79: {  	[sflag:s8] =	ssyncset.done $0x0  }
0x7a: {  	[sflag:s8] =	ssyncadd.s32 $0xFFFFC000  }
0x7b: {  	_ =	swait.ge [sflag:s31], $0x80  }
0x7c: {  	[sflag:s31] =	ssyncset.done $0x0  }
0x7d: {  	[sflag:s31] =	ssyncadd.s32 $0xFFFFFF80  }
0x7e: {  	_ =	swait.ge [sflag:s31], $0x80  }
0x7f: {  	[sflag:s31] =	ssyncset.done $0x0  }
0x80: {  	[sflag:s31] =	ssyncadd.s32 $0xFFFFFF80  }
0x81: {  	[tilespmem:s0], [sflag:$0x4] =	stream.indirect.gather [hbm4b:s2+s29], $0x80, s25, s29, $0xb8;
	[tilespmem:$0x1BE00] =	vst v63  }
0x82: {  	_ =	swait.ge [sflag:s1], $0x4000  }
0x83: {  	[sflag:s1] =	ssyncset.done $0x0  }
0x84: {  	[sflag:s1] =	ssyncadd.s32 $0xFFFFC000  }
0x85: {  	[spmem:s3] =	stream.indirect.scatter.add.f32 [tilespmem:s30], [sflag:$0x5], $0x80, s24, s29, $0xb8;
	[tilespmem:$0x1BE00] =	vst v63  }
0x86: {  	s13 =	sadd.s32 s12, s20  }
0x87: {  	[tilespmem:s23], [sflag:$0x1] =	stream.linear.gather [hbm4b:s13+s4], $0x80, $0x38;
	[tilespmem:$0x1BE00] =	vst v63  }
0x88: {  	s13 =	sadd.s32 s12, s21  }
0x89: {  	[tilespmem:s24], [sflag:$0x1] =	stream.linear.gather [hbm4b:s13+s4], $0x80, $0x38;
	[tilespmem:$0x1BE00] =	vst v63  }
0x8a: {  	_ =	swait.ge [sflag:s5], $0x4000  }
0x8b: {  	[sflag:s5] =	ssyncset.done $0x0  }
0x8c: {  	[sflag:s5] =	ssyncadd.s32 $0xFFFFC000  }
0x8d: {  	_ =	swait.ge [sflag:s28], $0x80  }
0x8e: {  	[sflag:s28] =	ssyncset.done $0x0  }
0x8f: {  	[sflag:s28] =	ssyncadd.s32 $0xFFFFFF80  }
0x90: {  	_ =	swait.ge [sflag:s28], $0x80  }
0x91: {  	[sflag:s28] =	ssyncset.done $0x0  }
0x92: {  	[sflag:s28] =	ssyncadd.s32 $0xFFFFFF80  }
0x93: {  	[tilespmem:s30], [sflag:$0x3] =	stream.indirect.gather [hbm4b:s2+s29], $0x80, s23, s29, $0xb8;
	[tilespmem:$0x1BE00] =	vst v63  }
0x94: {  	_ =	swait.ge [sflag:s6], $0x4000  }
0x95: {  	[sflag:s6] =	ssyncset.done $0x0  }
.Ltmp0:
0x96: {  	[sflag:s6] =	ssyncadd.s32 $0xFFFFC000;
	(pc) =	sbr.rel @p0 .LBB2_2-.Ltmp0, $4  }
0x97: {  	[spmem:s3] =	stream.indirect.scatter.add.f32 [tilespmem:s0], [sflag:$0x6], $0x80, s26, s29, $0xb8;
	[tilespmem:$0x1BE00] =	vst v63  }
0x98: {  	s13 =	sadd.s32 s12, s18  }
0x99: {  	[tilespmem:s25], [sflag:$0x2] =	stream.linear.gather [hbm4b:s13+s4], $0x80, $0x38;
	[tilespmem:$0x1BE00] =	vst v63  }
0x9a: {  	s12 =	sadd.s32 s12, s19  }
0x9b: {  	[tilespmem:s26], [sflag:$0x2] =	stream.linear.gather [hbm4b:s12+s4], $0x80, $0x38;
	[tilespmem:$0x1BE00] =	vst v63  }
0x9c: {  	_ =	swait.ge [sflag:s8], $0x4000  }
0x9d: {  	[sflag:s8] =	ssyncset.done $0x0  }
0x9e: {  	[sflag:s8] =	ssyncadd.s32 $0xFFFFC000  }
0x9f: {  	_ =	swait.ge [sflag:s31], $0x80  }
0xa0: {  	[sflag:s31] =	ssyncset.done $0x0  }
0xa1: {  	[sflag:s31] =	ssyncadd.s32 $0xFFFFFF80  }
0xa2: {  	_ =	swait.ge [sflag:s31], $0x80  }
0xa3: {  	[sflag:s31] =	ssyncset.done $0x0  }
0xa4: {  	[sflag:s31] =	ssyncadd.s32 $0xFFFFFF80  }
0xa5: {  	[tilespmem:s0], [sflag:$0x4] =	stream.indirect.gather [hbm4b:s2+s29], $0x80, s25, s29, $0xb8;
	[tilespmem:$0x1BE00] =	vst v63  }
0xa6: {  	_ =	swait.ge [sflag:s1], $0x4000  }
0xa7: {  	[sflag:s1] =	ssyncset.done $0x0  }
0xa8: {  	[sflag:s1] =	ssyncadd.s32 $0xFFFFC000  }
0xa9: {  	[spmem:s3] =	stream.indirect.scatter.add.f32 [tilespmem:s30], [sflag:$0x5], $0x80, s24, s29, $0xb8;
	[tilespmem:$0x1BE00] =	vst v63  }
0xaa: {  	_ =	swait.ge [sflag:s5], $0x4000  }
0xab: {  	[sflag:s5] =	ssyncset.done $0x0  }
0xac: {  	[sflag:s5] =	ssyncadd.s32 $0xFFFFC000  }
0xad: {  	_ =	swait.ge [sflag:s6], $0x4000  }
0xae: {  	[sflag:s6] =	ssyncset.done $0x0  }
0xaf: {  	[sflag:s6] =	ssyncadd.s32 $0xFFFFC000  }
0xb0: {  	[spmem:s3] =	stream.indirect.scatter.add.f32 [tilespmem:s0], [sflag:$0x6], $0x80, s26, s29, $0xb8;
	[tilespmem:$0x1BE00] =	vst v63  }
0xb1: {  	_ =	swait.ge [sflag:s8], $0x4000  }
0xb2: {  	s9 =	sadd.s32 $0x1, s9;
	[sflag:s8] =	ssyncset.done $0x0  }
0xb3: {  	p0 =	sne.s32 s9, s17;
	[sflag:s8] =	ssyncadd.s32 $0xFFFFC000  }
.Ltmp1:
0xb4: {  	[bflag:$0x0] =	sbarrier.arrive $0xFFFF;
	(pc) =	sbr.rel @p0 .LBB2_1-.Ltmp1, $4  }
0xb5: {  	[hbm:s16], [sflag:s7] =	dma.local [spmem:s10], $0x2780  }
0xb6: {  	_ =	swait.ge [sflag:s22], $0x2780  }
0xb7: {  	[sflag:s22] =	ssyncset.done $0x0  }
0xb8: {  	[sflag:s22] =	ssyncadd.s32 $0xFFFFD880  }
0xb9: {  	_ =	sfence.sel $0x180000  }
0xba: {  	[bflag:$0x0] =	sbarrier.arrive $0xFFFF  }
0xbb: {  	_ =	strace $0x9000004D  }
0xbc: {  	s0 =	stileid.u32;
	[bflag:$0x2] =	sbarrier.arrive $0xFFFF  }
0xbd: {  	p0 =	sne.s32 s0, $0x0;
	s0 =	rddreg [dreg:$0x3]  }
0xbe: {  	s0 =	sadd.s32 @!p0 $0x100000, s0  }
0xbf: {  	[sflag:s0] =	ssyncadd.tile.s32 @!p0 $0x1;
	_ =	shalt  }
.Lfunc_end2:
_tile_overlayer_lowered:
.L_overlay_start_2:
0xc0: {  	(tag) =	ssettag $0x2  }
0xc1: {  	s0 =	rddreg [dreg:$0x0];
	s2 =	stileid.u32  }
0xc2: {  	s1 =	rddreg [dreg:$0x1];
	p0 =	sne.s32 s2, $0x0  }
0xc3: {  	s3 =	rddreg [dreg:$0x2];
	[bflag:$0x3] =	sbarrier.arrive $0xFFFF;
	s2 =	simm.s32 @!p0 $0x1C07  }
0xc4: {  	[timem:s3], [sflag:s2] =	dma.local @!p0 [hbm:s0], s1  }
0xc5: {  	s0 =	simm.s32 @!p0 $0x7  }
0xc6: {  	_ =	swait.ge @!p0 [sflag:s0], s1  }
0xc7: {  	s1 =	ssub.s32 @!p0 $0x0, s1;
	[sflag:s0] =	ssyncset.done @!p0 $0x0  }
0xc8: {  	[sflag:s0] =	ssyncadd.s32 @!p0 s1  }
0xc9: {  	[bflag:$0x3] =	sbarrier.arrive $0xFFFF  }
0xca: {  	_ =	shalt  }

</sc_bundles>
